<compile_context>
chip_gen: v7x
topology: tpu7x:2x2x1
jax: 0.10.2.dev20260603
libtpu: 0.0.44.dev20260713+nightly
codegen_flags: <defaults>
</compile_context>

<pallas_src>
import jax
import jax.numpy as jnp
from jax import lax
from jax.experimental import pallas as pl
from jax.experimental.pallas import tpu as pltpu
from jax.experimental.pallas import tpu_sc as plsc

S = 16384
K = 32
D = 128
L = 16
NC, NS = 2, 16
NW = NC * NS
S_W = S // NW
C = 8
NCHUNK = S_W // C


def _sc_kernel(x_hbm, idx_hbm, out_hbm, idx_v0, idx_v1, rows_v0, rows_v1,
               out_v0, out_v1, isem0, isem1, gsem0, gsem1, osem0, osem1):
    idx_v = (idx_v0, idx_v1)
    rows_v = (rows_v0, rows_v1)
    out_v = (out_v0, out_v1)
    isems = (isem0, isem1)
    gsems = (gsem0, gsem1)
    osems = (osem0, osem1)
    wid = lax.axis_index("s") * NC + lax.axis_index("c")
    seg0 = wid * S_W

    def idx_copy_desc(g, b):
        return pltpu.make_async_copy(
            idx_hbm.at[pl.ds((seg0 + g * C) * K, C * K)], idx_v[b], isems[b])

    def gather_desc(b):
        return pltpu.make_async_copy(x_hbm.at[idx_v[b]], rows_v[b], gsems[b])

    def out_copy_desc(g, b):
        return pltpu.make_async_copy(
            out_v[b], out_hbm.at[pl.ds(seg0 + g * C, C)], osems[b])

    idx_copy_desc(0, 0).start()
    idx_copy_desc(0, 0).wait()
    gather_desc(0).start()
    idx_copy_desc(1, 1).start()

    @pl.loop(0, NCHUNK, step=2)
    def _chunk(g):
        for b in range(2):
            cur = g + b
            nb = (b + 1) % 2

            @pl.when(cur + 1 < NCHUNK)
            def _():
                idx_copy_desc(cur + 1, nb).wait()
                gather_desc(nb).start()

            gather_desc(b).wait()

            @pl.when(cur + 2 < NCHUNK)
            def _():
                idx_copy_desc(cur + 2, b).start()

            @pl.when(cur >= 2)
            def _():
                out_copy_desc(cur - 2, b).wait()

            rv = rows_v[b]
            ov = out_v[b]

            @pl.loop(0, C)
            def _seg(s):
                row0 = s * K
                for j in range(D // L):
                    cols = pl.ds(j * L, L)
                    vals = [rv[row0 + k, cols] for k in range(K)]
                    while len(vals) > 1:
                        vals = [vals[i] + vals[i + 1]
                                for i in range(0, len(vals), 2)]
                    ov[s, cols] = vals[0] * (1.0 / K)

            out_copy_desc(cur, b).start()

    out_copy_desc(NCHUNK - 2, 0).wait()
    out_copy_desc(NCHUNK - 1, 1).wait()


@jax.jit
def kernel(X, GP_info):
    idx = GP_info.reshape(-1).astype(jnp.int32)
    mesh = plsc.VectorSubcoreMesh(
        core_axis_name="c", subcore_axis_name="s", num_cores=NC,
        num_subcores=NS
    )
    return pl.kernel(
        _sc_kernel,
        out_type=jax.ShapeDtypeStruct((S, D), jnp.float32),
        mesh=mesh,
        scratch_types=[
            pltpu.VMEM((C * K,), jnp.int32),
            pltpu.VMEM((C * K,), jnp.int32),
            pltpu.VMEM((C * K, D), jnp.float32),
            pltpu.VMEM((C * K, D), jnp.float32),
            pltpu.VMEM((C, D), jnp.float32),
            pltpu.VMEM((C, D), jnp.float32),
            pltpu.SemaphoreType.DMA,
            pltpu.SemaphoreType.DMA,
            pltpu.SemaphoreType.DMA,
            pltpu.SemaphoreType.DMA,
            pltpu.SemaphoreType.DMA,
            pltpu.SemaphoreType.DMA,
        ],
    )(X, idx)

# --- scband reference (transcript-rebuilt; emitter-appended) ---
"""Pipeline reference for scband-concentration-17901423690231 (READ-ONLY COPY).

The authoritative reference and input builder live on the scoring server;
editing this copy changes nothing except your own understanding.
"""

import jax, jax.numpy as jnp
import numpy as np


def setup_inputs(seed: int = 0) -> dict:
    key = jax.random.key(seed)
    kx, ke = jax.random.split(key)
    X = jax.random.normal(kx, (100000, 128), dtype=jnp.float32)
    GP_info = jax.random.randint(ke, (16384, 32), 0, 100000, dtype=jnp.int64)
    return {"X": X, "GP_info": GP_info}


def reference(X, GP_info):
    # Original torch loop: for each segment i, Z = mean(X[edges[i]], dim=0), then concat rows.
    # Vectorized faithful equivalent: gather rows per segment, mean over the segment axis.
    gathered = jnp.take(X, GP_info, axis=0)          # [S, k, d]
    Z_bath = jnp.mean(gathered, axis=1)              # [S, d] -- identical to row-wise concat of means
    return Z_bath

if __name__ == "__main__":
    import jax
    _d = setup_inputs()
    print(jax.jit(kernel)(*tuple(_d.values())))

</pallas_src>

<mosaic_0001>
#map = affine_map<(d0, d1) -> (0, 0)>
#map1 = affine_map<(d0, d1) -> (0)>
module attributes {stable_mosaic.version = 14 : i64} {
  func.func @_sc_kernel(%arg0: i32, %arg1: i32, %arg2: memref<100000x128xf32, #tpu.memory_space<hbm>>, %arg3: memref<524288xi32, #tpu.memory_space<hbm>>, %arg4: memref<16384x128xf32, #tpu.memory_space<hbm>>, %arg5: memref<256xi32, #tpu.memory_space<vmem>>, %arg6: memref<256xi32, #tpu.memory_space<vmem>>, %arg7: memref<256x128xf32, #tpu.memory_space<vmem>>, %arg8: memref<256x128xf32, #tpu.memory_space<vmem>>, %arg9: memref<8x128xf32, #tpu.memory_space<vmem>>, %arg10: memref<8x128xf32, #tpu.memory_space<vmem>>, %arg11: memref<!tpu.dma_semaphore, #tpu.memory_space<semaphore_mem>>, %arg12: memref<!tpu.dma_semaphore, #tpu.memory_space<semaphore_mem>>, %arg13: memref<!tpu.dma_semaphore, #tpu.memory_space<semaphore_mem>>, %arg14: memref<!tpu.dma_semaphore, #tpu.memory_space<semaphore_mem>>, %arg15: memref<!tpu.dma_semaphore, #tpu.memory_space<semaphore_mem>>, %arg16: memref<!tpu.dma_semaphore, #tpu.memory_space<semaphore_mem>>) attributes {dimension_semantics = [#tpu.dimension_semantics<core_parallel>, #tpu.dimension_semantics<subcore_parallel>], iteration_bounds = array<i64: 2, 16>, scalar_prefetch = 0 : i64, scratch_operands = 12 : i64, tpu.core_type = #tpu.core_type<sc_vector_subcore>, window_params = [{transform_indices = #map}, {transform_indices = #map1}, {transform_indices = #map}]} {
    %mul3A = arith.constant 2 : i32
    %mul3A_0 = arith.muli %arg1, %mul3A : i32
    %add3A = arith.addi %mul3A_0, %arg0 : i32
    %mul3A_1 = arith.constant 512 : i32
    %mul3A_2 = arith.muli %add3A, %mul3A_1 : i32
    %add3A_3 = arith.constant 0 : i32
    %add3A_4 = arith.addi %mul3A_2, %add3A_3 : i32
    %mul3A_5 = arith.constant 32 : i32
    %mul3A_6 = arith.muli %add3A_4, %mul3A_5 : i32
    %dma_start3A = tpu.memref_slice %arg3[%mul3A_6] : memref<524288xi32, #tpu.memory_space<hbm>> -> memref<256xi32, #tpu.memory_space<hbm>>
    %dma_start3A_7 = tpu.memref_slice %arg3[%mul3A_6] : memref<524288xi32, #tpu.memory_space<hbm>> -> memref<256xi32, #tpu.memory_space<hbm>>
    tpu.enqueue_dma source(%dma_start3A_7 : memref<256xi32, #tpu.memory_space<hbm>>) target(%arg5 : memref<256xi32, #tpu.memory_space<vmem>>) target_semaphore(%arg11 : memref<!tpu.dma_semaphore, #tpu.memory_space<semaphore_mem>>)
    %add3A_8 = arith.constant 0 : i32
    %add3A_9 = arith.addi %mul3A_2, %add3A_8 : i32
    %mul3A_10 = arith.constant 32 : i32
    %mul3A_11 = arith.muli %add3A_9, %mul3A_10 : i32
    %dma_wait3A = tpu.memref_slice %arg3[%mul3A_11] : memref<524288xi32, #tpu.memory_space<hbm>> -> memref<256xi32, #tpu.memory_space<hbm>>
    %dma_wait3A_12 = tpu.memref_slice %arg3[%mul3A_11] : memref<524288xi32, #tpu.memory_space<hbm>> -> memref<256xi32, #tpu.memory_space<hbm>>
    tpu.wait_dma2 semaphore(%arg11 : memref<!tpu.dma_semaphore, #tpu.memory_space<semaphore_mem>>) src(%dma_wait3A_12 : memref<256xi32, #tpu.memory_space<hbm>>) dst(%arg5 : memref<256xi32, #tpu.memory_space<vmem>>)
    %dma_start3A_13 = arith.constant 0 : i32
    %dma_start3A_14 = arith.constant 0 : i32
    %dma_start3A_15 = tpu.memref_slice %arg2[%dma_start3A_13, %dma_start3A_14] : memref<100000x128xf32, #tpu.memory_space<hbm>> -> memref<100000x128xf32, #tpu.memory_space<hbm>>
    tpu.enqueue_indirect_dma source(%dma_start3A_15 : memref<100000x128xf32, #tpu.memory_space<hbm>>) target(%arg7 : memref<256x128xf32, #tpu.memory_space<vmem>>) offsets(%arg5 : memref<256xi32, #tpu.memory_space<vmem>>) semaphore(%arg13 : memref<!tpu.dma_semaphore, #tpu.memory_space<semaphore_mem>>)
    %add3A_16 = arith.constant 8 : i32
    %add3A_17 = arith.addi %mul3A_2, %add3A_16 : i32
    %mul3A_18 = arith.constant 32 : i32
    %mul3A_19 = arith.muli %add3A_17, %mul3A_18 : i32
    %dma_start3A_20 = tpu.memref_slice %arg3[%mul3A_19] : memref<524288xi32, #tpu.memory_space<hbm>> -> memref<256xi32, #tpu.memory_space<hbm>>
    %dma_start3A_21 = tpu.memref_slice %arg3[%mul3A_19] : memref<524288xi32, #tpu.memory_space<hbm>> -> memref<256xi32, #tpu.memory_space<hbm>>
    tpu.enqueue_dma source(%dma_start3A_21 : memref<256xi32, #tpu.memory_space<hbm>>) target(%arg6 : memref<256xi32, #tpu.memory_space<vmem>>) target_semaphore(%arg12 : memref<!tpu.dma_semaphore, #tpu.memory_space<semaphore_mem>>)
    %scan3A = arith.constant 0 : i32
    %scan3A_22 = arith.constant 32 : i32
    %scan3A_23 = arith.addi %scan3A, %scan3A_22 : i32
    %scan3A_24 = arith.constant 1 : i32
    scf.for %scan3A_38 = %scan3A to %scan3A_23 step %scan3A_24  : i32 {
      %mul3A_39 = arith.constant 2 : i32
      %mul3A_40 = arith.muli %scan3A_38, %mul3A_39 : i32
      %add3A_41 = arith.constant 0 : i32
      %add3A_42 = arith.addi %add3A_41, %mul3A_40 : i32
      %add3A_43 = arith.constant 0 : i32
      %add3A_44 = arith.addi %add3A_42, %add3A_43 : i32
      %add3A_45 = arith.constant 1 : i32
      %add3A_46 = arith.addi %add3A_44, %add3A_45 : i32
      %lt3A = arith.constant 64 : i32
      %lt3A_47 = arith.cmpi slt, %add3A_46, %lt3A : i32
      %convert_element_type3A = arith.extui %lt3A_47 : i1 to i32
      %cond3A = arith.constant 0 : i32
      %cond3A_48 = arith.cmpi ne, %convert_element_type3A, %cond3A : i32
      scf.if %cond3A_48 {
        %add3A_111 = arith.constant 1 : i32
        %add3A_112 = arith.addi %add3A_44, %add3A_111 : i32
        %mul3A_113 = arith.constant 8 : i32
        %mul3A_114 = arith.muli %add3A_112, %mul3A_113 : i32
        %add3A_115 = arith.addi %mul3A_2, %mul3A_114 : i32
        %mul3A_116 = arith.constant 32 : i32
        %mul3A_117 = arith.muli %add3A_115, %mul3A_116 : i32
        %dma_wait3A_118 = tpu.memref_slice %arg3[%mul3A_117] : memref<524288xi32, #tpu.memory_space<hbm>> -> memref<256xi32, #tpu.memory_space<hbm>>
        %dma_wait3A_119 = tpu.memref_slice %arg3[%mul3A_117] : memref<524288xi32, #tpu.memory_space<hbm>> -> memref<256xi32, #tpu.memory_space<hbm>>
        tpu.wait_dma2 semaphore(%arg12 : memref<!tpu.dma_semaphore, #tpu.memory_space<semaphore_mem>>) src(%dma_wait3A_119 : memref<256xi32, #tpu.memory_space<hbm>>) dst(%arg6 : memref<256xi32, #tpu.memory_space<vmem>>)
        %dma_start3A_120 = arith.constant 0 : i32
        %dma_start3A_121 = arith.constant 0 : i32
        %dma_start3A_122 = tpu.memref_slice %arg2[%dma_start3A_120, %dma_start3A_121] : memref<100000x128xf32, #tpu.memory_space<hbm>> -> memref<100000x128xf32, #tpu.memory_space<hbm>>
        tpu.enqueue_indirect_dma source(%dma_start3A_122 : memref<100000x128xf32, #tpu.memory_space<hbm>>) target(%arg8 : memref<256x128xf32, #tpu.memory_space<vmem>>) offsets(%arg6 : memref<256xi32, #tpu.memory_space<vmem>>) semaphore(%arg14 : memref<!tpu.dma_semaphore, #tpu.memory_space<semaphore_mem>>)
      } else {
      }
      %dma_wait3A_49 = arith.constant 0 : i32
      %dma_wait3A_50 = arith.constant 0 : i32
      %dma_wait3A_51 = tpu.memref_slice %arg2[%dma_wait3A_49, %dma_wait3A_50] : memref<100000x128xf32, #tpu.memory_space<hbm>> -> memref<100000x128xf32, #tpu.memory_space<hbm>>
      tpu.wait_indirect_dma semaphore(%arg13 : memref<!tpu.dma_semaphore, #tpu.memory_space<semaphore_mem>>) src(%dma_wait3A_51 : memref<100000x128xf32, #tpu.memory_space<hbm>>) dst(%arg7 : memref<256x128xf32, #tpu.memory_space<vmem>>)
      %add3A_52 = arith.constant 2 : i32
      %add3A_53 = arith.addi %add3A_44, %add3A_52 : i32
      %lt3A_54 = arith.constant 64 : i32
      %lt3A_55 = arith.cmpi slt, %add3A_53, %lt3A_54 : i32
      %convert_element_type3A_56 = arith.extui %lt3A_55 : i1 to i32
      %cond3A_57 = arith.constant 0 : i32
      %cond3A_58 = arith.cmpi ne, %convert_element_type3A_56, %cond3A_57 : i32
      scf.if %cond3A_58 {
        %add3A_111 = arith.constant 2 : i32
        %add3A_112 = arith.addi %add3A_44, %add3A_111 : i32
        %mul3A_113 = arith.constant 8 : i32
        %mul3A_114 = arith.muli %add3A_112, %mul3A_113 : i32
        %add3A_115 = arith.addi %mul3A_2, %mul3A_114 : i32
        %mul3A_116 = arith.constant 32 : i32
        %mul3A_117 = arith.muli %add3A_115, %mul3A_116 : i32
        %dma_start3A_118 = tpu.memref_slice %arg3[%mul3A_117] : memref<524288xi32, #tpu.memory_space<hbm>> -> memref<256xi32, #tpu.memory_space<hbm>>
        %dma_start3A_119 = tpu.memref_slice %arg3[%mul3A_117] : memref<524288xi32, #tpu.memory_space<hbm>> -> memref<256xi32, #tpu.memory_space<hbm>>
        tpu.enqueue_dma source(%dma_start3A_119 : memref<256xi32, #tpu.memory_space<hbm>>) target(%arg5 : memref<256xi32, #tpu.memory_space<vmem>>) target_semaphore(%arg11 : memref<!tpu.dma_semaphore, #tpu.memory_space<semaphore_mem>>)
      } else {
      }
      %ge3A = arith.constant 2 : i32
      %ge3A_59 = arith.cmpi sge, %add3A_44, %ge3A : i32
      %convert_element_type3A_60 = arith.extui %ge3A_59 : i1 to i32
      %cond3A_61 = arith.constant 0 : i32
      %cond3A_62 = arith.cmpi ne, %convert_element_type3A_60, %cond3A_61 : i32
      scf.if %cond3A_62 {
        %sub3A = arith.constant 2 : i32
        %sub3A_111 = arith.subi %add3A_44, %sub3A : i32
        %mul3A_112 = arith.constant 8 : i32
        %mul3A_113 = arith.muli %sub3A_111, %mul3A_112 : i32
        %add3A_114 = arith.addi %mul3A_2, %mul3A_113 : i32
        %dma_wait3A_115 = arith.constant 0 : i32
        %dma_wait3A_116 = tpu.memref_slice %arg4[%add3A_114, %dma_wait3A_115] : memref<16384x128xf32, #tpu.memory_space<hbm>> -> memref<8x128xf32, #tpu.memory_space<hbm>>
        %dma_wait3A_117 = arith.constant 0 : i32
        %dma_wait3A_118 = tpu.memref_slice %arg4[%add3A_114, %dma_wait3A_117] : memref<16384x128xf32, #tpu.memory_space<hbm>> -> memref<8x128xf32, #tpu.memory_space<hbm>>
        tpu.wait_dma2 semaphore(%arg15 : memref<!tpu.dma_semaphore, #tpu.memory_space<semaphore_mem>>) src(%arg9 : memref<8x128xf32, #tpu.memory_space<vmem>>) dst(%dma_wait3A_118 : memref<8x128xf32, #tpu.memory_space<hbm>>)
      } else {
      }
      %scan3A_63 = arith.constant 0 : i32
      %scan3A_64 = arith.constant 8 : i32
      %scan3A_65 = arith.addi %scan3A_63, %scan3A_64 : i32
      %scan3A_66 = arith.constant 1 : i32
      scf.for %scan3A_111 = %scan3A_63 to %scan3A_65 step %scan3A_66  : i32 {
        %mul3A_112 = arith.constant 1 : i32
        %mul3A_113 = arith.muli %scan3A_111, %mul3A_112 : i32
        %add3A_114 = arith.constant 0 : i32
        %add3A_115 = arith.addi %add3A_114, %mul3A_113 : i32
        %mul3A_116 = arith.constant 32 : i32
        %mul3A_117 = arith.muli %add3A_115, %mul3A_116 : i32
        %add3A_118 = arith.constant 0 : i32
        %add3A_119 = arith.addi %mul3A_117, %add3A_118 : i32
        %get3A = arith.index_cast %add3A_119 : i32 to index
        %get3A_120 = arith.constant 0 : index
        %get3A_121 = tpu.vector_load %arg7[%get3A, %get3A_120] {strides = array<i32>} : memref<256x128xf32, #tpu.memory_space<vmem>>, vector<1x16xf32>,
        %get3A_122 = vector.shape_cast %get3A_121 : vector<1x16xf32> to vector<16xf32>
        %add3A_123 = arith.constant 1 : i32
        %add3A_124 = arith.addi %mul3A_117, %add3A_123 : i32
        %get3A_125 = arith.index_cast %add3A_124 : i32 to index
        %get3A_126 = arith.constant 0 : index
        %get3A_127 = tpu.vector_load %arg7[%get3A_125, %get3A_126] {strides = array<i32>} : memref<256x128xf32, #tpu.memory_space<vmem>>, vector<1x16xf32>,
        %get3A_128 = vector.shape_cast %get3A_127 : vector<1x16xf32> to vector<16xf32>
        %add3A_129 = arith.constant 2 : i32
        %add3A_130 = arith.addi %mul3A_117, %add3A_129 : i32
        %get3A_131 = arith.index_cast %add3A_130 : i32 to index
        %get3A_132 = arith.constant 0 : index
        %get3A_133 = tpu.vector_load %arg7[%get3A_131, %get3A_132] {strides = array<i32>} : memref<256x128xf32, #tpu.memory_space<vmem>>, vector<1x16xf32>,
        %get3A_134 = vector.shape_cast %get3A_133 : vector<1x16xf32> to vector<16xf32>
        %add3A_135 = arith.constant 3 : i32
        %add3A_136 = arith.addi %mul3A_117, %add3A_135 : i32
        %get3A_137 = arith.index_cast %add3A_136 : i32 to index
        %get3A_138 = arith.constant 0 : index
        %get3A_139 = tpu.vector_load %arg7[%get3A_137, %get3A_138] {strides = array<i32>} : memref<256x128xf32, #tpu.memory_space<vmem>>, vector<1x16xf32>,
        %get3A_140 = vector.shape_cast %get3A_139 : vector<1x16xf32> to vector<16xf32>
        %add3A_141 = arith.constant 4 : i32
        %add3A_142 = arith.addi %mul3A_117, %add3A_141 : i32
        %get3A_143 = arith.index_cast %add3A_142 : i32 to index
        %get3A_144 = arith.constant 0 : index
        %get3A_145 = tpu.vector_load %arg7[%get3A_143, %get3A_144] {strides = array<i32>} : memref<256x128xf32, #tpu.memory_space<vmem>>, vector<1x16xf32>,
        %get3A_146 = vector.shape_cast %get3A_145 : vector<1x16xf32> to vector<16xf32>
        %add3A_147 = arith.constant 5 : i32
        %add3A_148 = arith.addi %mul3A_117, %add3A_147 : i32
        %get3A_149 = arith.index_cast %add3A_148 : i32 to index
        %get3A_150 = arith.constant 0 : index
        %get3A_151 = tpu.vector_load %arg7[%get3A_149, %get3A_150] {strides = array<i32>} : memref<256x128xf32, #tpu.memory_space<vmem>>, vector<1x16xf32>,
        %get3A_152 = vector.shape_cast %get3A_151 : vector<1x16xf32> to vector<16xf32>
        %add3A_153 = arith.constant 6 : i32
        %add3A_154 = arith.addi %mul3A_117, %add3A_153 : i32
        %get3A_155 = arith.index_cast %add3A_154 : i32 to index
        %get3A_156 = arith.constant 0 : index
        %get3A_157 = tpu.vector_load %arg7[%get3A_155, %get3A_156] {strides = array<i32>} : memref<256x128xf32, #tpu.memory_space<vmem>>, vector<1x16xf32>,
        %get3A_158 = vector.shape_cast %get3A_157 : vector<1x16xf32> to vector<16xf32>
        %add3A_159 = arith.constant 7 : i32
        %add3A_160 = arith.addi %mul3A_117, %add3A_159 : i32
        %get3A_161 = arith.index_cast %add3A_160 : i32 to index
        %get3A_162 = arith.constant 0 : index
        %get3A_163 = tpu.vector_load %arg7[%get3A_161, %get3A_162] {strides = array<i32>} : memref<256x128xf32, #tpu.memory_space<vmem>>, vector<1x16xf32>,
        %get3A_164 = vector.shape_cast %get3A_163 : vector<1x16xf32> to vector<16xf32>
        %add3A_165 = arith.constant 8 : i32
        %add3A_166 = arith.addi %mul3A_117, %add3A_165 : i32
        %get3A_167 = arith.index_cast %add3A_166 : i32 to index
        %get3A_168 = arith.constant 0 : index
        %get3A_169 = tpu.vector_load %arg7[%get3A_167, %get3A_168] {strides = array<i32>} : memref<256x128xf32, #tpu.memory_space<vmem>>, vector<1x16xf32>,
        %get3A_170 = vector.shape_cast %get3A_169 : vector<1x16xf32> to vector<16xf32>
        %add3A_171 = arith.constant 9 : i32
        %add3A_172 = arith.addi %mul3A_117, %add3A_171 : i32
        %get3A_173 = arith.index_cast %add3A_172 : i32 to index
        %get3A_174 = arith.constant 0 : index
        %get3A_175 = tpu.vector_load %arg7[%get3A_173, %get3A_174] {strides = array<i32>} : memref<256x128xf32, #tpu.memory_space<vmem>>, vector<1x16xf32>,
        %get3A_176 = vector.shape_cast %get3A_175 : vector<1x16xf32> to vector<16xf32>
        %add3A_177 = arith.constant 10 : i32
        %add3A_178 = arith.addi %mul3A_117, %add3A_177 : i32
        %get3A_179 = arith.index_cast %add3A_178 : i32 to index
        %get3A_180 = arith.constant 0 : index
        %get3A_181 = tpu.vector_load %arg7[%get3A_179, %get3A_180] {strides = array<i32>} : memref<256x128xf32, #tpu.memory_space<vmem>>, vector<1x16xf32>,
        %get3A_182 = vector.shape_cast %get3A_181 : vector<1x16xf32> to vector<16xf32>
        %add3A_183 = arith.constant 11 : i32
        %add3A_184 = arith.addi %mul3A_117, %add3A_183 : i32
        %get3A_185 = arith.index_cast %add3A_184 : i32 to index
        %get3A_186 = arith.constant 0 : index
        %get3A_187 = tpu.vector_load %arg7[%get3A_185, %get3A_186] {strides = array<i32>} : memref<256x128xf32, #tpu.memory_space<vmem>>, vector<1x16xf32>,
        %get3A_188 = vector.shape_cast %get3A_187 : vector<1x16xf32> to vector<16xf32>
        %add3A_189 = arith.constant 12 : i32
        %add3A_190 = arith.addi %mul3A_117, %add3A_189 : i32
        %get3A_191 = arith.index_cast %add3A_190 : i32 to index
        %get3A_192 = arith.constant 0 : index
        %get3A_193 = tpu.vector_load %arg7[%get3A_191, %get3A_192] {strides = array<i32>} : memref<256x128xf32, #tpu.memory_space<vmem>>, vector<1x16xf32>,
        %get3A_194 = vector.shape_cast %get3A_193 : vector<1x16xf32> to vector<16xf32>
        %add3A_195 = arith.constant 13 : i32
        %add3A_196 = arith.addi %mul3A_117, %add3A_195 : i32
        %get3A_197 = arith.index_cast %add3A_196 : i32 to index
        %get3A_198 = arith.constant 0 : index
        %get3A_199 = tpu.vector_load %arg7[%get3A_197, %get3A_198] {strides = array<i32>} : memref<256x128xf32, #tpu.memory_space<vmem>>, vector<1x16xf32>,
        %get3A_200 = vector.shape_cast %get3A_199 : vector<1x16xf32> to vector<16xf32>
        %add3A_201 = arith.constant 14 : i32
        %add3A_202 = arith.addi %mul3A_117, %add3A_201 : i32
        %get3A_203 = arith.index_cast %add3A_202 : i32 to index
        %get3A_204 = arith.constant 0 : index
        %get3A_205 = tpu.vector_load %arg7[%get3A_203, %get3A_204] {strides = array<i32>} : memref<256x128xf32, #tpu.memory_space<vmem>>, vector<1x16xf32>,
        %get3A_206 = vector.shape_cast %get3A_205 : vector<1x16xf32> to vector<16xf32>
        %add3A_207 = arith.constant 15 : i32
        %add3A_208 = arith.addi %mul3A_117, %add3A_207 : i32
        %get3A_209 = arith.index_cast %add3A_208 : i32 to index
        %get3A_210 = arith.constant 0 : index
        %get3A_211 = tpu.vector_load %arg7[%get3A_209, %get3A_210] {strides = array<i32>} : memref<256x128xf32, #tpu.memory_space<vmem>>, vector<1x16xf32>,
        %get3A_212 = vector.shape_cast %get3A_211 : vector<1x16xf32> to vector<16xf32>
        %add3A_213 = arith.constant 16 : i32
        %add3A_214 = arith.addi %mul3A_117, %add3A_213 : i32
        %get3A_215 = arith.index_cast %add3A_214 : i32 to index
        %get3A_216 = arith.constant 0 : index
        %get3A_217 = tpu.vector_load %arg7[%get3A_215, %get3A_216] {strides = array<i32>} : memref<256x128xf32, #tpu.memory_space<vmem>>, vector<1x16xf32>,
        %get3A_218 = vector.shape_cast %get3A_217 : vector<1x16xf32> to vector<16xf32>
        %add3A_219 = arith.constant 17 : i32
        %add3A_220 = arith.addi %mul3A_117, %add3A_219 : i32
        %get3A_221 = arith.index_cast %add3A_220 : i32 to index
        %get3A_222 = arith.constant 0 : index
        %get3A_223 = tpu.vector_load %arg7[%get3A_221, %get3A_222] {strides = array<i32>} : memref<256x128xf32, #tpu.memory_space<vmem>>, vector<1x16xf32>,
        %get3A_224 = vector.shape_cast %get3A_223 : vector<1x16xf32> to vector<16xf32>
        %add3A_225 = arith.constant 18 : i32
        %add3A_226 = arith.addi %mul3A_117, %add3A_225 : i32
        %get3A_227 = arith.index_cast %add3A_226 : i32 to index
        %get3A_228 = arith.constant 0 : index
        %get3A_229 = tpu.vector_load %arg7[%get3A_227, %get3A_228] {strides = array<i32>} : memref<256x128xf32, #tpu.memory_space<vmem>>, vector<1x16xf32>,
        %get3A_230 = vector.shape_cast %get3A_229 : vector<1x16xf32> to vector<16xf32>
        %add3A_231 = arith.constant 19 : i32
        %add3A_232 = arith.addi %mul3A_117, %add3A_231 : i32
        %get3A_233 = arith.index_cast %add3A_232 : i32 to index
        %get3A_234 = arith.constant 0 : index
        %get3A_235 = tpu.vector_load %arg7[%get3A_233, %get3A_234] {strides = array<i32>} : memref<256x128xf32, #tpu.memory_space<vmem>>, vector<1x16xf32>,
        %get3A_236 = vector.shape_cast %get3A_235 : vector<1x16xf32> to vector<16xf32>
        %add3A_237 = arith.constant 20 : i32
        %add3A_238 = arith.addi %mul3A_117, %add3A_237 : i32
        %get3A_239 = arith.index_cast %add3A_238 : i32 to index
        %get3A_240 = arith.constant 0 : index
        %get3A_241 = tpu.vector_load %arg7[%get3A_239, %get3A_240] {strides = array<i32>} : memref<256x128xf32, #tpu.memory_space<vmem>>, vector<1x16xf32>,
        %get3A_242 = vector.shape_cast %get3A_241 : vector<1x16xf32> to vector<16xf32>
        %add3A_243 = arith.constant 21 : i32
        %add3A_244 = arith.addi %mul3A_117, %add3A_243 : i32
        %get3A_245 = arith.index_cast %add3A_244 : i32 to index
        %get3A_246 = arith.constant 0 : index
        %get3A_247 = tpu.vector_load %arg7[%get3A_245, %get3A_246] {strides = array<i32>} : memref<256x128xf32, #tpu.memory_space<vmem>>, vector<1x16xf32>,
        %get3A_248 = vector.shape_cast %get3A_247 : vector<1x16xf32> to vector<16xf32>
        %add3A_249 = arith.constant 22 : i32
        %add3A_250 = arith.addi %mul3A_117, %add3A_249 : i32
        %get3A_251 = arith.index_cast %add3A_250 : i32 to index
        %get3A_252 = arith.constant 0 : index
        %get3A_253 = tpu.vector_load %arg7[%get3A_251, %get3A_252] {strides = array<i32>} : memref<256x128xf32, #tpu.memory_space<vmem>>, vector<1x16xf32>,
        %get3A_254 = vector.shape_cast %get3A_253 : vector<1x16xf32> to vector<16xf32>
        %add3A_255 = arith.constant 23 : i32
        %add3A_256 = arith.addi %mul3A_117, %add3A_255 : i32
        %get3A_257 = arith.index_cast %add3A_256 : i32 to index
        %get3A_258 = arith.constant 0 : index
        %get3A_259 = tpu.vector_load %arg7[%get3A_257, %get3A_258] {strides = array<i32>} : memref<256x128xf32, #tpu.memory_space<vmem>>, vector<1x16xf32>,
        %get3A_260 = vector.shape_cast %get3A_259 : vector<1x16xf32> to vector<16xf32>
        %add3A_261 = arith.constant 24 : i32
        %add3A_262 = arith.addi %mul3A_117, %add3A_261 : i32
        %get3A_263 = arith.index_cast %add3A_262 : i32 to index
        %get3A_264 = arith.constant 0 : index
        %get3A_265 = tpu.vector_load %arg7[%get3A_263, %get3A_264] {strides = array<i32>} : memref<256x128xf32, #tpu.memory_space<vmem>>, vector<1x16xf32>,
        %get3A_266 = vector.shape_cast %get3A_265 : vector<1x16xf32> to vector<16xf32>
        %add3A_267 = arith.constant 25 : i32
        %add3A_268 = arith.addi %mul3A_117, %add3A_267 : i32
        %get3A_269 = arith.index_cast %add3A_268 : i32 to index
        %get3A_270 = arith.constant 0 : index
        %get3A_271 = tpu.vector_load %arg7[%get3A_269, %get3A_270] {strides = array<i32>} : memref<256x128xf32, #tpu.memory_space<vmem>>, vector<1x16xf32>,
        %get3A_272 = vector.shape_cast %get3A_271 : vector<1x16xf32> to vector<16xf32>
        %add3A_273 = arith.constant 26 : i32
        %add3A_274 = arith.addi %mul3A_117, %add3A_273 : i32
        %get3A_275 = arith.index_cast %add3A_274 : i32 to index
        %get3A_276 = arith.constant 0 : index
        %get3A_277 = tpu.vector_load %arg7[%get3A_275, %get3A_276] {strides = array<i32>} : memref<256x128xf32, #tpu.memory_space<vmem>>, vector<1x16xf32>,
        %get3A_278 = vector.shape_cast %get3A_277 : vector<1x16xf32> to vector<16xf32>
        %add3A_279 = arith.constant 27 : i32
        %add3A_280 = arith.addi %mul3A_117, %add3A_279 : i32
        %get3A_281 = arith.index_cast %add3A_280 : i32 to index
        %get3A_282 = arith.constant 0 : index
        %get3A_283 = tpu.vector_load %arg7[%get3A_281, %get3A_282] {strides = array<i32>} : memref<256x128xf32, #tpu.memory_space<vmem>>, vector<1x16xf32>,
        %get3A_284 = vector.shape_cast %get3A_283 : vector<1x16xf32> to vector<16xf32>
        %add3A_285 = arith.constant 28 : i32
        %add3A_286 = arith.addi %mul3A_117, %add3A_285 : i32
        %get3A_287 = arith.index_cast %add3A_286 : i32 to index
        %get3A_288 = arith.constant 0 : index
        %get3A_289 = tpu.vector_load %arg7[%get3A_287, %get3A_288] {strides = array<i32>} : memref<256x128xf32, #tpu.memory_space<vmem>>, vector<1x16xf32>,
        %get3A_290 = vector.shape_cast %get3A_289 : vector<1x16xf32> to vector<16xf32>
        %add3A_291 = arith.constant 29 : i32
        %add3A_292 = arith.addi %mul3A_117, %add3A_291 : i32
        %get3A_293 = arith.index_cast %add3A_292 : i32 to index
        %get3A_294 = arith.constant 0 : index
        %get3A_295 = tpu.vector_load %arg7[%get3A_293, %get3A_294] {strides = array<i32>} : memref<256x128xf32, #tpu.memory_space<vmem>>, vector<1x16xf32>,
        %get3A_296 = vector.shape_cast %get3A_295 : vector<1x16xf32> to vector<16xf32>
        %add3A_297 = arith.constant 30 : i32
        %add3A_298 = arith.addi %mul3A_117, %add3A_297 : i32
        %get3A_299 = arith.index_cast %add3A_298 : i32 to index
        %get3A_300 = arith.constant 0 : index
        %get3A_301 = tpu.vector_load %arg7[%get3A_299, %get3A_300] {strides = array<i32>} : memref<256x128xf32, #tpu.memory_space<vmem>>, vector<1x16xf32>,
        %get3A_302 = vector.shape_cast %get3A_301 : vector<1x16xf32> to vector<16xf32>
        %add3A_303 = arith.constant 31 : i32
        %add3A_304 = arith.addi %mul3A_117, %add3A_303 : i32
        %get3A_305 = arith.index_cast %add3A_304 : i32 to index
        %get3A_306 = arith.constant 0 : index
        %get3A_307 = tpu.vector_load %arg7[%get3A_305, %get3A_306] {strides = array<i32>} : memref<256x128xf32, #tpu.memory_space<vmem>>, vector<1x16xf32>,
        %get3A_308 = vector.shape_cast %get3A_307 : vector<1x16xf32> to vector<16xf32>
        %add3A_309 = arith.addf %get3A_122, %get3A_128 : vector<16xf32>
        %add3A_310 = arith.addf %get3A_134, %get3A_140 : vector<16xf32>
        %add3A_311 = arith.addf %get3A_146, %get3A_152 : vector<16xf32>
        %add3A_312 = arith.addf %get3A_158, %get3A_164 : vector<16xf32>
        %add3A_313 = arith.addf %get3A_170, %get3A_176 : vector<16xf32>
        %add3A_314 = arith.addf %get3A_182, %get3A_188 : vector<16xf32>
        %add3A_315 = arith.addf %get3A_194, %get3A_200 : vector<16xf32>
        %add3A_316 = arith.addf %get3A_206, %get3A_212 : vector<16xf32>
        %add3A_317 = arith.addf %get3A_218, %get3A_224 : vector<16xf32>
        %add3A_318 = arith.addf %get3A_230, %get3A_236 : vector<16xf32>
        %add3A_319 = arith.addf %get3A_242, %get3A_248 : vector<16xf32>
        %add3A_320 = arith.addf %get3A_254, %get3A_260 : vector<16xf32>
        %add3A_321 = arith.addf %get3A_266, %get3A_272 : vector<16xf32>
        %add3A_322 = arith.addf %get3A_278, %get3A_284 : vector<16xf32>
        %add3A_323 = arith.addf %get3A_290, %get3A_296 : vector<16xf32>
        %add3A_324 = arith.addf %get3A_302, %get3A_308 : vector<16xf32>
        %add3A_325 = arith.addf %add3A_309, %add3A_310 : vector<16xf32>
        %add3A_326 = arith.addf %add3A_311, %add3A_312 : vector<16xf32>
        %add3A_327 = arith.addf %add3A_313, %add3A_314 : vector<16xf32>
        %add3A_328 = arith.addf %add3A_315, %add3A_316 : vector<16xf32>
        %add3A_329 = arith.addf %add3A_317, %add3A_318 : vector<16xf32>
        %add3A_330 = arith.addf %add3A_319, %add3A_320 : vector<16xf32>
        %add3A_331 = arith.addf %add3A_321, %add3A_322 : vector<16xf32>
        %add3A_332 = arith.addf %add3A_323, %add3A_324 : vector<16xf32>
        %add3A_333 = arith.addf %add3A_325, %add3A_326 : vector<16xf32>
        %add3A_334 = arith.addf %add3A_327, %add3A_328 : vector<16xf32>
        %add3A_335 = arith.addf %add3A_329, %add3A_330 : vector<16xf32>
        %add3A_336 = arith.addf %add3A_331, %add3A_332 : vector<16xf32>
        %add3A_337 = arith.addf %add3A_333, %add3A_334 : vector<16xf32>
        %add3A_338 = arith.addf %add3A_335, %add3A_336 : vector<16xf32>
        %add3A_339 = arith.addf %add3A_337, %add3A_338 : vector<16xf32>
        %mul3A_340 = arith.constant 3.125000e-02 : f32
        %mul3A_341 = vector.broadcast %mul3A_340 : f32 to vector<16xf32>
        %mul3A_342 = arith.mulf %add3A_339, %mul3A_341 : vector<16xf32>
        %swap3A = arith.index_cast %add3A_115 : i32 to index
        %swap3A_343 = arith.constant 0 : index
        %swap3A_344 = tpu.vector_load %arg9[%swap3A, %swap3A_343] {strides = array<i32>} : memref<8x128xf32, #tpu.memory_space<vmem>>, vector<1x16xf32>,
        %swap3A_345 = vector.shape_cast %swap3A_344 : vector<1x16xf32> to vector<16xf32>
        %swap3A_346 = vector.shape_cast %mul3A_342 : vector<16xf32> to vector<1x16xf32>
        tpu.vector_store %arg9[%swap3A, %swap3A_343], %swap3A_346 {strides = array<i32>} : memref<8x128xf32, #tpu.memory_space<vmem>>, vector<1x16xf32>,
        %add3A_347 = arith.constant 0 : i32
        %add3A_348 = arith.addi %mul3A_117, %add3A_347 : i32
        %get3A_349 = arith.index_cast %add3A_348 : i32 to index
        %get3A_350 = arith.constant 16 : index
        %get3A_351 = tpu.vector_load %arg7[%get3A_349, %get3A_350] {strides = array<i32>} : memref<256x128xf32, #tpu.memory_space<vmem>>, vector<1x16xf32>,
        %get3A_352 = vector.shape_cast %get3A_351 : vector<1x16xf32> to vector<16xf32>
        %add3A_353 = arith.constant 1 : i32
        %add3A_354 = arith.addi %mul3A_117, %add3A_353 : i32
        %get3A_355 = arith.index_cast %add3A_354 : i32 to index
        %get3A_356 = arith.constant 16 : index
        %get3A_357 = tpu.vector_load %arg7[%get3A_355, %get3A_356] {strides = array<i32>} : memref<256x128xf32, #tpu.memory_space<vmem>>, vector<1x16xf32>,
        %get3A_358 = vector.shape_cast %get3A_357 : vector<1x16xf32> to vector<16xf32>
        %add3A_359 = arith.constant 2 : i32
        %add3A_360 = arith.addi %mul3A_117, %add3A_359 : i32
        %get3A_361 = arith.index_cast %add3A_360 : i32 to index
        %get3A_362 = arith.constant 16 : index
        %get3A_363 = tpu.vector_load %arg7[%get3A_361, %get3A_362] {strides = array<i32>} : memref<256x128xf32, #tpu.memory_space<vmem>>, vector<1x16xf32>,
        %get3A_364 = vector.shape_cast %get3A_363 : vector<1x16xf32> to vector<16xf32>
        %add3A_365 = arith.constant 3 : i32
        %add3A_366 = arith.addi %mul3A_117, %add3A_365 : i32
        %get3A_367 = arith.index_cast %add3A_366 : i32 to index
        %get3A_368 = arith.constant 16 : index
        %get3A_369 = tpu.vector_load %arg7[%get3A_367, %get3A_368] {strides = array<i32>} : memref<256x128xf32, #tpu.memory_space<vmem>>, vector<1x16xf32>,
        %get3A_370 = vector.shape_cast %get3A_369 : vector<1x16xf32> to vector<16xf32>
        %add3A_371 = arith.constant 4 : i32
        %add3A_372 = arith.addi %mul3A_117, %add3A_371 : i32
        %get3A_373 = arith.index_cast %add3A_372 : i32 to index
        %get3A_374 = arith.constant 16 : index
        %get3A_375 = tpu.vector_load %arg7[%get3A_373, %get3A_374] {strides = array<i32>} : memref<256x128xf32, #tpu.memory_space<vmem>>, vector<1x16xf32>,
        %get3A_376 = vector.shape_cast %get3A_375 : vector<1x16xf32> to vector<16xf32>
        %add3A_377 = arith.constant 5 : i32
        %add3A_378 = arith.addi %mul3A_117, %add3A_377 : i32
        %get3A_379 = arith.index_cast %add3A_378 : i32 to index
        %get3A_380 = arith.constant 16 : index
        %get3A_381 = tpu.vector_load %arg7[%get3A_379, %get3A_380] {strides = array<i32>} : memref<256x128xf32, #tpu.memory_space<vmem>>, vector<1x16xf32>,
        %get3A_382 = vector.shape_cast %get3A_381 : vector<1x16xf32> to vector<16xf32>
        %add3A_383 = arith.constant 6 : i32
        %add3A_384 = arith.addi %mul3A_117, %add3A_383 : i32
        %get3A_385 = arith.index_cast %add3A_384 : i32 to index
        %get3A_386 = arith.constant 16 : index
        %get3A_387 = tpu.vector_load %arg7[%get3A_385, %get3A_386] {strides = array<i32>} : memref<256x128xf32, #tpu.memory_space<vmem>>, vector<1x16xf32>,
        %get3A_388 = vector.shape_cast %get3A_387 : vector<1x16xf32> to vector<16xf32>
        %add3A_389 = arith.constant 7 : i32
        %add3A_390 = arith.addi %mul3A_117, %add3A_389 : i32
        %get3A_391 = arith.index_cast %add3A_390 : i32 to index
        %get3A_392 = arith.constant 16 : index
        %get3A_393 = tpu.vector_load %arg7[%get3A_391, %get3A_392] {strides = array<i32>} : memref<256x128xf32, #tpu.memory_space<vmem>>, vector<1x16xf32>,
        %get3A_394 = vector.shape_cast %get3A_393 : vector<1x16xf32> to vector<16xf32>
        %add3A_395 = arith.constant 8 : i32
        %add3A_396 = arith.addi %mul3A_117, %add3A_395 : i32
        %get3A_397 = arith.index_cast %add3A_396 : i32 to index
        %get3A_398 = arith.constant 16 : index
        %get3A_399 = tpu.vector_load %arg7[%get3A_397, %get3A_398] {strides = array<i32>} : memref<256x128xf32, #tpu.memory_space<vmem>>, vector<1x16xf32>,
        %get3A_400 = vector.shape_cast %get3A_399 : vector<1x16xf32> to vector<16xf32>
        %add3A_401 = arith.constant 9 : i32
        %add3A_402 = arith.addi %mul3A_117, %add3A_401 : i32
        %get3A_403 = arith.index_cast %add3A_402 : i32 to index
        %get3A_404 = arith.constant 16 : index
        %get3A_405 = tpu.vector_load %arg7[%get3A_403, %get3A_404] {strides = array<i32>} : memref<256x128xf32, #tpu.memory_space<vmem>>, vector<1x16xf32>,
        %get3A_406 = vector.shape_cast %get3A_405 : vector<1x16xf32> to vector<16xf32>
        %add3A_407 = arith.constant 10 : i32
        %add3A_408 = arith.addi %mul3A_117, %add3A_407 : i32
        %get3A_409 = arith.index_cast %add3A_408 : i32 to index
        %get3A_410 = arith.constant 16 : index
        %get3A_411 = tpu.vector_load %arg7[%get3A_409, %get3A_410] {strides = array<i32>} : memref<256x128xf32, #tpu.memory_space<vmem>>, vector<1x16xf32>,
        %get3A_412 = vector.shape_cast %get3A_411 : vector<1x16xf32> to vector<16xf32>
        %add3A_413 = arith.constant 11 : i32
        %add3A_414 = arith.addi %mul3A_117, %add3A_413 : i32
        %get3A_415 = arith.index_cast %add3A_414 : i32 to index
        %get3A_416 = arith.constant 16 : index
        %get3A_417 = tpu.vector_load %arg7[%get3A_415, %get3A_416] {strides = array<i32>} : memref<256x128xf32, #tpu.memory_space<vmem>>, vector<1x16xf32>,
        %get3A_418 = vector.shape_cast %get3A_417 : vector<1x16xf32> to vector<16xf32>
        %add3A_419 = arith.constant 12 : i32
        %add3A_420 = arith.addi %mul3A_117, %add3A_419 : i32
        %get3A_421 = arith.index_cast %add3A_420 : i32 to index
        %get3A_422 = arith.constant 16 : index
        %get3A_423 = tpu.vector_load %arg7[%get3A_421, %get3A_422] {strides = array<i32>} : memref<256x128xf32, #tpu.memory_space<vmem>>, vector<1x16xf32>,
        %get3A_424 = vector.shape_cast %get3A_423 : vector<1x16xf32> to vector<16xf32>
        %add3A_425 = arith.constant 13 : i32
        %add3A_426 = arith.addi %mul3A_117, %add3A_425 : i32
        %get3A_427 = arith.index_cast %add3A_426 : i32 to index
        %get3A_428 = arith.constant 16 : index
        %get3A_429 = tpu.vector_load %arg7[%get3A_427, %get3A_428] {strides = array<i32>} : memref<256x128xf32, #tpu.memory_space<vmem>>, vector<1x16xf32>,
        %get3A_430 = vector.shape_cast %get3A_429 : vector<1x16xf32> to vector<16xf32>
        %add3A_431 = arith.constant 14 : i32
        %add3A_432 = arith.addi %mul3A_117, %add3A_431 : i32
        %get3A_433 = arith.index_cast %add3A_432 : i32 to index
        %get3A_434 = arith.constant 16 : index
        %get3A_435 = tpu.vector_load %arg7[%get3A_433, %get3A_434] {strides = array<i32>} : memref<256x128xf32, #tpu.memory_space<vmem>>, vector<1x16xf32>,
        %get3A_436 = vector.shape_cast %get3A_435 : vector<1x16xf32> to vector<16xf32>
        %add3A_437 = arith.constant 15 : i32
        %add3A_438 = arith.addi %mul3A_117, %add3A_437 : i32
        %get3A_439 = arith.index_cast %add3A_438 : i32 to index
        %get3A_440 = arith.constant 16 : index
        %get3A_441 = tpu.vector_load %arg7[%get3A_439, %get3A_440] {strides = array<i32>} : memref<256x128xf32, #tpu.memory_space<vmem>>, vector<1x16xf32>,
        %get3A_442 = vector.shape_cast %get3A_441 : vector<1x16xf32> to vector<16xf32>
        %add3A_443 = arith.constant 16 : i32
        %add3A_444 = arith.addi %mul3A_117, %add3A_443 : i32
        %get3A_445 = arith.index_cast %add3A_444 : i32 to index
        %get3A_446 = arith.constant 16 : index
        %get3A_447 = tpu.vector_load %arg7[%get3A_445, %get3A_446] {strides = array<i32>} : memref<256x128xf32, #tpu.memory_space<vmem>>, vector<1x16xf32>,
        %get3A_448 = vector.shape_cast %get3A_447 : vector<1x16xf32> to vector<16xf32>
        %add3A_449 = arith.constant 17 : i32
        %add3A_450 = arith.addi %mul3A_117, %add3A_449 : i32
        %get3A_451 = arith.index_cast %add3A_450 : i32 to index
        %get3A_452 = arith.constant 16 : index
        %get3A_453 = tpu.vector_load %arg7[%get3A_451, %get3A_452] {strides = array<i32>} : memref<256x128xf32, #tpu.memory_space<vmem>>, vector<1x16xf32>,
        %get3A_454 = vector.shape_cast %get3A_453 : vector<1x16xf32> to vector<16xf32>
        %add3A_455 = arith.constant 18 : i32
        %add3A_456 = arith.addi %mul3A_117, %add3A_455 : i32
        %get3A_457 = arith.index_cast %add3A_456 : i32 to index
        %get3A_458 = arith.constant 16 : index
        %get3A_459 = tpu.vector_load %arg7[%get3A_457, %get3A_458] {strides = array<i32>} : memref<256x128xf32, #tpu.memory_space<vmem>>, vector<1x16xf32>,
        %get3A_460 = vector.shape_cast %get3A_459 : vector<1x16xf32> to vector<16xf32>
        %add3A_461 = arith.constant 19 : i32
        %add3A_462 = arith.addi %mul3A_117, %add3A_461 : i32
        %get3A_463 = arith.index_cast %add3A_462 : i32 to index
        %get3A_464 = arith.constant 16 : index
        %get3A_465 = tpu.vector_load %arg7[%get3A_463, %get3A_464] {strides = array<i32>} : memref<256x128xf32, #tpu.memory_space<vmem>>, vector<1x16xf32>,
        %get3A_466 = vector.shape_cast %get3A_465 : vector<1x16xf32> to vector<16xf32>
        %add3A_467 = arith.constant 20 : i32
        %add3A_468 = arith.addi %mul3A_117, %add3A_467 : i32
        %get3A_469 = arith.index_cast %add3A_468 : i32 to index
        %get3A_470 = arith.constant 16 : index
        %get3A_471 = tpu.vector_load %arg7[%get3A_469, %get3A_470] {strides = array<i32>} : memref<256x128xf32, #tpu.memory_space<vmem>>, vector<1x16xf32>,
        %get3A_472 = vector.shape_cast %get3A_471 : vector<1x16xf32> to vector<16xf32>
        %add3A_473 = arith.constant 21 : i32
        %add3A_474 = arith.addi %mul3A_117, %add3A_473 : i32
        %get3A_475 = arith.index_cast %add3A_474 : i32 to index
        %get3A_476 = arith.constant 16 : index
        %get3A_477 = tpu.vector_load %arg7[%get3A_475, %get3A_476] {strides = array<i32>} : memref<256x128xf32, #tpu.memory_space<vmem>>, vector<1x16xf32>,
        %get3A_478 = vector.shape_cast %get3A_477 : vector<1x16xf32> to vector<16xf32>
        %add3A_479 = arith.constant 22 : i32
        %add3A_480 = arith.addi %mul3A_117, %add3A_479 : i32
        %get3A_481 = arith.index_cast %add3A_480 : i32 to index
        %get3A_482 = arith.constant 16 : index
        %get3A_483 = tpu.vector_load %arg7[%get3A_481, %get3A_482] {strides = array<i32>} : memref<256x128xf32, #tpu.memory_space<vmem>>, vector<1x16xf32>,
        %get3A_484 = vector.shape_cast %get3A_483 : vector<1x16xf32> to vector<16xf32>
        %add3A_485 = arith.constant 23 : i32
        %add3A_486 = arith.addi %mul3A_117, %add3A_485 : i32
        %get3A_487 = arith.index_cast %add3A_486 : i32 to index
        %get3A_488 = arith.constant 16 : index
        %get3A_489 = tpu.vector_load %arg7[%get3A_487, %get3A_488] {strides = array<i32>} : memref<256x128xf32, #tpu.memory_space<vmem>>, vector<1x16xf32>,
        %get3A_490 = vector.shape_cast %get3A_489 : vector<1x16xf32> to vector<16xf32>
        %add3A_491 = arith.constant 24 : i32
        %add3A_492 = arith.addi %mul3A_117, %add3A_491 : i32
        %get3A_493 = arith.index_cast %add3A_492 : i32 to index
        %get3A_494 = arith.constant 16 : index
        %get3A_495 = tpu.vector_load %arg7[%get3A_493, %get3A_494] {strides = array<i32>} : memref<256x128xf32, #tpu.memory_space<vmem>>, vector<1x16xf32>,
        %get3A_496 = vector.shape_cast %get3A_495 : vector<1x16xf32> to vector<16xf32>
        %add3A_497 = arith.constant 25 : i32
        %add3A_498 = arith.addi %mul3A_117, %add3A_497 : i32
        %get3A_499 = arith.index_cast %add3A_498 : i32 to index
        %get3A_500 = arith.constant 16 : index
        %get3A_501 = tpu.vector_load %arg7[%get3A_499, %get3A_500] {strides = array<i32>} : memref<256x128xf32, #tpu.memory_space<vmem>>, vector<1x16xf32>,
        %get3A_502 = vector.shape_cast %get3A_501 : vector<1x16xf32> to vector<16xf32>
        %add3A_503 = arith.constant 26 : i32
        %add3A_504 = arith.addi %mul3A_117, %add3A_503 : i32
        %get3A_505 = arith.index_cast %add3A_504 : i32 to index
        %get3A_506 = arith.constant 16 : index
        %get3A_507 = tpu.vector_load %arg7[%get3A_505, %get3A_506] {strides = array<i32>} : memref<256x128xf32, #tpu.memory_space<vmem>>, vector<1x16xf32>,
        %get3A_508 = vector.shape_cast %get3A_507 : vector<1x16xf32> to vector<16xf32>
        %add3A_509 = arith.constant 27 : i32
        %add3A_510 = arith.addi %mul3A_117, %add3A_509 : i32
        %get3A_511 = arith.index_cast %add3A_510 : i32 to index
        %get3A_512 = arith.constant 16 : index
        %get3A_513 = tpu.vector_load %arg7[%get3A_511, %get3A_512] {strides = array<i32>} : memref<256x128xf32, #tpu.memory_space<vmem>>, vector<1x16xf32>,
        %get3A_514 = vector.shape_cast %get3A_513 : vector<1x16xf32> to vector<16xf32>
        %add3A_515 = arith.constant 28 : i32
        %add3A_516 = arith.addi %mul3A_117, %add3A_515 : i32
        %get3A_517 = arith.index_cast %add3A_516 : i32 to index
        %get3A_518 = arith.constant 16 : index
        %get3A_519 = tpu.vector_load %arg7[%get3A_517, %get3A_518] {strides = array<i32>} : memref<256x128xf32, #tpu.memory_space<vmem>>, vector<1x16xf32>,
        %get3A_520 = vector.shape_cast %get3A_519 : vector<1x16xf32> to vector<16xf32>
        %add3A_521 = arith.constant 29 : i32
        %add3A_522 = arith.addi %mul3A_117, %add3A_521 : i32
        %get3A_523 = arith.index_cast %add3A_522 : i32 to index
        %get3A_524 = arith.constant 16 : index
        %get3A_525 = tpu.vector_load %arg7[%get3A_523, %get3A_524] {strides = array<i32>} : memref<256x128xf32, #tpu.memory_space<vmem>>, vector<1x16xf32>,
        %get3A_526 = vector.shape_cast %get3A_525 : vector<1x16xf32> to vector<16xf32>
        %add3A_527 = arith.constant 30 : i32
        %add3A_528 = arith.addi %mul3A_117, %add3A_527 : i32
        %get3A_529 = arith.index_cast %add3A_528 : i32 to index
        %get3A_530 = arith.constant 16 : index
        %get3A_531 = tpu.vector_load %arg7[%get3A_529, %get3A_530] {strides = array<i32>} : memref<256x128xf32, #tpu.memory_space<vmem>>, vector<1x16xf32>,
        %get3A_532 = vector.shape_cast %get3A_531 : vector<1x16xf32> to vector<16xf32>
        %add3A_533 = arith.constant 31 : i32
        %add3A_534 = arith.addi %mul3A_117, %add3A_533 : i32
        %get3A_535 = arith.index_cast %add3A_534 : i32 to index
        %get3A_536 = arith.constant 16 : index
        %get3A_537 = tpu.vector_load %arg7[%get3A_535, %get3A_536] {strides = array<i32>} : memref<256x128xf32, #tpu.memory_space<vmem>>, vector<1x16xf32>,
        %get3A_538 = vector.shape_cast %get3A_537 : vector<1x16xf32> to vector<16xf32>
        %add3A_539 = arith.addf %get3A_352, %get3A_358 : vector<16xf32>
        %add3A_540 = arith.addf %get3A_364, %get3A_370 : vector<16xf32>
        %add3A_541 = arith.addf %get3A_376, %get3A_382 : vector<16xf32>
        %add3A_542 = arith.addf %get3A_388, %get3A_394 : vector<16xf32>
        %add3A_543 = arith.addf %get3A_400, %get3A_406 : vector<16xf32>
        %add3A_544 = arith.addf %get3A_412, %get3A_418 : vector<16xf32>
        %add3A_545 = arith.addf %get3A_424, %get3A_430 : vector<16xf32>
        %add3A_546 = arith.addf %get3A_436, %get3A_442 : vector<16xf32>
        %add3A_547 = arith.addf %get3A_448, %get3A_454 : vector<16xf32>
        %add3A_548 = arith.addf %get3A_460, %get3A_466 : vector<16xf32>
        %add3A_549 = arith.addf %get3A_472, %get3A_478 : vector<16xf32>
        %add3A_550 = arith.addf %get3A_484, %get3A_490 : vector<16xf32>
        %add3A_551 = arith.addf %get3A_496, %get3A_502 : vector<16xf32>
        %add3A_552 = arith.addf %get3A_508, %get3A_514 : vector<16xf32>
        %add3A_553 = arith.addf %get3A_520, %get3A_526 : vector<16xf32>
        %add3A_554 = arith.addf %get3A_532, %get3A_538 : vector<16xf32>
        %add3A_555 = arith.addf %add3A_539, %add3A_540 : vector<16xf32>
        %add3A_556 = arith.addf %add3A_541, %add3A_542 : vector<16xf32>
        %add3A_557 = arith.addf %add3A_543, %add3A_544 : vector<16xf32>
        %add3A_558 = arith.addf %add3A_545, %add3A_546 : vector<16xf32>
        %add3A_559 = arith.addf %add3A_547, %add3A_548 : vector<16xf32>
        %add3A_560 = arith.addf %add3A_549, %add3A_550 : vector<16xf32>
        %add3A_561 = arith.addf %add3A_551, %add3A_552 : vector<16xf32>
        %add3A_562 = arith.addf %add3A_553, %add3A_554 : vector<16xf32>
        %add3A_563 = arith.addf %add3A_555, %add3A_556 : vector<16xf32>
        %add3A_564 = arith.addf %add3A_557, %add3A_558 : vector<16xf32>
        %add3A_565 = arith.addf %add3A_559, %add3A_560 : vector<16xf32>
        %add3A_566 = arith.addf %add3A_561, %add3A_562 : vector<16xf32>
        %add3A_567 = arith.addf %add3A_563, %add3A_564 : vector<16xf32>
        %add3A_568 = arith.addf %add3A_565, %add3A_566 : vector<16xf32>
        %add3A_569 = arith.addf %add3A_567, %add3A_568 : vector<16xf32>
        %mul3A_570 = arith.constant 3.125000e-02 : f32
        %mul3A_571 = vector.broadcast %mul3A_570 : f32 to vector<16xf32>
        %mul3A_572 = arith.mulf %add3A_569, %mul3A_571 : vector<16xf32>
        %swap3A_573 = arith.index_cast %add3A_115 : i32 to index
        %swap3A_574 = arith.constant 16 : index
        %swap3A_575 = tpu.vector_load %arg9[%swap3A_573, %swap3A_574] {strides = array<i32>} : memref<8x128xf32, #tpu.memory_space<vmem>>, vector<1x16xf32>,
        %swap3A_576 = vector.shape_cast %swap3A_575 : vector<1x16xf32> to vector<16xf32>
        %swap3A_577 = vector.shape_cast %mul3A_572 : vector<16xf32> to vector<1x16xf32>
        tpu.vector_store %arg9[%swap3A_573, %swap3A_574], %swap3A_577 {strides = array<i32>} : memref<8x128xf32, #tpu.memory_space<vmem>>, vector<1x16xf32>,
        %add3A_578 = arith.constant 0 : i32
        %add3A_579 = arith.addi %mul3A_117, %add3A_578 : i32
        %get3A_580 = arith.index_cast %add3A_579 : i32 to index
        %get3A_581 = arith.constant 32 : index
        %get3A_582 = tpu.vector_load %arg7[%get3A_580, %get3A_581] {strides = array<i32>} : memref<256x128xf32, #tpu.memory_space<vmem>>, vector<1x16xf32>,
        %get3A_583 = vector.shape_cast %get3A_582 : vector<1x16xf32> to vector<16xf32>
        %add3A_584 = arith.constant 1 : i32
        %add3A_585 = arith.addi %mul3A_117, %add3A_584 : i32
        %get3A_586 = arith.index_cast %add3A_585 : i32 to index
        %get3A_587 = arith.constant 32 : index
        %get3A_588 = tpu.vector_load %arg7[%get3A_586, %get3A_587] {strides = array<i32>} : memref<256x128xf32, #tpu.memory_space<vmem>>, vector<1x16xf32>,
        %get3A_589 = vector.shape_cast %get3A_588 : vector<1x16xf32> to vector<16xf32>
        %add3A_590 = arith.constant 2 : i32
        %add3A_591 = arith.addi %mul3A_117, %add3A_590 : i32
        %get3A_592 = arith.index_cast %add3A_591 : i32 to index
        %get3A_593 = arith.constant 32 : index
        %get3A_594 = tpu.vector_load %arg7[%get3A_592, %get3A_593] {strides = array<i32>} : memref<256x128xf32, #tpu.memory_space<vmem>>, vector<1x16xf32>,
        %get3A_595 = vector.shape_cast %get3A_594 : vector<1x16xf32> to vector<16xf32>
        %add3A_596 = arith.constant 3 : i32
        %add3A_597 = arith.addi %mul3A_117, %add3A_596 : i32
        %get3A_598 = arith.index_cast %add3A_597 : i32 to index
        %get3A_599 = arith.constant 32 : index
        %get3A_600 = tpu.vector_load %arg7[%get3A_598, %get3A_599] {strides = array<i32>} : memref<256x128xf32, #tpu.memory_space<vmem>>, vector<1x16xf32>,
        %get3A_601 = vector.shape_cast %get3A_600 : vector<1x16xf32> to vector<16xf32>
        %add3A_602 = arith.constant 4 : i32
        %add3A_603 = arith.addi %mul3A_117, %add3A_602 : i32
        %get3A_604 = arith.index_cast %add3A_603 : i32 to index
        %get3A_605 = arith.constant 32 : index
        %get3A_606 = tpu.vector_load %arg7[%get3A_604, %get3A_605] {strides = array<i32>} : memref<256x128xf32, #tpu.memory_space<vmem>>, vector<1x16xf32>,
        %get3A_607 = vector.shape_cast %get3A_606 : vector<1x16xf32> to vector<16xf32>
        %add3A_608 = arith.constant 5 : i32
        %add3A_609 = arith.addi %mul3A_117, %add3A_608 : i32
        %get3A_610 = arith.index_cast %add3A_609 : i32 to index
        %get3A_611 = arith.constant 32 : index
        %get3A_612 = tpu.vector_load %arg7[%get3A_610, %get3A_611] {strides = array<i32>} : memref<256x128xf32, #tpu.memory_space<vmem>>, vector<1x16xf32>,
        %get3A_613 = vector.shape_cast %get3A_612 : vector<1x16xf32> to vector<16xf32>
        %add3A_614 = arith.constant 6 : i32
        %add3A_615 = arith.addi %mul3A_117, %add3A_614 : i32
        %get3A_616 = arith.index_cast %add3A_615 : i32 to index
        %get3A_617 = arith.constant 32 : index
        %get3A_618 = tpu.vector_load %arg7[%get3A_616, %get3A_617] {strides = array<i32>} : memref<256x128xf32, #tpu.memory_space<vmem>>, vector<1x16xf32>,
        %get3A_619 = vector.shape_cast %get3A_618 : vector<1x16xf32> to vector<16xf32>
        %add3A_620 = arith.constant 7 : i32
        %add3A_621 = arith.addi %mul3A_117, %add3A_620 : i32
        %get3A_622 = arith.index_cast %add3A_621 : i32 to index
        %get3A_623 = arith.constant 32 : index
        %get3A_624 = tpu.vector_load %arg7[%get3A_622, %get3A_623] {strides = array<i32>} : memref<256x128xf32, #tpu.memory_space<vmem>>, vector<1x16xf32>,
        %get3A_625 = vector.shape_cast %get3A_624 : vector<1x16xf32> to vector<16xf32>
        %add3A_626 = arith.constant 8 : i32
        %add3A_627 = arith.addi %mul3A_117, %add3A_626 : i32
        %get3A_628 = arith.index_cast %add3A_627 : i32 to index
        %get3A_629 = arith.constant 32 : index
        %get3A_630 = tpu.vector_load %arg7[%get3A_628, %get3A_629] {strides = array<i32>} : memref<256x128xf32, #tpu.memory_space<vmem>>, vector<1x16xf32>,
        %get3A_631 = vector.shape_cast %get3A_630 : vector<1x16xf32> to vector<16xf32>
        %add3A_632 = arith.constant 9 : i32
        %add3A_633 = arith.addi %mul3A_117, %add3A_632 : i32
        %get3A_634 = arith.index_cast %add3A_633 : i32 to index
        %get3A_635 = arith.constant 32 : index
        %get3A_636 = tpu.vector_load %arg7[%get3A_634, %get3A_635] {strides = array<i32>} : memref<256x128xf32, #tpu.memory_space<vmem>>, vector<1x16xf32>,
        %get3A_637 = vector.shape_cast %get3A_636 : vector<1x16xf32> to vector<16xf32>
        %add3A_638 = arith.constant 10 : i32
        %add3A_639 = arith.addi %mul3A_117, %add3A_638 : i32
        %get3A_640 = arith.index_cast %add3A_639 : i32 to index
        %get3A_641 = arith.constant 32 : index
        %get3A_642 = tpu.vector_load %arg7[%get3A_640, %get3A_641] {strides = array<i32>} : memref<256x128xf32, #tpu.memory_space<vmem>>, vector<1x16xf32>,
        %get3A_643 = vector.shape_cast %get3A_642 : vector<1x16xf32> to vector<16xf32>
        %add3A_644 = arith.constant 11 : i32
        %add3A_645 = arith.addi %mul3A_117, %add3A_644 : i32
        %get3A_646 = arith.index_cast %add3A_645 : i32 to index
        %get3A_647 = arith.constant 32 : index
        %get3A_648 = tpu.vector_load %arg7[%get3A_646, %get3A_647] {strides = array<i32>} : memref<256x128xf32, #tpu.memory_space<vmem>>, vector<1x16xf32>,
        %get3A_649 = vector.shape_cast %get3A_648 : vector<1x16xf32> to vector<16xf32>
        %add3A_650 = arith.constant 12 : i32
        %add3A_651 = arith.addi %mul3A_117, %add3A_650 : i32
        %get3A_652 = arith.index_cast %add3A_651 : i32 to index
        %get3A_653 = arith.constant 32 : index
        %get3A_654 = tpu.vector_load %arg7[%get3A_652, %get3A_653] {strides = array<i32>} : memref<256x128xf32, #tpu.memory_space<vmem>>, vector<1x16xf32>,
        %get3A_655 = vector.shape_cast %get3A_654 : vector<1x16xf32> to vector<16xf32>
        %add3A_656 = arith.constant 13 : i32
        %add3A_657 = arith.addi %mul3A_117, %add3A_656 : i32
        %get3A_658 = arith.index_cast %add3A_657 : i32 to index
        %get3A_659 = arith.constant 32 : index
        %get3A_660 = tpu.vector_load %arg7[%get3A_658, %get3A_659] {strides = array<i32>} : memref<256x128xf32, #tpu.memory_space<vmem>>, vector<1x16xf32>,
        %get3A_661 = vector.shape_cast %get3A_660 : vector<1x16xf32> to vector<16xf32>
        %add3A_662 = arith.constant 14 : i32
        %add3A_663 = arith.addi %mul3A_117, %add3A_662 : i32
        %get3A_664 = arith.index_cast %add3A_663 : i32 to index
        %get3A_665 = arith.constant 32 : index
        %get3A_666 = tpu.vector_load %arg7[%get3A_664, %get3A_665] {strides = array<i32>} : memref<256x128xf32, #tpu.memory_space<vmem>>, vector<1x16xf32>,
        %get3A_667 = vector.shape_cast %get3A_666 : vector<1x16xf32> to vector<16xf32>
        %add3A_668 = arith.constant 15 : i32
        %add3A_669 = arith.addi %mul3A_117, %add3A_668 : i32
        %get3A_670 = arith.index_cast %add3A_669 : i32 to index
        %get3A_671 = arith.constant 32 : index
        %get3A_672 = tpu.vector_load %arg7[%get3A_670, %get3A_671] {strides = array<i32>} : memref<256x128xf32, #tpu.memory_space<vmem>>, vector<1x16xf32>,
        %get3A_673 = vector.shape_cast %get3A_672 : vector<1x16xf32> to vector<16xf32>
        %add3A_674 = arith.constant 16 : i32
        %add3A_675 = arith.addi %mul3A_117, %add3A_674 : i32
        %get3A_676 = arith.index_cast %add3A_675 : i32 to index
        %get3A_677 = arith.constant 32 : index
        %get3A_678 = tpu.vector_load %arg7[%get3A_676, %get3A_677] {strides = array<i32>} : memref<256x128xf32, #tpu.memory_space<vmem>>, vector<1x16xf32>,
        %get3A_679 = vector.shape_cast %get3A_678 : vector<1x16xf32> to vector<16xf32>
        %add3A_680 = arith.constant 17 : i32
        %add3A_681 = arith.addi %mul3A_117, %add3A_680 : i32
        %get3A_682 = arith.index_cast %add3A_681 : i32 to index
        %get3A_683 = arith.constant 32 : index
        %get3A_684 = tpu.vector_load %arg7[%get3A_682, %get3A_683] {strides = array<i32>} : memref<256x128xf32, #tpu.memory_space<vmem>>, vector<1x16xf32>,
        %get3A_685 = vector.shape_cast %get3A_684 : vector<1x16xf32> to vector<16xf32>
        %add3A_686 = arith.constant 18 : i32
        %add3A_687 = arith.addi %mul3A_117, %add3A_686 : i32
        %get3A_688 = arith.index_cast %add3A_687 : i32 to index
        %get3A_689 = arith.constant 32 : index
        %get3A_690 = tpu.vector_load %arg7[%get3A_688, %get3A_689] {strides = array<i32>} : memref<256x128xf32, #tpu.memory_space<vmem>>, vector<1x16xf32>,
        %get3A_691 = vector.shape_cast %get3A_690 : vector<1x16xf32> to vector<16xf32>
        %add3A_692 = arith.constant 19 : i32
        %add3A_693 = arith.addi %mul3A_117, %add3A_692 : i32
        %get3A_694 = arith.index_cast %add3A_693 : i32 to index
        %get3A_695 = arith.constant 32 : index
        %get3A_696 = tpu.vector_load %arg7[%get3A_694, %get3A_695] {strides = array<i32>} : memref<256x128xf32, #tpu.memory_space<vmem>>, vector<1x16xf32>,
        %get3A_697 = vector.shape_cast %get3A_696 : vector<1x16xf32> to vector<16xf32>
        %add3A_698 = arith.constant 20 : i32
        %add3A_699 = arith.addi %mul3A_117, %add3A_698 : i32
        %get3A_700 = arith.index_cast %add3A_699 : i32 to index
        %get3A_701 = arith.constant 32 : index
        %get3A_702 = tpu.vector_load %arg7[%get3A_700, %get3A_701] {strides = array<i32>} : memref<256x128xf32, #tpu.memory_space<vmem>>, vector<1x16xf32>,
        %get3A_703 = vector.shape_cast %get3A_702 : vector<1x16xf32> to vector<16xf32>
        %add3A_704 = arith.constant 21 : i32
        %add3A_705 = arith.addi %mul3A_117, %add3A_704 : i32
        %get3A_706 = arith.index_cast %add3A_705 : i32 to index
        %get3A_707 = arith.constant 32 : index
        %get3A_708 = tpu.vector_load %arg7[%get3A_706, %get3A_707] {strides = array<i32>} : memref<256x128xf32, #tpu.memory_space<vmem>>, vector<1x16xf32>,
        %get3A_709 = vector.shape_cast %get3A_708 : vector<1x16xf32> to vector<16xf32>
        %add3A_710 = arith.constant 22 : i32
        %add3A_711 = arith.addi %mul3A_117, %add3A_710 : i32
        %get3A_712 = arith.index_cast %add3A_711 : i32 to index
        %get3A_713 = arith.constant 32 : index
        %get3A_714 = tpu.vector_load %arg7[%get3A_712, %get3A_713] {strides = array<i32>} : memref<256x128xf32, #tpu.memory_space<vmem>>, vector<1x16xf32>,
        %get3A_715 = vector.shape_cast %get3A_714 : vector<1x16xf32> to vector<16xf32>
        %add3A_716 = arith.constant 23 : i32
        %add3A_717 = arith.addi %mul3A_117, %add3A_716 : i32
        %get3A_718 = arith.index_cast %add3A_717 : i32 to index
        %get3A_719 = arith.constant 32 : index
        %get3A_720 = tpu.vector_load %arg7[%get3A_718, %get3A_719] {strides = array<i32>} : memref<256x128xf32, #tpu.memory_space<vmem>>, vector<1x16xf32>,
        %get3A_721 = vector.shape_cast %get3A_720 : vector<1x16xf32> to vector<16xf32>
        %add3A_722 = arith.constant 24 : i32
        %add3A_723 = arith.addi %mul3A_117, %add3A_722 : i32
        %get3A_724 = arith.index_cast %add3A_723 : i32 to index
        %get3A_725 = arith.constant 32 : index
        %get3A_726 = tpu.vector_load %arg7[%get3A_724, %get3A_725] {strides = array<i32>} : memref<256x128xf32, #tpu.memory_space<vmem>>, vector<1x16xf32>,
        %get3A_727 = vector.shape_cast %get3A_726 : vector<1x16xf32> to vector<16xf32>
        %add3A_728 = arith.constant 25 : i32
        %add3A_729 = arith.addi %mul3A_117, %add3A_728 : i32
        %get3A_730 = arith.index_cast %add3A_729 : i32 to index
        %get3A_731 = arith.constant 32 : index
        %get3A_732 = tpu.vector_load %arg7[%get3A_730, %get3A_731] {strides = array<i32>} : memref<256x128xf32, #tpu.memory_space<vmem>>, vector<1x16xf32>,
        %get3A_733 = vector.shape_cast %get3A_732 : vector<1x16xf32> to vector<16xf32>
        %add3A_734 = arith.constant 26 : i32
        %add3A_735 = arith.addi %mul3A_117, %add3A_734 : i32
        %get3A_736 = arith.index_cast %add3A_735 : i32 to index
        %get3A_737 = arith.constant 32 : index
        %get3A_738 = tpu.vector_load %arg7[%get3A_736, %get3A_737] {strides = array<i32>} : memref<256x128xf32, #tpu.memory_space<vmem>>, vector<1x16xf32>,
        %get3A_739 = vector.shape_cast %get3A_738 : vector<1x16xf32> to vector<16xf32>
        %add3A_740 = arith.constant 27 : i32
        %add3A_741 = arith.addi %mul3A_117, %add3A_740 : i32
        %get3A_742 = arith.index_cast %add3A_741 : i32 to index
        %get3A_743 = arith.constant 32 : index
        %get3A_744 = tpu.vector_load %arg7[%get3A_742, %get3A_743] {strides = array<i32>} : memref<256x128xf32, #tpu.memory_space<vmem>>, vector<1x16xf32>,
        %get3A_745 = vector.shape_cast %get3A_744 : vector<1x16xf32> to vector<16xf32>
        %add3A_746 = arith.constant 28 : i32
        %add3A_747 = arith.addi %mul3A_117, %add3A_746 : i32
        %get3A_748 = arith.index_cast %add3A_747 : i32 to index
        %get3A_749 = arith.constant 32 : index
        %get3A_750 = tpu.vector_load %arg7[%get3A_748, %get3A_749] {strides = array<i32>} : memref<256x128xf32, #tpu.memory_space<vmem>>, vector<1x16xf32>,
        %get3A_751 = vector.shape_cast %get3A_750 : vector<1x16xf32> to vector<16xf32>
        %add3A_752 = arith.constant 29 : i32
        %add3A_753 = arith.addi %mul3A_117, %add3A_752 : i32
        %get3A_754 = arith.index_cast %add3A_753 : i32 to index
        %get3A_755 = arith.constant 32 : index
        %get3A_756 = tpu.vector_load %arg7[%get3A_754, %get3A_755] {strides = array<i32>} : memref<256x128xf32, #tpu.memory_space<vmem>>, vector<1x16xf32>,
        %get3A_757 = vector.shape_cast %get3A_756 : vector<1x16xf32> to vector<16xf32>
        %add3A_758 = arith.constant 30 : i32
        %add3A_759 = arith.addi %mul3A_117, %add3A_758 : i32
        %get3A_760 = arith.index_cast %add3A_759 : i32 to index
        %get3A_761 = arith.constant 32 : index
        %get3A_762 = tpu.vector_load %arg7[%get3A_760, %get3A_761] {strides = array<i32>} : memref<256x128xf32, #tpu.memory_space<vmem>>, vector<1x16xf32>,
        %get3A_763 = vector.shape_cast %get3A_762 : vector<1x16xf32> to vector<16xf32>
        %add3A_764 = arith.constant 31 : i32
        %add3A_765 = arith.addi %mul3A_117, %add3A_764 : i32
        %get3A_766 = arith.index_cast %add3A_765 : i32 to index
        %get3A_767 = arith.constant 32 : index
        %get3A_768 = tpu.vector_load %arg7[%get3A_766, %get3A_767] {strides = array<i32>} : memref<256x128xf32, #tpu.memory_space<vmem>>, vector<1x16xf32>,
        %get3A_769 = vector.shape_cast %get3A_768 : vector<1x16xf32> to vector<16xf32>
        %add3A_770 = arith.addf %get3A_583, %get3A_589 : vector<16xf32>
        %add3A_771 = arith.addf %get3A_595, %get3A_601 : vector<16xf32>
        %add3A_772 = arith.addf %get3A_607, %get3A_613 : vector<16xf32>
        %add3A_773 = arith.addf %get3A_619, %get3A_625 : vector<16xf32>
        %add3A_774 = arith.addf %get3A_631, %get3A_637 : vector<16xf32>
        %add3A_775 = arith.addf %get3A_643, %get3A_649 : vector<16xf32>
        %add3A_776 = arith.addf %get3A_655, %get3A_661 : vector<16xf32>
        %add3A_777 = arith.addf %get3A_667, %get3A_673 : vector<16xf32>
        %add3A_778 = arith.addf %get3A_679, %get3A_685 : vector<16xf32>
        %add3A_779 = arith.addf %get3A_691, %get3A_697 : vector<16xf32>
        %add3A_780 = arith.addf %get3A_703, %get3A_709 : vector<16xf32>
        %add3A_781 = arith.addf %get3A_715, %get3A_721 : vector<16xf32>
        %add3A_782 = arith.addf %get3A_727, %get3A_733 : vector<16xf32>
        %add3A_783 = arith.addf %get3A_739, %get3A_745 : vector<16xf32>
        %add3A_784 = arith.addf %get3A_751, %get3A_757 : vector<16xf32>
        %add3A_785 = arith.addf %get3A_763, %get3A_769 : vector<16xf32>
        %add3A_786 = arith.addf %add3A_770, %add3A_771 : vector<16xf32>
        %add3A_787 = arith.addf %add3A_772, %add3A_773 : vector<16xf32>
        %add3A_788 = arith.addf %add3A_774, %add3A_775 : vector<16xf32>
        %add3A_789 = arith.addf %add3A_776, %add3A_777 : vector<16xf32>
        %add3A_790 = arith.addf %add3A_778, %add3A_779 : vector<16xf32>
        %add3A_791 = arith.addf %add3A_780, %add3A_781 : vector<16xf32>
        %add3A_792 = arith.addf %add3A_782, %add3A_783 : vector<16xf32>
        %add3A_793 = arith.addf %add3A_784, %add3A_785 : vector<16xf32>
        %add3A_794 = arith.addf %add3A_786, %add3A_787 : vector<16xf32>
        %add3A_795 = arith.addf %add3A_788, %add3A_789 : vector<16xf32>
        %add3A_796 = arith.addf %add3A_790, %add3A_791 : vector<16xf32>
        %add3A_797 = arith.addf %add3A_792, %add3A_793 : vector<16xf32>
        %add3A_798 = arith.addf %add3A_794, %add3A_795 : vector<16xf32>
        %add3A_799 = arith.addf %add3A_796, %add3A_797 : vector<16xf32>
        %add3A_800 = arith.addf %add3A_798, %add3A_799 : vector<16xf32>
        %mul3A_801 = arith.constant 3.125000e-02 : f32
        %mul3A_802 = vector.broadcast %mul3A_801 : f32 to vector<16xf32>
        %mul3A_803 = arith.mulf %add3A_800, %mul3A_802 : vector<16xf32>
        %swap3A_804 = arith.index_cast %add3A_115 : i32 to index
        %swap3A_805 = arith.constant 32 : index
        %swap3A_806 = tpu.vector_load %arg9[%swap3A_804, %swap3A_805] {strides = array<i32>} : memref<8x128xf32, #tpu.memory_space<vmem>>, vector<1x16xf32>,
        %swap3A_807 = vector.shape_cast %swap3A_806 : vector<1x16xf32> to vector<16xf32>
        %swap3A_808 = vector.shape_cast %mul3A_803 : vector<16xf32> to vector<1x16xf32>
        tpu.vector_store %arg9[%swap3A_804, %swap3A_805], %swap3A_808 {strides = array<i32>} : memref<8x128xf32, #tpu.memory_space<vmem>>, vector<1x16xf32>,
        %add3A_809 = arith.constant 0 : i32
        %add3A_810 = arith.addi %mul3A_117, %add3A_809 : i32
        %get3A_811 = arith.index_cast %add3A_810 : i32 to index
        %get3A_812 = arith.constant 48 : index
        %get3A_813 = tpu.vector_load %arg7[%get3A_811, %get3A_812] {strides = array<i32>} : memref<256x128xf32, #tpu.memory_space<vmem>>, vector<1x16xf32>,
        %get3A_814 = vector.shape_cast %get3A_813 : vector<1x16xf32> to vector<16xf32>
        %add3A_815 = arith.constant 1 : i32
        %add3A_816 = arith.addi %mul3A_117, %add3A_815 : i32
        %get3A_817 = arith.index_cast %add3A_816 : i32 to index
        %get3A_818 = arith.constant 48 : index
        %get3A_819 = tpu.vector_load %arg7[%get3A_817, %get3A_818] {strides = array<i32>} : memref<256x128xf32, #tpu.memory_space<vmem>>, vector<1x16xf32>,
        %get3A_820 = vector.shape_cast %get3A_819 : vector<1x16xf32> to vector<16xf32>
        %add3A_821 = arith.constant 2 : i32
        %add3A_822 = arith.addi %mul3A_117, %add3A_821 : i32
        %get3A_823 = arith.index_cast %add3A_822 : i32 to index
        %get3A_824 = arith.constant 48 : index
        %get3A_825 = tpu.vector_load %arg7[%get3A_823, %get3A_824] {strides = array<i32>} : memref<256x128xf32, #tpu.memory_space<vmem>>, vector<1x16xf32>,
        %get3A_826 = vector.shape_cast %get3A_825 : vector<1x16xf32> to vector<16xf32>
        %add3A_827 = arith.constant 3 : i32
        %add3A_828 = arith.addi %mul3A_117, %add3A_827 : i32
        %get3A_829 = arith.index_cast %add3A_828 : i32 to index
        %get3A_830 = arith.constant 48 : index
        %get3A_831 = tpu.vector_load %arg7[%get3A_829, %get3A_830] {strides = array<i32>} : memref<256x128xf32, #tpu.memory_space<vmem>>, vector<1x16xf32>,
        %get3A_832 = vector.shape_cast %get3A_831 : vector<1x16xf32> to vector<16xf32>
        %add3A_833 = arith.constant 4 : i32
        %add3A_834 = arith.addi %mul3A_117, %add3A_833 : i32
        %get3A_835 = arith.index_cast %add3A_834 : i32 to index
        %get3A_836 = arith.constant 48 : index
        %get3A_837 = tpu.vector_load %arg7[%get3A_835, %get3A_836] {strides = array<i32>} : memref<256x128xf32, #tpu.memory_space<vmem>>, vector<1x16xf32>,
        %get3A_838 = vector.shape_cast %get3A_837 : vector<1x16xf32> to vector<16xf32>
        %add3A_839 = arith.constant 5 : i32
        %add3A_840 = arith.addi %mul3A_117, %add3A_839 : i32
        %get3A_841 = arith.index_cast %add3A_840 : i32 to index
        %get3A_842 = arith.constant 48 : index
        %get3A_843 = tpu.vector_load %arg7[%get3A_841, %get3A_842] {strides = array<i32>} : memref<256x128xf32, #tpu.memory_space<vmem>>, vector<1x16xf32>,
        %get3A_844 = vector.shape_cast %get3A_843 : vector<1x16xf32> to vector<16xf32>
        %add3A_845 = arith.constant 6 : i32
        %add3A_846 = arith.addi %mul3A_117, %add3A_845 : i32
        %get3A_847 = arith.index_cast %add3A_846 : i32 to index
        %get3A_848 = arith.constant 48 : index
        %get3A_849 = tpu.vector_load %arg7[%get3A_847, %get3A_848] {strides = array<i32>} : memref<256x128xf32, #tpu.memory_space<vmem>>, vector<1x16xf32>,
        %get3A_850 = vector.shape_cast %get3A_849 : vector<1x16xf32> to vector<16xf32>
        %add3A_851 = arith.constant 7 : i32
        %add3A_852 = arith.addi %mul3A_117, %add3A_851 : i32
        %get3A_853 = arith.index_cast %add3A_852 : i32 to index
        %get3A_854 = arith.constant 48 : index
        %get3A_855 = tpu.vector_load %arg7[%get3A_853, %get3A_854] {strides = array<i32>} : memref<256x128xf32, #tpu.memory_space<vmem>>, vector<1x16xf32>,
        %get3A_856 = vector.shape_cast %get3A_855 : vector<1x16xf32> to vector<16xf32>
        %add3A_857 = arith.constant 8 : i32
        %add3A_858 = arith.addi %mul3A_117, %add3A_857 : i32
        %get3A_859 = arith.index_cast %add3A_858 : i32 to index
        %get3A_860 = arith.constant 48 : index
        %get3A_861 = tpu.vector_load %arg7[%get3A_859, %get3A_860] {strides = array<i32>} : memref<256x128xf32, #tpu.memory_space<vmem>>, vector<1x16xf32>,
        %get3A_862 = vector.shape_cast %get3A_861 : vector<1x16xf32> to vector<16xf32>
        %add3A_863 = arith.constant 9 : i32
        %add3A_864 = arith.addi %mul3A_117, %add3A_863 : i32
        %get3A_865 = arith.index_cast %add3A_864 : i32 to index
        %get3A_866 = arith.constant 48 : index
        %get3A_867 = tpu.vector_load %arg7[%get3A_865, %get3A_866] {strides = array<i32>} : memref<256x128xf32, #tpu.memory_space<vmem>>, vector<1x16xf32>,
        %get3A_868 = vector.shape_cast %get3A_867 : vector<1x16xf32> to vector<16xf32>
        %add3A_869 = arith.constant 10 : i32
        %add3A_870 = arith.addi %mul3A_117, %add3A_869 : i32
        %get3A_871 = arith.index_cast %add3A_870 : i32 to index
        %get3A_872 = arith.constant 48 : index
        %get3A_873 = tpu.vector_load %arg7[%get3A_871, %get3A_872] {strides = array<i32>} : memref<256x128xf32, #tpu.memory_space<vmem>>, vector<1x16xf32>,
        %get3A_874 = vector.shape_cast %get3A_873 : vector<1x16xf32> to vector<16xf32>
        %add3A_875 = arith.constant 11 : i32
        %add3A_876 = arith.addi %mul3A_117, %add3A_875 : i32
        %get3A_877 = arith.index_cast %add3A_876 : i32 to index
        %get3A_878 = arith.constant 48 : index
        %get3A_879 = tpu.vector_load %arg7[%get3A_877, %get3A_878] {strides = array<i32>} : memref<256x128xf32, #tpu.memory_space<vmem>>, vector<1x16xf32>,
        %get3A_880 = vector.shape_cast %get3A_879 : vector<1x16xf32> to vector<16xf32>
        %add3A_881 = arith.constant 12 : i32
        %add3A_882 = arith.addi %mul3A_117, %add3A_881 : i32
        %get3A_883 = arith.index_cast %add3A_882 : i32 to index
        %get3A_884 = arith.constant 48 : index
        %get3A_885 = tpu.vector_load %arg7[%get3A_883, %get3A_884] {strides = array<i32>} : memref<256x128xf32, #tpu.memory_space<vmem>>, vector<1x16xf32>,
        %get3A_886 = vector.shape_cast %get3A_885 : vector<1x16xf32> to vector<16xf32>
        %add3A_887 = arith.constant 13 : i32
        %add3A_888 = arith.addi %mul3A_117, %add3A_887 : i32
        %get3A_889 = arith.index_cast %add3A_888 : i32 to index
        %get3A_890 = arith.constant 48 : index
        %get3A_891 = tpu.vector_load %arg7[%get3A_889, %get3A_890] {strides = array<i32>} : memref<256x128xf32, #tpu.memory_space<vmem>>, vector<1x16xf32>,
        %get3A_892 = vector.shape_cast %get3A_891 : vector<1x16xf32> to vector<16xf32>
        %add3A_893 = arith.constant 14 : i32
        %add3A_894 = arith.addi %mul3A_117, %add3A_893 : i32
        %get3A_895 = arith.index_cast %add3A_894 : i32 to index
        %get3A_896 = arith.constant 48 : index
        %get3A_897 = tpu.vector_load %arg7[%get3A_895, %get3A_896] {strides = array<i32>} : memref<256x128xf32, #tpu.memory_space<vmem>>, vector<1x16xf32>,
        %get3A_898 = vector.shape_cast %get3A_897 : vector<1x16xf32> to vector<16xf32>
        %add3A_899 = arith.constant 15 : i32
        %add3A_900 = arith.addi %mul3A_117, %add3A_899 : i32
        %get3A_901 = arith.index_cast %add3A_900 : i32 to index
        %get3A_902 = arith.constant 48 : index
        %get3A_903 = tpu.vector_load %arg7[%get3A_901, %get3A_902] {strides = array<i32>} : memref<256x128xf32, #tpu.memory_space<vmem>>, vector<1x16xf32>,
        %get3A_904 = vector.shape_cast %get3A_903 : vector<1x16xf32> to vector<16xf32>
        %add3A_905 = arith.constant 16 : i32
        %add3A_906 = arith.addi %mul3A_117, %add3A_905 : i32
        %get3A_907 = arith.index_cast %add3A_906 : i32 to index
        %get3A_908 = arith.constant 48 : index
        %get3A_909 = tpu.vector_load %arg7[%get3A_907, %get3A_908] {strides = array<i32>} : memref<256x128xf32, #tpu.memory_space<vmem>>, vector<1x16xf32>,
        %get3A_910 = vector.shape_cast %get3A_909 : vector<1x16xf32> to vector<16xf32>
        %add3A_911 = arith.constant 17 : i32
        %add3A_912 = arith.addi %mul3A_117, %add3A_911 : i32
        %get3A_913 = arith.index_cast %add3A_912 : i32 to index
        %get3A_914 = arith.constant 48 : index
        %get3A_915 = tpu.vector_load %arg7[%get3A_913, %get3A_914] {strides = array<i32>} : memref<256x128xf32, #tpu.memory_space<vmem>>, vector<1x16xf32>,
        %get3A_916 = vector.shape_cast %get3A_915 : vector<1x16xf32> to vector<16xf32>
        %add3A_917 = arith.constant 18 : i32
        %add3A_918 = arith.addi %mul3A_117, %add3A_917 : i32
        %get3A_919 = arith.index_cast %add3A_918 : i32 to index
        %get3A_920 = arith.constant 48 : index
        %get3A_921 = tpu.vector_load %arg7[%get3A_919, %get3A_920] {strides = array<i32>} : memref<256x128xf32, #tpu.memory_space<vmem>>, vector<1x16xf32>,
        %get3A_922 = vector.shape_cast %get3A_921 : vector<1x16xf32> to vector<16xf32>
        %add3A_923 = arith.constant 19 : i32
        %add3A_924 = arith.addi %mul3A_117, %add3A_923 : i32
        %get3A_925 = arith.index_cast %add3A_924 : i32 to index
        %get3A_926 = arith.constant 48 : index
        %get3A_927 = tpu.vector_load %arg7[%get3A_925, %get3A_926] {strides = array<i32>} : memref<256x128xf32, #tpu.memory_space<vmem>>, vector<1x16xf32>,
        %get3A_928 = vector.shape_cast %get3A_927 : vector<1x16xf32> to vector<16xf32>
        %add3A_929 = arith.constant 20 : i32
        %add3A_930 = arith.addi %mul3A_117, %add3A_929 : i32
        %get3A_931 = arith.index_cast %add3A_930 : i32 to index
        %get3A_932 = arith.constant 48 : index
        %get3A_933 = tpu.vector_load %arg7[%get3A_931, %get3A_932] {strides = array<i32>} : memref<256x128xf32, #tpu.memory_space<vmem>>, vector<1x16xf32>,
        %get3A_934 = vector.shape_cast %get3A_933 : vector<1x16xf32> to vector<16xf32>
        %add3A_935 = arith.constant 21 : i32
        %add3A_936 = arith.addi %mul3A_117, %add3A_935 : i32
        %get3A_937 = arith.index_cast %add3A_936 : i32 to index
        %get3A_938 = arith.constant 48 : index
        %get3A_939 = tpu.vector_load %arg7[%get3A_937, %get3A_938] {strides = array<i32>} : memref<256x128xf32, #tpu.memory_space<vmem>>, vector<1x16xf32>,
        %get3A_940 = vector.shape_cast %get3A_939 : vector<1x16xf32> to vector<16xf32>
        %add3A_941 = arith.constant 22 : i32
        %add3A_942 = arith.addi %mul3A_117, %add3A_941 : i32
        %get3A_943 = arith.index_cast %add3A_942 : i32 to index
        %get3A_944 = arith.constant 48 : index
        %get3A_945 = tpu.vector_load %arg7[%get3A_943, %get3A_944] {strides = array<i32>} : memref<256x128xf32, #tpu.memory_space<vmem>>, vector<1x16xf32>,
        %get3A_946 = vector.shape_cast %get3A_945 : vector<1x16xf32> to vector<16xf32>
        %add3A_947 = arith.constant 23 : i32
        %add3A_948 = arith.addi %mul3A_117, %add3A_947 : i32
        %get3A_949 = arith.index_cast %add3A_948 : i32 to index
        %get3A_950 = arith.constant 48 : index
        %get3A_951 = tpu.vector_load %arg7[%get3A_949, %get3A_950] {strides = array<i32>} : memref<256x128xf32, #tpu.memory_space<vmem>>, vector<1x16xf32>,
        %get3A_952 = vector.shape_cast %get3A_951 : vector<1x16xf32> to vector<16xf32>
        %add3A_953 = arith.constant 24 : i32
        %add3A_954 = arith.addi %mul3A_117, %add3A_953 : i32
        %get3A_955 = arith.index_cast %add3A_954 : i32 to index
        %get3A_956 = arith.constant 48 : index
        %get3A_957 = tpu.vector_load %arg7[%get3A_955, %get3A_956] {strides = array<i32>} : memref<256x128xf32, #tpu.memory_space<vmem>>, vector<1x16xf32>,
        %get3A_958 = vector.shape_cast %get3A_957 : vector<1x16xf32> to vector<16xf32>
        %add3A_959 = arith.constant 25 : i32
        %add3A_960 = arith.addi %mul3A_117, %add3A_959 : i32
        %get3A_961 = arith.index_cast %add3A_960 : i32 to index
        %get3A_962 = arith.constant 48 : index
        %get3A_963 = tpu.vector_load %arg7[%get3A_961, %get3A_962] {strides = array<i32>} : memref<256x128xf32, #tpu.memory_space<vmem>>, vector<1x16xf32>,
        %get3A_964 = vector.shape_cast %get3A_963 : vector<1x16xf32> to vector<16xf32>
        %add3A_965 = arith.constant 26 : i32
        %add3A_966 = arith.addi %mul3A_117, %add3A_965 : i32
        %get3A_967 = arith.index_cast %add3A_966 : i32 to index
        %get3A_968 = arith.constant 48 : index
        %get3A_969 = tpu.vector_load %arg7[%get3A_967, %get3A_968] {strides = array<i32>} : memref<256x128xf32, #tpu.memory_space<vmem>>, vector<1x16xf32>,
        %get3A_970 = vector.shape_cast %get3A_969 : vector<1x16xf32> to vector<16xf32>
        %add3A_971 = arith.constant 27 : i32
        %add3A_972 = arith.addi %mul3A_117, %add3A_971 : i32
        %get3A_973 = arith.index_cast %add3A_972 : i32 to index
        %get3A_974 = arith.constant 48 : index
        %get3A_975 = tpu.vector_load %arg7[%get3A_973, %get3A_974] {strides = array<i32>} : memref<256x128xf32, #tpu.memory_space<vmem>>, vector<1x16xf32>,
        %get3A_976 = vector.shape_cast %get3A_975 : vector<1x16xf32> to vector<16xf32>
        %add3A_977 = arith.constant 28 : i32
        %add3A_978 = arith.addi %mul3A_117, %add3A_977 : i32
        %get3A_979 = arith.index_cast %add3A_978 : i32 to index
        %get3A_980 = arith.constant 48 : index
        %get3A_981 = tpu.vector_load %arg7[%get3A_979, %get3A_980] {strides = array<i32>} : memref<256x128xf32, #tpu.memory_space<vmem>>, vector<1x16xf32>,
        %get3A_982 = vector.shape_cast %get3A_981 : vector<1x16xf32> to vector<16xf32>
        %add3A_983 = arith.constant 29 : i32
        %add3A_984 = arith.addi %mul3A_117, %add3A_983 : i32
        %get3A_985 = arith.index_cast %add3A_984 : i32 to index
        %get3A_986 = arith.constant 48 : index
        %get3A_987 = tpu.vector_load %arg7[%get3A_985, %get3A_986] {strides = array<i32>} : memref<256x128xf32, #tpu.memory_space<vmem>>, vector<1x16xf32>,
        %get3A_988 = vector.shape_cast %get3A_987 : vector<1x16xf32> to vector<16xf32>
        %add3A_989 = arith.constant 30 : i32
        %add3A_990 = arith.addi %mul3A_117, %add3A_989 : i32
        %get3A_991 = arith.index_cast %add3A_990 : i32 to index
        %get3A_992 = arith.constant 48 : index
        %get3A_993 = tpu.vector_load %arg7[%get3A_991, %get3A_992] {strides = array<i32>} : memref<256x128xf32, #tpu.memory_space<vmem>>, vector<1x16xf32>,
        %get3A_994 = vector.shape_cast %get3A_993 : vector<1x16xf32> to vector<16xf32>
        %add3A_995 = arith.constant 31 : i32
        %add3A_996 = arith.addi %mul3A_117, %add3A_995 : i32
        %get3A_997 = arith.index_cast %add3A_996 : i32 to index
        %get3A_998 = arith.constant 48 : index
        %get3A_999 = tpu.vector_load %arg7[%get3A_997, %get3A_998] {strides = array<i32>} : memref<256x128xf32, #tpu.memory_space<vmem>>, vector<1x16xf32>,
        %get3A_1000 = vector.shape_cast %get3A_999 : vector<1x16xf32> to vector<16xf32>
        %add3A_1001 = arith.addf %get3A_814, %get3A_820 : vector<16xf32>
        %add3A_1002 = arith.addf %get3A_826, %get3A_832 : vector<16xf32>
        %add3A_1003 = arith.addf %get3A_838, %get3A_844 : vector<16xf32>
        %add3A_1004 = arith.addf %get3A_850, %get3A_856 : vector<16xf32>
        %add3A_1005 = arith.addf %get3A_862, %get3A_868 : vector<16xf32>
        %add3A_1006 = arith.addf %get3A_874, %get3A_880 : vector<16xf32>
        %add3A_1007 = arith.addf %get3A_886, %get3A_892 : vector<16xf32>
        %add3A_1008 = arith.addf %get3A_898, %get3A_904 : vector<16xf32>
        %add3A_1009 = arith.addf %get3A_910, %get3A_916 : vector<16xf32>
        %add3A_1010 = arith.addf %get3A_922, %get3A_928 : vector<16xf32>
        %add3A_1011 = arith.addf %get3A_934, %get3A_940 : vector<16xf32>
        %add3A_1012 = arith.addf %get3A_946, %get3A_952 : vector<16xf32>
        %add3A_1013 = arith.addf %get3A_958, %get3A_964 : vector<16xf32>
        %add3A_1014 = arith.addf %get3A_970, %get3A_976 : vector<16xf32>
        %add3A_1015 = arith.addf %get3A_982, %get3A_988 : vector<16xf32>
        %add3A_1016 = arith.addf %get3A_994, %get3A_1000 : vector<16xf32>
        %add3A_1017 = arith.addf %add3A_1001, %add3A_1002 : vector<16xf32>
        %add3A_1018 = arith.addf %add3A_1003, %add3A_1004 : vector<16xf32>
        %add3A_1019 = arith.addf %add3A_1005, %add3A_1006 : vector<16xf32>
        %add3A_1020 = arith.addf %add3A_1007, %add3A_1008 : vector<16xf32>
        %add3A_1021 = arith.addf %add3A_1009, %add3A_1010 : vector<16xf32>
        %add3A_1022 = arith.addf %add3A_1011, %add3A_1012 : vector<16xf32>
        %add3A_1023 = arith.addf %add3A_1013, %add3A_1014 : vector<16xf32>
        %add3A_1024 = arith.addf %add3A_1015, %add3A_1016 : vector<16xf32>
        %add3A_1025 = arith.addf %add3A_1017, %add3A_1018 : vector<16xf32>
        %add3A_1026 = arith.addf %add3A_1019, %add3A_1020 : vector<16xf32>
        %add3A_1027 = arith.addf %add3A_1021, %add3A_1022 : vector<16xf32>
        %add3A_1028 = arith.addf %add3A_1023, %add3A_1024 : vector<16xf32>
        %add3A_1029 = arith.addf %add3A_1025, %add3A_1026 : vector<16xf32>
        %add3A_1030 = arith.addf %add3A_1027, %add3A_1028 : vector<16xf32>
        %add3A_1031 = arith.addf %add3A_1029, %add3A_1030 : vector<16xf32>
        %mul3A_1032 = arith.constant 3.125000e-02 : f32
        %mul3A_1033 = vector.broadcast %mul3A_1032 : f32 to vector<16xf32>
        %mul3A_1034 = arith.mulf %add3A_1031, %mul3A_1033 : vector<16xf32>
        %swap3A_1035 = arith.index_cast %add3A_115 : i32 to index
        %swap3A_1036 = arith.constant 48 : index
        %swap3A_1037 = tpu.vector_load %arg9[%swap3A_1035, %swap3A_1036] {strides = array<i32>} : memref<8x128xf32, #tpu.memory_space<vmem>>, vector<1x16xf32>,
        %swap3A_1038 = vector.shape_cast %swap3A_1037 : vector<1x16xf32> to vector<16xf32>
        %swap3A_1039 = vector.shape_cast %mul3A_1034 : vector<16xf32> to vector<1x16xf32>
        tpu.vector_store %arg9[%swap3A_1035, %swap3A_1036], %swap3A_1039 {strides = array<i32>} : memref<8x128xf32, #tpu.memory_space<vmem>>, vector<1x16xf32>,
        %add3A_1040 = arith.constant 0 : i32
        %add3A_1041 = arith.addi %mul3A_117, %add3A_1040 : i32
        %get3A_1042 = arith.index_cast %add3A_1041 : i32 to index
        %get3A_1043 = arith.constant 64 : index
        %get3A_1044 = tpu.vector_load %arg7[%get3A_1042, %get3A_1043] {strides = array<i32>} : memref<256x128xf32, #tpu.memory_space<vmem>>, vector<1x16xf32>,
        %get3A_1045 = vector.shape_cast %get3A_1044 : vector<1x16xf32> to vector<16xf32>
        %add3A_1046 = arith.constant 1 : i32
        %add3A_1047 = arith.addi %mul3A_117, %add3A_1046 : i32
        %get3A_1048 = arith.index_cast %add3A_1047 : i32 to index
        %get3A_1049 = arith.constant 64 : index
        %get3A_1050 = tpu.vector_load %arg7[%get3A_1048, %get3A_1049] {strides = array<i32>} : memref<256x128xf32, #tpu.memory_space<vmem>>, vector<1x16xf32>,
        %get3A_1051 = vector.shape_cast %get3A_1050 : vector<1x16xf32> to vector<16xf32>
        %add3A_1052 = arith.constant 2 : i32
        %add3A_1053 = arith.addi %mul3A_117, %add3A_1052 : i32
        %get3A_1054 = arith.index_cast %add3A_1053 : i32 to index
        %get3A_1055 = arith.constant 64 : index
        %get3A_1056 = tpu.vector_load %arg7[%get3A_1054, %get3A_1055] {strides = array<i32>} : memref<256x128xf32, #tpu.memory_space<vmem>>, vector<1x16xf32>,
        %get3A_1057 = vector.shape_cast %get3A_1056 : vector<1x16xf32> to vector<16xf32>
        %add3A_1058 = arith.constant 3 : i32
        %add3A_1059 = arith.addi %mul3A_117, %add3A_1058 : i32
        %get3A_1060 = arith.index_cast %add3A_1059 : i32 to index
        %get3A_1061 = arith.constant 64 : index
        %get3A_1062 = tpu.vector_load %arg7[%get3A_1060, %get3A_1061] {strides = array<i32>} : memref<256x128xf32, #tpu.memory_space<vmem>>, vector<1x16xf32>,
        %get3A_1063 = vector.shape_cast %get3A_1062 : vector<1x16xf32> to vector<16xf32>
        %add3A_1064 = arith.constant 4 : i32
        %add3A_1065 = arith.addi %mul3A_117, %add3A_1064 : i32
        %get3A_1066 = arith.index_cast %add3A_1065 : i32 to index
        %get3A_1067 = arith.constant 64 : index
        %get3A_1068 = tpu.vector_load %arg7[%get3A_1066, %get3A_1067] {strides = array<i32>} : memref<256x128xf32, #tpu.memory_space<vmem>>, vector<1x16xf32>,
        %get3A_1069 = vector.shape_cast %get3A_1068 : vector<1x16xf32> to vector<16xf32>
        %add3A_1070 = arith.constant 5 : i32
        %add3A_1071 = arith.addi %mul3A_117, %add3A_1070 : i32
        %get3A_1072 = arith.index_cast %add3A_1071 : i32 to index
        %get3A_1073 = arith.constant 64 : index
        %get3A_1074 = tpu.vector_load %arg7[%get3A_1072, %get3A_1073] {strides = array<i32>} : memref<256x128xf32, #tpu.memory_space<vmem>>, vector<1x16xf32>,
        %get3A_1075 = vector.shape_cast %get3A_1074 : vector<1x16xf32> to vector<16xf32>
        %add3A_1076 = arith.constant 6 : i32
        %add3A_1077 = arith.addi %mul3A_117, %add3A_1076 : i32
        %get3A_1078 = arith.index_cast %add3A_1077 : i32 to index
        %get3A_1079 = arith.constant 64 : index
        %get3A_1080 = tpu.vector_load %arg7[%get3A_1078, %get3A_1079] {strides = array<i32>} : memref<256x128xf32, #tpu.memory_space<vmem>>, vector<1x16xf32>,
        %get3A_1081 = vector.shape_cast %get3A_1080 : vector<1x16xf32> to vector<16xf32>
        %add3A_1082 = arith.constant 7 : i32
        %add3A_1083 = arith.addi %mul3A_117, %add3A_1082 : i32
        %get3A_1084 = arith.index_cast %add3A_1083 : i32 to index
        %get3A_1085 = arith.constant 64 : index
        %get3A_1086 = tpu.vector_load %arg7[%get3A_1084, %get3A_1085] {strides = array<i32>} : memref<256x128xf32, #tpu.memory_space<vmem>>, vector<1x16xf32>,
        %get3A_1087 = vector.shape_cast %get3A_1086 : vector<1x16xf32> to vector<16xf32>
        %add3A_1088 = arith.constant 8 : i32
        %add3A_1089 = arith.addi %mul3A_117, %add3A_1088 : i32
        %get3A_1090 = arith.index_cast %add3A_1089 : i32 to index
        %get3A_1091 = arith.constant 64 : index
        %get3A_1092 = tpu.vector_load %arg7[%get3A_1090, %get3A_1091] {strides = array<i32>} : memref<256x128xf32, #tpu.memory_space<vmem>>, vector<1x16xf32>,
        %get3A_1093 = vector.shape_cast %get3A_1092 : vector<1x16xf32> to vector<16xf32>
        %add3A_1094 = arith.constant 9 : i32
        %add3A_1095 = arith.addi %mul3A_117, %add3A_1094 : i32
        %get3A_1096 = arith.index_cast %add3A_1095 : i32 to index
        %get3A_1097 = arith.constant 64 : index
        %get3A_1098 = tpu.vector_load %arg7[%get3A_1096, %get3A_1097] {strides = array<i32>} : memref<256x128xf32, #tpu.memory_space<vmem>>, vector<1x16xf32>,
        %get3A_1099 = vector.shape_cast %get3A_1098 : vector<1x16xf32> to vector<16xf32>
        %add3A_1100 = arith.constant 10 : i32
        %add3A_1101 = arith.addi %mul3A_117, %add3A_1100 : i32
        %get3A_1102 = arith.index_cast %add3A_1101 : i32 to index
        %get3A_1103 = arith.constant 64 : index
        %get3A_1104 = tpu.vector_load %arg7[%get3A_1102, %get3A_1103] {strides = array<i32>} : memref<256x128xf32, #tpu.memory_space<vmem>>, vector<1x16xf32>,
        %get3A_1105 = vector.shape_cast %get3A_1104 : vector<1x16xf32> to vector<16xf32>
        %add3A_1106 = arith.constant 11 : i32
        %add3A_1107 = arith.addi %mul3A_117, %add3A_1106 : i32
        %get3A_1108 = arith.index_cast %add3A_1107 : i32 to index
        %get3A_1109 = arith.constant 64 : index
        %get3A_1110 = tpu.vector_load %arg7[%get3A_1108, %get3A_1109] {strides = array<i32>} : memref<256x128xf32, #tpu.memory_space<vmem>>, vector<1x16xf32>,
        %get3A_1111 = vector.shape_cast %get3A_1110 : vector<1x16xf32> to vector<16xf32>
        %add3A_1112 = arith.constant 12 : i32
        %add3A_1113 = arith.addi %mul3A_117, %add3A_1112 : i32
        %get3A_1114 = arith.index_cast %add3A_1113 : i32 to index
        %get3A_1115 = arith.constant 64 : index
        %get3A_1116 = tpu.vector_load %arg7[%get3A_1114, %get3A_1115] {strides = array<i32>} : memref<256x128xf32, #tpu.memory_space<vmem>>, vector<1x16xf32>,
        %get3A_1117 = vector.shape_cast %get3A_1116 : vector<1x16xf32> to vector<16xf32>
        %add3A_1118 = arith.constant 13 : i32
        %add3A_1119 = arith.addi %mul3A_117, %add3A_1118 : i32
        %get3A_1120 = arith.index_cast %add3A_1119 : i32 to index
        %get3A_1121 = arith.constant 64 : index
        %get3A_1122 = tpu.vector_load %arg7[%get3A_1120, %get3A_1121] {strides = array<i32>} : memref<256x128xf32, #tpu.memory_space<vmem>>, vector<1x16xf32>,
        %get3A_1123 = vector.shape_cast %get3A_1122 : vector<1x16xf32> to vector<16xf32>
        %add3A_1124 = arith.constant 14 : i32
        %add3A_1125 = arith.addi %mul3A_117, %add3A_1124 : i32
        %get3A_1126 = arith.index_cast %add3A_1125 : i32 to index
        %get3A_1127 = arith.constant 64 : index
        %get3A_1128 = tpu.vector_load %arg7[%get3A_1126, %get3A_1127] {strides = array<i32>} : memref<256x128xf32, #tpu.memory_space<vmem>>, vector<1x16xf32>,
        %get3A_1129 = vector.shape_cast %get3A_1128 : vector<1x16xf32> to vector<16xf32>
        %add3A_1130 = arith.constant 15 : i32
        %add3A_1131 = arith.addi %mul3A_117, %add3A_1130 : i32
        %get3A_1132 = arith.index_cast %add3A_1131 : i32 to index
        %get3A_1133 = arith.constant 64 : index
        %get3A_1134 = tpu.vector_load %arg7[%get3A_1132, %get3A_1133] {strides = array<i32>} : memref<256x128xf32, #tpu.memory_space<vmem>>, vector<1x16xf32>,
        %get3A_1135 = vector.shape_cast %get3A_1134 : vector<1x16xf32> to vector<16xf32>
        %add3A_1136 = arith.constant 16 : i32
        %add3A_1137 = arith.addi %mul3A_117, %add3A_1136 : i32
        %get3A_1138 = arith.index_cast %add3A_1137 : i32 to index
        %get3A_1139 = arith.constant 64 : index
        %get3A_1140 = tpu.vector_load %arg7[%get3A_1138, %get3A_1139] {strides = array<i32>} : memref<256x128xf32, #tpu.memory_space<vmem>>, vector<1x16xf32>,
        %get3A_1141 = vector.shape_cast %get3A_1140 : vector<1x16xf32> to vector<16xf32>
        %add3A_1142 = arith.constant 17 : i32
        %add3A_1143 = arith.addi %mul3A_117, %add3A_1142 : i32
        %get3A_1144 = arith.index_cast %add3A_1143 : i32 to index
        %get3A_1145 = arith.constant 64 : index
        %get3A_1146 = tpu.vector_load %arg7[%get3A_1144, %get3A_1145] {strides = array<i32>} : memref<256x128xf32, #tpu.memory_space<vmem>>, vector<1x16xf32>,
        %get3A_1147 = vector.shape_cast %get3A_1146 : vector<1x16xf32> to vector<16xf32>
        %add3A_1148 = arith.constant 18 : i32
        %add3A_1149 = arith.addi %mul3A_117, %add3A_1148 : i32
        %get3A_1150 = arith.index_cast %add3A_1149 : i32 to index
        %get3A_1151 = arith.constant 64 : index
        %get3A_1152 = tpu.vector_load %arg7[%get3A_1150, %get3A_1151] {strides = array<i32>} : memref<256x128xf32, #tpu.memory_space<vmem>>, vector<1x16xf32>,
        %get3A_1153 = vector.shape_cast %get3A_1152 : vector<1x16xf32> to vector<16xf32>
        %add3A_1154 = arith.constant 19 : i32
        %add3A_1155 = arith.addi %mul3A_117, %add3A_1154 : i32
        %get3A_1156 = arith.index_cast %add3A_1155 : i32 to index
        %get3A_1157 = arith.constant 64 : index
        %get3A_1158 = tpu.vector_load %arg7[%get3A_1156, %get3A_1157] {strides = array<i32>} : memref<256x128xf32, #tpu.memory_space<vmem>>, vector<1x16xf32>,
        %get3A_1159 = vector.shape_cast %get3A_1158 : vector<1x16xf32> to vector<16xf32>
        %add3A_1160 = arith.constant 20 : i32
        %add3A_1161 = arith.addi %mul3A_117, %add3A_1160 : i32
        %get3A_1162 = arith.index_cast %add3A_1161 : i32 to index
        %get3A_1163 = arith.constant 64 : index
        %get3A_1164 = tpu.vector_load %arg7[%get3A_1162, %get3A_1163] {strides = array<i32>} : memref<256x128xf32, #tpu.memory_space<vmem>>, vector<1x16xf32>,
        %get3A_1165 = vector.shape_cast %get3A_1164 : vector<1x16xf32> to vector<16xf32>
        %add3A_1166 = arith.constant 21 : i32
        %add3A_1167 = arith.addi %mul3A_117, %add3A_1166 : i32
        %get3A_1168 = arith.index_cast %add3A_1167 : i32 to index
        %get3A_1169 = arith.constant 64 : index
        %get3A_1170 = tpu.vector_load %arg7[%get3A_1168, %get3A_1169] {strides = array<i32>} : memref<256x128xf32, #tpu.memory_space<vmem>>, vector<1x16xf32>,
        %get3A_1171 = vector.shape_cast %get3A_1170 : vector<1x16xf32> to vector<16xf32>
        %add3A_1172 = arith.constant 22 : i32
        %add3A_1173 = arith.addi %mul3A_117, %add3A_1172 : i32
        %get3A_1174 = arith.index_cast %add3A_1173 : i32 to index
        %get3A_1175 = arith.constant 64 : index
        %get3A_1176 = tpu.vector_load %arg7[%get3A_1174, %get3A_1175] {strides = array<i32>} : memref<256x128xf32, #tpu.memory_space<vmem>>, vector<1x16xf32>,
        %get3A_1177 = vector.shape_cast %get3A_1176 : vector<1x16xf32> to vector<16xf32>
        %add3A_1178 = arith.constant 23 : i32
        %add3A_1179 = arith.addi %mul3A_117, %add3A_1178 : i32
        %get3A_1180 = arith.index_cast %add3A_1179 : i32 to index
        %get3A_1181 = arith.constant 64 : index
        %get3A_1182 = tpu.vector_load %arg7[%get3A_1180, %get3A_1181] {strides = array<i32>} : memref<256x128xf32, #tpu.memory_space<vmem>>, vector<1x16xf32>,
        %get3A_1183 = vector.shape_cast %get3A_1182 : vector<1x16xf32> to vector<16xf32>
        %add3A_1184 = arith.constant 24 : i32
        %add3A_1185 = arith.addi %mul3A_117, %add3A_1184 : i32
        %get3A_1186 = arith.index_cast %add3A_1185 : i32 to index
        %get3A_1187 = arith.constant 64 : index
        %get3A_1188 = tpu.vector_load %arg7[%get3A_1186, %get3A_1187] {strides = array<i32>} : memref<256x128xf32, #tpu.memory_space<vmem>>, vector<1x16xf32>,
        %get3A_1189 = vector.shape_cast %get3A_1188 : vector<1x16xf32> to vector<16xf32>
        %add3A_1190 = arith.constant 25 : i32
        %add3A_1191 = arith.addi %mul3A_117, %add3A_1190 : i32
        %get3A_1192 = arith.index_cast %add3A_1191 : i32 to index
        %get3A_1193 = arith.constant 64 : index
        %get3A_1194 = tpu.vector_load %arg7[%get3A_1192, %get3A_1193] {strides = array<i32>} : memref<256x128xf32, #tpu.memory_space<vmem>>, vector<1x16xf32>,
        %get3A_1195 = vector.shape_cast %get3A_1194 : vector<1x16xf32> to vector<16xf32>
        %add3A_1196 = arith.constant 26 : i32
        %add3A_1197 = arith.addi %mul3A_117, %add3A_1196 : i32
        %get3A_1198 = arith.index_cast %add3A_1197 : i32 to index
        %get3A_1199 = arith.constant 64 : index
        %get3A_1200 = tpu.vector_load %arg7[%get3A_1198, %get3A_1199] {strides = array<i32>} : memref<256x128xf32, #tpu.memory_space<vmem>>, vector<1x16xf32>,
        %get3A_1201 = vector.shape_cast %get3A_1200 : vector<1x16xf32> to vector<16xf32>
        %add3A_1202 = arith.constant 27 : i32
        %add3A_1203 = arith.addi %mul3A_117, %add3A_1202 : i32
        %get3A_1204 = arith.index_cast %add3A_1203 : i32 to index
        %get3A_1205 = arith.constant 64 : index
        %get3A_1206 = tpu.vector_load %arg7[%get3A_1204, %get3A_1205] {strides = array<i32>} : memref<256x128xf32, #tpu.memory_space<vmem>>, vector<1x16xf32>,
        %get3A_1207 = vector.shape_cast %get3A_1206 : vector<1x16xf32> to vector<16xf32>
        %add3A_1208 = arith.constant 28 : i32
        %add3A_1209 = arith.addi %mul3A_117, %add3A_1208 : i32
        %get3A_1210 = arith.index_cast %add3A_1209 : i32 to index
        %get3A_1211 = arith.constant 64 : index
        %get3A_1212 = tpu.vector_load %arg7[%get3A_1210, %get3A_1211] {strides = array<i32>} : memref<256x128xf32, #tpu.memory_space<vmem>>, vector<1x16xf32>,
        %get3A_1213 = vector.shape_cast %get3A_1212 : vector<1x16xf32> to vector<16xf32>
        %add3A_1214 = arith.constant 29 : i32
        %add3A_1215 = arith.addi %mul3A_117, %add3A_1214 : i32
        %get3A_1216 = arith.index_cast %add3A_1215 : i32 to index
        %get3A_1217 = arith.constant 64 : index
        %get3A_1218 = tpu.vector_load %arg7[%get3A_1216, %get3A_1217] {strides = array<i32>} : memref<256x128xf32, #tpu.memory_space<vmem>>, vector<1x16xf32>,
        %get3A_1219 = vector.shape_cast %get3A_1218 : vector<1x16xf32> to vector<16xf32>
        %add3A_1220 = arith.constant 30 : i32
        %add3A_1221 = arith.addi %mul3A_117, %add3A_1220 : i32
        %get3A_1222 = arith.index_cast %add3A_1221 : i32 to index
        %get3A_1223 = arith.constant 64 : index
        %get3A_1224 = tpu.vector_load %arg7[%get3A_1222, %get3A_1223] {strides = array<i32>} : memref<256x128xf32, #tpu.memory_space<vmem>>, vector<1x16xf32>,
        %get3A_1225 = vector.shape_cast %get3A_1224 : vector<1x16xf32> to vector<16xf32>
        %add3A_1226 = arith.constant 31 : i32
        %add3A_1227 = arith.addi %mul3A_117, %add3A_1226 : i32
        %get3A_1228 = arith.index_cast %add3A_1227 : i32 to index
        %get3A_1229 = arith.constant 64 : index
        %get3A_1230 = tpu.vector_load %arg7[%get3A_1228, %get3A_1229] {strides = array<i32>} : memref<256x128xf32, #tpu.memory_space<vmem>>, vector<1x16xf32>,
        %get3A_1231 = vector.shape_cast %get3A_1230 : vector<1x16xf32> to vector<16xf32>
        %add3A_1232 = arith.addf %get3A_1045, %get3A_1051 : vector<16xf32>
        %add3A_1233 = arith.addf %get3A_1057, %get3A_1063 : vector<16xf32>
        %add3A_1234 = arith.addf %get3A_1069, %get3A_1075 : vector<16xf32>
        %add3A_1235 = arith.addf %get3A_1081, %get3A_1087 : vector<16xf32>
        %add3A_1236 = arith.addf %get3A_1093, %get3A_1099 : vector<16xf32>
        %add3A_1237 = arith.addf %get3A_1105, %get3A_1111 : vector<16xf32>
        %add3A_1238 = arith.addf %get3A_1117, %get3A_1123 : vector<16xf32>
        %add3A_1239 = arith.addf %get3A_1129, %get3A_1135 : vector<16xf32>
        %add3A_1240 = arith.addf %get3A_1141, %get3A_1147 : vector<16xf32>
        %add3A_1241 = arith.addf %get3A_1153, %get3A_1159 : vector<16xf32>
        %add3A_1242 = arith.addf %get3A_1165, %get3A_1171 : vector<16xf32>
        %add3A_1243 = arith.addf %get3A_1177, %get3A_1183 : vector<16xf32>
        %add3A_1244 = arith.addf %get3A_1189, %get3A_1195 : vector<16xf32>
        %add3A_1245 = arith.addf %get3A_1201, %get3A_1207 : vector<16xf32>
        %add3A_1246 = arith.addf %get3A_1213, %get3A_1219 : vector<16xf32>
        %add3A_1247 = arith.addf %get3A_1225, %get3A_1231 : vector<16xf32>
        %add3A_1248 = arith.addf %add3A_1232, %add3A_1233 : vector<16xf32>
        %add3A_1249 = arith.addf %add3A_1234, %add3A_1235 : vector<16xf32>
        %add3A_1250 = arith.addf %add3A_1236, %add3A_1237 : vector<16xf32>
        %add3A_1251 = arith.addf %add3A_1238, %add3A_1239 : vector<16xf32>
        %add3A_1252 = arith.addf %add3A_1240, %add3A_1241 : vector<16xf32>
        %add3A_1253 = arith.addf %add3A_1242, %add3A_1243 : vector<16xf32>
        %add3A_1254 = arith.addf %add3A_1244, %add3A_1245 : vector<16xf32>
        %add3A_1255 = arith.addf %add3A_1246, %add3A_1247 : vector<16xf32>
        %add3A_1256 = arith.addf %add3A_1248, %add3A_1249 : vector<16xf32>
        %add3A_1257 = arith.addf %add3A_1250, %add3A_1251 : vector<16xf32>
        %add3A_1258 = arith.addf %add3A_1252, %add3A_1253 : vector<16xf32>
        %add3A_1259 = arith.addf %add3A_1254, %add3A_1255 : vector<16xf32>
        %add3A_1260 = arith.addf %add3A_1256, %add3A_1257 : vector<16xf32>
        %add3A_1261 = arith.addf %add3A_1258, %add3A_1259 : vector<16xf32>
        %add3A_1262 = arith.addf %add3A_1260, %add3A_1261 : vector<16xf32>
        %mul3A_1263 = arith.constant 3.125000e-02 : f32
        %mul3A_1264 = vector.broadcast %mul3A_1263 : f32 to vector<16xf32>
        %mul3A_1265 = arith.mulf %add3A_1262, %mul3A_1264 : vector<16xf32>
        %swap3A_1266 = arith.index_cast %add3A_115 : i32 to index
        %swap3A_1267 = arith.constant 64 : index
        %swap3A_1268 = tpu.vector_load %arg9[%swap3A_1266, %swap3A_1267] {strides = array<i32>} : memref<8x128xf32, #tpu.memory_space<vmem>>, vector<1x16xf32>,
        %swap3A_1269 = vector.shape_cast %swap3A_1268 : vector<1x16xf32> to vector<16xf32>
        %swap3A_1270 = vector.shape_cast %mul3A_1265 : vector<16xf32> to vector<1x16xf32>
        tpu.vector_store %arg9[%swap3A_1266, %swap3A_1267], %swap3A_1270 {strides = array<i32>} : memref<8x128xf32, #tpu.memory_space<vmem>>, vector<1x16xf32>,
        %add3A_1271 = arith.constant 0 : i32
        %add3A_1272 = arith.addi %mul3A_117, %add3A_1271 : i32
        %get3A_1273 = arith.index_cast %add3A_1272 : i32 to index
        %get3A_1274 = arith.constant 80 : index
        %get3A_1275 = tpu.vector_load %arg7[%get3A_1273, %get3A_1274] {strides = array<i32>} : memref<256x128xf32, #tpu.memory_space<vmem>>, vector<1x16xf32>,
        %get3A_1276 = vector.shape_cast %get3A_1275 : vector<1x16xf32> to vector<16xf32>
        %add3A_1277 = arith.constant 1 : i32
        %add3A_1278 = arith.addi %mul3A_117, %add3A_1277 : i32
        %get3A_1279 = arith.index_cast %add3A_1278 : i32 to index
        %get3A_1280 = arith.constant 80 : index
        %get3A_1281 = tpu.vector_load %arg7[%get3A_1279, %get3A_1280] {strides = array<i32>} : memref<256x128xf32, #tpu.memory_space<vmem>>, vector<1x16xf32>,
        %get3A_1282 = vector.shape_cast %get3A_1281 : vector<1x16xf32> to vector<16xf32>
        %add3A_1283 = arith.constant 2 : i32
        %add3A_1284 = arith.addi %mul3A_117, %add3A_1283 : i32
        %get3A_1285 = arith.index_cast %add3A_1284 : i32 to index
        %get3A_1286 = arith.constant 80 : index
        %get3A_1287 = tpu.vector_load %arg7[%get3A_1285, %get3A_1286] {strides = array<i32>} : memref<256x128xf32, #tpu.memory_space<vmem>>, vector<1x16xf32>,
        %get3A_1288 = vector.shape_cast %get3A_1287 : vector<1x16xf32> to vector<16xf32>
        %add3A_1289 = arith.constant 3 : i32
        %add3A_1290 = arith.addi %mul3A_117, %add3A_1289 : i32
        %get3A_1291 = arith.index_cast %add3A_1290 : i32 to index
        %get3A_1292 = arith.constant 80 : index
        %get3A_1293 = tpu.vector_load %arg7[%get3A_1291, %get3A_1292] {strides = array<i32>} : memref<256x128xf32, #tpu.memory_space<vmem>>, vector<1x16xf32>,
        %get3A_1294 = vector.shape_cast %get3A_1293 : vector<1x16xf32> to vector<16xf32>
        %add3A_1295 = arith.constant 4 : i32
        %add3A_1296 = arith.addi %mul3A_117, %add3A_1295 : i32
        %get3A_1297 = arith.index_cast %add3A_1296 : i32 to index
        %get3A_1298 = arith.constant 80 : index
        %get3A_1299 = tpu.vector_load %arg7[%get3A_1297, %get3A_1298] {strides = array<i32>} : memref<256x128xf32, #tpu.memory_space<vmem>>, vector<1x16xf32>,
        %get3A_1300 = vector.shape_cast %get3A_1299 : vector<1x16xf32> to vector<16xf32>
        %add3A_1301 = arith.constant 5 : i32
        %add3A_1302 = arith.addi %mul3A_117, %add3A_1301 : i32
        %get3A_1303 = arith.index_cast %add3A_1302 : i32 to index
        %get3A_1304 = arith.constant 80 : index
        %get3A_1305 = tpu.vector_load %arg7[%get3A_1303, %get3A_1304] {strides = array<i32>} : memref<256x128xf32, #tpu.memory_space<vmem>>, vector<1x16xf32>,
        %get3A_1306 = vector.shape_cast %get3A_1305 : vector<1x16xf32> to vector<16xf32>
        %add3A_1307 = arith.constant 6 : i32
        %add3A_1308 = arith.addi %mul3A_117, %add3A_1307 : i32
        %get3A_1309 = arith.index_cast %add3A_1308 : i32 to index
        %get3A_1310 = arith.constant 80 : index
        %get3A_1311 = tpu.vector_load %arg7[%get3A_1309, %get3A_1310] {strides = array<i32>} : memref<256x128xf32, #tpu.memory_space<vmem>>, vector<1x16xf32>,
        %get3A_1312 = vector.shape_cast %get3A_1311 : vector<1x16xf32> to vector<16xf32>
        %add3A_1313 = arith.constant 7 : i32
        %add3A_1314 = arith.addi %mul3A_117, %add3A_1313 : i32
        %get3A_1315 = arith.index_cast %add3A_1314 : i32 to index
        %get3A_1316 = arith.constant 80 : index
        %get3A_1317 = tpu.vector_load %arg7[%get3A_1315, %get3A_1316] {strides = array<i32>} : memref<256x128xf32, #tpu.memory_space<vmem>>, vector<1x16xf32>,
        %get3A_1318 = vector.shape_cast %get3A_1317 : vector<1x16xf32> to vector<16xf32>
        %add3A_1319 = arith.constant 8 : i32
        %add3A_1320 = arith.addi %mul3A_117, %add3A_1319 : i32
        %get3A_1321 = arith.index_cast %add3A_1320 : i32 to index
        %get3A_1322 = arith.constant 80 : index
        %get3A_1323 = tpu.vector_load %arg7[%get3A_1321, %get3A_1322] {strides = array<i32>} : memref<256x128xf32, #tpu.memory_space<vmem>>, vector<1x16xf32>,
        %get3A_1324 = vector.shape_cast %get3A_1323 : vector<1x16xf32> to vector<16xf32>
        %add3A_1325 = arith.constant 9 : i32
        %add3A_1326 = arith.addi %mul3A_117, %add3A_1325 : i32
        %get3A_1327 = arith.index_cast %add3A_1326 : i32 to index
        %get3A_1328 = arith.constant 80 : index
        %get3A_1329 = tpu.vector_load %arg7[%get3A_1327, %get3A_1328] {strides = array<i32>} : memref<256x128xf32, #tpu.memory_space<vmem>>, vector<1x16xf32>,
        %get3A_1330 = vector.shape_cast %get3A_1329 : vector<1x16xf32> to vector<16xf32>
        %add3A_1331 = arith.constant 10 : i32
        %add3A_1332 = arith.addi %mul3A_117, %add3A_1331 : i32
        %get3A_1333 = arith.index_cast %add3A_1332 : i32 to index
        %get3A_1334 = arith.constant 80 : index
        %get3A_1335 = tpu.vector_load %arg7[%get3A_1333, %get3A_1334] {strides = array<i32>} : memref<256x128xf32, #tpu.memory_space<vmem>>, vector<1x16xf32>,
        %get3A_1336 = vector.shape_cast %get3A_1335 : vector<1x16xf32> to vector<16xf32>
        %add3A_1337 = arith.constant 11 : i32
        %add3A_1338 = arith.addi %mul3A_117, %add3A_1337 : i32
        %get3A_1339 = arith.index_cast %add3A_1338 : i32 to index
        %get3A_1340 = arith.constant 80 : index
        %get3A_1341 = tpu.vector_load %arg7[%get3A_1339, %get3A_1340] {strides = array<i32>} : memref<256x128xf32, #tpu.memory_space<vmem>>, vector<1x16xf32>,
        %get3A_1342 = vector.shape_cast %get3A_1341 : vector<1x16xf32> to vector<16xf32>
        %add3A_1343 = arith.constant 12 : i32
        %add3A_1344 = arith.addi %mul3A_117, %add3A_1343 : i32
        %get3A_1345 = arith.index_cast %add3A_1344 : i32 to index
        %get3A_1346 = arith.constant 80 : index
        %get3A_1347 = tpu.vector_load %arg7[%get3A_1345, %get3A_1346] {strides = array<i32>} : memref<256x128xf32, #tpu.memory_space<vmem>>, vector<1x16xf32>,
        %get3A_1348 = vector.shape_cast %get3A_1347 : vector<1x16xf32> to vector<16xf32>
        %add3A_1349 = arith.constant 13 : i32
        %add3A_1350 = arith.addi %mul3A_117, %add3A_1349 : i32
        %get3A_1351 = arith.index_cast %add3A_1350 : i32 to index
        %get3A_1352 = arith.constant 80 : index
        %get3A_1353 = tpu.vector_load %arg7[%get3A_1351, %get3A_1352] {strides = array<i32>} : memref<256x128xf32, #tpu.memory_space<vmem>>, vector<1x16xf32>,
        %get3A_1354 = vector.shape_cast %get3A_1353 : vector<1x16xf32> to vector<16xf32>
        %add3A_1355 = arith.constant 14 : i32
        %add3A_1356 = arith.addi %mul3A_117, %add3A_1355 : i32
        %get3A_1357 = arith.index_cast %add3A_1356 : i32 to index
        %get3A_1358 = arith.constant 80 : index
        %get3A_1359 = tpu.vector_load %arg7[%get3A_1357, %get3A_1358] {strides = array<i32>} : memref<256x128xf32, #tpu.memory_space<vmem>>, vector<1x16xf32>,
        %get3A_1360 = vector.shape_cast %get3A_1359 : vector<1x16xf32> to vector<16xf32>
        %add3A_1361 = arith.constant 15 : i32
        %add3A_1362 = arith.addi %mul3A_117, %add3A_1361 : i32
        %get3A_1363 = arith.index_cast %add3A_1362 : i32 to index
        %get3A_1364 = arith.constant 80 : index
        %get3A_1365 = tpu.vector_load %arg7[%get3A_1363, %get3A_1364] {strides = array<i32>} : memref<256x128xf32, #tpu.memory_space<vmem>>, vector<1x16xf32>,
        %get3A_1366 = vector.shape_cast %get3A_1365 : vector<1x16xf32> to vector<16xf32>
        %add3A_1367 = arith.constant 16 : i32
        %add3A_1368 = arith.addi %mul3A_117, %add3A_1367 : i32
        %get3A_1369 = arith.index_cast %add3A_1368 : i32 to index
        %get3A_1370 = arith.constant 80 : index
        %get3A_1371 = tpu.vector_load %arg7[%get3A_1369, %get3A_1370] {strides = array<i32>} : memref<256x128xf32, #tpu.memory_space<vmem>>, vector<1x16xf32>,
        %get3A_1372 = vector.shape_cast %get3A_1371 : vector<1x16xf32> to vector<16xf32>
        %add3A_1373 = arith.constant 17 : i32
        %add3A_1374 = arith.addi %mul3A_117, %add3A_1373 : i32
        %get3A_1375 = arith.index_cast %add3A_1374 : i32 to index
        %get3A_1376 = arith.constant 80 : index
        %get3A_1377 = tpu.vector_load %arg7[%get3A_1375, %get3A_1376] {strides = array<i32>} : memref<256x128xf32, #tpu.memory_space<vmem>>, vector<1x16xf32>,
        %get3A_1378 = vector.shape_cast %get3A_1377 : vector<1x16xf32> to vector<16xf32>
        %add3A_1379 = arith.constant 18 : i32
        %add3A_1380 = arith.addi %mul3A_117, %add3A_1379 : i32
        %get3A_1381 = arith.index_cast %add3A_1380 : i32 to index
        %get3A_1382 = arith.constant 80 : index
        %get3A_1383 = tpu.vector_load %arg7[%get3A_1381, %get3A_1382] {strides = array<i32>} : memref<256x128xf32, #tpu.memory_space<vmem>>, vector<1x16xf32>,
        %get3A_1384 = vector.shape_cast %get3A_1383 : vector<1x16xf32> to vector<16xf32>
        %add3A_1385 = arith.constant 19 : i32
        %add3A_1386 = arith.addi %mul3A_117, %add3A_1385 : i32
        %get3A_1387 = arith.index_cast %add3A_1386 : i32 to index
        %get3A_1388 = arith.constant 80 : index
        %get3A_1389 = tpu.vector_load %arg7[%get3A_1387, %get3A_1388] {strides = array<i32>} : memref<256x128xf32, #tpu.memory_space<vmem>>, vector<1x16xf32>,
        %get3A_1390 = vector.shape_cast %get3A_1389 : vector<1x16xf32> to vector<16xf32>
        %add3A_1391 = arith.constant 20 : i32
        %add3A_1392 = arith.addi %mul3A_117, %add3A_1391 : i32
        %get3A_1393 = arith.index_cast %add3A_1392 : i32 to index
        %get3A_1394 = arith.constant 80 : index
        %get3A_1395 = tpu.vector_load %arg7[%get3A_1393, %get3A_1394] {strides = array<i32>} : memref<256x128xf32, #tpu.memory_space<vmem>>, vector<1x16xf32>,
        %get3A_1396 = vector.shape_cast %get3A_1395 : vector<1x16xf32> to vector<16xf32>
        %add3A_1397 = arith.constant 21 : i32
        %add3A_1398 = arith.addi %mul3A_117, %add3A_1397 : i32
        %get3A_1399 = arith.index_cast %add3A_1398 : i32 to index
        %get3A_1400 = arith.constant 80 : index
        %get3A_1401 = tpu.vector_load %arg7[%get3A_1399, %get3A_1400] {strides = array<i32>} : memref<256x128xf32, #tpu.memory_space<vmem>>, vector<1x16xf32>,
        %get3A_1402 = vector.shape_cast %get3A_1401 : vector<1x16xf32> to vector<16xf32>
        %add3A_1403 = arith.constant 22 : i32
        %add3A_1404 = arith.addi %mul3A_117, %add3A_1403 : i32
        %get3A_1405 = arith.index_cast %add3A_1404 : i32 to index
        %get3A_1406 = arith.constant 80 : index
        %get3A_1407 = tpu.vector_load %arg7[%get3A_1405, %get3A_1406] {strides = array<i32>} : memref<256x128xf32, #tpu.memory_space<vmem>>, vector<1x16xf32>,
        %get3A_1408 = vector.shape_cast %get3A_1407 : vector<1x16xf32> to vector<16xf32>
        %add3A_1409 = arith.constant 23 : i32
        %add3A_1410 = arith.addi %mul3A_117, %add3A_1409 : i32
        %get3A_1411 = arith.index_cast %add3A_1410 : i32 to index
        %get3A_1412 = arith.constant 80 : index
        %get3A_1413 = tpu.vector_load %arg7[%get3A_1411, %get3A_1412] {strides = array<i32>} : memref<256x128xf32, #tpu.memory_space<vmem>>, vector<1x16xf32>,
        %get3A_1414 = vector.shape_cast %get3A_1413 : vector<1x16xf32> to vector<16xf32>
        %add3A_1415 = arith.constant 24 : i32
        %add3A_1416 = arith.addi %mul3A_117, %add3A_1415 : i32
        %get3A_1417 = arith.index_cast %add3A_1416 : i32 to index
        %get3A_1418 = arith.constant 80 : index
        %get3A_1419 = tpu.vector_load %arg7[%get3A_1417, %get3A_1418] {strides = array<i32>} : memref<256x128xf32, #tpu.memory_space<vmem>>, vector<1x16xf32>,
        %get3A_1420 = vector.shape_cast %get3A_1419 : vector<1x16xf32> to vector<16xf32>
        %add3A_1421 = arith.constant 25 : i32
        %add3A_1422 = arith.addi %mul3A_117, %add3A_1421 : i32
        %get3A_1423 = arith.index_cast %add3A_1422 : i32 to index
        %get3A_1424 = arith.constant 80 : index
        %get3A_1425 = tpu.vector_load %arg7[%get3A_1423, %get3A_1424] {strides = array<i32>} : memref<256x128xf32, #tpu.memory_space<vmem>>, vector<1x16xf32>,
        %get3A_1426 = vector.shape_cast %get3A_1425 : vector<1x16xf32> to vector<16xf32>
        %add3A_1427 = arith.constant 26 : i32
        %add3A_1428 = arith.addi %mul3A_117, %add3A_1427 : i32
        %get3A_1429 = arith.index_cast %add3A_1428 : i32 to index
        %get3A_1430 = arith.constant 80 : index
        %get3A_1431 = tpu.vector_load %arg7[%get3A_1429, %get3A_1430] {strides = array<i32>} : memref<256x128xf32, #tpu.memory_space<vmem>>, vector<1x16xf32>,
        %get3A_1432 = vector.shape_cast %get3A_1431 : vector<1x16xf32> to vector<16xf32>
        %add3A_1433 = arith.constant 27 : i32
        %add3A_1434 = arith.addi %mul3A_117, %add3A_1433 : i32
        %get3A_1435 = arith.index_cast %add3A_1434 : i32 to index
        %get3A_1436 = arith.constant 80 : index
        %get3A_1437 = tpu.vector_load %arg7[%get3A_1435, %get3A_1436] {strides = array<i32>} : memref<256x128xf32, #tpu.memory_space<vmem>>, vector<1x16xf32>,
        %get3A_1438 = vector.shape_cast %get3A_1437 : vector<1x16xf32> to vector<16xf32>
        %add3A_1439 = arith.constant 28 : i32
        %add3A_1440 = arith.addi %mul3A_117, %add3A_1439 : i32
        %get3A_1441 = arith.index_cast %add3A_1440 : i32 to index
        %get3A_1442 = arith.constant 80 : index
        %get3A_1443 = tpu.vector_load %arg7[%get3A_1441, %get3A_1442] {strides = array<i32>} : memref<256x128xf32, #tpu.memory_space<vmem>>, vector<1x16xf32>,
        %get3A_1444 = vector.shape_cast %get3A_1443 : vector<1x16xf32> to vector<16xf32>
        %add3A_1445 = arith.constant 29 : i32
        %add3A_1446 = arith.addi %mul3A_117, %add3A_1445 : i32
        %get3A_1447 = arith.index_cast %add3A_1446 : i32 to index
        %get3A_1448 = arith.constant 80 : index
        %get3A_1449 = tpu.vector_load %arg7[%get3A_1447, %get3A_1448] {strides = array<i32>} : memref<256x128xf32, #tpu.memory_space<vmem>>, vector<1x16xf32>,
        %get3A_1450 = vector.shape_cast %get3A_1449 : vector<1x16xf32> to vector<16xf32>
        %add3A_1451 = arith.constant 30 : i32
        %add3A_1452 = arith.addi %mul3A_117, %add3A_1451 : i32
        %get3A_1453 = arith.index_cast %add3A_1452 : i32 to index
        %get3A_1454 = arith.constant 80 : index
        %get3A_1455 = tpu.vector_load %arg7[%get3A_1453, %get3A_1454] {strides = array<i32>} : memref<256x128xf32, #tpu.memory_space<vmem>>, vector<1x16xf32>,
        %get3A_1456 = vector.shape_cast %get3A_1455 : vector<1x16xf32> to vector<16xf32>
        %add3A_1457 = arith.constant 31 : i32
        %add3A_1458 = arith.addi %mul3A_117, %add3A_1457 : i32
        %get3A_1459 = arith.index_cast %add3A_1458 : i32 to index
        %get3A_1460 = arith.constant 80 : index
        %get3A_1461 = tpu.vector_load %arg7[%get3A_1459, %get3A_1460] {strides = array<i32>} : memref<256x128xf32, #tpu.memory_space<vmem>>, vector<1x16xf32>,
        %get3A_1462 = vector.shape_cast %get3A_1461 : vector<1x16xf32> to vector<16xf32>
        %add3A_1463 = arith.addf %get3A_1276, %get3A_1282 : vector<16xf32>
        %add3A_1464 = arith.addf %get3A_1288, %get3A_1294 : vector<16xf32>
        %add3A_1465 = arith.addf %get3A_1300, %get3A_1306 : vector<16xf32>
        %add3A_1466 = arith.addf %get3A_1312, %get3A_1318 : vector<16xf32>
        %add3A_1467 = arith.addf %get3A_1324, %get3A_1330 : vector<16xf32>
        %add3A_1468 = arith.addf %get3A_1336, %get3A_1342 : vector<16xf32>
        %add3A_1469 = arith.addf %get3A_1348, %get3A_1354 : vector<16xf32>
        %add3A_1470 = arith.addf %get3A_1360, %get3A_1366 : vector<16xf32>
        %add3A_1471 = arith.addf %get3A_1372, %get3A_1378 : vector<16xf32>
        %add3A_1472 = arith.addf %get3A_1384, %get3A_1390 : vector<16xf32>
        %add3A_1473 = arith.addf %get3A_1396, %get3A_1402 : vector<16xf32>
        %add3A_1474 = arith.addf %get3A_1408, %get3A_1414 : vector<16xf32>
        %add3A_1475 = arith.addf %get3A_1420, %get3A_1426 : vector<16xf32>
        %add3A_1476 = arith.addf %get3A_1432, %get3A_1438 : vector<16xf32>
        %add3A_1477 = arith.addf %get3A_1444, %get3A_1450 : vector<16xf32>
        %add3A_1478 = arith.addf %get3A_1456, %get3A_1462 : vector<16xf32>
        %add3A_1479 = arith.addf %add3A_1463, %add3A_1464 : vector<16xf32>
        %add3A_1480 = arith.addf %add3A_1465, %add3A_1466 : vector<16xf32>
        %add3A_1481 = arith.addf %add3A_1467, %add3A_1468 : vector<16xf32>
        %add3A_1482 = arith.addf %add3A_1469, %add3A_1470 : vector<16xf32>
        %add3A_1483 = arith.addf %add3A_1471, %add3A_1472 : vector<16xf32>
        %add3A_1484 = arith.addf %add3A_1473, %add3A_1474 : vector<16xf32>
        %add3A_1485 = arith.addf %add3A_1475, %add3A_1476 : vector<16xf32>
        %add3A_1486 = arith.addf %add3A_1477, %add3A_1478 : vector<16xf32>
        %add3A_1487 = arith.addf %add3A_1479, %add3A_1480 : vector<16xf32>
        %add3A_1488 = arith.addf %add3A_1481, %add3A_1482 : vector<16xf32>
        %add3A_1489 = arith.addf %add3A_1483, %add3A_1484 : vector<16xf32>
        %add3A_1490 = arith.addf %add3A_1485, %add3A_1486 : vector<16xf32>
        %add3A_1491 = arith.addf %add3A_1487, %add3A_1488 : vector<16xf32>
        %add3A_1492 = arith.addf %add3A_1489, %add3A_1490 : vector<16xf32>
        %add3A_1493 = arith.addf %add3A_1491, %add3A_1492 : vector<16xf32>
        %mul3A_1494 = arith.constant 3.125000e-02 : f32
        %mul3A_1495 = vector.broadcast %mul3A_1494 : f32 to vector<16xf32>
        %mul3A_1496 = arith.mulf %add3A_1493, %mul3A_1495 : vector<16xf32>
        %swap3A_1497 = arith.index_cast %add3A_115 : i32 to index
        %swap3A_1498 = arith.constant 80 : index
        %swap3A_1499 = tpu.vector_load %arg9[%swap3A_1497, %swap3A_1498] {strides = array<i32>} : memref<8x128xf32, #tpu.memory_space<vmem>>, vector<1x16xf32>,
        %swap3A_1500 = vector.shape_cast %swap3A_1499 : vector<1x16xf32> to vector<16xf32>
        %swap3A_1501 = vector.shape_cast %mul3A_1496 : vector<16xf32> to vector<1x16xf32>
        tpu.vector_store %arg9[%swap3A_1497, %swap3A_1498], %swap3A_1501 {strides = array<i32>} : memref<8x128xf32, #tpu.memory_space<vmem>>, vector<1x16xf32>,
        %add3A_1502 = arith.constant 0 : i32
        %add3A_1503 = arith.addi %mul3A_117, %add3A_1502 : i32
        %get3A_1504 = arith.index_cast %add3A_1503 : i32 to index
        %get3A_1505 = arith.constant 96 : index
        %get3A_1506 = tpu.vector_load %arg7[%get3A_1504, %get3A_1505] {strides = array<i32>} : memref<256x128xf32, #tpu.memory_space<vmem>>, vector<1x16xf32>,
        %get3A_1507 = vector.shape_cast %get3A_1506 : vector<1x16xf32> to vector<16xf32>
        %add3A_1508 = arith.constant 1 : i32
        %add3A_1509 = arith.addi %mul3A_117, %add3A_1508 : i32
        %get3A_1510 = arith.index_cast %add3A_1509 : i32 to index
        %get3A_1511 = arith.constant 96 : index
        %get3A_1512 = tpu.vector_load %arg7[%get3A_1510, %get3A_1511] {strides = array<i32>} : memref<256x128xf32, #tpu.memory_space<vmem>>, vector<1x16xf32>,
        %get3A_1513 = vector.shape_cast %get3A_1512 : vector<1x16xf32> to vector<16xf32>
        %add3A_1514 = arith.constant 2 : i32
        %add3A_1515 = arith.addi %mul3A_117, %add3A_1514 : i32
        %get3A_1516 = arith.index_cast %add3A_1515 : i32 to index
        %get3A_1517 = arith.constant 96 : index
        %get3A_1518 = tpu.vector_load %arg7[%get3A_1516, %get3A_1517] {strides = array<i32>} : memref<256x128xf32, #tpu.memory_space<vmem>>, vector<1x16xf32>,
        %get3A_1519 = vector.shape_cast %get3A_1518 : vector<1x16xf32> to vector<16xf32>
        %add3A_1520 = arith.constant 3 : i32
        %add3A_1521 = arith.addi %mul3A_117, %add3A_1520 : i32
        %get3A_1522 = arith.index_cast %add3A_1521 : i32 to index
        %get3A_1523 = arith.constant 96 : index
        %get3A_1524 = tpu.vector_load %arg7[%get3A_1522, %get3A_1523] {strides = array<i32>} : memref<256x128xf32, #tpu.memory_space<vmem>>, vector<1x16xf32>,
        %get3A_1525 = vector.shape_cast %get3A_1524 : vector<1x16xf32> to vector<16xf32>
        %add3A_1526 = arith.constant 4 : i32
        %add3A_1527 = arith.addi %mul3A_117, %add3A_1526 : i32
        %get3A_1528 = arith.index_cast %add3A_1527 : i32 to index
        %get3A_1529 = arith.constant 96 : index
        %get3A_1530 = tpu.vector_load %arg7[%get3A_1528, %get3A_1529] {strides = array<i32>} : memref<256x128xf32, #tpu.memory_space<vmem>>, vector<1x16xf32>,
        %get3A_1531 = vector.shape_cast %get3A_1530 : vector<1x16xf32> to vector<16xf32>
        %add3A_1532 = arith.constant 5 : i32
        %add3A_1533 = arith.addi %mul3A_117, %add3A_1532 : i32
        %get3A_1534 = arith.index_cast %add3A_1533 : i32 to index
        %get3A_1535 = arith.constant 96 : index
        %get3A_1536 = tpu.vector_load %arg7[%get3A_1534, %get3A_1535] {strides = array<i32>} : memref<256x128xf32, #tpu.memory_space<vmem>>, vector<1x16xf32>,
        %get3A_1537 = vector.shape_cast %get3A_1536 : vector<1x16xf32> to vector<16xf32>
        %add3A_1538 = arith.constant 6 : i32
        %add3A_1539 = arith.addi %mul3A_117, %add3A_1538 : i32
        %get3A_1540 = arith.index_cast %add3A_1539 : i32 to index
        %get3A_1541 = arith.constant 96 : index
        %get3A_1542 = tpu.vector_load %arg7[%get3A_1540, %get3A_1541] {strides = array<i32>} : memref<256x128xf32, #tpu.memory_space<vmem>>, vector<1x16xf32>,
        %get3A_1543 = vector.shape_cast %get3A_1542 : vector<1x16xf32> to vector<16xf32>
        %add3A_1544 = arith.constant 7 : i32
        %add3A_1545 = arith.addi %mul3A_117, %add3A_1544 : i32
        %get3A_1546 = arith.index_cast %add3A_1545 : i32 to index
        %get3A_1547 = arith.constant 96 : index
        %get3A_1548 = tpu.vector_load %arg7[%get3A_1546, %get3A_1547] {strides = array<i32>} : memref<256x128xf32, #tpu.memory_space<vmem>>, vector<1x16xf32>,
        %get3A_1549 = vector.shape_cast %get3A_1548 : vector<1x16xf32> to vector<16xf32>
        %add3A_1550 = arith.constant 8 : i32
        %add3A_1551 = arith.addi %mul3A_117, %add3A_1550 : i32
        %get3A_1552 = arith.index_cast %add3A_1551 : i32 to index
        %get3A_1553 = arith.constant 96 : index
        %get3A_1554 = tpu.vector_load %arg7[%get3A_1552, %get3A_1553] {strides = array<i32>} : memref<256x128xf32, #tpu.memory_space<vmem>>, vector<1x16xf32>,
        %get3A_1555 = vector.shape_cast %get3A_1554 : vector<1x16xf32> to vector<16xf32>
        %add3A_1556 = arith.constant 9 : i32
        %add3A_1557 = arith.addi %mul3A_117, %add3A_1556 : i32
        %get3A_1558 = arith.index_cast %add3A_1557 : i32 to index
        %get3A_1559 = arith.constant 96 : index
        %get3A_1560 = tpu.vector_load %arg7[%get3A_1558, %get3A_1559] {strides = array<i32>} : memref<256x128xf32, #tpu.memory_space<vmem>>, vector<1x16xf32>,
        %get3A_1561 = vector.shape_cast %get3A_1560 : vector<1x16xf32> to vector<16xf32>
        %add3A_1562 = arith.constant 10 : i32
        %add3A_1563 = arith.addi %mul3A_117, %add3A_1562 : i32
        %get3A_1564 = arith.index_cast %add3A_1563 : i32 to index
        %get3A_1565 = arith.constant 96 : index
        %get3A_1566 = tpu.vector_load %arg7[%get3A_1564, %get3A_1565] {strides = array<i32>} : memref<256x128xf32, #tpu.memory_space<vmem>>, vector<1x16xf32>,
        %get3A_1567 = vector.shape_cast %get3A_1566 : vector<1x16xf32> to vector<16xf32>
        %add3A_1568 = arith.constant 11 : i32
        %add3A_1569 = arith.addi %mul3A_117, %add3A_1568 : i32
        %get3A_1570 = arith.index_cast %add3A_1569 : i32 to index
        %get3A_1571 = arith.constant 96 : index
        %get3A_1572 = tpu.vector_load %arg7[%get3A_1570, %get3A_1571] {strides = array<i32>} : memref<256x128xf32, #tpu.memory_space<vmem>>, vector<1x16xf32>,
        %get3A_1573 = vector.shape_cast %get3A_1572 : vector<1x16xf32> to vector<16xf32>
        %add3A_1574 = arith.constant 12 : i32
        %add3A_1575 = arith.addi %mul3A_117, %add3A_1574 : i32
        %get3A_1576 = arith.index_cast %add3A_1575 : i32 to index
        %get3A_1577 = arith.constant 96 : index
        %get3A_1578 = tpu.vector_load %arg7[%get3A_1576, %get3A_1577] {strides = array<i32>} : memref<256x128xf32, #tpu.memory_space<vmem>>, vector<1x16xf32>,
        %get3A_1579 = vector.shape_cast %get3A_1578 : vector<1x16xf32> to vector<16xf32>
        %add3A_1580 = arith.constant 13 : i32
        %add3A_1581 = arith.addi %mul3A_117, %add3A_1580 : i32
        %get3A_1582 = arith.index_cast %add3A_1581 : i32 to index
        %get3A_1583 = arith.constant 96 : index
        %get3A_1584 = tpu.vector_load %arg7[%get3A_1582, %get3A_1583] {strides = array<i32>} : memref<256x128xf32, #tpu.memory_space<vmem>>, vector<1x16xf32>,
        %get3A_1585 = vector.shape_cast %get3A_1584 : vector<1x16xf32> to vector<16xf32>
        %add3A_1586 = arith.constant 14 : i32
        %add3A_1587 = arith.addi %mul3A_117, %add3A_1586 : i32
        %get3A_1588 = arith.index_cast %add3A_1587 : i32 to index
        %get3A_1589 = arith.constant 96 : index
        %get3A_1590 = tpu.vector_load %arg7[%get3A_1588, %get3A_1589] {strides = array<i32>} : memref<256x128xf32, #tpu.memory_space<vmem>>, vector<1x16xf32>,
        %get3A_1591 = vector.shape_cast %get3A_1590 : vector<1x16xf32> to vector<16xf32>
        %add3A_1592 = arith.constant 15 : i32
        %add3A_1593 = arith.addi %mul3A_117, %add3A_1592 : i32
        %get3A_1594 = arith.index_cast %add3A_1593 : i32 to index
        %get3A_1595 = arith.constant 96 : index
        %get3A_1596 = tpu.vector_load %arg7[%get3A_1594, %get3A_1595] {strides = array<i32>} : memref<256x128xf32, #tpu.memory_space<vmem>>, vector<1x16xf32>,
        %get3A_1597 = vector.shape_cast %get3A_1596 : vector<1x16xf32> to vector<16xf32>
        %add3A_1598 = arith.constant 16 : i32
        %add3A_1599 = arith.addi %mul3A_117, %add3A_1598 : i32
        %get3A_1600 = arith.index_cast %add3A_1599 : i32 to index
        %get3A_1601 = arith.constant 96 : index
        %get3A_1602 = tpu.vector_load %arg7[%get3A_1600, %get3A_1601] {strides = array<i32>} : memref<256x128xf32, #tpu.memory_space<vmem>>, vector<1x16xf32>,
        %get3A_1603 = vector.shape_cast %get3A_1602 : vector<1x16xf32> to vector<16xf32>
        %add3A_1604 = arith.constant 17 : i32
        %add3A_1605 = arith.addi %mul3A_117, %add3A_1604 : i32
        %get3A_1606 = arith.index_cast %add3A_1605 : i32 to index
        %get3A_1607 = arith.constant 96 : index
        %get3A_1608 = tpu.vector_load %arg7[%get3A_1606, %get3A_1607] {strides = array<i32>} : memref<256x128xf32, #tpu.memory_space<vmem>>, vector<1x16xf32>,
        %get3A_1609 = vector.shape_cast %get3A_1608 : vector<1x16xf32> to vector<16xf32>
        %add3A_1610 = arith.constant 18 : i32
        %add3A_1611 = arith.addi %mul3A_117, %add3A_1610 : i32
        %get3A_1612 = arith.index_cast %add3A_1611 : i32 to index
        %get3A_1613 = arith.constant 96 : index
        %get3A_1614 = tpu.vector_load %arg7[%get3A_1612, %get3A_1613] {strides = array<i32>} : memref<256x128xf32, #tpu.memory_space<vmem>>, vector<1x16xf32>,
        %get3A_1615 = vector.shape_cast %get3A_1614 : vector<1x16xf32> to vector<16xf32>
        %add3A_1616 = arith.constant 19 : i32
        %add3A_1617 = arith.addi %mul3A_117, %add3A_1616 : i32
        %get3A_1618 = arith.index_cast %add3A_1617 : i32 to index
        %get3A_1619 = arith.constant 96 : index
        %get3A_1620 = tpu.vector_load %arg7[%get3A_1618, %get3A_1619] {strides = array<i32>} : memref<256x128xf32, #tpu.memory_space<vmem>>, vector<1x16xf32>,
        %get3A_1621 = vector.shape_cast %get3A_1620 : vector<1x16xf32> to vector<16xf32>
        %add3A_1622 = arith.constant 20 : i32
        %add3A_1623 = arith.addi %mul3A_117, %add3A_1622 : i32
        %get3A_1624 = arith.index_cast %add3A_1623 : i32 to index
        %get3A_1625 = arith.constant 96 : index
        %get3A_1626 = tpu.vector_load %arg7[%get3A_1624, %get3A_1625] {strides = array<i32>} : memref<256x128xf32, #tpu.memory_space<vmem>>, vector<1x16xf32>,
        %get3A_1627 = vector.shape_cast %get3A_1626 : vector<1x16xf32> to vector<16xf32>
        %add3A_1628 = arith.constant 21 : i32
        %add3A_1629 = arith.addi %mul3A_117, %add3A_1628 : i32
        %get3A_1630 = arith.index_cast %add3A_1629 : i32 to index
        %get3A_1631 = arith.constant 96 : index
        %get3A_1632 = tpu.vector_load %arg7[%get3A_1630, %get3A_1631] {strides = array<i32>} : memref<256x128xf32, #tpu.memory_space<vmem>>, vector<1x16xf32>,
        %get3A_1633 = vector.shape_cast %get3A_1632 : vector<1x16xf32> to vector<16xf32>
        %add3A_1634 = arith.constant 22 : i32
        %add3A_1635 = arith.addi %mul3A_117, %add3A_1634 : i32
        %get3A_1636 = arith.index_cast %add3A_1635 : i32 to index
        %get3A_1637 = arith.constant 96 : index
        %get3A_1638 = tpu.vector_load %arg7[%get3A_1636, %get3A_1637] {strides = array<i32>} : memref<256x128xf32, #tpu.memory_space<vmem>>, vector<1x16xf32>,
        %get3A_1639 = vector.shape_cast %get3A_1638 : vector<1x16xf32> to vector<16xf32>
        %add3A_1640 = arith.constant 23 : i32
        %add3A_1641 = arith.addi %mul3A_117, %add3A_1640 : i32
        %get3A_1642 = arith.index_cast %add3A_1641 : i32 to index
        %get3A_1643 = arith.constant 96 : index
        %get3A_1644 = tpu.vector_load %arg7[%get3A_1642, %get3A_1643] {strides = array<i32>} : memref<256x128xf32, #tpu.memory_space<vmem>>, vector<1x16xf32>,
        %get3A_1645 = vector.shape_cast %get3A_1644 : vector<1x16xf32> to vector<16xf32>
        %add3A_1646 = arith.constant 24 : i32
        %add3A_1647 = arith.addi %mul3A_117, %add3A_1646 : i32
        %get3A_1648 = arith.index_cast %add3A_1647 : i32 to index
        %get3A_1649 = arith.constant 96 : index
        %get3A_1650 = tpu.vector_load %arg7[%get3A_1648, %get3A_1649] {strides = array<i32>} : memref<256x128xf32, #tpu.memory_space<vmem>>, vector<1x16xf32>,
        %get3A_1651 = vector.shape_cast %get3A_1650 : vector<1x16xf32> to vector<16xf32>
        %add3A_1652 = arith.constant 25 : i32
        %add3A_1653 = arith.addi %mul3A_117, %add3A_1652 : i32
        %get3A_1654 = arith.index_cast %add3A_1653 : i32 to index
        %get3A_1655 = arith.constant 96 : index
        %get3A_1656 = tpu.vector_load %arg7[%get3A_1654, %get3A_1655] {strides = array<i32>} : memref<256x128xf32, #tpu.memory_space<vmem>>, vector<1x16xf32>,
        %get3A_1657 = vector.shape_cast %get3A_1656 : vector<1x16xf32> to vector<16xf32>
        %add3A_1658 = arith.constant 26 : i32
        %add3A_1659 = arith.addi %mul3A_117, %add3A_1658 : i32
        %get3A_1660 = arith.index_cast %add3A_1659 : i32 to index
        %get3A_1661 = arith.constant 96 : index
        %get3A_1662 = tpu.vector_load %arg7[%get3A_1660, %get3A_1661] {strides = array<i32>} : memref<256x128xf32, #tpu.memory_space<vmem>>, vector<1x16xf32>,
        %get3A_1663 = vector.shape_cast %get3A_1662 : vector<1x16xf32> to vector<16xf32>
        %add3A_1664 = arith.constant 27 : i32
        %add3A_1665 = arith.addi %mul3A_117, %add3A_1664 : i32
        %get3A_1666 = arith.index_cast %add3A_1665 : i32 to index
        %get3A_1667 = arith.constant 96 : index
        %get3A_1668 = tpu.vector_load %arg7[%get3A_1666, %get3A_1667] {strides = array<i32>} : memref<256x128xf32, #tpu.memory_space<vmem>>, vector<1x16xf32>,
        %get3A_1669 = vector.shape_cast %get3A_1668 : vector<1x16xf32> to vector<16xf32>
        %add3A_1670 = arith.constant 28 : i32
        %add3A_1671 = arith.addi %mul3A_117, %add3A_1670 : i32
        %get3A_1672 = arith.index_cast %add3A_1671 : i32 to index
        %get3A_1673 = arith.constant 96 : index
        %get3A_1674 = tpu.vector_load %arg7[%get3A_1672, %get3A_1673] {strides = array<i32>} : memref<256x128xf32, #tpu.memory_space<vmem>>, vector<1x16xf32>,
        %get3A_1675 = vector.shape_cast %get3A_1674 : vector<1x16xf32> to vector<16xf32>
        %add3A_1676 = arith.constant 29 : i32
        %add3A_1677 = arith.addi %mul3A_117, %add3A_1676 : i32
        %get3A_1678 = arith.index_cast %add3A_1677 : i32 to index
        %get3A_1679 = arith.constant 96 : index
        %get3A_1680 = tpu.vector_load %arg7[%get3A_1678, %get3A_1679] {strides = array<i32>} : memref<256x128xf32, #tpu.memory_space<vmem>>, vector<1x16xf32>,
        %get3A_1681 = vector.shape_cast %get3A_1680 : vector<1x16xf32> to vector<16xf32>
        %add3A_1682 = arith.constant 30 : i32
        %add3A_1683 = arith.addi %mul3A_117, %add3A_1682 : i32
        %get3A_1684 = arith.index_cast %add3A_1683 : i32 to index
        %get3A_1685 = arith.constant 96 : index
        %get3A_1686 = tpu.vector_load %arg7[%get3A_1684, %get3A_1685] {strides = array<i32>} : memref<256x128xf32, #tpu.memory_space<vmem>>, vector<1x16xf32>,
        %get3A_1687 = vector.shape_cast %get3A_1686 : vector<1x16xf32> to vector<16xf32>
        %add3A_1688 = arith.constant 31 : i32
        %add3A_1689 = arith.addi %mul3A_117, %add3A_1688 : i32
        %get3A_1690 = arith.index_cast %add3A_1689 : i32 to index
        %get3A_1691 = arith.constant 96 : index
        %get3A_1692 = tpu.vector_load %arg7[%get3A_1690, %get3A_1691] {strides = array<i32>} : memref<256x128xf32, #tpu.memory_space<vmem>>, vector<1x16xf32>,
        %get3A_1693 = vector.shape_cast %get3A_1692 : vector<1x16xf32> to vector<16xf32>
        %add3A_1694 = arith.addf %get3A_1507, %get3A_1513 : vector<16xf32>
        %add3A_1695 = arith.addf %get3A_1519, %get3A_1525 : vector<16xf32>
        %add3A_1696 = arith.addf %get3A_1531, %get3A_1537 : vector<16xf32>
        %add3A_1697 = arith.addf %get3A_1543, %get3A_1549 : vector<16xf32>
        %add3A_1698 = arith.addf %get3A_1555, %get3A_1561 : vector<16xf32>
        %add3A_1699 = arith.addf %get3A_1567, %get3A_1573 : vector<16xf32>
        %add3A_1700 = arith.addf %get3A_1579, %get3A_1585 : vector<16xf32>
        %add3A_1701 = arith.addf %get3A_1591, %get3A_1597 : vector<16xf32>
        %add3A_1702 = arith.addf %get3A_1603, %get3A_1609 : vector<16xf32>
        %add3A_1703 = arith.addf %get3A_1615, %get3A_1621 : vector<16xf32>
        %add3A_1704 = arith.addf %get3A_1627, %get3A_1633 : vector<16xf32>
        %add3A_1705 = arith.addf %get3A_1639, %get3A_1645 : vector<16xf32>
        %add3A_1706 = arith.addf %get3A_1651, %get3A_1657 : vector<16xf32>
        %add3A_1707 = arith.addf %get3A_1663, %get3A_1669 : vector<16xf32>
        %add3A_1708 = arith.addf %get3A_1675, %get3A_1681 : vector<16xf32>
        %add3A_1709 = arith.addf %get3A_1687, %get3A_1693 : vector<16xf32>
        %add3A_1710 = arith.addf %add3A_1694, %add3A_1695 : vector<16xf32>
        %add3A_1711 = arith.addf %add3A_1696, %add3A_1697 : vector<16xf32>
        %add3A_1712 = arith.addf %add3A_1698, %add3A_1699 : vector<16xf32>
        %add3A_1713 = arith.addf %add3A_1700, %add3A_1701 : vector<16xf32>
        %add3A_1714 = arith.addf %add3A_1702, %add3A_1703 : vector<16xf32>
        %add3A_1715 = arith.addf %add3A_1704, %add3A_1705 : vector<16xf32>
        %add3A_1716 = arith.addf %add3A_1706, %add3A_1707 : vector<16xf32>
        %add3A_1717 = arith.addf %add3A_1708, %add3A_1709 : vector<16xf32>
        %add3A_1718 = arith.addf %add3A_1710, %add3A_1711 : vector<16xf32>
        %add3A_1719 = arith.addf %add3A_1712, %add3A_1713 : vector<16xf32>
        %add3A_1720 = arith.addf %add3A_1714, %add3A_1715 : vector<16xf32>
        %add3A_1721 = arith.addf %add3A_1716, %add3A_1717 : vector<16xf32>
        %add3A_1722 = arith.addf %add3A_1718, %add3A_1719 : vector<16xf32>
        %add3A_1723 = arith.addf %add3A_1720, %add3A_1721 : vector<16xf32>
        %add3A_1724 = arith.addf %add3A_1722, %add3A_1723 : vector<16xf32>
        %mul3A_1725 = arith.constant 3.125000e-02 : f32
        %mul3A_1726 = vector.broadcast %mul3A_1725 : f32 to vector<16xf32>
        %mul3A_1727 = arith.mulf %add3A_1724, %mul3A_1726 : vector<16xf32>
        %swap3A_1728 = arith.index_cast %add3A_115 : i32 to index
        %swap3A_1729 = arith.constant 96 : index
        %swap3A_1730 = tpu.vector_load %arg9[%swap3A_1728, %swap3A_1729] {strides = array<i32>} : memref<8x128xf32, #tpu.memory_space<vmem>>, vector<1x16xf32>,
        %swap3A_1731 = vector.shape_cast %swap3A_1730 : vector<1x16xf32> to vector<16xf32>
        %swap3A_1732 = vector.shape_cast %mul3A_1727 : vector<16xf32> to vector<1x16xf32>
        tpu.vector_store %arg9[%swap3A_1728, %swap3A_1729], %swap3A_1732 {strides = array<i32>} : memref<8x128xf32, #tpu.memory_space<vmem>>, vector<1x16xf32>,
        %add3A_1733 = arith.constant 0 : i32
        %add3A_1734 = arith.addi %mul3A_117, %add3A_1733 : i32
        %get3A_1735 = arith.index_cast %add3A_1734 : i32 to index
        %get3A_1736 = arith.constant 112 : index
        %get3A_1737 = tpu.vector_load %arg7[%get3A_1735, %get3A_1736] {strides = array<i32>} : memref<256x128xf32, #tpu.memory_space<vmem>>, vector<1x16xf32>,
        %get3A_1738 = vector.shape_cast %get3A_1737 : vector<1x16xf32> to vector<16xf32>
        %add3A_1739 = arith.constant 1 : i32
        %add3A_1740 = arith.addi %mul3A_117, %add3A_1739 : i32
        %get3A_1741 = arith.index_cast %add3A_1740 : i32 to index
        %get3A_1742 = arith.constant 112 : index
        %get3A_1743 = tpu.vector_load %arg7[%get3A_1741, %get3A_1742] {strides = array<i32>} : memref<256x128xf32, #tpu.memory_space<vmem>>, vector<1x16xf32>,
        %get3A_1744 = vector.shape_cast %get3A_1743 : vector<1x16xf32> to vector<16xf32>
        %add3A_1745 = arith.constant 2 : i32
        %add3A_1746 = arith.addi %mul3A_117, %add3A_1745 : i32
        %get3A_1747 = arith.index_cast %add3A_1746 : i32 to index
        %get3A_1748 = arith.constant 112 : index
        %get3A_1749 = tpu.vector_load %arg7[%get3A_1747, %get3A_1748] {strides = array<i32>} : memref<256x128xf32, #tpu.memory_space<vmem>>, vector<1x16xf32>,
        %get3A_1750 = vector.shape_cast %get3A_1749 : vector<1x16xf32> to vector<16xf32>
        %add3A_1751 = arith.constant 3 : i32
        %add3A_1752 = arith.addi %mul3A_117, %add3A_1751 : i32
        %get3A_1753 = arith.index_cast %add3A_1752 : i32 to index
        %get3A_1754 = arith.constant 112 : index
        %get3A_1755 = tpu.vector_load %arg7[%get3A_1753, %get3A_1754] {strides = array<i32>} : memref<256x128xf32, #tpu.memory_space<vmem>>, vector<1x16xf32>,
        %get3A_1756 = vector.shape_cast %get3A_1755 : vector<1x16xf32> to vector<16xf32>
        %add3A_1757 = arith.constant 4 : i32
        %add3A_1758 = arith.addi %mul3A_117, %add3A_1757 : i32
        %get3A_1759 = arith.index_cast %add3A_1758 : i32 to index
        %get3A_1760 = arith.constant 112 : index
        %get3A_1761 = tpu.vector_load %arg7[%get3A_1759, %get3A_1760] {strides = array<i32>} : memref<256x128xf32, #tpu.memory_space<vmem>>, vector<1x16xf32>,
        %get3A_1762 = vector.shape_cast %get3A_1761 : vector<1x16xf32> to vector<16xf32>
        %add3A_1763 = arith.constant 5 : i32
        %add3A_1764 = arith.addi %mul3A_117, %add3A_1763 : i32
        %get3A_1765 = arith.index_cast %add3A_1764 : i32 to index
        %get3A_1766 = arith.constant 112 : index
        %get3A_1767 = tpu.vector_load %arg7[%get3A_1765, %get3A_1766] {strides = array<i32>} : memref<256x128xf32, #tpu.memory_space<vmem>>, vector<1x16xf32>,
        %get3A_1768 = vector.shape_cast %get3A_1767 : vector<1x16xf32> to vector<16xf32>
        %add3A_1769 = arith.constant 6 : i32
        %add3A_1770 = arith.addi %mul3A_117, %add3A_1769 : i32
        %get3A_1771 = arith.index_cast %add3A_1770 : i32 to index
        %get3A_1772 = arith.constant 112 : index
        %get3A_1773 = tpu.vector_load %arg7[%get3A_1771, %get3A_1772] {strides = array<i32>} : memref<256x128xf32, #tpu.memory_space<vmem>>, vector<1x16xf32>,
        %get3A_1774 = vector.shape_cast %get3A_1773 : vector<1x16xf32> to vector<16xf32>
        %add3A_1775 = arith.constant 7 : i32
        %add3A_1776 = arith.addi %mul3A_117, %add3A_1775 : i32
        %get3A_1777 = arith.index_cast %add3A_1776 : i32 to index
        %get3A_1778 = arith.constant 112 : index
        %get3A_1779 = tpu.vector_load %arg7[%get3A_1777, %get3A_1778] {strides = array<i32>} : memref<256x128xf32, #tpu.memory_space<vmem>>, vector<1x16xf32>,
        %get3A_1780 = vector.shape_cast %get3A_1779 : vector<1x16xf32> to vector<16xf32>
        %add3A_1781 = arith.constant 8 : i32
        %add3A_1782 = arith.addi %mul3A_117, %add3A_1781 : i32
        %get3A_1783 = arith.index_cast %add3A_1782 : i32 to index
        %get3A_1784 = arith.constant 112 : index
        %get3A_1785 = tpu.vector_load %arg7[%get3A_1783, %get3A_1784] {strides = array<i32>} : memref<256x128xf32, #tpu.memory_space<vmem>>, vector<1x16xf32>,
        %get3A_1786 = vector.shape_cast %get3A_1785 : vector<1x16xf32> to vector<16xf32>
        %add3A_1787 = arith.constant 9 : i32
        %add3A_1788 = arith.addi %mul3A_117, %add3A_1787 : i32
        %get3A_1789 = arith.index_cast %add3A_1788 : i32 to index
        %get3A_1790 = arith.constant 112 : index
        %get3A_1791 = tpu.vector_load %arg7[%get3A_1789, %get3A_1790] {strides = array<i32>} : memref<256x128xf32, #tpu.memory_space<vmem>>, vector<1x16xf32>,
        %get3A_1792 = vector.shape_cast %get3A_1791 : vector<1x16xf32> to vector<16xf32>
        %add3A_1793 = arith.constant 10 : i32
        %add3A_1794 = arith.addi %mul3A_117, %add3A_1793 : i32
        %get3A_1795 = arith.index_cast %add3A_1794 : i32 to index
        %get3A_1796 = arith.constant 112 : index
        %get3A_1797 = tpu.vector_load %arg7[%get3A_1795, %get3A_1796] {strides = array<i32>} : memref<256x128xf32, #tpu.memory_space<vmem>>, vector<1x16xf32>,
        %get3A_1798 = vector.shape_cast %get3A_1797 : vector<1x16xf32> to vector<16xf32>
        %add3A_1799 = arith.constant 11 : i32
        %add3A_1800 = arith.addi %mul3A_117, %add3A_1799 : i32
        %get3A_1801 = arith.index_cast %add3A_1800 : i32 to index
        %get3A_1802 = arith.constant 112 : index
        %get3A_1803 = tpu.vector_load %arg7[%get3A_1801, %get3A_1802] {strides = array<i32>} : memref<256x128xf32, #tpu.memory_space<vmem>>, vector<1x16xf32>,
        %get3A_1804 = vector.shape_cast %get3A_1803 : vector<1x16xf32> to vector<16xf32>
        %add3A_1805 = arith.constant 12 : i32
        %add3A_1806 = arith.addi %mul3A_117, %add3A_1805 : i32
        %get3A_1807 = arith.index_cast %add3A_1806 : i32 to index
        %get3A_1808 = arith.constant 112 : index
        %get3A_1809 = tpu.vector_load %arg7[%get3A_1807, %get3A_1808] {strides = array<i32>} : memref<256x128xf32, #tpu.memory_space<vmem>>, vector<1x16xf32>,
        %get3A_1810 = vector.shape_cast %get3A_1809 : vector<1x16xf32> to vector<16xf32>
        %add3A_1811 = arith.constant 13 : i32
        %add3A_1812 = arith.addi %mul3A_117, %add3A_1811 : i32
        %get3A_1813 = arith.index_cast %add3A_1812 : i32 to index
        %get3A_1814 = arith.constant 112 : index
        %get3A_1815 = tpu.vector_load %arg7[%get3A_1813, %get3A_1814] {strides = array<i32>} : memref<256x128xf32, #tpu.memory_space<vmem>>, vector<1x16xf32>,
        %get3A_1816 = vector.shape_cast %get3A_1815 : vector<1x16xf32> to vector<16xf32>
        %add3A_1817 = arith.constant 14 : i32
        %add3A_1818 = arith.addi %mul3A_117, %add3A_1817 : i32
        %get3A_1819 = arith.index_cast %add3A_1818 : i32 to index
        %get3A_1820 = arith.constant 112 : index
        %get3A_1821 = tpu.vector_load %arg7[%get3A_1819, %get3A_1820] {strides = array<i32>} : memref<256x128xf32, #tpu.memory_space<vmem>>, vector<1x16xf32>,
        %get3A_1822 = vector.shape_cast %get3A_1821 : vector<1x16xf32> to vector<16xf32>
        %add3A_1823 = arith.constant 15 : i32
        %add3A_1824 = arith.addi %mul3A_117, %add3A_1823 : i32
        %get3A_1825 = arith.index_cast %add3A_1824 : i32 to index
        %get3A_1826 = arith.constant 112 : index
        %get3A_1827 = tpu.vector_load %arg7[%get3A_1825, %get3A_1826] {strides = array<i32>} : memref<256x128xf32, #tpu.memory_space<vmem>>, vector<1x16xf32>,
        %get3A_1828 = vector.shape_cast %get3A_1827 : vector<1x16xf32> to vector<16xf32>
        %add3A_1829 = arith.constant 16 : i32
        %add3A_1830 = arith.addi %mul3A_117, %add3A_1829 : i32
        %get3A_1831 = arith.index_cast %add3A_1830 : i32 to index
        %get3A_1832 = arith.constant 112 : index
        %get3A_1833 = tpu.vector_load %arg7[%get3A_1831, %get3A_1832] {strides = array<i32>} : memref<256x128xf32, #tpu.memory_space<vmem>>, vector<1x16xf32>,
        %get3A_1834 = vector.shape_cast %get3A_1833 : vector<1x16xf32> to vector<16xf32>
        %add3A_1835 = arith.constant 17 : i32
        %add3A_1836 = arith.addi %mul3A_117, %add3A_1835 : i32
        %get3A_1837 = arith.index_cast %add3A_1836 : i32 to index
        %get3A_1838 = arith.constant 112 : index
        %get3A_1839 = tpu.vector_load %arg7[%get3A_1837, %get3A_1838] {strides = array<i32>} : memref<256x128xf32, #tpu.memory_space<vmem>>, vector<1x16xf32>,
        %get3A_1840 = vector.shape_cast %get3A_1839 : vector<1x16xf32> to vector<16xf32>
        %add3A_1841 = arith.constant 18 : i32
        %add3A_1842 = arith.addi %mul3A_117, %add3A_1841 : i32
        %get3A_1843 = arith.index_cast %add3A_1842 : i32 to index
        %get3A_1844 = arith.constant 112 : index
        %get3A_1845 = tpu.vector_load %arg7[%get3A_1843, %get3A_1844] {strides = array<i32>} : memref<256x128xf32, #tpu.memory_space<vmem>>, vector<1x16xf32>,
        %get3A_1846 = vector.shape_cast %get3A_1845 : vector<1x16xf32> to vector<16xf32>
        %add3A_1847 = arith.constant 19 : i32
        %add3A_1848 = arith.addi %mul3A_117, %add3A_1847 : i32
        %get3A_1849 = arith.index_cast %add3A_1848 : i32 to index
        %get3A_1850 = arith.constant 112 : index
        %get3A_1851 = tpu.vector_load %arg7[%get3A_1849, %get3A_1850] {strides = array<i32>} : memref<256x128xf32, #tpu.memory_space<vmem>>, vector<1x16xf32>,
        %get3A_1852 = vector.shape_cast %get3A_1851 : vector<1x16xf32> to vector<16xf32>
        %add3A_1853 = arith.constant 20 : i32
        %add3A_1854 = arith.addi %mul3A_117, %add3A_1853 : i32
        %get3A_1855 = arith.index_cast %add3A_1854 : i32 to index
        %get3A_1856 = arith.constant 112 : index
        %get3A_1857 = tpu.vector_load %arg7[%get3A_1855, %get3A_1856] {strides = array<i32>} : memref<256x128xf32, #tpu.memory_space<vmem>>, vector<1x16xf32>,
        %get3A_1858 = vector.shape_cast %get3A_1857 : vector<1x16xf32> to vector<16xf32>
        %add3A_1859 = arith.constant 21 : i32
        %add3A_1860 = arith.addi %mul3A_117, %add3A_1859 : i32
        %get3A_1861 = arith.index_cast %add3A_1860 : i32 to index
        %get3A_1862 = arith.constant 112 : index
        %get3A_1863 = tpu.vector_load %arg7[%get3A_1861, %get3A_1862] {strides = array<i32>} : memref<256x128xf32, #tpu.memory_space<vmem>>, vector<1x16xf32>,
        %get3A_1864 = vector.shape_cast %get3A_1863 : vector<1x16xf32> to vector<16xf32>
        %add3A_1865 = arith.constant 22 : i32
        %add3A_1866 = arith.addi %mul3A_117, %add3A_1865 : i32
        %get3A_1867 = arith.index_cast %add3A_1866 : i32 to index
        %get3A_1868 = arith.constant 112 : index
        %get3A_1869 = tpu.vector_load %arg7[%get3A_1867, %get3A_1868] {strides = array<i32>} : memref<256x128xf32, #tpu.memory_space<vmem>>, vector<1x16xf32>,
        %get3A_1870 = vector.shape_cast %get3A_1869 : vector<1x16xf32> to vector<16xf32>
        %add3A_1871 = arith.constant 23 : i32
        %add3A_1872 = arith.addi %mul3A_117, %add3A_1871 : i32
        %get3A_1873 = arith.index_cast %add3A_1872 : i32 to index
        %get3A_1874 = arith.constant 112 : index
        %get3A_1875 = tpu.vector_load %arg7[%get3A_1873, %get3A_1874] {strides = array<i32>} : memref<256x128xf32, #tpu.memory_space<vmem>>, vector<1x16xf32>,
        %get3A_1876 = vector.shape_cast %get3A_1875 : vector<1x16xf32> to vector<16xf32>
        %add3A_1877 = arith.constant 24 : i32
        %add3A_1878 = arith.addi %mul3A_117, %add3A_1877 : i32
        %get3A_1879 = arith.index_cast %add3A_1878 : i32 to index
        %get3A_1880 = arith.constant 112 : index
        %get3A_1881 = tpu.vector_load %arg7[%get3A_1879, %get3A_1880] {strides = array<i32>} : memref<256x128xf32, #tpu.memory_space<vmem>>, vector<1x16xf32>,
        %get3A_1882 = vector.shape_cast %get3A_1881 : vector<1x16xf32> to vector<16xf32>
        %add3A_1883 = arith.constant 25 : i32
        %add3A_1884 = arith.addi %mul3A_117, %add3A_1883 : i32
        %get3A_1885 = arith.index_cast %add3A_1884 : i32 to index
        %get3A_1886 = arith.constant 112 : index
        %get3A_1887 = tpu.vector_load %arg7[%get3A_1885, %get3A_1886] {strides = array<i32>} : memref<256x128xf32, #tpu.memory_space<vmem>>, vector<1x16xf32>,
        %get3A_1888 = vector.shape_cast %get3A_1887 : vector<1x16xf32> to vector<16xf32>
        %add3A_1889 = arith.constant 26 : i32
        %add3A_1890 = arith.addi %mul3A_117, %add3A_1889 : i32
        %get3A_1891 = arith.index_cast %add3A_1890 : i32 to index
        %get3A_1892 = arith.constant 112 : index
        %get3A_1893 = tpu.vector_load %arg7[%get3A_1891, %get3A_1892] {strides = array<i32>} : memref<256x128xf32, #tpu.memory_space<vmem>>, vector<1x16xf32>,
        %get3A_1894 = vector.shape_cast %get3A_1893 : vector<1x16xf32> to vector<16xf32>
        %add3A_1895 = arith.constant 27 : i32
        %add3A_1896 = arith.addi %mul3A_117, %add3A_1895 : i32
        %get3A_1897 = arith.index_cast %add3A_1896 : i32 to index
        %get3A_1898 = arith.constant 112 : index
        %get3A_1899 = tpu.vector_load %arg7[%get3A_1897, %get3A_1898] {strides = array<i32>} : memref<256x128xf32, #tpu.memory_space<vmem>>, vector<1x16xf32>,
        %get3A_1900 = vector.shape_cast %get3A_1899 : vector<1x16xf32> to vector<16xf32>
        %add3A_1901 = arith.constant 28 : i32
        %add3A_1902 = arith.addi %mul3A_117, %add3A_1901 : i32
        %get3A_1903 = arith.index_cast %add3A_1902 : i32 to index
        %get3A_1904 = arith.constant 112 : index
        %get3A_1905 = tpu.vector_load %arg7[%get3A_1903, %get3A_1904] {strides = array<i32>} : memref<256x128xf32, #tpu.memory_space<vmem>>, vector<1x16xf32>,
        %get3A_1906 = vector.shape_cast %get3A_1905 : vector<1x16xf32> to vector<16xf32>
        %add3A_1907 = arith.constant 29 : i32
        %add3A_1908 = arith.addi %mul3A_117, %add3A_1907 : i32
        %get3A_1909 = arith.index_cast %add3A_1908 : i32 to index
        %get3A_1910 = arith.constant 112 : index
        %get3A_1911 = tpu.vector_load %arg7[%get3A_1909, %get3A_1910] {strides = array<i32>} : memref<256x128xf32, #tpu.memory_space<vmem>>, vector<1x16xf32>,
        %get3A_1912 = vector.shape_cast %get3A_1911 : vector<1x16xf32> to vector<16xf32>
        %add3A_1913 = arith.constant 30 : i32
        %add3A_1914 = arith.addi %mul3A_117, %add3A_1913 : i32
        %get3A_1915 = arith.index_cast %add3A_1914 : i32 to index
        %get3A_1916 = arith.constant 112 : index
        %get3A_1917 = tpu.vector_load %arg7[%get3A_1915, %get3A_1916] {strides = array<i32>} : memref<256x128xf32, #tpu.memory_space<vmem>>, vector<1x16xf32>,
        %get3A_1918 = vector.shape_cast %get3A_1917 : vector<1x16xf32> to vector<16xf32>
        %add3A_1919 = arith.constant 31 : i32
        %add3A_1920 = arith.addi %mul3A_117, %add3A_1919 : i32
        %get3A_1921 = arith.index_cast %add3A_1920 : i32 to index
        %get3A_1922 = arith.constant 112 : index
        %get3A_1923 = tpu.vector_load %arg7[%get3A_1921, %get3A_1922] {strides = array<i32>} : memref<256x128xf32, #tpu.memory_space<vmem>>, vector<1x16xf32>,
        %get3A_1924 = vector.shape_cast %get3A_1923 : vector<1x16xf32> to vector<16xf32>
        %add3A_1925 = arith.addf %get3A_1738, %get3A_1744 : vector<16xf32>
        %add3A_1926 = arith.addf %get3A_1750, %get3A_1756 : vector<16xf32>
        %add3A_1927 = arith.addf %get3A_1762, %get3A_1768 : vector<16xf32>
        %add3A_1928 = arith.addf %get3A_1774, %get3A_1780 : vector<16xf32>
        %add3A_1929 = arith.addf %get3A_1786, %get3A_1792 : vector<16xf32>
        %add3A_1930 = arith.addf %get3A_1798, %get3A_1804 : vector<16xf32>
        %add3A_1931 = arith.addf %get3A_1810, %get3A_1816 : vector<16xf32>
        %add3A_1932 = arith.addf %get3A_1822, %get3A_1828 : vector<16xf32>
        %add3A_1933 = arith.addf %get3A_1834, %get3A_1840 : vector<16xf32>
        %add3A_1934 = arith.addf %get3A_1846, %get3A_1852 : vector<16xf32>
        %add3A_1935 = arith.addf %get3A_1858, %get3A_1864 : vector<16xf32>
        %add3A_1936 = arith.addf %get3A_1870, %get3A_1876 : vector<16xf32>
        %add3A_1937 = arith.addf %get3A_1882, %get3A_1888 : vector<16xf32>
        %add3A_1938 = arith.addf %get3A_1894, %get3A_1900 : vector<16xf32>
        %add3A_1939 = arith.addf %get3A_1906, %get3A_1912 : vector<16xf32>
        %add3A_1940 = arith.addf %get3A_1918, %get3A_1924 : vector<16xf32>
        %add3A_1941 = arith.addf %add3A_1925, %add3A_1926 : vector<16xf32>
        %add3A_1942 = arith.addf %add3A_1927, %add3A_1928 : vector<16xf32>
        %add3A_1943 = arith.addf %add3A_1929, %add3A_1930 : vector<16xf32>
        %add3A_1944 = arith.addf %add3A_1931, %add3A_1932 : vector<16xf32>
        %add3A_1945 = arith.addf %add3A_1933, %add3A_1934 : vector<16xf32>
        %add3A_1946 = arith.addf %add3A_1935, %add3A_1936 : vector<16xf32>
        %add3A_1947 = arith.addf %add3A_1937, %add3A_1938 : vector<16xf32>
        %add3A_1948 = arith.addf %add3A_1939, %add3A_1940 : vector<16xf32>
        %add3A_1949 = arith.addf %add3A_1941, %add3A_1942 : vector<16xf32>
        %add3A_1950 = arith.addf %add3A_1943, %add3A_1944 : vector<16xf32>
        %add3A_1951 = arith.addf %add3A_1945, %add3A_1946 : vector<16xf32>
        %add3A_1952 = arith.addf %add3A_1947, %add3A_1948 : vector<16xf32>
        %add3A_1953 = arith.addf %add3A_1949, %add3A_1950 : vector<16xf32>
        %add3A_1954 = arith.addf %add3A_1951, %add3A_1952 : vector<16xf32>
        %add3A_1955 = arith.addf %add3A_1953, %add3A_1954 : vector<16xf32>
        %mul3A_1956 = arith.constant 3.125000e-02 : f32
        %mul3A_1957 = vector.broadcast %mul3A_1956 : f32 to vector<16xf32>
        %mul3A_1958 = arith.mulf %add3A_1955, %mul3A_1957 : vector<16xf32>
        %swap3A_1959 = arith.index_cast %add3A_115 : i32 to index
        %swap3A_1960 = arith.constant 112 : index
        %swap3A_1961 = tpu.vector_load %arg9[%swap3A_1959, %swap3A_1960] {strides = array<i32>} : memref<8x128xf32, #tpu.memory_space<vmem>>, vector<1x16xf32>,
        %swap3A_1962 = vector.shape_cast %swap3A_1961 : vector<1x16xf32> to vector<16xf32>
        %swap3A_1963 = vector.shape_cast %mul3A_1958 : vector<16xf32> to vector<1x16xf32>
        tpu.vector_store %arg9[%swap3A_1959, %swap3A_1960], %swap3A_1963 {strides = array<i32>} : memref<8x128xf32, #tpu.memory_space<vmem>>, vector<1x16xf32>,
      }
      %scan3A_67 = arith.constant 8 : i32
      %mul3A_68 = arith.constant 8 : i32
      %mul3A_69 = arith.muli %add3A_44, %mul3A_68 : i32
      %add3A_70 = arith.addi %mul3A_2, %mul3A_69 : i32
      %dma_start3A_71 = arith.constant 0 : i32
      %dma_start3A_72 = tpu.memref_slice %arg4[%add3A_70, %dma_start3A_71] : memref<16384x128xf32, #tpu.memory_space<hbm>> -> memref<8x128xf32, #tpu.memory_space<hbm>>
      %dma_start3A_73 = arith.constant 0 : i32
      %dma_start3A_74 = tpu.memref_slice %arg4[%add3A_70, %dma_start3A_73] : memref<16384x128xf32, #tpu.memory_space<hbm>> -> memref<8x128xf32, #tpu.memory_space<hbm>>
      tpu.enqueue_dma source(%arg9 : memref<8x128xf32, #tpu.memory_space<vmem>>) target(%dma_start3A_74 : memref<8x128xf32, #tpu.memory_space<hbm>>) target_semaphore(%arg15 : memref<!tpu.dma_semaphore, #tpu.memory_space<semaphore_mem>>)
      %add3A_75 = arith.constant 1 : i32
      %add3A_76 = arith.addi %add3A_42, %add3A_75 : i32
      %add3A_77 = arith.constant 1 : i32
      %add3A_78 = arith.addi %add3A_76, %add3A_77 : i32
      %lt3A_79 = arith.constant 64 : i32
      %lt3A_80 = arith.cmpi slt, %add3A_78, %lt3A_79 : i32
      %convert_element_type3A_81 = arith.extui %lt3A_80 : i1 to i32
      %cond3A_82 = arith.constant 0 : i32
      %cond3A_83 = arith.cmpi ne, %convert_element_type3A_81, %cond3A_82 : i32
      scf.if %cond3A_83 {
        %add3A_111 = arith.constant 1 : i32
        %add3A_112 = arith.addi %add3A_76, %add3A_111 : i32
        %mul3A_113 = arith.constant 8 : i32
        %mul3A_114 = arith.muli %add3A_112, %mul3A_113 : i32
        %add3A_115 = arith.addi %mul3A_2, %mul3A_114 : i32
        %mul3A_116 = arith.constant 32 : i32
        %mul3A_117 = arith.muli %add3A_115, %mul3A_116 : i32
        %dma_wait3A_118 = tpu.memref_slice %arg3[%mul3A_117] : memref<524288xi32, #tpu.memory_space<hbm>> -> memref<256xi32, #tpu.memory_space<hbm>>
        %dma_wait3A_119 = tpu.memref_slice %arg3[%mul3A_117] : memref<524288xi32, #tpu.memory_space<hbm>> -> memref<256xi32, #tpu.memory_space<hbm>>
        tpu.wait_dma2 semaphore(%arg11 : memref<!tpu.dma_semaphore, #tpu.memory_space<semaphore_mem>>) src(%dma_wait3A_119 : memref<256xi32, #tpu.memory_space<hbm>>) dst(%arg5 : memref<256xi32, #tpu.memory_space<vmem>>)
        %dma_start3A_120 = arith.constant 0 : i32
        %dma_start3A_121 = arith.constant 0 : i32
        %dma_start3A_122 = tpu.memref_slice %arg2[%dma_start3A_120, %dma_start3A_121] : memref<100000x128xf32, #tpu.memory_space<hbm>> -> memref<100000x128xf32, #tpu.memory_space<hbm>>
        tpu.enqueue_indirect_dma source(%dma_start3A_122 : memref<100000x128xf32, #tpu.memory_space<hbm>>) target(%arg7 : memref<256x128xf32, #tpu.memory_space<vmem>>) offsets(%arg5 : memref<256xi32, #tpu.memory_space<vmem>>) semaphore(%arg13 : memref<!tpu.dma_semaphore, #tpu.memory_space<semaphore_mem>>)
      } else {
      }
      %dma_wait3A_84 = arith.constant 0 : i32
      %dma_wait3A_85 = arith.constant 0 : i32
      %dma_wait3A_86 = tpu.memref_slice %arg2[%dma_wait3A_84, %dma_wait3A_85] : memref<100000x128xf32, #tpu.memory_space<hbm>> -> memref<100000x128xf32, #tpu.memory_space<hbm>>
      tpu.wait_indirect_dma semaphore(%arg14 : memref<!tpu.dma_semaphore, #tpu.memory_space<semaphore_mem>>) src(%dma_wait3A_86 : memref<100000x128xf32, #tpu.memory_space<hbm>>) dst(%arg8 : memref<256x128xf32, #tpu.memory_space<vmem>>)
      %add3A_87 = arith.constant 2 : i32
      %add3A_88 = arith.addi %add3A_76, %add3A_87 : i32
      %lt3A_89 = arith.constant 64 : i32
      %lt3A_90 = arith.cmpi slt, %add3A_88, %lt3A_89 : i32
      %convert_element_type3A_91 = arith.extui %lt3A_90 : i1 to i32
      %cond3A_92 = arith.constant 0 : i32
      %cond3A_93 = arith.cmpi ne, %convert_element_type3A_91, %cond3A_92 : i32
      scf.if %cond3A_93 {
        %add3A_111 = arith.constant 2 : i32
        %add3A_112 = arith.addi %add3A_76, %add3A_111 : i32
        %mul3A_113 = arith.constant 8 : i32
        %mul3A_114 = arith.muli %add3A_112, %mul3A_113 : i32
        %add3A_115 = arith.addi %mul3A_2, %mul3A_114 : i32
        %mul3A_116 = arith.constant 32 : i32
        %mul3A_117 = arith.muli %add3A_115, %mul3A_116 : i32
        %dma_start3A_118 = tpu.memref_slice %arg3[%mul3A_117] : memref<524288xi32, #tpu.memory_space<hbm>> -> memref<256xi32, #tpu.memory_space<hbm>>
        %dma_start3A_119 = tpu.memref_slice %arg3[%mul3A_117] : memref<524288xi32, #tpu.memory_space<hbm>> -> memref<256xi32, #tpu.memory_space<hbm>>
        tpu.enqueue_dma source(%dma_start3A_119 : memref<256xi32, #tpu.memory_space<hbm>>) target(%arg6 : memref<256xi32, #tpu.memory_space<vmem>>) target_semaphore(%arg12 : memref<!tpu.dma_semaphore, #tpu.memory_space<semaphore_mem>>)
      } else {
      }
      %ge3A_94 = arith.constant 2 : i32
      %ge3A_95 = arith.cmpi sge, %add3A_76, %ge3A_94 : i32
      %convert_element_type3A_96 = arith.extui %ge3A_95 : i1 to i32
      %cond3A_97 = arith.constant 0 : i32
      %cond3A_98 = arith.cmpi ne, %convert_element_type3A_96, %cond3A_97 : i32
      scf.if %cond3A_98 {
        %sub3A = arith.constant 2 : i32
        %sub3A_111 = arith.subi %add3A_76, %sub3A : i32
        %mul3A_112 = arith.constant 8 : i32
        %mul3A_113 = arith.muli %sub3A_111, %mul3A_112 : i32
        %add3A_114 = arith.addi %mul3A_2, %mul3A_113 : i32
        %dma_wait3A_115 = arith.constant 0 : i32
        %dma_wait3A_116 = tpu.memref_slice %arg4[%add3A_114, %dma_wait3A_115] : memref<16384x128xf32, #tpu.memory_space<hbm>> -> memref<8x128xf32, #tpu.memory_space<hbm>>
        %dma_wait3A_117 = arith.constant 0 : i32
        %dma_wait3A_118 = tpu.memref_slice %arg4[%add3A_114, %dma_wait3A_117] : memref<16384x128xf32, #tpu.memory_space<hbm>> -> memref<8x128xf32, #tpu.memory_space<hbm>>
        tpu.wait_dma2 semaphore(%arg16 : memref<!tpu.dma_semaphore, #tpu.memory_space<semaphore_mem>>) src(%arg10 : memref<8x128xf32, #tpu.memory_space<vmem>>) dst(%dma_wait3A_118 : memref<8x128xf32, #tpu.memory_space<hbm>>)
      } else {
      }
      %scan3A_99 = arith.constant 0 : i32
      %scan3A_100 = arith.constant 8 : i32
      %scan3A_101 = arith.addi %scan3A_99, %scan3A_100 : i32
      %scan3A_102 = arith.constant 1 : i32
      scf.for %scan3A_111 = %scan3A_99 to %scan3A_101 step %scan3A_102  : i32 {
        %mul3A_112 = arith.constant 1 : i32
        %mul3A_113 = arith.muli %scan3A_111, %mul3A_112 : i32
        %add3A_114 = arith.constant 0 : i32
        %add3A_115 = arith.addi %add3A_114, %mul3A_113 : i32
        %mul3A_116 = arith.constant 32 : i32
        %mul3A_117 = arith.muli %add3A_115, %mul3A_116 : i32
        %add3A_118 = arith.constant 0 : i32
        %add3A_119 = arith.addi %mul3A_117, %add3A_118 : i32
        %get3A = arith.index_cast %add3A_119 : i32 to index
        %get3A_120 = arith.constant 0 : index
        %get3A_121 = tpu.vector_load %arg8[%get3A, %get3A_120] {strides = array<i32>} : memref<256x128xf32, #tpu.memory_space<vmem>>, vector<1x16xf32>,
        %get3A_122 = vector.shape_cast %get3A_121 : vector<1x16xf32> to vector<16xf32>
        %add3A_123 = arith.constant 1 : i32
        %add3A_124 = arith.addi %mul3A_117, %add3A_123 : i32
        %get3A_125 = arith.index_cast %add3A_124 : i32 to index
        %get3A_126 = arith.constant 0 : index
        %get3A_127 = tpu.vector_load %arg8[%get3A_125, %get3A_126] {strides = array<i32>} : memref<256x128xf32, #tpu.memory_space<vmem>>, vector<1x16xf32>,
        %get3A_128 = vector.shape_cast %get3A_127 : vector<1x16xf32> to vector<16xf32>
        %add3A_129 = arith.constant 2 : i32
        %add3A_130 = arith.addi %mul3A_117, %add3A_129 : i32
        %get3A_131 = arith.index_cast %add3A_130 : i32 to index
        %get3A_132 = arith.constant 0 : index
        %get3A_133 = tpu.vector_load %arg8[%get3A_131, %get3A_132] {strides = array<i32>} : memref<256x128xf32, #tpu.memory_space<vmem>>, vector<1x16xf32>,
        %get3A_134 = vector.shape_cast %get3A_133 : vector<1x16xf32> to vector<16xf32>
        %add3A_135 = arith.constant 3 : i32
        %add3A_136 = arith.addi %mul3A_117, %add3A_135 : i32
        %get3A_137 = arith.index_cast %add3A_136 : i32 to index
        %get3A_138 = arith.constant 0 : index
        %get3A_139 = tpu.vector_load %arg8[%get3A_137, %get3A_138] {strides = array<i32>} : memref<256x128xf32, #tpu.memory_space<vmem>>, vector<1x16xf32>,
        %get3A_140 = vector.shape_cast %get3A_139 : vector<1x16xf32> to vector<16xf32>
        %add3A_141 = arith.constant 4 : i32
        %add3A_142 = arith.addi %mul3A_117, %add3A_141 : i32
        %get3A_143 = arith.index_cast %add3A_142 : i32 to index
        %get3A_144 = arith.constant 0 : index
        %get3A_145 = tpu.vector_load %arg8[%get3A_143, %get3A_144] {strides = array<i32>} : memref<256x128xf32, #tpu.memory_space<vmem>>, vector<1x16xf32>,
        %get3A_146 = vector.shape_cast %get3A_145 : vector<1x16xf32> to vector<16xf32>
        %add3A_147 = arith.constant 5 : i32
        %add3A_148 = arith.addi %mul3A_117, %add3A_147 : i32
        %get3A_149 = arith.index_cast %add3A_148 : i32 to index
        %get3A_150 = arith.constant 0 : index
        %get3A_151 = tpu.vector_load %arg8[%get3A_149, %get3A_150] {strides = array<i32>} : memref<256x128xf32, #tpu.memory_space<vmem>>, vector<1x16xf32>,
        %get3A_152 = vector.shape_cast %get3A_151 : vector<1x16xf32> to vector<16xf32>
        %add3A_153 = arith.constant 6 : i32
        %add3A_154 = arith.addi %mul3A_117, %add3A_153 : i32
        %get3A_155 = arith.index_cast %add3A_154 : i32 to index
        %get3A_156 = arith.constant 0 : index
        %get3A_157 = tpu.vector_load %arg8[%get3A_155, %get3A_156] {strides = array<i32>} : memref<256x128xf32, #tpu.memory_space<vmem>>, vector<1x16xf32>,
        %get3A_158 = vector.shape_cast %get3A_157 : vector<1x16xf32> to vector<16xf32>
        %add3A_159 = arith.constant 7 : i32
        %add3A_160 = arith.addi %mul3A_117, %add3A_159 : i32
        %get3A_161 = arith.index_cast %add3A_160 : i32 to index
        %get3A_162 = arith.constant 0 : index
        %get3A_163 = tpu.vector_load %arg8[%get3A_161, %get3A_162] {strides = array<i32>} : memref<256x128xf32, #tpu.memory_space<vmem>>, vector<1x16xf32>,
        %get3A_164 = vector.shape_cast %get3A_163 : vector<1x16xf32> to vector<16xf32>
        %add3A_165 = arith.constant 8 : i32
        %add3A_166 = arith.addi %mul3A_117, %add3A_165 : i32
        %get3A_167 = arith.index_cast %add3A_166 : i32 to index
        %get3A_168 = arith.constant 0 : index
        %get3A_169 = tpu.vector_load %arg8[%get3A_167, %get3A_168] {strides = array<i32>} : memref<256x128xf32, #tpu.memory_space<vmem>>, vector<1x16xf32>,
        %get3A_170 = vector.shape_cast %get3A_169 : vector<1x16xf32> to vector<16xf32>
        %add3A_171 = arith.constant 9 : i32
        %add3A_172 = arith.addi %mul3A_117, %add3A_171 : i32
        %get3A_173 = arith.index_cast %add3A_172 : i32 to index
        %get3A_174 = arith.constant 0 : index
        %get3A_175 = tpu.vector_load %arg8[%get3A_173, %get3A_174] {strides = array<i32>} : memref<256x128xf32, #tpu.memory_space<vmem>>, vector<1x16xf32>,
        %get3A_176 = vector.shape_cast %get3A_175 : vector<1x16xf32> to vector<16xf32>
        %add3A_177 = arith.constant 10 : i32
        %add3A_178 = arith.addi %mul3A_117, %add3A_177 : i32
        %get3A_179 = arith.index_cast %add3A_178 : i32 to index
        %get3A_180 = arith.constant 0 : index
        %get3A_181 = tpu.vector_load %arg8[%get3A_179, %get3A_180] {strides = array<i32>} : memref<256x128xf32, #tpu.memory_space<vmem>>, vector<1x16xf32>,
        %get3A_182 = vector.shape_cast %get3A_181 : vector<1x16xf32> to vector<16xf32>
        %add3A_183 = arith.constant 11 : i32
        %add3A_184 = arith.addi %mul3A_117, %add3A_183 : i32
        %get3A_185 = arith.index_cast %add3A_184 : i32 to index
        %get3A_186 = arith.constant 0 : index
        %get3A_187 = tpu.vector_load %arg8[%get3A_185, %get3A_186] {strides = array<i32>} : memref<256x128xf32, #tpu.memory_space<vmem>>, vector<1x16xf32>,
        %get3A_188 = vector.shape_cast %get3A_187 : vector<1x16xf32> to vector<16xf32>
        %add3A_189 = arith.constant 12 : i32
        %add3A_190 = arith.addi %mul3A_117, %add3A_189 : i32
        %get3A_191 = arith.index_cast %add3A_190 : i32 to index
        %get3A_192 = arith.constant 0 : index
        %get3A_193 = tpu.vector_load %arg8[%get3A_191, %get3A_192] {strides = array<i32>} : memref<256x128xf32, #tpu.memory_space<vmem>>, vector<1x16xf32>,
        %get3A_194 = vector.shape_cast %get3A_193 : vector<1x16xf32> to vector<16xf32>
        %add3A_195 = arith.constant 13 : i32
        %add3A_196 = arith.addi %mul3A_117, %add3A_195 : i32
        %get3A_197 = arith.index_cast %add3A_196 : i32 to index
        %get3A_198 = arith.constant 0 : index
        %get3A_199 = tpu.vector_load %arg8[%get3A_197, %get3A_198] {strides = array<i32>} : memref<256x128xf32, #tpu.memory_space<vmem>>, vector<1x16xf32>,
        %get3A_200 = vector.shape_cast %get3A_199 : vector<1x16xf32> to vector<16xf32>
        %add3A_201 = arith.constant 14 : i32
        %add3A_202 = arith.addi %mul3A_117, %add3A_201 : i32
        %get3A_203 = arith.index_cast %add3A_202 : i32 to index
        %get3A_204 = arith.constant 0 : index
        %get3A_205 = tpu.vector_load %arg8[%get3A_203, %get3A_204] {strides = array<i32>} : memref<256x128xf32, #tpu.memory_space<vmem>>, vector<1x16xf32>,
        %get3A_206 = vector.shape_cast %get3A_205 : vector<1x16xf32> to vector<16xf32>
        %add3A_207 = arith.constant 15 : i32
        %add3A_208 = arith.addi %mul3A_117, %add3A_207 : i32
        %get3A_209 = arith.index_cast %add3A_208 : i32 to index
        %get3A_210 = arith.constant 0 : index
        %get3A_211 = tpu.vector_load %arg8[%get3A_209, %get3A_210] {strides = array<i32>} : memref<256x128xf32, #tpu.memory_space<vmem>>, vector<1x16xf32>,
        %get3A_212 = vector.shape_cast %get3A_211 : vector<1x16xf32> to vector<16xf32>
        %add3A_213 = arith.constant 16 : i32
        %add3A_214 = arith.addi %mul3A_117, %add3A_213 : i32
        %get3A_215 = arith.index_cast %add3A_214 : i32 to index
        %get3A_216 = arith.constant 0 : index
        %get3A_217 = tpu.vector_load %arg8[%get3A_215, %get3A_216] {strides = array<i32>} : memref<256x128xf32, #tpu.memory_space<vmem>>, vector<1x16xf32>,
        %get3A_218 = vector.shape_cast %get3A_217 : vector<1x16xf32> to vector<16xf32>
        %add3A_219 = arith.constant 17 : i32
        %add3A_220 = arith.addi %mul3A_117, %add3A_219 : i32
        %get3A_221 = arith.index_cast %add3A_220 : i32 to index
        %get3A_222 = arith.constant 0 : index
        %get3A_223 = tpu.vector_load %arg8[%get3A_221, %get3A_222] {strides = array<i32>} : memref<256x128xf32, #tpu.memory_space<vmem>>, vector<1x16xf32>,
        %get3A_224 = vector.shape_cast %get3A_223 : vector<1x16xf32> to vector<16xf32>
        %add3A_225 = arith.constant 18 : i32
        %add3A_226 = arith.addi %mul3A_117, %add3A_225 : i32
        %get3A_227 = arith.index_cast %add3A_226 : i32 to index
        %get3A_228 = arith.constant 0 : index
        %get3A_229 = tpu.vector_load %arg8[%get3A_227, %get3A_228] {strides = array<i32>} : memref<256x128xf32, #tpu.memory_space<vmem>>, vector<1x16xf32>,
        %get3A_230 = vector.shape_cast %get3A_229 : vector<1x16xf32> to vector<16xf32>
        %add3A_231 = arith.constant 19 : i32
        %add3A_232 = arith.addi %mul3A_117, %add3A_231 : i32
        %get3A_233 = arith.index_cast %add3A_232 : i32 to index
        %get3A_234 = arith.constant 0 : index
        %get3A_235 = tpu.vector_load %arg8[%get3A_233, %get3A_234] {strides = array<i32>} : memref<256x128xf32, #tpu.memory_space<vmem>>, vector<1x16xf32>,
        %get3A_236 = vector.shape_cast %get3A_235 : vector<1x16xf32> to vector<16xf32>
        %add3A_237 = arith.constant 20 : i32
        %add3A_238 = arith.addi %mul3A_117, %add3A_237 : i32
        %get3A_239 = arith.index_cast %add3A_238 : i32 to index
        %get3A_240 = arith.constant 0 : index
        %get3A_241 = tpu.vector_load %arg8[%get3A_239, %get3A_240] {strides = array<i32>} : memref<256x128xf32, #tpu.memory_space<vmem>>, vector<1x16xf32>,
        %get3A_242 = vector.shape_cast %get3A_241 : vector<1x16xf32> to vector<16xf32>
        %add3A_243 = arith.constant 21 : i32
        %add3A_244 = arith.addi %mul3A_117, %add3A_243 : i32
        %get3A_245 = arith.index_cast %add3A_244 : i32 to index
        %get3A_246 = arith.constant 0 : index
        %get3A_247 = tpu.vector_load %arg8[%get3A_245, %get3A_246] {strides = array<i32>} : memref<256x128xf32, #tpu.memory_space<vmem>>, vector<1x16xf32>,
        %get3A_248 = vector.shape_cast %get3A_247 : vector<1x16xf32> to vector<16xf32>
        %add3A_249 = arith.constant 22 : i32
        %add3A_250 = arith.addi %mul3A_117, %add3A_249 : i32
        %get3A_251 = arith.index_cast %add3A_250 : i32 to index
        %get3A_252 = arith.constant 0 : index
        %get3A_253 = tpu.vector_load %arg8[%get3A_251, %get3A_252] {strides = array<i32>} : memref<256x128xf32, #tpu.memory_space<vmem>>, vector<1x16xf32>,
        %get3A_254 = vector.shape_cast %get3A_253 : vector<1x16xf32> to vector<16xf32>
        %add3A_255 = arith.constant 23 : i32
        %add3A_256 = arith.addi %mul3A_117, %add3A_255 : i32
        %get3A_257 = arith.index_cast %add3A_256 : i32 to index
        %get3A_258 = arith.constant 0 : index
        %get3A_259 = tpu.vector_load %arg8[%get3A_257, %get3A_258] {strides = array<i32>} : memref<256x128xf32, #tpu.memory_space<vmem>>, vector<1x16xf32>,
        %get3A_260 = vector.shape_cast %get3A_259 : vector<1x16xf32> to vector<16xf32>
        %add3A_261 = arith.constant 24 : i32
        %add3A_262 = arith.addi %mul3A_117, %add3A_261 : i32
        %get3A_263 = arith.index_cast %add3A_262 : i32 to index
        %get3A_264 = arith.constant 0 : index
        %get3A_265 = tpu.vector_load %arg8[%get3A_263, %get3A_264] {strides = array<i32>} : memref<256x128xf32, #tpu.memory_space<vmem>>, vector<1x16xf32>,
        %get3A_266 = vector.shape_cast %get3A_265 : vector<1x16xf32> to vector<16xf32>
        %add3A_267 = arith.constant 25 : i32
        %add3A_268 = arith.addi %mul3A_117, %add3A_267 : i32
        %get3A_269 = arith.index_cast %add3A_268 : i32 to index
        %get3A_270 = arith.constant 0 : index
        %get3A_271 = tpu.vector_load %arg8[%get3A_269, %get3A_270] {strides = array<i32>} : memref<256x128xf32, #tpu.memory_space<vmem>>, vector<1x16xf32>,
        %get3A_272 = vector.shape_cast %get3A_271 : vector<1x16xf32> to vector<16xf32>
        %add3A_273 = arith.constant 26 : i32
        %add3A_274 = arith.addi %mul3A_117, %add3A_273 : i32
        %get3A_275 = arith.index_cast %add3A_274 : i32 to index
        %get3A_276 = arith.constant 0 : index
        %get3A_277 = tpu.vector_load %arg8[%get3A_275, %get3A_276] {strides = array<i32>} : memref<256x128xf32, #tpu.memory_space<vmem>>, vector<1x16xf32>,
        %get3A_278 = vector.shape_cast %get3A_277 : vector<1x16xf32> to vector<16xf32>
        %add3A_279 = arith.constant 27 : i32
        %add3A_280 = arith.addi %mul3A_117, %add3A_279 : i32
        %get3A_281 = arith.index_cast %add3A_280 : i32 to index
        %get3A_282 = arith.constant 0 : index
        %get3A_283 = tpu.vector_load %arg8[%get3A_281, %get3A_282] {strides = array<i32>} : memref<256x128xf32, #tpu.memory_space<vmem>>, vector<1x16xf32>,
        %get3A_284 = vector.shape_cast %get3A_283 : vector<1x16xf32> to vector<16xf32>
        %add3A_285 = arith.constant 28 : i32
        %add3A_286 = arith.addi %mul3A_117, %add3A_285 : i32
        %get3A_287 = arith.index_cast %add3A_286 : i32 to index
        %get3A_288 = arith.constant 0 : index
        %get3A_289 = tpu.vector_load %arg8[%get3A_287, %get3A_288] {strides = array<i32>} : memref<256x128xf32, #tpu.memory_space<vmem>>, vector<1x16xf32>,
        %get3A_290 = vector.shape_cast %get3A_289 : vector<1x16xf32> to vector<16xf32>
        %add3A_291 = arith.constant 29 : i32
        %add3A_292 = arith.addi %mul3A_117, %add3A_291 : i32
        %get3A_293 = arith.index_cast %add3A_292 : i32 to index
        %get3A_294 = arith.constant 0 : index
        %get3A_295 = tpu.vector_load %arg8[%get3A_293, %get3A_294] {strides = array<i32>} : memref<256x128xf32, #tpu.memory_space<vmem>>, vector<1x16xf32>,
        %get3A_296 = vector.shape_cast %get3A_295 : vector<1x16xf32> to vector<16xf32>
        %add3A_297 = arith.constant 30 : i32
        %add3A_298 = arith.addi %mul3A_117, %add3A_297 : i32
        %get3A_299 = arith.index_cast %add3A_298 : i32 to index
        %get3A_300 = arith.constant 0 : index
        %get3A_301 = tpu.vector_load %arg8[%get3A_299, %get3A_300] {strides = array<i32>} : memref<256x128xf32, #tpu.memory_space<vmem>>, vector<1x16xf32>,
        %get3A_302 = vector.shape_cast %get3A_301 : vector<1x16xf32> to vector<16xf32>
        %add3A_303 = arith.constant 31 : i32
        %add3A_304 = arith.addi %mul3A_117, %add3A_303 : i32
        %get3A_305 = arith.index_cast %add3A_304 : i32 to index
        %get3A_306 = arith.constant 0 : index
        %get3A_307 = tpu.vector_load %arg8[%get3A_305, %get3A_306] {strides = array<i32>} : memref<256x128xf32, #tpu.memory_space<vmem>>, vector<1x16xf32>,
        %get3A_308 = vector.shape_cast %get3A_307 : vector<1x16xf32> to vector<16xf32>
        %add3A_309 = arith.addf %get3A_122, %get3A_128 : vector<16xf32>
        %add3A_310 = arith.addf %get3A_134, %get3A_140 : vector<16xf32>
        %add3A_311 = arith.addf %get3A_146, %get3A_152 : vector<16xf32>
        %add3A_312 = arith.addf %get3A_158, %get3A_164 : vector<16xf32>
        %add3A_313 = arith.addf %get3A_170, %get3A_176 : vector<16xf32>
        %add3A_314 = arith.addf %get3A_182, %get3A_188 : vector<16xf32>
        %add3A_315 = arith.addf %get3A_194, %get3A_200 : vector<16xf32>
        %add3A_316 = arith.addf %get3A_206, %get3A_212 : vector<16xf32>
        %add3A_317 = arith.addf %get3A_218, %get3A_224 : vector<16xf32>
        %add3A_318 = arith.addf %get3A_230, %get3A_236 : vector<16xf32>
        %add3A_319 = arith.addf %get3A_242, %get3A_248 : vector<16xf32>
        %add3A_320 = arith.addf %get3A_254, %get3A_260 : vector<16xf32>
        %add3A_321 = arith.addf %get3A_266, %get3A_272 : vector<16xf32>
        %add3A_322 = arith.addf %get3A_278, %get3A_284 : vector<16xf32>
        %add3A_323 = arith.addf %get3A_290, %get3A_296 : vector<16xf32>
        %add3A_324 = arith.addf %get3A_302, %get3A_308 : vector<16xf32>
        %add3A_325 = arith.addf %add3A_309, %add3A_310 : vector<16xf32>
        %add3A_326 = arith.addf %add3A_311, %add3A_312 : vector<16xf32>
        %add3A_327 = arith.addf %add3A_313, %add3A_314 : vector<16xf32>
        %add3A_328 = arith.addf %add3A_315, %add3A_316 : vector<16xf32>
        %add3A_329 = arith.addf %add3A_317, %add3A_318 : vector<16xf32>
        %add3A_330 = arith.addf %add3A_319, %add3A_320 : vector<16xf32>
        %add3A_331 = arith.addf %add3A_321, %add3A_322 : vector<16xf32>
        %add3A_332 = arith.addf %add3A_323, %add3A_324 : vector<16xf32>
        %add3A_333 = arith.addf %add3A_325, %add3A_326 : vector<16xf32>
        %add3A_334 = arith.addf %add3A_327, %add3A_328 : vector<16xf32>
        %add3A_335 = arith.addf %add3A_329, %add3A_330 : vector<16xf32>
        %add3A_336 = arith.addf %add3A_331, %add3A_332 : vector<16xf32>
        %add3A_337 = arith.addf %add3A_333, %add3A_334 : vector<16xf32>
        %add3A_338 = arith.addf %add3A_335, %add3A_336 : vector<16xf32>
        %add3A_339 = arith.addf %add3A_337, %add3A_338 : vector<16xf32>
        %mul3A_340 = arith.constant 3.125000e-02 : f32
        %mul3A_341 = vector.broadcast %mul3A_340 : f32 to vector<16xf32>
        %mul3A_342 = arith.mulf %add3A_339, %mul3A_341 : vector<16xf32>
        %swap3A = arith.index_cast %add3A_115 : i32 to index
        %swap3A_343 = arith.constant 0 : index
        %swap3A_344 = tpu.vector_load %arg10[%swap3A, %swap3A_343] {strides = array<i32>} : memref<8x128xf32, #tpu.memory_space<vmem>>, vector<1x16xf32>,
        %swap3A_345 = vector.shape_cast %swap3A_344 : vector<1x16xf32> to vector<16xf32>
        %swap3A_346 = vector.shape_cast %mul3A_342 : vector<16xf32> to vector<1x16xf32>
        tpu.vector_store %arg10[%swap3A, %swap3A_343], %swap3A_346 {strides = array<i32>} : memref<8x128xf32, #tpu.memory_space<vmem>>, vector<1x16xf32>,
        %add3A_347 = arith.constant 0 : i32
        %add3A_348 = arith.addi %mul3A_117, %add3A_347 : i32
        %get3A_349 = arith.index_cast %add3A_348 : i32 to index
        %get3A_350 = arith.constant 16 : index
        %get3A_351 = tpu.vector_load %arg8[%get3A_349, %get3A_350] {strides = array<i32>} : memref<256x128xf32, #tpu.memory_space<vmem>>, vector<1x16xf32>,
        %get3A_352 = vector.shape_cast %get3A_351 : vector<1x16xf32> to vector<16xf32>
        %add3A_353 = arith.constant 1 : i32
        %add3A_354 = arith.addi %mul3A_117, %add3A_353 : i32
        %get3A_355 = arith.index_cast %add3A_354 : i32 to index
        %get3A_356 = arith.constant 16 : index
        %get3A_357 = tpu.vector_load %arg8[%get3A_355, %get3A_356] {strides = array<i32>} : memref<256x128xf32, #tpu.memory_space<vmem>>, vector<1x16xf32>,
        %get3A_358 = vector.shape_cast %get3A_357 : vector<1x16xf32> to vector<16xf32>
        %add3A_359 = arith.constant 2 : i32
        %add3A_360 = arith.addi %mul3A_117, %add3A_359 : i32
        %get3A_361 = arith.index_cast %add3A_360 : i32 to index
        %get3A_362 = arith.constant 16 : index
        %get3A_363 = tpu.vector_load %arg8[%get3A_361, %get3A_362] {strides = array<i32>} : memref<256x128xf32, #tpu.memory_space<vmem>>, vector<1x16xf32>,
        %get3A_364 = vector.shape_cast %get3A_363 : vector<1x16xf32> to vector<16xf32>
        %add3A_365 = arith.constant 3 : i32
        %add3A_366 = arith.addi %mul3A_117, %add3A_365 : i32
        %get3A_367 = arith.index_cast %add3A_366 : i32 to index
        %get3A_368 = arith.constant 16 : index
        %get3A_369 = tpu.vector_load %arg8[%get3A_367, %get3A_368] {strides = array<i32>} : memref<256x128xf32, #tpu.memory_space<vmem>>, vector<1x16xf32>,
        %get3A_370 = vector.shape_cast %get3A_369 : vector<1x16xf32> to vector<16xf32>
        %add3A_371 = arith.constant 4 : i32
        %add3A_372 = arith.addi %mul3A_117, %add3A_371 : i32
        %get3A_373 = arith.index_cast %add3A_372 : i32 to index
        %get3A_374 = arith.constant 16 : index
        %get3A_375 = tpu.vector_load %arg8[%get3A_373, %get3A_374] {strides = array<i32>} : memref<256x128xf32, #tpu.memory_space<vmem>>, vector<1x16xf32>,
        %get3A_376 = vector.shape_cast %get3A_375 : vector<1x16xf32> to vector<16xf32>
        %add3A_377 = arith.constant 5 : i32
        %add3A_378 = arith.addi %mul3A_117, %add3A_377 : i32
        %get3A_379 = arith.index_cast %add3A_378 : i32 to index
        %get3A_380 = arith.constant 16 : index
        %get3A_381 = tpu.vector_load %arg8[%get3A_379, %get3A_380] {strides = array<i32>} : memref<256x128xf32, #tpu.memory_space<vmem>>, vector<1x16xf32>,
        %get3A_382 = vector.shape_cast %get3A_381 : vector<1x16xf32> to vector<16xf32>
        %add3A_383 = arith.constant 6 : i32
        %add3A_384 = arith.addi %mul3A_117, %add3A_383 : i32
        %get3A_385 = arith.index_cast %add3A_384 : i32 to index
        %get3A_386 = arith.constant 16 : index
        %get3A_387 = tpu.vector_load %arg8[%get3A_385, %get3A_386] {strides = array<i32>} : memref<256x128xf32, #tpu.memory_space<vmem>>, vector<1x16xf32>,
        %get3A_388 = vector.shape_cast %get3A_387 : vector<1x16xf32> to vector<16xf32>
        %add3A_389 = arith.constant 7 : i32
        %add3A_390 = arith.addi %mul3A_117, %add3A_389 : i32
        %get3A_391 = arith.index_cast %add3A_390 : i32 to index
        %get3A_392 = arith.constant 16 : index
        %get3A_393 = tpu.vector_load %arg8[%get3A_391, %get3A_392] {strides = array<i32>} : memref<256x128xf32, #tpu.memory_space<vmem>>, vector<1x16xf32>,
        %get3A_394 = vector.shape_cast %get3A_393 : vector<1x16xf32> to vector<16xf32>
        %add3A_395 = arith.constant 8 : i32
        %add3A_396 = arith.addi %mul3A_117, %add3A_395 : i32
        %get3A_397 = arith.index_cast %add3A_396 : i32 to index
        %get3A_398 = arith.constant 16 : index
        %get3A_399 = tpu.vector_load %arg8[%get3A_397, %get3A_398] {strides = array<i32>} : memref<256x128xf32, #tpu.memory_space<vmem>>, vector<1x16xf32>,
        %get3A_400 = vector.shape_cast %get3A_399 : vector<1x16xf32> to vector<16xf32>
        %add3A_401 = arith.constant 9 : i32
        %add3A_402 = arith.addi %mul3A_117, %add3A_401 : i32
        %get3A_403 = arith.index_cast %add3A_402 : i32 to index
        %get3A_404 = arith.constant 16 : index
        %get3A_405 = tpu.vector_load %arg8[%get3A_403, %get3A_404] {strides = array<i32>} : memref<256x128xf32, #tpu.memory_space<vmem>>, vector<1x16xf32>,
        %get3A_406 = vector.shape_cast %get3A_405 : vector<1x16xf32> to vector<16xf32>
        %add3A_407 = arith.constant 10 : i32
        %add3A_408 = arith.addi %mul3A_117, %add3A_407 : i32
        %get3A_409 = arith.index_cast %add3A_408 : i32 to index
        %get3A_410 = arith.constant 16 : index
        %get3A_411 = tpu.vector_load %arg8[%get3A_409, %get3A_410] {strides = array<i32>} : memref<256x128xf32, #tpu.memory_space<vmem>>, vector<1x16xf32>,
        %get3A_412 = vector.shape_cast %get3A_411 : vector<1x16xf32> to vector<16xf32>
        %add3A_413 = arith.constant 11 : i32
        %add3A_414 = arith.addi %mul3A_117, %add3A_413 : i32
        %get3A_415 = arith.index_cast %add3A_414 : i32 to index
        %get3A_416 = arith.constant 16 : index
        %get3A_417 = tpu.vector_load %arg8[%get3A_415, %get3A_416] {strides = array<i32>} : memref<256x128xf32, #tpu.memory_space<vmem>>, vector<1x16xf32>,
        %get3A_418 = vector.shape_cast %get3A_417 : vector<1x16xf32> to vector<16xf32>
        %add3A_419 = arith.constant 12 : i32
        %add3A_420 = arith.addi %mul3A_117, %add3A_419 : i32
        %get3A_421 = arith.index_cast %add3A_420 : i32 to index
        %get3A_422 = arith.constant 16 : index
        %get3A_423 = tpu.vector_load %arg8[%get3A_421, %get3A_422] {strides = array<i32>} : memref<256x128xf32, #tpu.memory_space<vmem>>, vector<1x16xf32>,
        %get3A_424 = vector.shape_cast %get3A_423 : vector<1x16xf32> to vector<16xf32>
        %add3A_425 = arith.constant 13 : i32
        %add3A_426 = arith.addi %mul3A_117, %add3A_425 : i32
        %get3A_427 = arith.index_cast %add3A_426 : i32 to index
        %get3A_428 = arith.constant 16 : index
        %get3A_429 = tpu.vector_load %arg8[%get3A_427, %get3A_428] {strides = array<i32>} : memref<256x128xf32, #tpu.memory_space<vmem>>, vector<1x16xf32>,
        %get3A_430 = vector.shape_cast %get3A_429 : vector<1x16xf32> to vector<16xf32>
        %add3A_431 = arith.constant 14 : i32
        %add3A_432 = arith.addi %mul3A_117, %add3A_431 : i32
        %get3A_433 = arith.index_cast %add3A_432 : i32 to index
        %get3A_434 = arith.constant 16 : index
        %get3A_435 = tpu.vector_load %arg8[%get3A_433, %get3A_434] {strides = array<i32>} : memref<256x128xf32, #tpu.memory_space<vmem>>, vector<1x16xf32>,
        %get3A_436 = vector.shape_cast %get3A_435 : vector<1x16xf32> to vector<16xf32>
        %add3A_437 = arith.constant 15 : i32
        %add3A_438 = arith.addi %mul3A_117, %add3A_437 : i32
        %get3A_439 = arith.index_cast %add3A_438 : i32 to index
        %get3A_440 = arith.constant 16 : index
        %get3A_441 = tpu.vector_load %arg8[%get3A_439, %get3A_440] {strides = array<i32>} : memref<256x128xf32, #tpu.memory_space<vmem>>, vector<1x16xf32>,
        %get3A_442 = vector.shape_cast %get3A_441 : vector<1x16xf32> to vector<16xf32>
        %add3A_443 = arith.constant 16 : i32
        %add3A_444 = arith.addi %mul3A_117, %add3A_443 : i32
        %get3A_445 = arith.index_cast %add3A_444 : i32 to index
        %get3A_446 = arith.constant 16 : index
        %get3A_447 = tpu.vector_load %arg8[%get3A_445, %get3A_446] {strides = array<i32>} : memref<256x128xf32, #tpu.memory_space<vmem>>, vector<1x16xf32>,
        %get3A_448 = vector.shape_cast %get3A_447 : vector<1x16xf32> to vector<16xf32>
        %add3A_449 = arith.constant 17 : i32
        %add3A_450 = arith.addi %mul3A_117, %add3A_449 : i32
        %get3A_451 = arith.index_cast %add3A_450 : i32 to index
        %get3A_452 = arith.constant 16 : index
        %get3A_453 = tpu.vector_load %arg8[%get3A_451, %get3A_452] {strides = array<i32>} : memref<256x128xf32, #tpu.memory_space<vmem>>, vector<1x16xf32>,
        %get3A_454 = vector.shape_cast %get3A_453 : vector<1x16xf32> to vector<16xf32>
        %add3A_455 = arith.constant 18 : i32
        %add3A_456 = arith.addi %mul3A_117, %add3A_455 : i32
        %get3A_457 = arith.index_cast %add3A_456 : i32 to index
        %get3A_458 = arith.constant 16 : index
        %get3A_459 = tpu.vector_load %arg8[%get3A_457, %get3A_458] {strides = array<i32>} : memref<256x128xf32, #tpu.memory_space<vmem>>, vector<1x16xf32>,
        %get3A_460 = vector.shape_cast %get3A_459 : vector<1x16xf32> to vector<16xf32>
        %add3A_461 = arith.constant 19 : i32
        %add3A_462 = arith.addi %mul3A_117, %add3A_461 : i32
        %get3A_463 = arith.index_cast %add3A_462 : i32 to index
        %get3A_464 = arith.constant 16 : index
        %get3A_465 = tpu.vector_load %arg8[%get3A_463, %get3A_464] {strides = array<i32>} : memref<256x128xf32, #tpu.memory_space<vmem>>, vector<1x16xf32>,
        %get3A_466 = vector.shape_cast %get3A_465 : vector<1x16xf32> to vector<16xf32>
        %add3A_467 = arith.constant 20 : i32
        %add3A_468 = arith.addi %mul3A_117, %add3A_467 : i32
        %get3A_469 = arith.index_cast %add3A_468 : i32 to index
        %get3A_470 = arith.constant 16 : index
        %get3A_471 = tpu.vector_load %arg8[%get3A_469, %get3A_470] {strides = array<i32>} : memref<256x128xf32, #tpu.memory_space<vmem>>, vector<1x16xf32>,
        %get3A_472 = vector.shape_cast %get3A_471 : vector<1x16xf32> to vector<16xf32>
        %add3A_473 = arith.constant 21 : i32
        %add3A_474 = arith.addi %mul3A_117, %add3A_473 : i32
        %get3A_475 = arith.index_cast %add3A_474 : i32 to index
        %get3A_476 = arith.constant 16 : index
        %get3A_477 = tpu.vector_load %arg8[%get3A_475, %get3A_476] {strides = array<i32>} : memref<256x128xf32, #tpu.memory_space<vmem>>, vector<1x16xf32>,
        %get3A_478 = vector.shape_cast %get3A_477 : vector<1x16xf32> to vector<16xf32>
        %add3A_479 = arith.constant 22 : i32
        %add3A_480 = arith.addi %mul3A_117, %add3A_479 : i32
        %get3A_481 = arith.index_cast %add3A_480 : i32 to index
        %get3A_482 = arith.constant 16 : index
        %get3A_483 = tpu.vector_load %arg8[%get3A_481, %get3A_482] {strides = array<i32>} : memref<256x128xf32, #tpu.memory_space<vmem>>, vector<1x16xf32>,
        %get3A_484 = vector.shape_cast %get3A_483 : vector<1x16xf32> to vector<16xf32>
        %add3A_485 = arith.constant 23 : i32
        %add3A_486 = arith.addi %mul3A_117, %add3A_485 : i32
        %get3A_487 = arith.index_cast %add3A_486 : i32 to index
        %get3A_488 = arith.constant 16 : index
        %get3A_489 = tpu.vector_load %arg8[%get3A_487, %get3A_488] {strides = array<i32>} : memref<256x128xf32, #tpu.memory_space<vmem>>, vector<1x16xf32>,
        %get3A_490 = vector.shape_cast %get3A_489 : vector<1x16xf32> to vector<16xf32>
        %add3A_491 = arith.constant 24 : i32
        %add3A_492 = arith.addi %mul3A_117, %add3A_491 : i32
        %get3A_493 = arith.index_cast %add3A_492 : i32 to index
        %get3A_494 = arith.constant 16 : index
        %get3A_495 = tpu.vector_load %arg8[%get3A_493, %get3A_494] {strides = array<i32>} : memref<256x128xf32, #tpu.memory_space<vmem>>, vector<1x16xf32>,
        %get3A_496 = vector.shape_cast %get3A_495 : vector<1x16xf32> to vector<16xf32>
        %add3A_497 = arith.constant 25 : i32
        %add3A_498 = arith.addi %mul3A_117, %add3A_497 : i32
        %get3A_499 = arith.index_cast %add3A_498 : i32 to index
        %get3A_500 = arith.constant 16 : index
        %get3A_501 = tpu.vector_load %arg8[%get3A_499, %get3A_500] {strides = array<i32>} : memref<256x128xf32, #tpu.memory_space<vmem>>, vector<1x16xf32>,
        %get3A_502 = vector.shape_cast %get3A_501 : vector<1x16xf32> to vector<16xf32>
        %add3A_503 = arith.constant 26 : i32
        %add3A_504 = arith.addi %mul3A_117, %add3A_503 : i32
        %get3A_505 = arith.index_cast %add3A_504 : i32 to index
        %get3A_506 = arith.constant 16 : index
        %get3A_507 = tpu.vector_load %arg8[%get3A_505, %get3A_506] {strides = array<i32>} : memref<256x128xf32, #tpu.memory_space<vmem>>, vector<1x16xf32>,
        %get3A_508 = vector.shape_cast %get3A_507 : vector<1x16xf32> to vector<16xf32>
        %add3A_509 = arith.constant 27 : i32
        %add3A_510 = arith.addi %mul3A_117, %add3A_509 : i32
        %get3A_511 = arith.index_cast %add3A_510 : i32 to index
        %get3A_512 = arith.constant 16 : index
        %get3A_513 = tpu.vector_load %arg8[%get3A_511, %get3A_512] {strides = array<i32>} : memref<256x128xf32, #tpu.memory_space<vmem>>, vector<1x16xf32>,
        %get3A_514 = vector.shape_cast %get3A_513 : vector<1x16xf32> to vector<16xf32>
        %add3A_515 = arith.constant 28 : i32
        %add3A_516 = arith.addi %mul3A_117, %add3A_515 : i32
        %get3A_517 = arith.index_cast %add3A_516 : i32 to index
        %get3A_518 = arith.constant 16 : index
        %get3A_519 = tpu.vector_load %arg8[%get3A_517, %get3A_518] {strides = array<i32>} : memref<256x128xf32, #tpu.memory_space<vmem>>, vector<1x16xf32>,
        %get3A_520 = vector.shape_cast %get3A_519 : vector<1x16xf32> to vector<16xf32>
        %add3A_521 = arith.constant 29 : i32
        %add3A_522 = arith.addi %mul3A_117, %add3A_521 : i32
        %get3A_523 = arith.index_cast %add3A_522 : i32 to index
        %get3A_524 = arith.constant 16 : index
        %get3A_525 = tpu.vector_load %arg8[%get3A_523, %get3A_524] {strides = array<i32>} : memref<256x128xf32, #tpu.memory_space<vmem>>, vector<1x16xf32>,
        %get3A_526 = vector.shape_cast %get3A_525 : vector<1x16xf32> to vector<16xf32>
        %add3A_527 = arith.constant 30 : i32
        %add3A_528 = arith.addi %mul3A_117, %add3A_527 : i32
        %get3A_529 = arith.index_cast %add3A_528 : i32 to index
        %get3A_530 = arith.constant 16 : index
        %get3A_531 = tpu.vector_load %arg8[%get3A_529, %get3A_530] {strides = array<i32>} : memref<256x128xf32, #tpu.memory_space<vmem>>, vector<1x16xf32>,
        %get3A_532 = vector.shape_cast %get3A_531 : vector<1x16xf32> to vector<16xf32>
        %add3A_533 = arith.constant 31 : i32
        %add3A_534 = arith.addi %mul3A_117, %add3A_533 : i32
        %get3A_535 = arith.index_cast %add3A_534 : i32 to index
        %get3A_536 = arith.constant 16 : index
        %get3A_537 = tpu.vector_load %arg8[%get3A_535, %get3A_536] {strides = array<i32>} : memref<256x128xf32, #tpu.memory_space<vmem>>, vector<1x16xf32>,
        %get3A_538 = vector.shape_cast %get3A_537 : vector<1x16xf32> to vector<16xf32>
        %add3A_539 = arith.addf %get3A_352, %get3A_358 : vector<16xf32>
        %add3A_540 = arith.addf %get3A_364, %get3A_370 : vector<16xf32>
        %add3A_541 = arith.addf %get3A_376, %get3A_382 : vector<16xf32>
        %add3A_542 = arith.addf %get3A_388, %get3A_394 : vector<16xf32>
        %add3A_543 = arith.addf %get3A_400, %get3A_406 : vector<16xf32>
        %add3A_544 = arith.addf %get3A_412, %get3A_418 : vector<16xf32>
        %add3A_545 = arith.addf %get3A_424, %get3A_430 : vector<16xf32>
        %add3A_546 = arith.addf %get3A_436, %get3A_442 : vector<16xf32>
        %add3A_547 = arith.addf %get3A_448, %get3A_454 : vector<16xf32>
        %add3A_548 = arith.addf %get3A_460, %get3A_466 : vector<16xf32>
        %add3A_549 = arith.addf %get3A_472, %get3A_478 : vector<16xf32>
        %add3A_550 = arith.addf %get3A_484, %get3A_490 : vector<16xf32>
        %add3A_551 = arith.addf %get3A_496, %get3A_502 : vector<16xf32>
        %add3A_552 = arith.addf %get3A_508, %get3A_514 : vector<16xf32>
        %add3A_553 = arith.addf %get3A_520, %get3A_526 : vector<16xf32>
        %add3A_554 = arith.addf %get3A_532, %get3A_538 : vector<16xf32>
        %add3A_555 = arith.addf %add3A_539, %add3A_540 : vector<16xf32>
        %add3A_556 = arith.addf %add3A_541, %add3A_542 : vector<16xf32>
        %add3A_557 = arith.addf %add3A_543, %add3A_544 : vector<16xf32>
        %add3A_558 = arith.addf %add3A_545, %add3A_546 : vector<16xf32>
        %add3A_559 = arith.addf %add3A_547, %add3A_548 : vector<16xf32>
        %add3A_560 = arith.addf %add3A_549, %add3A_550 : vector<16xf32>
        %add3A_561 = arith.addf %add3A_551, %add3A_552 : vector<16xf32>
        %add3A_562 = arith.addf %add3A_553, %add3A_554 : vector<16xf32>
        %add3A_563 = arith.addf %add3A_555, %add3A_556 : vector<16xf32>
        %add3A_564 = arith.addf %add3A_557, %add3A_558 : vector<16xf32>
        %add3A_565 = arith.addf %add3A_559, %add3A_560 : vector<16xf32>
        %add3A_566 = arith.addf %add3A_561, %add3A_562 : vector<16xf32>
        %add3A_567 = arith.addf %add3A_563, %add3A_564 : vector<16xf32>
        %add3A_568 = arith.addf %add3A_565, %add3A_566 : vector<16xf32>
        %add3A_569 = arith.addf %add3A_567, %add3A_568 : vector<16xf32>
        %mul3A_570 = arith.constant 3.125000e-02 : f32
        %mul3A_571 = vector.broadcast %mul3A_570 : f32 to vector<16xf32>
        %mul3A_572 = arith.mulf %add3A_569, %mul3A_571 : vector<16xf32>
        %swap3A_573 = arith.index_cast %add3A_115 : i32 to index
        %swap3A_574 = arith.constant 16 : index
        %swap3A_575 = tpu.vector_load %arg10[%swap3A_573, %swap3A_574] {strides = array<i32>} : memref<8x128xf32, #tpu.memory_space<vmem>>, vector<1x16xf32>,
        %swap3A_576 = vector.shape_cast %swap3A_575 : vector<1x16xf32> to vector<16xf32>
        %swap3A_577 = vector.shape_cast %mul3A_572 : vector<16xf32> to vector<1x16xf32>
        tpu.vector_store %arg10[%swap3A_573, %swap3A_574], %swap3A_577 {strides = array<i32>} : memref<8x128xf32, #tpu.memory_space<vmem>>, vector<1x16xf32>,
        %add3A_578 = arith.constant 0 : i32
        %add3A_579 = arith.addi %mul3A_117, %add3A_578 : i32
        %get3A_580 = arith.index_cast %add3A_579 : i32 to index
        %get3A_581 = arith.constant 32 : index
        %get3A_582 = tpu.vector_load %arg8[%get3A_580, %get3A_581] {strides = array<i32>} : memref<256x128xf32, #tpu.memory_space<vmem>>, vector<1x16xf32>,
        %get3A_583 = vector.shape_cast %get3A_582 : vector<1x16xf32> to vector<16xf32>
        %add3A_584 = arith.constant 1 : i32
        %add3A_585 = arith.addi %mul3A_117, %add3A_584 : i32
        %get3A_586 = arith.index_cast %add3A_585 : i32 to index
        %get3A_587 = arith.constant 32 : index
        %get3A_588 = tpu.vector_load %arg8[%get3A_586, %get3A_587] {strides = array<i32>} : memref<256x128xf32, #tpu.memory_space<vmem>>, vector<1x16xf32>,
        %get3A_589 = vector.shape_cast %get3A_588 : vector<1x16xf32> to vector<16xf32>
        %add3A_590 = arith.constant 2 : i32
        %add3A_591 = arith.addi %mul3A_117, %add3A_590 : i32
        %get3A_592 = arith.index_cast %add3A_591 : i32 to index
        %get3A_593 = arith.constant 32 : index
        %get3A_594 = tpu.vector_load %arg8[%get3A_592, %get3A_593] {strides = array<i32>} : memref<256x128xf32, #tpu.memory_space<vmem>>, vector<1x16xf32>,
        %get3A_595 = vector.shape_cast %get3A_594 : vector<1x16xf32> to vector<16xf32>
        %add3A_596 = arith.constant 3 : i32
        %add3A_597 = arith.addi %mul3A_117, %add3A_596 : i32
        %get3A_598 = arith.index_cast %add3A_597 : i32 to index
        %get3A_599 = arith.constant 32 : index
        %get3A_600 = tpu.vector_load %arg8[%get3A_598, %get3A_599] {strides = array<i32>} : memref<256x128xf32, #tpu.memory_space<vmem>>, vector<1x16xf32>,
        %get3A_601 = vector.shape_cast %get3A_600 : vector<1x16xf32> to vector<16xf32>
        %add3A_602 = arith.constant 4 : i32
        %add3A_603 = arith.addi %mul3A_117, %add3A_602 : i32
        %get3A_604 = arith.index_cast %add3A_603 : i32 to index
        %get3A_605 = arith.constant 32 : index
        %get3A_606 = tpu.vector_load %arg8[%get3A_604, %get3A_605] {strides = array<i32>} : memref<256x128xf32, #tpu.memory_space<vmem>>, vector<1x16xf32>,
        %get3A_607 = vector.shape_cast %get3A_606 : vector<1x16xf32> to vector<16xf32>
        %add3A_608 = arith.constant 5 : i32
        %add3A_609 = arith.addi %mul3A_117, %add3A_608 : i32
        %get3A_610 = arith.index_cast %add3A_609 : i32 to index
        %get3A_611 = arith.constant 32 : index
        %get3A_612 = tpu.vector_load %arg8[%get3A_610, %get3A_611] {strides = array<i32>} : memref<256x128xf32, #tpu.memory_space<vmem>>, vector<1x16xf32>,
        %get3A_613 = vector.shape_cast %get3A_612 : vector<1x16xf32> to vector<16xf32>
        %add3A_614 = arith.constant 6 : i32
        %add3A_615 = arith.addi %mul3A_117, %add3A_614 : i32
        %get3A_616 = arith.index_cast %add3A_615 : i32 to index
        %get3A_617 = arith.constant 32 : index
        %get3A_618 = tpu.vector_load %arg8[%get3A_616, %get3A_617] {strides = array<i32>} : memref<256x128xf32, #tpu.memory_space<vmem>>, vector<1x16xf32>,
        %get3A_619 = vector.shape_cast %get3A_618 : vector<1x16xf32> to vector<16xf32>
        %add3A_620 = arith.constant 7 : i32
        %add3A_621 = arith.addi %mul3A_117, %add3A_620 : i32
        %get3A_622 = arith.index_cast %add3A_621 : i32 to index
        %get3A_623 = arith.constant 32 : index
        %get3A_624 = tpu.vector_load %arg8[%get3A_622, %get3A_623] {strides = array<i32>} : memref<256x128xf32, #tpu.memory_space<vmem>>, vector<1x16xf32>,
        %get3A_625 = vector.shape_cast %get3A_624 : vector<1x16xf32> to vector<16xf32>
        %add3A_626 = arith.constant 8 : i32
        %add3A_627 = arith.addi %mul3A_117, %add3A_626 : i32
        %get3A_628 = arith.index_cast %add3A_627 : i32 to index
        %get3A_629 = arith.constant 32 : index
        %get3A_630 = tpu.vector_load %arg8[%get3A_628, %get3A_629] {strides = array<i32>} : memref<256x128xf32, #tpu.memory_space<vmem>>, vector<1x16xf32>,
        %get3A_631 = vector.shape_cast %get3A_630 : vector<1x16xf32> to vector<16xf32>
        %add3A_632 = arith.constant 9 : i32
        %add3A_633 = arith.addi %mul3A_117, %add3A_632 : i32
        %get3A_634 = arith.index_cast %add3A_633 : i32 to index
        %get3A_635 = arith.constant 32 : index
        %get3A_636 = tpu.vector_load %arg8[%get3A_634, %get3A_635] {strides = array<i32>} : memref<256x128xf32, #tpu.memory_space<vmem>>, vector<1x16xf32>,
        %get3A_637 = vector.shape_cast %get3A_636 : vector<1x16xf32> to vector<16xf32>
        %add3A_638 = arith.constant 10 : i32
        %add3A_639 = arith.addi %mul3A_117, %add3A_638 : i32
        %get3A_640 = arith.index_cast %add3A_639 : i32 to index
        %get3A_641 = arith.constant 32 : index
        %get3A_642 = tpu.vector_load %arg8[%get3A_640, %get3A_641] {strides = array<i32>} : memref<256x128xf32, #tpu.memory_space<vmem>>, vector<1x16xf32>,
        %get3A_643 = vector.shape_cast %get3A_642 : vector<1x16xf32> to vector<16xf32>
        %add3A_644 = arith.constant 11 : i32
        %add3A_645 = arith.addi %mul3A_117, %add3A_644 : i32
        %get3A_646 = arith.index_cast %add3A_645 : i32 to index
        %get3A_647 = arith.constant 32 : index
        %get3A_648 = tpu.vector_load %arg8[%get3A_646, %get3A_647] {strides = array<i32>} : memref<256x128xf32, #tpu.memory_space<vmem>>, vector<1x16xf32>,
        %get3A_649 = vector.shape_cast %get3A_648 : vector<1x16xf32> to vector<16xf32>
        %add3A_650 = arith.constant 12 : i32
        %add3A_651 = arith.addi %mul3A_117, %add3A_650 : i32
        %get3A_652 = arith.index_cast %add3A_651 : i32 to index
        %get3A_653 = arith.constant 32 : index
        %get3A_654 = tpu.vector_load %arg8[%get3A_652, %get3A_653] {strides = array<i32>} : memref<256x128xf32, #tpu.memory_space<vmem>>, vector<1x16xf32>,
        %get3A_655 = vector.shape_cast %get3A_654 : vector<1x16xf32> to vector<16xf32>
        %add3A_656 = arith.constant 13 : i32
        %add3A_657 = arith.addi %mul3A_117, %add3A_656 : i32
        %get3A_658 = arith.index_cast %add3A_657 : i32 to index
        %get3A_659 = arith.constant 32 : index
        %get3A_660 = tpu.vector_load %arg8[%get3A_658, %get3A_659] {strides = array<i32>} : memref<256x128xf32, #tpu.memory_space<vmem>>, vector<1x16xf32>,
        %get3A_661 = vector.shape_cast %get3A_660 : vector<1x16xf32> to vector<16xf32>
        %add3A_662 = arith.constant 14 : i32
        %add3A_663 = arith.addi %mul3A_117, %add3A_662 : i32
        %get3A_664 = arith.index_cast %add3A_663 : i32 to index
        %get3A_665 = arith.constant 32 : index
        %get3A_666 = tpu.vector_load %arg8[%get3A_664, %get3A_665] {strides = array<i32>} : memref<256x128xf32, #tpu.memory_space<vmem>>, vector<1x16xf32>,
        %get3A_667 = vector.shape_cast %get3A_666 : vector<1x16xf32> to vector<16xf32>
        %add3A_668 = arith.constant 15 : i32
        %add3A_669 = arith.addi %mul3A_117, %add3A_668 : i32
        %get3A_670 = arith.index_cast %add3A_669 : i32 to index
        %get3A_671 = arith.constant 32 : index
        %get3A_672 = tpu.vector_load %arg8[%get3A_670, %get3A_671] {strides = array<i32>} : memref<256x128xf32, #tpu.memory_space<vmem>>, vector<1x16xf32>,
        %get3A_673 = vector.shape_cast %get3A_672 : vector<1x16xf32> to vector<16xf32>
        %add3A_674 = arith.constant 16 : i32
        %add3A_675 = arith.addi %mul3A_117, %add3A_674 : i32
        %get3A_676 = arith.index_cast %add3A_675 : i32 to index
        %get3A_677 = arith.constant 32 : index
        %get3A_678 = tpu.vector_load %arg8[%get3A_676, %get3A_677] {strides = array<i32>} : memref<256x128xf32, #tpu.memory_space<vmem>>, vector<1x16xf32>,
        %get3A_679 = vector.shape_cast %get3A_678 : vector<1x16xf32> to vector<16xf32>
        %add3A_680 = arith.constant 17 : i32
        %add3A_681 = arith.addi %mul3A_117, %add3A_680 : i32
        %get3A_682 = arith.index_cast %add3A_681 : i32 to index
        %get3A_683 = arith.constant 32 : index
        %get3A_684 = tpu.vector_load %arg8[%get3A_682, %get3A_683] {strides = array<i32>} : memref<256x128xf32, #tpu.memory_space<vmem>>, vector<1x16xf32>,
        %get3A_685 = vector.shape_cast %get3A_684 : vector<1x16xf32> to vector<16xf32>
        %add3A_686 = arith.constant 18 : i32
        %add3A_687 = arith.addi %mul3A_117, %add3A_686 : i32
        %get3A_688 = arith.index_cast %add3A_687 : i32 to index
        %get3A_689 = arith.constant 32 : index
        %get3A_690 = tpu.vector_load %arg8[%get3A_688, %get3A_689] {strides = array<i32>} : memref<256x128xf32, #tpu.memory_space<vmem>>, vector<1x16xf32>,
        %get3A_691 = vector.shape_cast %get3A_690 : vector<1x16xf32> to vector<16xf32>
        %add3A_692 = arith.constant 19 : i32
        %add3A_693 = arith.addi %mul3A_117, %add3A_692 : i32
        %get3A_694 = arith.index_cast %add3A_693 : i32 to index
        %get3A_695 = arith.constant 32 : index
        %get3A_696 = tpu.vector_load %arg8[%get3A_694, %get3A_695] {strides = array<i32>} : memref<256x128xf32, #tpu.memory_space<vmem>>, vector<1x16xf32>,
        %get3A_697 = vector.shape_cast %get3A_696 : vector<1x16xf32> to vector<16xf32>
        %add3A_698 = arith.constant 20 : i32
        %add3A_699 = arith.addi %mul3A_117, %add3A_698 : i32
        %get3A_700 = arith.index_cast %add3A_699 : i32 to index
        %get3A_701 = arith.constant 32 : index
        %get3A_702 = tpu.vector_load %arg8[%get3A_700, %get3A_701] {strides = array<i32>} : memref<256x128xf32, #tpu.memory_space<vmem>>, vector<1x16xf32>,
        %get3A_703 = vector.shape_cast %get3A_702 : vector<1x16xf32> to vector<16xf32>
        %add3A_704 = arith.constant 21 : i32
        %add3A_705 = arith.addi %mul3A_117, %add3A_704 : i32
        %get3A_706 = arith.index_cast %add3A_705 : i32 to index
        %get3A_707 = arith.constant 32 : index
        %get3A_708 = tpu.vector_load %arg8[%get3A_706, %get3A_707] {strides = array<i32>} : memref<256x128xf32, #tpu.memory_space<vmem>>, vector<1x16xf32>,
        %get3A_709 = vector.shape_cast %get3A_708 : vector<1x16xf32> to vector<16xf32>
        %add3A_710 = arith.constant 22 : i32
        %add3A_711 = arith.addi %mul3A_117, %add3A_710 : i32
        %get3A_712 = arith.index_cast %add3A_711 : i32 to index
        %get3A_713 = arith.constant 32 : index
        %get3A_714 = tpu.vector_load %arg8[%get3A_712, %get3A_713] {strides = array<i32>} : memref<256x128xf32, #tpu.memory_space<vmem>>, vector<1x16xf32>,
        %get3A_715 = vector.shape_cast %get3A_714 : vector<1x16xf32> to vector<16xf32>
        %add3A_716 = arith.constant 23 : i32
        %add3A_717 = arith.addi %mul3A_117, %add3A_716 : i32
        %get3A_718 = arith.index_cast %add3A_717 : i32 to index
        %get3A_719 = arith.constant 32 : index
        %get3A_720 = tpu.vector_load %arg8[%get3A_718, %get3A_719] {strides = array<i32>} : memref<256x128xf32, #tpu.memory_space<vmem>>, vector<1x16xf32>,
        %get3A_721 = vector.shape_cast %get3A_720 : vector<1x16xf32> to vector<16xf32>
        %add3A_722 = arith.constant 24 : i32
        %add3A_723 = arith.addi %mul3A_117, %add3A_722 : i32
        %get3A_724 = arith.index_cast %add3A_723 : i32 to index
        %get3A_725 = arith.constant 32 : index
        %get3A_726 = tpu.vector_load %arg8[%get3A_724, %get3A_725] {strides = array<i32>} : memref<256x128xf32, #tpu.memory_space<vmem>>, vector<1x16xf32>,
        %get3A_727 = vector.shape_cast %get3A_726 : vector<1x16xf32> to vector<16xf32>
        %add3A_728 = arith.constant 25 : i32
        %add3A_729 = arith.addi %mul3A_117, %add3A_728 : i32
        %get3A_730 = arith.index_cast %add3A_729 : i32 to index
        %get3A_731 = arith.constant 32 : index
        %get3A_732 = tpu.vector_load %arg8[%get3A_730, %get3A_731] {strides = array<i32>} : memref<256x128xf32, #tpu.memory_space<vmem>>, vector<1x16xf32>,
        %get3A_733 = vector.shape_cast %get3A_732 : vector<1x16xf32> to vector<16xf32>
        %add3A_734 = arith.constant 26 : i32
        %add3A_735 = arith.addi %mul3A_117, %add3A_734 : i32
        %get3A_736 = arith.index_cast %add3A_735 : i32 to index
        %get3A_737 = arith.constant 32 : index
        %get3A_738 = tpu.vector_load %arg8[%get3A_736, %get3A_737] {strides = array<i32>} : memref<256x128xf32, #tpu.memory_space<vmem>>, vector<1x16xf32>,
        %get3A_739 = vector.shape_cast %get3A_738 : vector<1x16xf32> to vector<16xf32>
        %add3A_740 = arith.constant 27 : i32
        %add3A_741 = arith.addi %mul3A_117, %add3A_740 : i32
        %get3A_742 = arith.index_cast %add3A_741 : i32 to index
        %get3A_743 = arith.constant 32 : index
        %get3A_744 = tpu.vector_load %arg8[%get3A_742, %get3A_743] {strides = array<i32>} : memref<256x128xf32, #tpu.memory_space<vmem>>, vector<1x16xf32>,
        %get3A_745 = vector.shape_cast %get3A_744 : vector<1x16xf32> to vector<16xf32>
        %add3A_746 = arith.constant 28 : i32
        %add3A_747 = arith.addi %mul3A_117, %add3A_746 : i32
        %get3A_748 = arith.index_cast %add3A_747 : i32 to index
        %get3A_749 = arith.constant 32 : index
        %get3A_750 = tpu.vector_load %arg8[%get3A_748, %get3A_749] {strides = array<i32>} : memref<256x128xf32, #tpu.memory_space<vmem>>, vector<1x16xf32>,
        %get3A_751 = vector.shape_cast %get3A_750 : vector<1x16xf32> to vector<16xf32>
        %add3A_752 = arith.constant 29 : i32
        %add3A_753 = arith.addi %mul3A_117, %add3A_752 : i32
        %get3A_754 = arith.index_cast %add3A_753 : i32 to index
        %get3A_755 = arith.constant 32 : index
        %get3A_756 = tpu.vector_load %arg8[%get3A_754, %get3A_755] {strides = array<i32>} : memref<256x128xf32, #tpu.memory_space<vmem>>, vector<1x16xf32>,
        %get3A_757 = vector.shape_cast %get3A_756 : vector<1x16xf32> to vector<16xf32>
        %add3A_758 = arith.constant 30 : i32
        %add3A_759 = arith.addi %mul3A_117, %add3A_758 : i32
        %get3A_760 = arith.index_cast %add3A_759 : i32 to index
        %get3A_761 = arith.constant 32 : index
        %get3A_762 = tpu.vector_load %arg8[%get3A_760, %get3A_761] {strides = array<i32>} : memref<256x128xf32, #tpu.memory_space<vmem>>, vector<1x16xf32>,
        %get3A_763 = vector.shape_cast %get3A_762 : vector<1x16xf32> to vector<16xf32>
        %add3A_764 = arith.constant 31 : i32
        %add3A_765 = arith.addi %mul3A_117, %add3A_764 : i32
        %get3A_766 = arith.index_cast %add3A_765 : i32 to index
        %get3A_767 = arith.constant 32 : index
        %get3A_768 = tpu.vector_load %arg8[%get3A_766, %get3A_767] {strides = array<i32>} : memref<256x128xf32, #tpu.memory_space<vmem>>, vector<1x16xf32>,
        %get3A_769 = vector.shape_cast %get3A_768 : vector<1x16xf32> to vector<16xf32>
        %add3A_770 = arith.addf %get3A_583, %get3A_589 : vector<16xf32>
        %add3A_771 = arith.addf %get3A_595, %get3A_601 : vector<16xf32>
        %add3A_772 = arith.addf %get3A_607, %get3A_613 : vector<16xf32>
        %add3A_773 = arith.addf %get3A_619, %get3A_625 : vector<16xf32>
        %add3A_774 = arith.addf %get3A_631, %get3A_637 : vector<16xf32>
        %add3A_775 = arith.addf %get3A_643, %get3A_649 : vector<16xf32>
        %add3A_776 = arith.addf %get3A_655, %get3A_661 : vector<16xf32>
        %add3A_777 = arith.addf %get3A_667, %get3A_673 : vector<16xf32>
        %add3A_778 = arith.addf %get3A_679, %get3A_685 : vector<16xf32>
        %add3A_779 = arith.addf %get3A_691, %get3A_697 : vector<16xf32>
        %add3A_780 = arith.addf %get3A_703, %get3A_709 : vector<16xf32>
        %add3A_781 = arith.addf %get3A_715, %get3A_721 : vector<16xf32>
        %add3A_782 = arith.addf %get3A_727, %get3A_733 : vector<16xf32>
        %add3A_783 = arith.addf %get3A_739, %get3A_745 : vector<16xf32>
        %add3A_784 = arith.addf %get3A_751, %get3A_757 : vector<16xf32>
        %add3A_785 = arith.addf %get3A_763, %get3A_769 : vector<16xf32>
        %add3A_786 = arith.addf %add3A_770, %add3A_771 : vector<16xf32>
        %add3A_787 = arith.addf %add3A_772, %add3A_773 : vector<16xf32>
        %add3A_788 = arith.addf %add3A_774, %add3A_775 : vector<16xf32>
        %add3A_789 = arith.addf %add3A_776, %add3A_777 : vector<16xf32>
        %add3A_790 = arith.addf %add3A_778, %add3A_779 : vector<16xf32>
        %add3A_791 = arith.addf %add3A_780, %add3A_781 : vector<16xf32>
        %add3A_792 = arith.addf %add3A_782, %add3A_783 : vector<16xf32>
        %add3A_793 = arith.addf %add3A_784, %add3A_785 : vector<16xf32>
        %add3A_794 = arith.addf %add3A_786, %add3A_787 : vector<16xf32>
        %add3A_795 = arith.addf %add3A_788, %add3A_789 : vector<16xf32>
        %add3A_796 = arith.addf %add3A_790, %add3A_791 : vector<16xf32>
        %add3A_797 = arith.addf %add3A_792, %add3A_793 : vector<16xf32>
        %add3A_798 = arith.addf %add3A_794, %add3A_795 : vector<16xf32>
        %add3A_799 = arith.addf %add3A_796, %add3A_797 : vector<16xf32>
        %add3A_800 = arith.addf %add3A_798, %add3A_799 : vector<16xf32>
        %mul3A_801 = arith.constant 3.125000e-02 : f32
        %mul3A_802 = vector.broadcast %mul3A_801 : f32 to vector<16xf32>
        %mul3A_803 = arith.mulf %add3A_800, %mul3A_802 : vector<16xf32>
        %swap3A_804 = arith.index_cast %add3A_115 : i32 to index
        %swap3A_805 = arith.constant 32 : index
        %swap3A_806 = tpu.vector_load %arg10[%swap3A_804, %swap3A_805] {strides = array<i32>} : memref<8x128xf32, #tpu.memory_space<vmem>>, vector<1x16xf32>,
        %swap3A_807 = vector.shape_cast %swap3A_806 : vector<1x16xf32> to vector<16xf32>
        %swap3A_808 = vector.shape_cast %mul3A_803 : vector<16xf32> to vector<1x16xf32>
        tpu.vector_store %arg10[%swap3A_804, %swap3A_805], %swap3A_808 {strides = array<i32>} : memref<8x128xf32, #tpu.memory_space<vmem>>, vector<1x16xf32>,
        %add3A_809 = arith.constant 0 : i32
        %add3A_810 = arith.addi %mul3A_117, %add3A_809 : i32
        %get3A_811 = arith.index_cast %add3A_810 : i32 to index
        %get3A_812 = arith.constant 48 : index
        %get3A_813 = tpu.vector_load %arg8[%get3A_811, %get3A_812] {strides = array<i32>} : memref<256x128xf32, #tpu.memory_space<vmem>>, vector<1x16xf32>,
        %get3A_814 = vector.shape_cast %get3A_813 : vector<1x16xf32> to vector<16xf32>
        %add3A_815 = arith.constant 1 : i32
        %add3A_816 = arith.addi %mul3A_117, %add3A_815 : i32
        %get3A_817 = arith.index_cast %add3A_816 : i32 to index
        %get3A_818 = arith.constant 48 : index
        %get3A_819 = tpu.vector_load %arg8[%get3A_817, %get3A_818] {strides = array<i32>} : memref<256x128xf32, #tpu.memory_space<vmem>>, vector<1x16xf32>,
        %get3A_820 = vector.shape_cast %get3A_819 : vector<1x16xf32> to vector<16xf32>
        %add3A_821 = arith.constant 2 : i32
        %add3A_822 = arith.addi %mul3A_117, %add3A_821 : i32
        %get3A_823 = arith.index_cast %add3A_822 : i32 to index
        %get3A_824 = arith.constant 48 : index
        %get3A_825 = tpu.vector_load %arg8[%get3A_823, %get3A_824] {strides = array<i32>} : memref<256x128xf32, #tpu.memory_space<vmem>>, vector<1x16xf32>,
        %get3A_826 = vector.shape_cast %get3A_825 : vector<1x16xf32> to vector<16xf32>
        %add3A_827 = arith.constant 3 : i32
        %add3A_828 = arith.addi %mul3A_117, %add3A_827 : i32
        %get3A_829 = arith.index_cast %add3A_828 : i32 to index
        %get3A_830 = arith.constant 48 : index
        %get3A_831 = tpu.vector_load %arg8[%get3A_829, %get3A_830] {strides = array<i32>} : memref<256x128xf32, #tpu.memory_space<vmem>>, vector<1x16xf32>,
        %get3A_832 = vector.shape_cast %get3A_831 : vector<1x16xf32> to vector<16xf32>
        %add3A_833 = arith.constant 4 : i32
        %add3A_834 = arith.addi %mul3A_117, %add3A_833 : i32
        %get3A_835 = arith.index_cast %add3A_834 : i32 to index
        %get3A_836 = arith.constant 48 : index
        %get3A_837 = tpu.vector_load %arg8[%get3A_835, %get3A_836] {strides = array<i32>} : memref<256x128xf32, #tpu.memory_space<vmem>>, vector<1x16xf32>,
        %get3A_838 = vector.shape_cast %get3A_837 : vector<1x16xf32> to vector<16xf32>
        %add3A_839 = arith.constant 5 : i32
        %add3A_840 = arith.addi %mul3A_117, %add3A_839 : i32
        %get3A_841 = arith.index_cast %add3A_840 : i32 to index
        %get3A_842 = arith.constant 48 : index
        %get3A_843 = tpu.vector_load %arg8[%get3A_841, %get3A_842] {strides = array<i32>} : memref<256x128xf32, #tpu.memory_space<vmem>>, vector<1x16xf32>,
        %get3A_844 = vector.shape_cast %get3A_843 : vector<1x16xf32> to vector<16xf32>
        %add3A_845 = arith.constant 6 : i32
        %add3A_846 = arith.addi %mul3A_117, %add3A_845 : i32
        %get3A_847 = arith.index_cast %add3A_846 : i32 to index
        %get3A_848 = arith.constant 48 : index
        %get3A_849 = tpu.vector_load %arg8[%get3A_847, %get3A_848] {strides = array<i32>} : memref<256x128xf32, #tpu.memory_space<vmem>>, vector<1x16xf32>,
        %get3A_850 = vector.shape_cast %get3A_849 : vector<1x16xf32> to vector<16xf32>
        %add3A_851 = arith.constant 7 : i32
        %add3A_852 = arith.addi %mul3A_117, %add3A_851 : i32
        %get3A_853 = arith.index_cast %add3A_852 : i32 to index
        %get3A_854 = arith.constant 48 : index
        %get3A_855 = tpu.vector_load %arg8[%get3A_853, %get3A_854] {strides = array<i32>} : memref<256x128xf32, #tpu.memory_space<vmem>>, vector<1x16xf32>,
        %get3A_856 = vector.shape_cast %get3A_855 : vector<1x16xf32> to vector<16xf32>
        %add3A_857 = arith.constant 8 : i32
        %add3A_858 = arith.addi %mul3A_117, %add3A_857 : i32
        %get3A_859 = arith.index_cast %add3A_858 : i32 to index
        %get3A_860 = arith.constant 48 : index
        %get3A_861 = tpu.vector_load %arg8[%get3A_859, %get3A_860] {strides = array<i32>} : memref<256x128xf32, #tpu.memory_space<vmem>>, vector<1x16xf32>,
        %get3A_862 = vector.shape_cast %get3A_861 : vector<1x16xf32> to vector<16xf32>
        %add3A_863 = arith.constant 9 : i32
        %add3A_864 = arith.addi %mul3A_117, %add3A_863 : i32
        %get3A_865 = arith.index_cast %add3A_864 : i32 to index
        %get3A_866 = arith.constant 48 : index
        %get3A_867 = tpu.vector_load %arg8[%get3A_865, %get3A_866] {strides = array<i32>} : memref<256x128xf32, #tpu.memory_space<vmem>>, vector<1x16xf32>,
        %get3A_868 = vector.shape_cast %get3A_867 : vector<1x16xf32> to vector<16xf32>
        %add3A_869 = arith.constant 10 : i32
        %add3A_870 = arith.addi %mul3A_117, %add3A_869 : i32
        %get3A_871 = arith.index_cast %add3A_870 : i32 to index
        %get3A_872 = arith.constant 48 : index
        %get3A_873 = tpu.vector_load %arg8[%get3A_871, %get3A_872] {strides = array<i32>} : memref<256x128xf32, #tpu.memory_space<vmem>>, vector<1x16xf32>,
        %get3A_874 = vector.shape_cast %get3A_873 : vector<1x16xf32> to vector<16xf32>
        %add3A_875 = arith.constant 11 : i32
        %add3A_876 = arith.addi %mul3A_117, %add3A_875 : i32
        %get3A_877 = arith.index_cast %add3A_876 : i32 to index
        %get3A_878 = arith.constant 48 : index
        %get3A_879 = tpu.vector_load %arg8[%get3A_877, %get3A_878] {strides = array<i32>} : memref<256x128xf32, #tpu.memory_space<vmem>>, vector<1x16xf32>,
        %get3A_880 = vector.shape_cast %get3A_879 : vector<1x16xf32> to vector<16xf32>
        %add3A_881 = arith.constant 12 : i32
        %add3A_882 = arith.addi %mul3A_117, %add3A_881 : i32
        %get3A_883 = arith.index_cast %add3A_882 : i32 to index
        %get3A_884 = arith.constant 48 : index
        %get3A_885 = tpu.vector_load %arg8[%get3A_883, %get3A_884] {strides = array<i32>} : memref<256x128xf32, #tpu.memory_space<vmem>>, vector<1x16xf32>,
        %get3A_886 = vector.shape_cast %get3A_885 : vector<1x16xf32> to vector<16xf32>
        %add3A_887 = arith.constant 13 : i32
        %add3A_888 = arith.addi %mul3A_117, %add3A_887 : i32
        %get3A_889 = arith.index_cast %add3A_888 : i32 to index
        %get3A_890 = arith.constant 48 : index
        %get3A_891 = tpu.vector_load %arg8[%get3A_889, %get3A_890] {strides = array<i32>} : memref<256x128xf32, #tpu.memory_space<vmem>>, vector<1x16xf32>,
        %get3A_892 = vector.shape_cast %get3A_891 : vector<1x16xf32> to vector<16xf32>
        %add3A_893 = arith.constant 14 : i32
        %add3A_894 = arith.addi %mul3A_117, %add3A_893 : i32
        %get3A_895 = arith.index_cast %add3A_894 : i32 to index
        %get3A_896 = arith.constant 48 : index
        %get3A_897 = tpu.vector_load %arg8[%get3A_895, %get3A_896] {strides = array<i32>} : memref<256x128xf32, #tpu.memory_space<vmem>>, vector<1x16xf32>,
        %get3A_898 = vector.shape_cast %get3A_897 : vector<1x16xf32> to vector<16xf32>
        %add3A_899 = arith.constant 15 : i32
        %add3A_900 = arith.addi %mul3A_117, %add3A_899 : i32
        %get3A_901 = arith.index_cast %add3A_900 : i32 to index
        %get3A_902 = arith.constant 48 : index
        %get3A_903 = tpu.vector_load %arg8[%get3A_901, %get3A_902] {strides = array<i32>} : memref<256x128xf32, #tpu.memory_space<vmem>>, vector<1x16xf32>,
        %get3A_904 = vector.shape_cast %get3A_903 : vector<1x16xf32> to vector<16xf32>
        %add3A_905 = arith.constant 16 : i32
        %add3A_906 = arith.addi %mul3A_117, %add3A_905 : i32
        %get3A_907 = arith.index_cast %add3A_906 : i32 to index
        %get3A_908 = arith.constant 48 : index
        %get3A_909 = tpu.vector_load %arg8[%get3A_907, %get3A_908] {strides = array<i32>} : memref<256x128xf32, #tpu.memory_space<vmem>>, vector<1x16xf32>,
        %get3A_910 = vector.shape_cast %get3A_909 : vector<1x16xf32> to vector<16xf32>
        %add3A_911 = arith.constant 17 : i32
        %add3A_912 = arith.addi %mul3A_117, %add3A_911 : i32
        %get3A_913 = arith.index_cast %add3A_912 : i32 to index
        %get3A_914 = arith.constant 48 : index
        %get3A_915 = tpu.vector_load %arg8[%get3A_913, %get3A_914] {strides = array<i32>} : memref<256x128xf32, #tpu.memory_space<vmem>>, vector<1x16xf32>,
        %get3A_916 = vector.shape_cast %get3A_915 : vector<1x16xf32> to vector<16xf32>
        %add3A_917 = arith.constant 18 : i32
        %add3A_918 = arith.addi %mul3A_117, %add3A_917 : i32
        %get3A_919 = arith.index_cast %add3A_918 : i32 to index
        %get3A_920 = arith.constant 48 : index
        %get3A_921 = tpu.vector_load %arg8[%get3A_919, %get3A_920] {strides = array<i32>} : memref<256x128xf32, #tpu.memory_space<vmem>>, vector<1x16xf32>,
        %get3A_922 = vector.shape_cast %get3A_921 : vector<1x16xf32> to vector<16xf32>
        %add3A_923 = arith.constant 19 : i32
        %add3A_924 = arith.addi %mul3A_117, %add3A_923 : i32
        %get3A_925 = arith.index_cast %add3A_924 : i32 to index
        %get3A_926 = arith.constant 48 : index
        %get3A_927 = tpu.vector_load %arg8[%get3A_925, %get3A_926] {strides = array<i32>} : memref<256x128xf32, #tpu.memory_space<vmem>>, vector<1x16xf32>,
        %get3A_928 = vector.shape_cast %get3A_927 : vector<1x16xf32> to vector<16xf32>
        %add3A_929 = arith.constant 20 : i32
        %add3A_930 = arith.addi %mul3A_117, %add3A_929 : i32
        %get3A_931 = arith.index_cast %add3A_930 : i32 to index
        %get3A_932 = arith.constant 48 : index
        %get3A_933 = tpu.vector_load %arg8[%get3A_931, %get3A_932] {strides = array<i32>} : memref<256x128xf32, #tpu.memory_space<vmem>>, vector<1x16xf32>,
        %get3A_934 = vector.shape_cast %get3A_933 : vector<1x16xf32> to vector<16xf32>
        %add3A_935 = arith.constant 21 : i32
        %add3A_936 = arith.addi %mul3A_117, %add3A_935 : i32
        %get3A_937 = arith.index_cast %add3A_936 : i32 to index
        %get3A_938 = arith.constant 48 : index
        %get3A_939 = tpu.vector_load %arg8[%get3A_937, %get3A_938] {strides = array<i32>} : memref<256x128xf32, #tpu.memory_space<vmem>>, vector<1x16xf32>,
        %get3A_940 = vector.shape_cast %get3A_939 : vector<1x16xf32> to vector<16xf32>
        %add3A_941 = arith.constant 22 : i32
        %add3A_942 = arith.addi %mul3A_117, %add3A_941 : i32
        %get3A_943 = arith.index_cast %add3A_942 : i32 to index
        %get3A_944 = arith.constant 48 : index
        %get3A_945 = tpu.vector_load %arg8[%get3A_943, %get3A_944] {strides = array<i32>} : memref<256x128xf32, #tpu.memory_space<vmem>>, vector<1x16xf32>,
        %get3A_946 = vector.shape_cast %get3A_945 : vector<1x16xf32> to vector<16xf32>
        %add3A_947 = arith.constant 23 : i32
        %add3A_948 = arith.addi %mul3A_117, %add3A_947 : i32
        %get3A_949 = arith.index_cast %add3A_948 : i32 to index
        %get3A_950 = arith.constant 48 : index
        %get3A_951 = tpu.vector_load %arg8[%get3A_949, %get3A_950] {strides = array<i32>} : memref<256x128xf32, #tpu.memory_space<vmem>>, vector<1x16xf32>,
        %get3A_952 = vector.shape_cast %get3A_951 : vector<1x16xf32> to vector<16xf32>
        %add3A_953 = arith.constant 24 : i32
        %add3A_954 = arith.addi %mul3A_117, %add3A_953 : i32
        %get3A_955 = arith.index_cast %add3A_954 : i32 to index
        %get3A_956 = arith.constant 48 : index
        %get3A_957 = tpu.vector_load %arg8[%get3A_955, %get3A_956] {strides = array<i32>} : memref<256x128xf32, #tpu.memory_space<vmem>>, vector<1x16xf32>,
        %get3A_958 = vector.shape_cast %get3A_957 : vector<1x16xf32> to vector<16xf32>
        %add3A_959 = arith.constant 25 : i32
        %add3A_960 = arith.addi %mul3A_117, %add3A_959 : i32
        %get3A_961 = arith.index_cast %add3A_960 : i32 to index
        %get3A_962 = arith.constant 48 : index
        %get3A_963 = tpu.vector_load %arg8[%get3A_961, %get3A_962] {strides = array<i32>} : memref<256x128xf32, #tpu.memory_space<vmem>>, vector<1x16xf32>,
        %get3A_964 = vector.shape_cast %get3A_963 : vector<1x16xf32> to vector<16xf32>
        %add3A_965 = arith.constant 26 : i32
        %add3A_966 = arith.addi %mul3A_117, %add3A_965 : i32
        %get3A_967 = arith.index_cast %add3A_966 : i32 to index
        %get3A_968 = arith.constant 48 : index
        %get3A_969 = tpu.vector_load %arg8[%get3A_967, %get3A_968] {strides = array<i32>} : memref<256x128xf32, #tpu.memory_space<vmem>>, vector<1x16xf32>,
        %get3A_970 = vector.shape_cast %get3A_969 : vector<1x16xf32> to vector<16xf32>
        %add3A_971 = arith.constant 27 : i32
        %add3A_972 = arith.addi %mul3A_117, %add3A_971 : i32
        %get3A_973 = arith.index_cast %add3A_972 : i32 to index
        %get3A_974 = arith.constant 48 : index
        %get3A_975 = tpu.vector_load %arg8[%get3A_973, %get3A_974] {strides = array<i32>} : memref<256x128xf32, #tpu.memory_space<vmem>>, vector<1x16xf32>,
        %get3A_976 = vector.shape_cast %get3A_975 : vector<1x16xf32> to vector<16xf32>
        %add3A_977 = arith.constant 28 : i32
        %add3A_978 = arith.addi %mul3A_117, %add3A_977 : i32
        %get3A_979 = arith.index_cast %add3A_978 : i32 to index
        %get3A_980 = arith.constant 48 : index
        %get3A_981 = tpu.vector_load %arg8[%get3A_979, %get3A_980] {strides = array<i32>} : memref<256x128xf32, #tpu.memory_space<vmem>>, vector<1x16xf32>,
        %get3A_982 = vector.shape_cast %get3A_981 : vector<1x16xf32> to vector<16xf32>
        %add3A_983 = arith.constant 29 : i32
        %add3A_984 = arith.addi %mul3A_117, %add3A_983 : i32
        %get3A_985 = arith.index_cast %add3A_984 : i32 to index
        %get3A_986 = arith.constant 48 : index
        %get3A_987 = tpu.vector_load %arg8[%get3A_985, %get3A_986] {strides = array<i32>} : memref<256x128xf32, #tpu.memory_space<vmem>>, vector<1x16xf32>,
        %get3A_988 = vector.shape_cast %get3A_987 : vector<1x16xf32> to vector<16xf32>
        %add3A_989 = arith.constant 30 : i32
        %add3A_990 = arith.addi %mul3A_117, %add3A_989 : i32
        %get3A_991 = arith.index_cast %add3A_990 : i32 to index
        %get3A_992 = arith.constant 48 : index
        %get3A_993 = tpu.vector_load %arg8[%get3A_991, %get3A_992] {strides = array<i32>} : memref<256x128xf32, #tpu.memory_space<vmem>>, vector<1x16xf32>,
        %get3A_994 = vector.shape_cast %get3A_993 : vector<1x16xf32> to vector<16xf32>
        %add3A_995 = arith.constant 31 : i32
        %add3A_996 = arith.addi %mul3A_117, %add3A_995 : i32
        %get3A_997 = arith.index_cast %add3A_996 : i32 to index
        %get3A_998 = arith.constant 48 : index
        %get3A_999 = tpu.vector_load %arg8[%get3A_997, %get3A_998] {strides = array<i32>} : memref<256x128xf32, #tpu.memory_space<vmem>>, vector<1x16xf32>,
        %get3A_1000 = vector.shape_cast %get3A_999 : vector<1x16xf32> to vector<16xf32>
        %add3A_1001 = arith.addf %get3A_814, %get3A_820 : vector<16xf32>
        %add3A_1002 = arith.addf %get3A_826, %get3A_832 : vector<16xf32>
        %add3A_1003 = arith.addf %get3A_838, %get3A_844 : vector<16xf32>
        %add3A_1004 = arith.addf %get3A_850, %get3A_856 : vector<16xf32>
        %add3A_1005 = arith.addf %get3A_862, %get3A_868 : vector<16xf32>
        %add3A_1006 = arith.addf %get3A_874, %get3A_880 : vector<16xf32>
        %add3A_1007 = arith.addf %get3A_886, %get3A_892 : vector<16xf32>
        %add3A_1008 = arith.addf %get3A_898, %get3A_904 : vector<16xf32>
        %add3A_1009 = arith.addf %get3A_910, %get3A_916 : vector<16xf32>
        %add3A_1010 = arith.addf %get3A_922, %get3A_928 : vector<16xf32>
        %add3A_1011 = arith.addf %get3A_934, %get3A_940 : vector<16xf32>
        %add3A_1012 = arith.addf %get3A_946, %get3A_952 : vector<16xf32>
        %add3A_1013 = arith.addf %get3A_958, %get3A_964 : vector<16xf32>
        %add3A_1014 = arith.addf %get3A_970, %get3A_976 : vector<16xf32>
        %add3A_1015 = arith.addf %get3A_982, %get3A_988 : vector<16xf32>
        %add3A_1016 = arith.addf %get3A_994, %get3A_1000 : vector<16xf32>
        %add3A_1017 = arith.addf %add3A_1001, %add3A_1002 : vector<16xf32>
        %add3A_1018 = arith.addf %add3A_1003, %add3A_1004 : vector<16xf32>
        %add3A_1019 = arith.addf %add3A_1005, %add3A_1006 : vector<16xf32>
        %add3A_1020 = arith.addf %add3A_1007, %add3A_1008 : vector<16xf32>
        %add3A_1021 = arith.addf %add3A_1009, %add3A_1010 : vector<16xf32>
        %add3A_1022 = arith.addf %add3A_1011, %add3A_1012 : vector<16xf32>
        %add3A_1023 = arith.addf %add3A_1013, %add3A_1014 : vector<16xf32>
        %add3A_1024 = arith.addf %add3A_1015, %add3A_1016 : vector<16xf32>
        %add3A_1025 = arith.addf %add3A_1017, %add3A_1018 : vector<16xf32>
        %add3A_1026 = arith.addf %add3A_1019, %add3A_1020 : vector<16xf32>
        %add3A_1027 = arith.addf %add3A_1021, %add3A_1022 : vector<16xf32>
        %add3A_1028 = arith.addf %add3A_1023, %add3A_1024 : vector<16xf32>
        %add3A_1029 = arith.addf %add3A_1025, %add3A_1026 : vector<16xf32>
        %add3A_1030 = arith.addf %add3A_1027, %add3A_1028 : vector<16xf32>
        %add3A_1031 = arith.addf %add3A_1029, %add3A_1030 : vector<16xf32>
        %mul3A_1032 = arith.constant 3.125000e-02 : f32
        %mul3A_1033 = vector.broadcast %mul3A_1032 : f32 to vector<16xf32>
        %mul3A_1034 = arith.mulf %add3A_1031, %mul3A_1033 : vector<16xf32>
        %swap3A_1035 = arith.index_cast %add3A_115 : i32 to index
        %swap3A_1036 = arith.constant 48 : index
        %swap3A_1037 = tpu.vector_load %arg10[%swap3A_1035, %swap3A_1036] {strides = array<i32>} : memref<8x128xf32, #tpu.memory_space<vmem>>, vector<1x16xf32>,
        %swap3A_1038 = vector.shape_cast %swap3A_1037 : vector<1x16xf32> to vector<16xf32>
        %swap3A_1039 = vector.shape_cast %mul3A_1034 : vector<16xf32> to vector<1x16xf32>
        tpu.vector_store %arg10[%swap3A_1035, %swap3A_1036], %swap3A_1039 {strides = array<i32>} : memref<8x128xf32, #tpu.memory_space<vmem>>, vector<1x16xf32>,
        %add3A_1040 = arith.constant 0 : i32
        %add3A_1041 = arith.addi %mul3A_117, %add3A_1040 : i32
        %get3A_1042 = arith.index_cast %add3A_1041 : i32 to index
        %get3A_1043 = arith.constant 64 : index
        %get3A_1044 = tpu.vector_load %arg8[%get3A_1042, %get3A_1043] {strides = array<i32>} : memref<256x128xf32, #tpu.memory_space<vmem>>, vector<1x16xf32>,
        %get3A_1045 = vector.shape_cast %get3A_1044 : vector<1x16xf32> to vector<16xf32>
        %add3A_1046 = arith.constant 1 : i32
        %add3A_1047 = arith.addi %mul3A_117, %add3A_1046 : i32
        %get3A_1048 = arith.index_cast %add3A_1047 : i32 to index
        %get3A_1049 = arith.constant 64 : index
        %get3A_1050 = tpu.vector_load %arg8[%get3A_1048, %get3A_1049] {strides = array<i32>} : memref<256x128xf32, #tpu.memory_space<vmem>>, vector<1x16xf32>,
        %get3A_1051 = vector.shape_cast %get3A_1050 : vector<1x16xf32> to vector<16xf32>
        %add3A_1052 = arith.constant 2 : i32
        %add3A_1053 = arith.addi %mul3A_117, %add3A_1052 : i32
        %get3A_1054 = arith.index_cast %add3A_1053 : i32 to index
        %get3A_1055 = arith.constant 64 : index
        %get3A_1056 = tpu.vector_load %arg8[%get3A_1054, %get3A_1055] {strides = array<i32>} : memref<256x128xf32, #tpu.memory_space<vmem>>, vector<1x16xf32>,
        %get3A_1057 = vector.shape_cast %get3A_1056 : vector<1x16xf32> to vector<16xf32>
        %add3A_1058 = arith.constant 3 : i32
        %add3A_1059 = arith.addi %mul3A_117, %add3A_1058 : i32
        %get3A_1060 = arith.index_cast %add3A_1059 : i32 to index
        %get3A_1061 = arith.constant 64 : index
        %get3A_1062 = tpu.vector_load %arg8[%get3A_1060, %get3A_1061] {strides = array<i32>} : memref<256x128xf32, #tpu.memory_space<vmem>>, vector<1x16xf32>,
        %get3A_1063 = vector.shape_cast %get3A_1062 : vector<1x16xf32> to vector<16xf32>
        %add3A_1064 = arith.constant 4 : i32
        %add3A_1065 = arith.addi %mul3A_117, %add3A_1064 : i32
        %get3A_1066 = arith.index_cast %add3A_1065 : i32 to index
        %get3A_1067 = arith.constant 64 : index
        %get3A_1068 = tpu.vector_load %arg8[%get3A_1066, %get3A_1067] {strides = array<i32>} : memref<256x128xf32, #tpu.memory_space<vmem>>, vector<1x16xf32>,
        %get3A_1069 = vector.shape_cast %get3A_1068 : vector<1x16xf32> to vector<16xf32>
        %add3A_1070 = arith.constant 5 : i32
        %add3A_1071 = arith.addi %mul3A_117, %add3A_1070 : i32
        %get3A_1072 = arith.index_cast %add3A_1071 : i32 to index
        %get3A_1073 = arith.constant 64 : index
        %get3A_1074 = tpu.vector_load %arg8[%get3A_1072, %get3A_1073] {strides = array<i32>} : memref<256x128xf32, #tpu.memory_space<vmem>>, vector<1x16xf32>,
        %get3A_1075 = vector.shape_cast %get3A_1074 : vector<1x16xf32> to vector<16xf32>
        %add3A_1076 = arith.constant 6 : i32
        %add3A_1077 = arith.addi %mul3A_117, %add3A_1076 : i32
        %get3A_1078 = arith.index_cast %add3A_1077 : i32 to index
        %get3A_1079 = arith.constant 64 : index
        %get3A_1080 = tpu.vector_load %arg8[%get3A_1078, %get3A_1079] {strides = array<i32>} : memref<256x128xf32, #tpu.memory_space<vmem>>, vector<1x16xf32>,
        %get3A_1081 = vector.shape_cast %get3A_1080 : vector<1x16xf32> to vector<16xf32>
        %add3A_1082 = arith.constant 7 : i32
        %add3A_1083 = arith.addi %mul3A_117, %add3A_1082 : i32
        %get3A_1084 = arith.index_cast %add3A_1083 : i32 to index
        %get3A_1085 = arith.constant 64 : index
        %get3A_1086 = tpu.vector_load %arg8[%get3A_1084, %get3A_1085] {strides = array<i32>} : memref<256x128xf32, #tpu.memory_space<vmem>>, vector<1x16xf32>,
        %get3A_1087 = vector.shape_cast %get3A_1086 : vector<1x16xf32> to vector<16xf32>
        %add3A_1088 = arith.constant 8 : i32
        %add3A_1089 = arith.addi %mul3A_117, %add3A_1088 : i32
        %get3A_1090 = arith.index_cast %add3A_1089 : i32 to index
        %get3A_1091 = arith.constant 64 : index
        %get3A_1092 = tpu.vector_load %arg8[%get3A_1090, %get3A_1091] {strides = array<i32>} : memref<256x128xf32, #tpu.memory_space<vmem>>, vector<1x16xf32>,
        %get3A_1093 = vector.shape_cast %get3A_1092 : vector<1x16xf32> to vector<16xf32>
        %add3A_1094 = arith.constant 9 : i32
        %add3A_1095 = arith.addi %mul3A_117, %add3A_1094 : i32
        %get3A_1096 = arith.index_cast %add3A_1095 : i32 to index
        %get3A_1097 = arith.constant 64 : index
        %get3A_1098 = tpu.vector_load %arg8[%get3A_1096, %get3A_1097] {strides = array<i32>} : memref<256x128xf32, #tpu.memory_space<vmem>>, vector<1x16xf32>,
        %get3A_1099 = vector.shape_cast %get3A_1098 : vector<1x16xf32> to vector<16xf32>
        %add3A_1100 = arith.constant 10 : i32
        %add3A_1101 = arith.addi %mul3A_117, %add3A_1100 : i32
        %get3A_1102 = arith.index_cast %add3A_1101 : i32 to index
        %get3A_1103 = arith.constant 64 : index
        %get3A_1104 = tpu.vector_load %arg8[%get3A_1102, %get3A_1103] {strides = array<i32>} : memref<256x128xf32, #tpu.memory_space<vmem>>, vector<1x16xf32>,
        %get3A_1105 = vector.shape_cast %get3A_1104 : vector<1x16xf32> to vector<16xf32>
        %add3A_1106 = arith.constant 11 : i32
        %add3A_1107 = arith.addi %mul3A_117, %add3A_1106 : i32
        %get3A_1108 = arith.index_cast %add3A_1107 : i32 to index
        %get3A_1109 = arith.constant 64 : index
        %get3A_1110 = tpu.vector_load %arg8[%get3A_1108, %get3A_1109] {strides = array<i32>} : memref<256x128xf32, #tpu.memory_space<vmem>>, vector<1x16xf32>,
        %get3A_1111 = vector.shape_cast %get3A_1110 : vector<1x16xf32> to vector<16xf32>
        %add3A_1112 = arith.constant 12 : i32
        %add3A_1113 = arith.addi %mul3A_117, %add3A_1112 : i32
        %get3A_1114 = arith.index_cast %add3A_1113 : i32 to index
        %get3A_1115 = arith.constant 64 : index
        %get3A_1116 = tpu.vector_load %arg8[%get3A_1114, %get3A_1115] {strides = array<i32>} : memref<256x128xf32, #tpu.memory_space<vmem>>, vector<1x16xf32>,
        %get3A_1117 = vector.shape_cast %get3A_1116 : vector<1x16xf32> to vector<16xf32>
        %add3A_1118 = arith.constant 13 : i32
        %add3A_1119 = arith.addi %mul3A_117, %add3A_1118 : i32
        %get3A_1120 = arith.index_cast %add3A_1119 : i32 to index
        %get3A_1121 = arith.constant 64 : index
        %get3A_1122 = tpu.vector_load %arg8[%get3A_1120, %get3A_1121] {strides = array<i32>} : memref<256x128xf32, #tpu.memory_space<vmem>>, vector<1x16xf32>,
        %get3A_1123 = vector.shape_cast %get3A_1122 : vector<1x16xf32> to vector<16xf32>
        %add3A_1124 = arith.constant 14 : i32
        %add3A_1125 = arith.addi %mul3A_117, %add3A_1124 : i32
        %get3A_1126 = arith.index_cast %add3A_1125 : i32 to index
        %get3A_1127 = arith.constant 64 : index
        %get3A_1128 = tpu.vector_load %arg8[%get3A_1126, %get3A_1127] {strides = array<i32>} : memref<256x128xf32, #tpu.memory_space<vmem>>, vector<1x16xf32>,
        %get3A_1129 = vector.shape_cast %get3A_1128 : vector<1x16xf32> to vector<16xf32>
        %add3A_1130 = arith.constant 15 : i32
        %add3A_1131 = arith.addi %mul3A_117, %add3A_1130 : i32
        %get3A_1132 = arith.index_cast %add3A_1131 : i32 to index
        %get3A_1133 = arith.constant 64 : index
        %get3A_1134 = tpu.vector_load %arg8[%get3A_1132, %get3A_1133] {strides = array<i32>} : memref<256x128xf32, #tpu.memory_space<vmem>>, vector<1x16xf32>,
        %get3A_1135 = vector.shape_cast %get3A_1134 : vector<1x16xf32> to vector<16xf32>
        %add3A_1136 = arith.constant 16 : i32
        %add3A_1137 = arith.addi %mul3A_117, %add3A_1136 : i32
        %get3A_1138 = arith.index_cast %add3A_1137 : i32 to index
        %get3A_1139 = arith.constant 64 : index
        %get3A_1140 = tpu.vector_load %arg8[%get3A_1138, %get3A_1139] {strides = array<i32>} : memref<256x128xf32, #tpu.memory_space<vmem>>, vector<1x16xf32>,
        %get3A_1141 = vector.shape_cast %get3A_1140 : vector<1x16xf32> to vector<16xf32>
        %add3A_1142 = arith.constant 17 : i32
        %add3A_1143 = arith.addi %mul3A_117, %add3A_1142 : i32
        %get3A_1144 = arith.index_cast %add3A_1143 : i32 to index
        %get3A_1145 = arith.constant 64 : index
        %get3A_1146 = tpu.vector_load %arg8[%get3A_1144, %get3A_1145] {strides = array<i32>} : memref<256x128xf32, #tpu.memory_space<vmem>>, vector<1x16xf32>,
        %get3A_1147 = vector.shape_cast %get3A_1146 : vector<1x16xf32> to vector<16xf32>
        %add3A_1148 = arith.constant 18 : i32
        %add3A_1149 = arith.addi %mul3A_117, %add3A_1148 : i32
        %get3A_1150 = arith.index_cast %add3A_1149 : i32 to index
        %get3A_1151 = arith.constant 64 : index
        %get3A_1152 = tpu.vector_load %arg8[%get3A_1150, %get3A_1151] {strides = array<i32>} : memref<256x128xf32, #tpu.memory_space<vmem>>, vector<1x16xf32>,
        %get3A_1153 = vector.shape_cast %get3A_1152 : vector<1x16xf32> to vector<16xf32>
        %add3A_1154 = arith.constant 19 : i32
        %add3A_1155 = arith.addi %mul3A_117, %add3A_1154 : i32
        %get3A_1156 = arith.index_cast %add3A_1155 : i32 to index
        %get3A_1157 = arith.constant 64 : index
        %get3A_1158 = tpu.vector_load %arg8[%get3A_1156, %get3A_1157] {strides = array<i32>} : memref<256x128xf32, #tpu.memory_space<vmem>>, vector<1x16xf32>,
        %get3A_1159 = vector.shape_cast %get3A_1158 : vector<1x16xf32> to vector<16xf32>
        %add3A_1160 = arith.constant 20 : i32
        %add3A_1161 = arith.addi %mul3A_117, %add3A_1160 : i32
        %get3A_1162 = arith.index_cast %add3A_1161 : i32 to index
        %get3A_1163 = arith.constant 64 : index
        %get3A_1164 = tpu.vector_load %arg8[%get3A_1162, %get3A_1163] {strides = array<i32>} : memref<256x128xf32, #tpu.memory_space<vmem>>, vector<1x16xf32>,
        %get3A_1165 = vector.shape_cast %get3A_1164 : vector<1x16xf32> to vector<16xf32>
        %add3A_1166 = arith.constant 21 : i32
        %add3A_1167 = arith.addi %mul3A_117, %add3A_1166 : i32
        %get3A_1168 = arith.index_cast %add3A_1167 : i32 to index
        %get3A_1169 = arith.constant 64 : index
        %get3A_1170 = tpu.vector_load %arg8[%get3A_1168, %get3A_1169] {strides = array<i32>} : memref<256x128xf32, #tpu.memory_space<vmem>>, vector<1x16xf32>,
        %get3A_1171 = vector.shape_cast %get3A_1170 : vector<1x16xf32> to vector<16xf32>
        %add3A_1172 = arith.constant 22 : i32
        %add3A_1173 = arith.addi %mul3A_117, %add3A_1172 : i32
        %get3A_1174 = arith.index_cast %add3A_1173 : i32 to index
        %get3A_1175 = arith.constant 64 : index
        %get3A_1176 = tpu.vector_load %arg8[%get3A_1174, %get3A_1175] {strides = array<i32>} : memref<256x128xf32, #tpu.memory_space<vmem>>, vector<1x16xf32>,
        %get3A_1177 = vector.shape_cast %get3A_1176 : vector<1x16xf32> to vector<16xf32>
        %add3A_1178 = arith.constant 23 : i32
        %add3A_1179 = arith.addi %mul3A_117, %add3A_1178 : i32
        %get3A_1180 = arith.index_cast %add3A_1179 : i32 to index
        %get3A_1181 = arith.constant 64 : index
        %get3A_1182 = tpu.vector_load %arg8[%get3A_1180, %get3A_1181] {strides = array<i32>} : memref<256x128xf32, #tpu.memory_space<vmem>>, vector<1x16xf32>,
        %get3A_1183 = vector.shape_cast %get3A_1182 : vector<1x16xf32> to vector<16xf32>
        %add3A_1184 = arith.constant 24 : i32
        %add3A_1185 = arith.addi %mul3A_117, %add3A_1184 : i32
        %get3A_1186 = arith.index_cast %add3A_1185 : i32 to index
        %get3A_1187 = arith.constant 64 : index
        %get3A_1188 = tpu.vector_load %arg8[%get3A_1186, %get3A_1187] {strides = array<i32>} : memref<256x128xf32, #tpu.memory_space<vmem>>, vector<1x16xf32>,
        %get3A_1189 = vector.shape_cast %get3A_1188 : vector<1x16xf32> to vector<16xf32>
        %add3A_1190 = arith.constant 25 : i32
        %add3A_1191 = arith.addi %mul3A_117, %add3A_1190 : i32
        %get3A_1192 = arith.index_cast %add3A_1191 : i32 to index
        %get3A_1193 = arith.constant 64 : index
        %get3A_1194 = tpu.vector_load %arg8[%get3A_1192, %get3A_1193] {strides = array<i32>} : memref<256x128xf32, #tpu.memory_space<vmem>>, vector<1x16xf32>,
        %get3A_1195 = vector.shape_cast %get3A_1194 : vector<1x16xf32> to vector<16xf32>
        %add3A_1196 = arith.constant 26 : i32
        %add3A_1197 = arith.addi %mul3A_117, %add3A_1196 : i32
        %get3A_1198 = arith.index_cast %add3A_1197 : i32 to index
        %get3A_1199 = arith.constant 64 : index
        %get3A_1200 = tpu.vector_load %arg8[%get3A_1198, %get3A_1199] {strides = array<i32>} : memref<256x128xf32, #tpu.memory_space<vmem>>, vector<1x16xf32>,
        %get3A_1201 = vector.shape_cast %get3A_1200 : vector<1x16xf32> to vector<16xf32>
        %add3A_1202 = arith.constant 27 : i32
        %add3A_1203 = arith.addi %mul3A_117, %add3A_1202 : i32
        %get3A_1204 = arith.index_cast %add3A_1203 : i32 to index
        %get3A_1205 = arith.constant 64 : index
        %get3A_1206 = tpu.vector_load %arg8[%get3A_1204, %get3A_1205] {strides = array<i32>} : memref<256x128xf32, #tpu.memory_space<vmem>>, vector<1x16xf32>,
        %get3A_1207 = vector.shape_cast %get3A_1206 : vector<1x16xf32> to vector<16xf32>
        %add3A_1208 = arith.constant 28 : i32
        %add3A_1209 = arith.addi %mul3A_117, %add3A_1208 : i32
        %get3A_1210 = arith.index_cast %add3A_1209 : i32 to index
        %get3A_1211 = arith.constant 64 : index
        %get3A_1212 = tpu.vector_load %arg8[%get3A_1210, %get3A_1211] {strides = array<i32>} : memref<256x128xf32, #tpu.memory_space<vmem>>, vector<1x16xf32>,
        %get3A_1213 = vector.shape_cast %get3A_1212 : vector<1x16xf32> to vector<16xf32>
        %add3A_1214 = arith.constant 29 : i32
        %add3A_1215 = arith.addi %mul3A_117, %add3A_1214 : i32
        %get3A_1216 = arith.index_cast %add3A_1215 : i32 to index
        %get3A_1217 = arith.constant 64 : index
        %get3A_1218 = tpu.vector_load %arg8[%get3A_1216, %get3A_1217] {strides = array<i32>} : memref<256x128xf32, #tpu.memory_space<vmem>>, vector<1x16xf32>,
        %get3A_1219 = vector.shape_cast %get3A_1218 : vector<1x16xf32> to vector<16xf32>
        %add3A_1220 = arith.constant 30 : i32
        %add3A_1221 = arith.addi %mul3A_117, %add3A_1220 : i32
        %get3A_1222 = arith.index_cast %add3A_1221 : i32 to index
        %get3A_1223 = arith.constant 64 : index
        %get3A_1224 = tpu.vector_load %arg8[%get3A_1222, %get3A_1223] {strides = array<i32>} : memref<256x128xf32, #tpu.memory_space<vmem>>, vector<1x16xf32>,
        %get3A_1225 = vector.shape_cast %get3A_1224 : vector<1x16xf32> to vector<16xf32>
        %add3A_1226 = arith.constant 31 : i32
        %add3A_1227 = arith.addi %mul3A_117, %add3A_1226 : i32
        %get3A_1228 = arith.index_cast %add3A_1227 : i32 to index
        %get3A_1229 = arith.constant 64 : index
        %get3A_1230 = tpu.vector_load %arg8[%get3A_1228, %get3A_1229] {strides = array<i32>} : memref<256x128xf32, #tpu.memory_space<vmem>>, vector<1x16xf32>,
        %get3A_1231 = vector.shape_cast %get3A_1230 : vector<1x16xf32> to vector<16xf32>
        %add3A_1232 = arith.addf %get3A_1045, %get3A_1051 : vector<16xf32>
        %add3A_1233 = arith.addf %get3A_1057, %get3A_1063 : vector<16xf32>
        %add3A_1234 = arith.addf %get3A_1069, %get3A_1075 : vector<16xf32>
        %add3A_1235 = arith.addf %get3A_1081, %get3A_1087 : vector<16xf32>
        %add3A_1236 = arith.addf %get3A_1093, %get3A_1099 : vector<16xf32>
        %add3A_1237 = arith.addf %get3A_1105, %get3A_1111 : vector<16xf32>
        %add3A_1238 = arith.addf %get3A_1117, %get3A_1123 : vector<16xf32>
        %add3A_1239 = arith.addf %get3A_1129, %get3A_1135 : vector<16xf32>
        %add3A_1240 = arith.addf %get3A_1141, %get3A_1147 : vector<16xf32>
        %add3A_1241 = arith.addf %get3A_1153, %get3A_1159 : vector<16xf32>
        %add3A_1242 = arith.addf %get3A_1165, %get3A_1171 : vector<16xf32>
        %add3A_1243 = arith.addf %get3A_1177, %get3A_1183 : vector<16xf32>
        %add3A_1244 = arith.addf %get3A_1189, %get3A_1195 : vector<16xf32>
        %add3A_1245 = arith.addf %get3A_1201, %get3A_1207 : vector<16xf32>
        %add3A_1246 = arith.addf %get3A_1213, %get3A_1219 : vector<16xf32>
        %add3A_1247 = arith.addf %get3A_1225, %get3A_1231 : vector<16xf32>
        %add3A_1248 = arith.addf %add3A_1232, %add3A_1233 : vector<16xf32>
        %add3A_1249 = arith.addf %add3A_1234, %add3A_1235 : vector<16xf32>
        %add3A_1250 = arith.addf %add3A_1236, %add3A_1237 : vector<16xf32>
        %add3A_1251 = arith.addf %add3A_1238, %add3A_1239 : vector<16xf32>
        %add3A_1252 = arith.addf %add3A_1240, %add3A_1241 : vector<16xf32>
        %add3A_1253 = arith.addf %add3A_1242, %add3A_1243 : vector<16xf32>
        %add3A_1254 = arith.addf %add3A_1244, %add3A_1245 : vector<16xf32>
        %add3A_1255 = arith.addf %add3A_1246, %add3A_1247 : vector<16xf32>
        %add3A_1256 = arith.addf %add3A_1248, %add3A_1249 : vector<16xf32>
        %add3A_1257 = arith.addf %add3A_1250, %add3A_1251 : vector<16xf32>
        %add3A_1258 = arith.addf %add3A_1252, %add3A_1253 : vector<16xf32>
        %add3A_1259 = arith.addf %add3A_1254, %add3A_1255 : vector<16xf32>
        %add3A_1260 = arith.addf %add3A_1256, %add3A_1257 : vector<16xf32>
        %add3A_1261 = arith.addf %add3A_1258, %add3A_1259 : vector<16xf32>
        %add3A_1262 = arith.addf %add3A_1260, %add3A_1261 : vector<16xf32>
        %mul3A_1263 = arith.constant 3.125000e-02 : f32
        %mul3A_1264 = vector.broadcast %mul3A_1263 : f32 to vector<16xf32>
        %mul3A_1265 = arith.mulf %add3A_1262, %mul3A_1264 : vector<16xf32>
        %swap3A_1266 = arith.index_cast %add3A_115 : i32 to index
        %swap3A_1267 = arith.constant 64 : index
        %swap3A_1268 = tpu.vector_load %arg10[%swap3A_1266, %swap3A_1267] {strides = array<i32>} : memref<8x128xf32, #tpu.memory_space<vmem>>, vector<1x16xf32>,
        %swap3A_1269 = vector.shape_cast %swap3A_1268 : vector<1x16xf32> to vector<16xf32>
        %swap3A_1270 = vector.shape_cast %mul3A_1265 : vector<16xf32> to vector<1x16xf32>
        tpu.vector_store %arg10[%swap3A_1266, %swap3A_1267], %swap3A_1270 {strides = array<i32>} : memref<8x128xf32, #tpu.memory_space<vmem>>, vector<1x16xf32>,
        %add3A_1271 = arith.constant 0 : i32
        %add3A_1272 = arith.addi %mul3A_117, %add3A_1271 : i32
        %get3A_1273 = arith.index_cast %add3A_1272 : i32 to index
        %get3A_1274 = arith.constant 80 : index
        %get3A_1275 = tpu.vector_load %arg8[%get3A_1273, %get3A_1274] {strides = array<i32>} : memref<256x128xf32, #tpu.memory_space<vmem>>, vector<1x16xf32>,
        %get3A_1276 = vector.shape_cast %get3A_1275 : vector<1x16xf32> to vector<16xf32>
        %add3A_1277 = arith.constant 1 : i32
        %add3A_1278 = arith.addi %mul3A_117, %add3A_1277 : i32
        %get3A_1279 = arith.index_cast %add3A_1278 : i32 to index
        %get3A_1280 = arith.constant 80 : index
        %get3A_1281 = tpu.vector_load %arg8[%get3A_1279, %get3A_1280] {strides = array<i32>} : memref<256x128xf32, #tpu.memory_space<vmem>>, vector<1x16xf32>,
        %get3A_1282 = vector.shape_cast %get3A_1281 : vector<1x16xf32> to vector<16xf32>
        %add3A_1283 = arith.constant 2 : i32
        %add3A_1284 = arith.addi %mul3A_117, %add3A_1283 : i32
        %get3A_1285 = arith.index_cast %add3A_1284 : i32 to index
        %get3A_1286 = arith.constant 80 : index
        %get3A_1287 = tpu.vector_load %arg8[%get3A_1285, %get3A_1286] {strides = array<i32>} : memref<256x128xf32, #tpu.memory_space<vmem>>, vector<1x16xf32>,
        %get3A_1288 = vector.shape_cast %get3A_1287 : vector<1x16xf32> to vector<16xf32>
        %add3A_1289 = arith.constant 3 : i32
        %add3A_1290 = arith.addi %mul3A_117, %add3A_1289 : i32
        %get3A_1291 = arith.index_cast %add3A_1290 : i32 to index
        %get3A_1292 = arith.constant 80 : index
        %get3A_1293 = tpu.vector_load %arg8[%get3A_1291, %get3A_1292] {strides = array<i32>} : memref<256x128xf32, #tpu.memory_space<vmem>>, vector<1x16xf32>,
        %get3A_1294 = vector.shape_cast %get3A_1293 : vector<1x16xf32> to vector<16xf32>
        %add3A_1295 = arith.constant 4 : i32
        %add3A_1296 = arith.addi %mul3A_117, %add3A_1295 : i32
        %get3A_1297 = arith.index_cast %add3A_1296 : i32 to index
        %get3A_1298 = arith.constant 80 : index
        %get3A_1299 = tpu.vector_load %arg8[%get3A_1297, %get3A_1298] {strides = array<i32>} : memref<256x128xf32, #tpu.memory_space<vmem>>, vector<1x16xf32>,
        %get3A_1300 = vector.shape_cast %get3A_1299 : vector<1x16xf32> to vector<16xf32>
        %add3A_1301 = arith.constant 5 : i32
        %add3A_1302 = arith.addi %mul3A_117, %add3A_1301 : i32
        %get3A_1303 = arith.index_cast %add3A_1302 : i32 to index
        %get3A_1304 = arith.constant 80 : index
        %get3A_1305 = tpu.vector_load %arg8[%get3A_1303, %get3A_1304] {strides = array<i32>} : memref<256x128xf32, #tpu.memory_space<vmem>>, vector<1x16xf32>,
        %get3A_1306 = vector.shape_cast %get3A_1305 : vector<1x16xf32> to vector<16xf32>
        %add3A_1307 = arith.constant 6 : i32
        %add3A_1308 = arith.addi %mul3A_117, %add3A_1307 : i32
        %get3A_1309 = arith.index_cast %add3A_1308 : i32 to index
        %get3A_1310 = arith.constant 80 : index
        %get3A_1311 = tpu.vector_load %arg8[%get3A_1309, %get3A_1310] {strides = array<i32>} : memref<256x128xf32, #tpu.memory_space<vmem>>, vector<1x16xf32>,
        %get3A_1312 = vector.shape_cast %get3A_1311 : vector<1x16xf32> to vector<16xf32>
        %add3A_1313 = arith.constant 7 : i32
        %add3A_1314 = arith.addi %mul3A_117, %add3A_1313 : i32
        %get3A_1315 = arith.index_cast %add3A_1314 : i32 to index
        %get3A_1316 = arith.constant 80 : index
        %get3A_1317 = tpu.vector_load %arg8[%get3A_1315, %get3A_1316] {strides = array<i32>} : memref<256x128xf32, #tpu.memory_space<vmem>>, vector<1x16xf32>,
        %get3A_1318 = vector.shape_cast %get3A_1317 : vector<1x16xf32> to vector<16xf32>
        %add3A_1319 = arith.constant 8 : i32
        %add3A_1320 = arith.addi %mul3A_117, %add3A_1319 : i32
        %get3A_1321 = arith.index_cast %add3A_1320 : i32 to index
        %get3A_1322 = arith.constant 80 : index
        %get3A_1323 = tpu.vector_load %arg8[%get3A_1321, %get3A_1322] {strides = array<i32>} : memref<256x128xf32, #tpu.memory_space<vmem>>, vector<1x16xf32>,
        %get3A_1324 = vector.shape_cast %get3A_1323 : vector<1x16xf32> to vector<16xf32>
        %add3A_1325 = arith.constant 9 : i32
        %add3A_1326 = arith.addi %mul3A_117, %add3A_1325 : i32
        %get3A_1327 = arith.index_cast %add3A_1326 : i32 to index
        %get3A_1328 = arith.constant 80 : index
        %get3A_1329 = tpu.vector_load %arg8[%get3A_1327, %get3A_1328] {strides = array<i32>} : memref<256x128xf32, #tpu.memory_space<vmem>>, vector<1x16xf32>,
        %get3A_1330 = vector.shape_cast %get3A_1329 : vector<1x16xf32> to vector<16xf32>
        %add3A_1331 = arith.constant 10 : i32
        %add3A_1332 = arith.addi %mul3A_117, %add3A_1331 : i32
        %get3A_1333 = arith.index_cast %add3A_1332 : i32 to index
        %get3A_1334 = arith.constant 80 : index
        %get3A_1335 = tpu.vector_load %arg8[%get3A_1333, %get3A_1334] {strides = array<i32>} : memref<256x128xf32, #tpu.memory_space<vmem>>, vector<1x16xf32>,
        %get3A_1336 = vector.shape_cast %get3A_1335 : vector<1x16xf32> to vector<16xf32>
        %add3A_1337 = arith.constant 11 : i32
        %add3A_1338 = arith.addi %mul3A_117, %add3A_1337 : i32
        %get3A_1339 = arith.index_cast %add3A_1338 : i32 to index
        %get3A_1340 = arith.constant 80 : index
        %get3A_1341 = tpu.vector_load %arg8[%get3A_1339, %get3A_1340] {strides = array<i32>} : memref<256x128xf32, #tpu.memory_space<vmem>>, vector<1x16xf32>,
        %get3A_1342 = vector.shape_cast %get3A_1341 : vector<1x16xf32> to vector<16xf32>
        %add3A_1343 = arith.constant 12 : i32
        %add3A_1344 = arith.addi %mul3A_117, %add3A_1343 : i32
        %get3A_1345 = arith.index_cast %add3A_1344 : i32 to index
        %get3A_1346 = arith.constant 80 : index
        %get3A_1347 = tpu.vector_load %arg8[%get3A_1345, %get3A_1346] {strides = array<i32>} : memref<256x128xf32, #tpu.memory_space<vmem>>, vector<1x16xf32>,
        %get3A_1348 = vector.shape_cast %get3A_1347 : vector<1x16xf32> to vector<16xf32>
        %add3A_1349 = arith.constant 13 : i32
        %add3A_1350 = arith.addi %mul3A_117, %add3A_1349 : i32
        %get3A_1351 = arith.index_cast %add3A_1350 : i32 to index
        %get3A_1352 = arith.constant 80 : index
        %get3A_1353 = tpu.vector_load %arg8[%get3A_1351, %get3A_1352] {strides = array<i32>} : memref<256x128xf32, #tpu.memory_space<vmem>>, vector<1x16xf32>,
        %get3A_1354 = vector.shape_cast %get3A_1353 : vector<1x16xf32> to vector<16xf32>
        %add3A_1355 = arith.constant 14 : i32
        %add3A_1356 = arith.addi %mul3A_117, %add3A_1355 : i32
        %get3A_1357 = arith.index_cast %add3A_1356 : i32 to index
        %get3A_1358 = arith.constant 80 : index
        %get3A_1359 = tpu.vector_load %arg8[%get3A_1357, %get3A_1358] {strides = array<i32>} : memref<256x128xf32, #tpu.memory_space<vmem>>, vector<1x16xf32>,
        %get3A_1360 = vector.shape_cast %get3A_1359 : vector<1x16xf32> to vector<16xf32>
        %add3A_1361 = arith.constant 15 : i32
        %add3A_1362 = arith.addi %mul3A_117, %add3A_1361 : i32
        %get3A_1363 = arith.index_cast %add3A_1362 : i32 to index
        %get3A_1364 = arith.constant 80 : index
        %get3A_1365 = tpu.vector_load %arg8[%get3A_1363, %get3A_1364] {strides = array<i32>} : memref<256x128xf32, #tpu.memory_space<vmem>>, vector<1x16xf32>,
        %get3A_1366 = vector.shape_cast %get3A_1365 : vector<1x16xf32> to vector<16xf32>
        %add3A_1367 = arith.constant 16 : i32
        %add3A_1368 = arith.addi %mul3A_117, %add3A_1367 : i32
        %get3A_1369 = arith.index_cast %add3A_1368 : i32 to index
        %get3A_1370 = arith.constant 80 : index
        %get3A_1371 = tpu.vector_load %arg8[%get3A_1369, %get3A_1370] {strides = array<i32>} : memref<256x128xf32, #tpu.memory_space<vmem>>, vector<1x16xf32>,
        %get3A_1372 = vector.shape_cast %get3A_1371 : vector<1x16xf32> to vector<16xf32>
        %add3A_1373 = arith.constant 17 : i32
        %add3A_1374 = arith.addi %mul3A_117, %add3A_1373 : i32
        %get3A_1375 = arith.index_cast %add3A_1374 : i32 to index
        %get3A_1376 = arith.constant 80 : index
        %get3A_1377 = tpu.vector_load %arg8[%get3A_1375, %get3A_1376] {strides = array<i32>} : memref<256x128xf32, #tpu.memory_space<vmem>>, vector<1x16xf32>,
        %get3A_1378 = vector.shape_cast %get3A_1377 : vector<1x16xf32> to vector<16xf32>
        %add3A_1379 = arith.constant 18 : i32
        %add3A_1380 = arith.addi %mul3A_117, %add3A_1379 : i32
        %get3A_1381 = arith.index_cast %add3A_1380 : i32 to index
        %get3A_1382 = arith.constant 80 : index
        %get3A_1383 = tpu.vector_load %arg8[%get3A_1381, %get3A_1382] {strides = array<i32>} : memref<256x128xf32, #tpu.memory_space<vmem>>, vector<1x16xf32>,
        %get3A_1384 = vector.shape_cast %get3A_1383 : vector<1x16xf32> to vector<16xf32>
        %add3A_1385 = arith.constant 19 : i32
        %add3A_1386 = arith.addi %mul3A_117, %add3A_1385 : i32
        %get3A_1387 = arith.index_cast %add3A_1386 : i32 to index
        %get3A_1388 = arith.constant 80 : index
        %get3A_1389 = tpu.vector_load %arg8[%get3A_1387, %get3A_1388] {strides = array<i32>} : memref<256x128xf32, #tpu.memory_space<vmem>>, vector<1x16xf32>,
        %get3A_1390 = vector.shape_cast %get3A_1389 : vector<1x16xf32> to vector<16xf32>
        %add3A_1391 = arith.constant 20 : i32
        %add3A_1392 = arith.addi %mul3A_117, %add3A_1391 : i32
        %get3A_1393 = arith.index_cast %add3A_1392 : i32 to index
        %get3A_1394 = arith.constant 80 : index
        %get3A_1395 = tpu.vector_load %arg8[%get3A_1393, %get3A_1394] {strides = array<i32>} : memref<256x128xf32, #tpu.memory_space<vmem>>, vector<1x16xf32>,
        %get3A_1396 = vector.shape_cast %get3A_1395 : vector<1x16xf32> to vector<16xf32>
        %add3A_1397 = arith.constant 21 : i32
        %add3A_1398 = arith.addi %mul3A_117, %add3A_1397 : i32
        %get3A_1399 = arith.index_cast %add3A_1398 : i32 to index
        %get3A_1400 = arith.constant 80 : index
        %get3A_1401 = tpu.vector_load %arg8[%get3A_1399, %get3A_1400] {strides = array<i32>} : memref<256x128xf32, #tpu.memory_space<vmem>>, vector<1x16xf32>,
        %get3A_1402 = vector.shape_cast %get3A_1401 : vector<1x16xf32> to vector<16xf32>
        %add3A_1403 = arith.constant 22 : i32
        %add3A_1404 = arith.addi %mul3A_117, %add3A_1403 : i32
        %get3A_1405 = arith.index_cast %add3A_1404 : i32 to index
        %get3A_1406 = arith.constant 80 : index
        %get3A_1407 = tpu.vector_load %arg8[%get3A_1405, %get3A_1406] {strides = array<i32>} : memref<256x128xf32, #tpu.memory_space<vmem>>, vector<1x16xf32>,
        %get3A_1408 = vector.shape_cast %get3A_1407 : vector<1x16xf32> to vector<16xf32>
        %add3A_1409 = arith.constant 23 : i32
        %add3A_1410 = arith.addi %mul3A_117, %add3A_1409 : i32
        %get3A_1411 = arith.index_cast %add3A_1410 : i32 to index
        %get3A_1412 = arith.constant 80 : index
        %get3A_1413 = tpu.vector_load %arg8[%get3A_1411, %get3A_1412] {strides = array<i32>} : memref<256x128xf32, #tpu.memory_space<vmem>>, vector<1x16xf32>,
        %get3A_1414 = vector.shape_cast %get3A_1413 : vector<1x16xf32> to vector<16xf32>
        %add3A_1415 = arith.constant 24 : i32
        %add3A_1416 = arith.addi %mul3A_117, %add3A_1415 : i32
        %get3A_1417 = arith.index_cast %add3A_1416 : i32 to index
        %get3A_1418 = arith.constant 80 : index
        %get3A_1419 = tpu.vector_load %arg8[%get3A_1417, %get3A_1418] {strides = array<i32>} : memref<256x128xf32, #tpu.memory_space<vmem>>, vector<1x16xf32>,
        %get3A_1420 = vector.shape_cast %get3A_1419 : vector<1x16xf32> to vector<16xf32>
        %add3A_1421 = arith.constant 25 : i32
        %add3A_1422 = arith.addi %mul3A_117, %add3A_1421 : i32
        %get3A_1423 = arith.index_cast %add3A_1422 : i32 to index
        %get3A_1424 = arith.constant 80 : index
        %get3A_1425 = tpu.vector_load %arg8[%get3A_1423, %get3A_1424] {strides = array<i32>} : memref<256x128xf32, #tpu.memory_space<vmem>>, vector<1x16xf32>,
        %get3A_1426 = vector.shape_cast %get3A_1425 : vector<1x16xf32> to vector<16xf32>
        %add3A_1427 = arith.constant 26 : i32
        %add3A_1428 = arith.addi %mul3A_117, %add3A_1427 : i32
        %get3A_1429 = arith.index_cast %add3A_1428 : i32 to index
        %get3A_1430 = arith.constant 80 : index
        %get3A_1431 = tpu.vector_load %arg8[%get3A_1429, %get3A_1430] {strides = array<i32>} : memref<256x128xf32, #tpu.memory_space<vmem>>, vector<1x16xf32>,
        %get3A_1432 = vector.shape_cast %get3A_1431 : vector<1x16xf32> to vector<16xf32>
        %add3A_1433 = arith.constant 27 : i32
        %add3A_1434 = arith.addi %mul3A_117, %add3A_1433 : i32
        %get3A_1435 = arith.index_cast %add3A_1434 : i32 to index
        %get3A_1436 = arith.constant 80 : index
        %get3A_1437 = tpu.vector_load %arg8[%get3A_1435, %get3A_1436] {strides = array<i32>} : memref<256x128xf32, #tpu.memory_space<vmem>>, vector<1x16xf32>,
        %get3A_1438 = vector.shape_cast %get3A_1437 : vector<1x16xf32> to vector<16xf32>
        %add3A_1439 = arith.constant 28 : i32
        %add3A_1440 = arith.addi %mul3A_117, %add3A_1439 : i32
        %get3A_1441 = arith.index_cast %add3A_1440 : i32 to index
        %get3A_1442 = arith.constant 80 : index
        %get3A_1443 = tpu.vector_load %arg8[%get3A_1441, %get3A_1442] {strides = array<i32>} : memref<256x128xf32, #tpu.memory_space<vmem>>, vector<1x16xf32>,
        %get3A_1444 = vector.shape_cast %get3A_1443 : vector<1x16xf32> to vector<16xf32>
        %add3A_1445 = arith.constant 29 : i32
        %add3A_1446 = arith.addi %mul3A_117, %add3A_1445 : i32
        %get3A_1447 = arith.index_cast %add3A_1446 : i32 to index
        %get3A_1448 = arith.constant 80 : index
        %get3A_1449 = tpu.vector_load %arg8[%get3A_1447, %get3A_1448] {strides = array<i32>} : memref<256x128xf32, #tpu.memory_space<vmem>>, vector<1x16xf32>,
        %get3A_1450 = vector.shape_cast %get3A_1449 : vector<1x16xf32> to vector<16xf32>
        %add3A_1451 = arith.constant 30 : i32
        %add3A_1452 = arith.addi %mul3A_117, %add3A_1451 : i32
        %get3A_1453 = arith.index_cast %add3A_1452 : i32 to index
        %get3A_1454 = arith.constant 80 : index
        %get3A_1455 = tpu.vector_load %arg8[%get3A_1453, %get3A_1454] {strides = array<i32>} : memref<256x128xf32, #tpu.memory_space<vmem>>, vector<1x16xf32>,
        %get3A_1456 = vector.shape_cast %get3A_1455 : vector<1x16xf32> to vector<16xf32>
        %add3A_1457 = arith.constant 31 : i32
        %add3A_1458 = arith.addi %mul3A_117, %add3A_1457 : i32
        %get3A_1459 = arith.index_cast %add3A_1458 : i32 to index
        %get3A_1460 = arith.constant 80 : index
        %get3A_1461 = tpu.vector_load %arg8[%get3A_1459, %get3A_1460] {strides = array<i32>} : memref<256x128xf32, #tpu.memory_space<vmem>>, vector<1x16xf32>,
        %get3A_1462 = vector.shape_cast %get3A_1461 : vector<1x16xf32> to vector<16xf32>
        %add3A_1463 = arith.addf %get3A_1276, %get3A_1282 : vector<16xf32>
        %add3A_1464 = arith.addf %get3A_1288, %get3A_1294 : vector<16xf32>
        %add3A_1465 = arith.addf %get3A_1300, %get3A_1306 : vector<16xf32>
        %add3A_1466 = arith.addf %get3A_1312, %get3A_1318 : vector<16xf32>
        %add3A_1467 = arith.addf %get3A_1324, %get3A_1330 : vector<16xf32>
        %add3A_1468 = arith.addf %get3A_1336, %get3A_1342 : vector<16xf32>
        %add3A_1469 = arith.addf %get3A_1348, %get3A_1354 : vector<16xf32>
        %add3A_1470 = arith.addf %get3A_1360, %get3A_1366 : vector<16xf32>
        %add3A_1471 = arith.addf %get3A_1372, %get3A_1378 : vector<16xf32>
        %add3A_1472 = arith.addf %get3A_1384, %get3A_1390 : vector<16xf32>
        %add3A_1473 = arith.addf %get3A_1396, %get3A_1402 : vector<16xf32>
        %add3A_1474 = arith.addf %get3A_1408, %get3A_1414 : vector<16xf32>
        %add3A_1475 = arith.addf %get3A_1420, %get3A_1426 : vector<16xf32>
        %add3A_1476 = arith.addf %get3A_1432, %get3A_1438 : vector<16xf32>
        %add3A_1477 = arith.addf %get3A_1444, %get3A_1450 : vector<16xf32>
        %add3A_1478 = arith.addf %get3A_1456, %get3A_1462 : vector<16xf32>
        %add3A_1479 = arith.addf %add3A_1463, %add3A_1464 : vector<16xf32>
        %add3A_1480 = arith.addf %add3A_1465, %add3A_1466 : vector<16xf32>
        %add3A_1481 = arith.addf %add3A_1467, %add3A_1468 : vector<16xf32>
        %add3A_1482 = arith.addf %add3A_1469, %add3A_1470 : vector<16xf32>
        %add3A_1483 = arith.addf %add3A_1471, %add3A_1472 : vector<16xf32>
        %add3A_1484 = arith.addf %add3A_1473, %add3A_1474 : vector<16xf32>
        %add3A_1485 = arith.addf %add3A_1475, %add3A_1476 : vector<16xf32>
        %add3A_1486 = arith.addf %add3A_1477, %add3A_1478 : vector<16xf32>
        %add3A_1487 = arith.addf %add3A_1479, %add3A_1480 : vector<16xf32>
        %add3A_1488 = arith.addf %add3A_1481, %add3A_1482 : vector<16xf32>
        %add3A_1489 = arith.addf %add3A_1483, %add3A_1484 : vector<16xf32>
        %add3A_1490 = arith.addf %add3A_1485, %add3A_1486 : vector<16xf32>
        %add3A_1491 = arith.addf %add3A_1487, %add3A_1488 : vector<16xf32>
        %add3A_1492 = arith.addf %add3A_1489, %add3A_1490 : vector<16xf32>
        %add3A_1493 = arith.addf %add3A_1491, %add3A_1492 : vector<16xf32>
        %mul3A_1494 = arith.constant 3.125000e-02 : f32
        %mul3A_1495 = vector.broadcast %mul3A_1494 : f32 to vector<16xf32>
        %mul3A_1496 = arith.mulf %add3A_1493, %mul3A_1495 : vector<16xf32>
        %swap3A_1497 = arith.index_cast %add3A_115 : i32 to index
        %swap3A_1498 = arith.constant 80 : index
        %swap3A_1499 = tpu.vector_load %arg10[%swap3A_1497, %swap3A_1498] {strides = array<i32>} : memref<8x128xf32, #tpu.memory_space<vmem>>, vector<1x16xf32>,
        %swap3A_1500 = vector.shape_cast %swap3A_1499 : vector<1x16xf32> to vector<16xf32>
        %swap3A_1501 = vector.shape_cast %mul3A_1496 : vector<16xf32> to vector<1x16xf32>
        tpu.vector_store %arg10[%swap3A_1497, %swap3A_1498], %swap3A_1501 {strides = array<i32>} : memref<8x128xf32, #tpu.memory_space<vmem>>, vector<1x16xf32>,
        %add3A_1502 = arith.constant 0 : i32
        %add3A_1503 = arith.addi %mul3A_117, %add3A_1502 : i32
        %get3A_1504 = arith.index_cast %add3A_1503 : i32 to index
        %get3A_1505 = arith.constant 96 : index
        %get3A_1506 = tpu.vector_load %arg8[%get3A_1504, %get3A_1505] {strides = array<i32>} : memref<256x128xf32, #tpu.memory_space<vmem>>, vector<1x16xf32>,
        %get3A_1507 = vector.shape_cast %get3A_1506 : vector<1x16xf32> to vector<16xf32>
        %add3A_1508 = arith.constant 1 : i32
        %add3A_1509 = arith.addi %mul3A_117, %add3A_1508 : i32
        %get3A_1510 = arith.index_cast %add3A_1509 : i32 to index
        %get3A_1511 = arith.constant 96 : index
        %get3A_1512 = tpu.vector_load %arg8[%get3A_1510, %get3A_1511] {strides = array<i32>} : memref<256x128xf32, #tpu.memory_space<vmem>>, vector<1x16xf32>,
        %get3A_1513 = vector.shape_cast %get3A_1512 : vector<1x16xf32> to vector<16xf32>
        %add3A_1514 = arith.constant 2 : i32
        %add3A_1515 = arith.addi %mul3A_117, %add3A_1514 : i32
        %get3A_1516 = arith.index_cast %add3A_1515 : i32 to index
        %get3A_1517 = arith.constant 96 : index
        %get3A_1518 = tpu.vector_load %arg8[%get3A_1516, %get3A_1517] {strides = array<i32>} : memref<256x128xf32, #tpu.memory_space<vmem>>, vector<1x16xf32>,
        %get3A_1519 = vector.shape_cast %get3A_1518 : vector<1x16xf32> to vector<16xf32>
        %add3A_1520 = arith.constant 3 : i32
        %add3A_1521 = arith.addi %mul3A_117, %add3A_1520 : i32
        %get3A_1522 = arith.index_cast %add3A_1521 : i32 to index
        %get3A_1523 = arith.constant 96 : index
        %get3A_1524 = tpu.vector_load %arg8[%get3A_1522, %get3A_1523] {strides = array<i32>} : memref<256x128xf32, #tpu.memory_space<vmem>>, vector<1x16xf32>,
        %get3A_1525 = vector.shape_cast %get3A_1524 : vector<1x16xf32> to vector<16xf32>
        %add3A_1526 = arith.constant 4 : i32
        %add3A_1527 = arith.addi %mul3A_117, %add3A_1526 : i32
        %get3A_1528 = arith.index_cast %add3A_1527 : i32 to index
        %get3A_1529 = arith.constant 96 : index
        %get3A_1530 = tpu.vector_load %arg8[%get3A_1528, %get3A_1529] {strides = array<i32>} : memref<256x128xf32, #tpu.memory_space<vmem>>, vector<1x16xf32>,
        %get3A_1531 = vector.shape_cast %get3A_1530 : vector<1x16xf32> to vector<16xf32>
        %add3A_1532 = arith.constant 5 : i32
        %add3A_1533 = arith.addi %mul3A_117, %add3A_1532 : i32
        %get3A_1534 = arith.index_cast %add3A_1533 : i32 to index
        %get3A_1535 = arith.constant 96 : index
        %get3A_1536 = tpu.vector_load %arg8[%get3A_1534, %get3A_1535] {strides = array<i32>} : memref<256x128xf32, #tpu.memory_space<vmem>>, vector<1x16xf32>,
        %get3A_1537 = vector.shape_cast %get3A_1536 : vector<1x16xf32> to vector<16xf32>
        %add3A_1538 = arith.constant 6 : i32
        %add3A_1539 = arith.addi %mul3A_117, %add3A_1538 : i32
        %get3A_1540 = arith.index_cast %add3A_1539 : i32 to index
        %get3A_1541 = arith.constant 96 : index
        %get3A_1542 = tpu.vector_load %arg8[%get3A_1540, %get3A_1541] {strides = array<i32>} : memref<256x128xf32, #tpu.memory_space<vmem>>, vector<1x16xf32>,
        %get3A_1543 = vector.shape_cast %get3A_1542 : vector<1x16xf32> to vector<16xf32>
        %add3A_1544 = arith.constant 7 : i32
        %add3A_1545 = arith.addi %mul3A_117, %add3A_1544 : i32
        %get3A_1546 = arith.index_cast %add3A_1545 : i32 to index
        %get3A_1547 = arith.constant 96 : index
        %get3A_1548 = tpu.vector_load %arg8[%get3A_1546, %get3A_1547] {strides = array<i32>} : memref<256x128xf32, #tpu.memory_space<vmem>>, vector<1x16xf32>,
        %get3A_1549 = vector.shape_cast %get3A_1548 : vector<1x16xf32> to vector<16xf32>
        %add3A_1550 = arith.constant 8 : i32
        %add3A_1551 = arith.addi %mul3A_117, %add3A_1550 : i32
        %get3A_1552 = arith.index_cast %add3A_1551 : i32 to index
        %get3A_1553 = arith.constant 96 : index
        %get3A_1554 = tpu.vector_load %arg8[%get3A_1552, %get3A_1553] {strides = array<i32>} : memref<256x128xf32, #tpu.memory_space<vmem>>, vector<1x16xf32>,
        %get3A_1555 = vector.shape_cast %get3A_1554 : vector<1x16xf32> to vector<16xf32>
        %add3A_1556 = arith.constant 9 : i32
        %add3A_1557 = arith.addi %mul3A_117, %add3A_1556 : i32
        %get3A_1558 = arith.index_cast %add3A_1557 : i32 to index
        %get3A_1559 = arith.constant 96 : index
        %get3A_1560 = tpu.vector_load %arg8[%get3A_1558, %get3A_1559] {strides = array<i32>} : memref<256x128xf32, #tpu.memory_space<vmem>>, vector<1x16xf32>,
        %get3A_1561 = vector.shape_cast %get3A_1560 : vector<1x16xf32> to vector<16xf32>
        %add3A_1562 = arith.constant 10 : i32
        %add3A_1563 = arith.addi %mul3A_117, %add3A_1562 : i32
        %get3A_1564 = arith.index_cast %add3A_1563 : i32 to index
        %get3A_1565 = arith.constant 96 : index
        %get3A_1566 = tpu.vector_load %arg8[%get3A_1564, %get3A_1565] {strides = array<i32>} : memref<256x128xf32, #tpu.memory_space<vmem>>, vector<1x16xf32>,
        %get3A_1567 = vector.shape_cast %get3A_1566 : vector<1x16xf32> to vector<16xf32>
        %add3A_1568 = arith.constant 11 : i32
        %add3A_1569 = arith.addi %mul3A_117, %add3A_1568 : i32
        %get3A_1570 = arith.index_cast %add3A_1569 : i32 to index
        %get3A_1571 = arith.constant 96 : index
        %get3A_1572 = tpu.vector_load %arg8[%get3A_1570, %get3A_1571] {strides = array<i32>} : memref<256x128xf32, #tpu.memory_space<vmem>>, vector<1x16xf32>,
        %get3A_1573 = vector.shape_cast %get3A_1572 : vector<1x16xf32> to vector<16xf32>
        %add3A_1574 = arith.constant 12 : i32
        %add3A_1575 = arith.addi %mul3A_117, %add3A_1574 : i32
        %get3A_1576 = arith.index_cast %add3A_1575 : i32 to index
        %get3A_1577 = arith.constant 96 : index
        %get3A_1578 = tpu.vector_load %arg8[%get3A_1576, %get3A_1577] {strides = array<i32>} : memref<256x128xf32, #tpu.memory_space<vmem>>, vector<1x16xf32>,
        %get3A_1579 = vector.shape_cast %get3A_1578 : vector<1x16xf32> to vector<16xf32>
        %add3A_1580 = arith.constant 13 : i32
        %add3A_1581 = arith.addi %mul3A_117, %add3A_1580 : i32
        %get3A_1582 = arith.index_cast %add3A_1581 : i32 to index
        %get3A_1583 = arith.constant 96 : index
        %get3A_1584 = tpu.vector_load %arg8[%get3A_1582, %get3A_1583] {strides = array<i32>} : memref<256x128xf32, #tpu.memory_space<vmem>>, vector<1x16xf32>,
        %get3A_1585 = vector.shape_cast %get3A_1584 : vector<1x16xf32> to vector<16xf32>
        %add3A_1586 = arith.constant 14 : i32
        %add3A_1587 = arith.addi %mul3A_117, %add3A_1586 : i32
        %get3A_1588 = arith.index_cast %add3A_1587 : i32 to index
        %get3A_1589 = arith.constant 96 : index
        %get3A_1590 = tpu.vector_load %arg8[%get3A_1588, %get3A_1589] {strides = array<i32>} : memref<256x128xf32, #tpu.memory_space<vmem>>, vector<1x16xf32>,
        %get3A_1591 = vector.shape_cast %get3A_1590 : vector<1x16xf32> to vector<16xf32>
        %add3A_1592 = arith.constant 15 : i32
        %add3A_1593 = arith.addi %mul3A_117, %add3A_1592 : i32
        %get3A_1594 = arith.index_cast %add3A_1593 : i32 to index
        %get3A_1595 = arith.constant 96 : index
        %get3A_1596 = tpu.vector_load %arg8[%get3A_1594, %get3A_1595] {strides = array<i32>} : memref<256x128xf32, #tpu.memory_space<vmem>>, vector<1x16xf32>,
        %get3A_1597 = vector.shape_cast %get3A_1596 : vector<1x16xf32> to vector<16xf32>
        %add3A_1598 = arith.constant 16 : i32
        %add3A_1599 = arith.addi %mul3A_117, %add3A_1598 : i32
        %get3A_1600 = arith.index_cast %add3A_1599 : i32 to index
        %get3A_1601 = arith.constant 96 : index
        %get3A_1602 = tpu.vector_load %arg8[%get3A_1600, %get3A_1601] {strides = array<i32>} : memref<256x128xf32, #tpu.memory_space<vmem>>, vector<1x16xf32>,
        %get3A_1603 = vector.shape_cast %get3A_1602 : vector<1x16xf32> to vector<16xf32>
        %add3A_1604 = arith.constant 17 : i32
        %add3A_1605 = arith.addi %mul3A_117, %add3A_1604 : i32
        %get3A_1606 = arith.index_cast %add3A_1605 : i32 to index
        %get3A_1607 = arith.constant 96 : index
        %get3A_1608 = tpu.vector_load %arg8[%get3A_1606, %get3A_1607] {strides = array<i32>} : memref<256x128xf32, #tpu.memory_space<vmem>>, vector<1x16xf32>,
        %get3A_1609 = vector.shape_cast %get3A_1608 : vector<1x16xf32> to vector<16xf32>
        %add3A_1610 = arith.constant 18 : i32
        %add3A_1611 = arith.addi %mul3A_117, %add3A_1610 : i32
        %get3A_1612 = arith.index_cast %add3A_1611 : i32 to index
        %get3A_1613 = arith.constant 96 : index
        %get3A_1614 = tpu.vector_load %arg8[%get3A_1612, %get3A_1613] {strides = array<i32>} : memref<256x128xf32, #tpu.memory_space<vmem>>, vector<1x16xf32>,
        %get3A_1615 = vector.shape_cast %get3A_1614 : vector<1x16xf32> to vector<16xf32>
        %add3A_1616 = arith.constant 19 : i32
        %add3A_1617 = arith.addi %mul3A_117, %add3A_1616 : i32
        %get3A_1618 = arith.index_cast %add3A_1617 : i32 to index
        %get3A_1619 = arith.constant 96 : index
        %get3A_1620 = tpu.vector_load %arg8[%get3A_1618, %get3A_1619] {strides = array<i32>} : memref<256x128xf32, #tpu.memory_space<vmem>>, vector<1x16xf32>,
        %get3A_1621 = vector.shape_cast %get3A_1620 : vector<1x16xf32> to vector<16xf32>
        %add3A_1622 = arith.constant 20 : i32
        %add3A_1623 = arith.addi %mul3A_117, %add3A_1622 : i32
        %get3A_1624 = arith.index_cast %add3A_1623 : i32 to index
        %get3A_1625 = arith.constant 96 : index
        %get3A_1626 = tpu.vector_load %arg8[%get3A_1624, %get3A_1625] {strides = array<i32>} : memref<256x128xf32, #tpu.memory_space<vmem>>, vector<1x16xf32>,
        %get3A_1627 = vector.shape_cast %get3A_1626 : vector<1x16xf32> to vector<16xf32>
        %add3A_1628 = arith.constant 21 : i32
        %add3A_1629 = arith.addi %mul3A_117, %add3A_1628 : i32
        %get3A_1630 = arith.index_cast %add3A_1629 : i32 to index
        %get3A_1631 = arith.constant 96 : index
        %get3A_1632 = tpu.vector_load %arg8[%get3A_1630, %get3A_1631] {strides = array<i32>} : memref<256x128xf32, #tpu.memory_space<vmem>>, vector<1x16xf32>,
        %get3A_1633 = vector.shape_cast %get3A_1632 : vector<1x16xf32> to vector<16xf32>
        %add3A_1634 = arith.constant 22 : i32
        %add3A_1635 = arith.addi %mul3A_117, %add3A_1634 : i32
        %get3A_1636 = arith.index_cast %add3A_1635 : i32 to index
        %get3A_1637 = arith.constant 96 : index
        %get3A_1638 = tpu.vector_load %arg8[%get3A_1636, %get3A_1637] {strides = array<i32>} : memref<256x128xf32, #tpu.memory_space<vmem>>, vector<1x16xf32>,
        %get3A_1639 = vector.shape_cast %get3A_1638 : vector<1x16xf32> to vector<16xf32>
        %add3A_1640 = arith.constant 23 : i32
        %add3A_1641 = arith.addi %mul3A_117, %add3A_1640 : i32
        %get3A_1642 = arith.index_cast %add3A_1641 : i32 to index
        %get3A_1643 = arith.constant 96 : index
        %get3A_1644 = tpu.vector_load %arg8[%get3A_1642, %get3A_1643] {strides = array<i32>} : memref<256x128xf32, #tpu.memory_space<vmem>>, vector<1x16xf32>,
        %get3A_1645 = vector.shape_cast %get3A_1644 : vector<1x16xf32> to vector<16xf32>
        %add3A_1646 = arith.constant 24 : i32
        %add3A_1647 = arith.addi %mul3A_117, %add3A_1646 : i32
        %get3A_1648 = arith.index_cast %add3A_1647 : i32 to index
        %get3A_1649 = arith.constant 96 : index
        %get3A_1650 = tpu.vector_load %arg8[%get3A_1648, %get3A_1649] {strides = array<i32>} : memref<256x128xf32, #tpu.memory_space<vmem>>, vector<1x16xf32>,
        %get3A_1651 = vector.shape_cast %get3A_1650 : vector<1x16xf32> to vector<16xf32>
        %add3A_1652 = arith.constant 25 : i32
        %add3A_1653 = arith.addi %mul3A_117, %add3A_1652 : i32
        %get3A_1654 = arith.index_cast %add3A_1653 : i32 to index
        %get3A_1655 = arith.constant 96 : index
        %get3A_1656 = tpu.vector_load %arg8[%get3A_1654, %get3A_1655] {strides = array<i32>} : memref<256x128xf32, #tpu.memory_space<vmem>>, vector<1x16xf32>,
        %get3A_1657 = vector.shape_cast %get3A_1656 : vector<1x16xf32> to vector<16xf32>
        %add3A_1658 = arith.constant 26 : i32
        %add3A_1659 = arith.addi %mul3A_117, %add3A_1658 : i32
        %get3A_1660 = arith.index_cast %add3A_1659 : i32 to index
        %get3A_1661 = arith.constant 96 : index
        %get3A_1662 = tpu.vector_load %arg8[%get3A_1660, %get3A_1661] {strides = array<i32>} : memref<256x128xf32, #tpu.memory_space<vmem>>, vector<1x16xf32>,
        %get3A_1663 = vector.shape_cast %get3A_1662 : vector<1x16xf32> to vector<16xf32>
        %add3A_1664 = arith.constant 27 : i32
        %add3A_1665 = arith.addi %mul3A_117, %add3A_1664 : i32
        %get3A_1666 = arith.index_cast %add3A_1665 : i32 to index
        %get3A_1667 = arith.constant 96 : index
        %get3A_1668 = tpu.vector_load %arg8[%get3A_1666, %get3A_1667] {strides = array<i32>} : memref<256x128xf32, #tpu.memory_space<vmem>>, vector<1x16xf32>,
        %get3A_1669 = vector.shape_cast %get3A_1668 : vector<1x16xf32> to vector<16xf32>
        %add3A_1670 = arith.constant 28 : i32
        %add3A_1671 = arith.addi %mul3A_117, %add3A_1670 : i32
        %get3A_1672 = arith.index_cast %add3A_1671 : i32 to index
        %get3A_1673 = arith.constant 96 : index
        %get3A_1674 = tpu.vector_load %arg8[%get3A_1672, %get3A_1673] {strides = array<i32>} : memref<256x128xf32, #tpu.memory_space<vmem>>, vector<1x16xf32>,
        %get3A_1675 = vector.shape_cast %get3A_1674 : vector<1x16xf32> to vector<16xf32>
        %add3A_1676 = arith.constant 29 : i32
        %add3A_1677 = arith.addi %mul3A_117, %add3A_1676 : i32
        %get3A_1678 = arith.index_cast %add3A_1677 : i32 to index
        %get3A_1679 = arith.constant 96 : index
        %get3A_1680 = tpu.vector_load %arg8[%get3A_1678, %get3A_1679] {strides = array<i32>} : memref<256x128xf32, #tpu.memory_space<vmem>>, vector<1x16xf32>,
        %get3A_1681 = vector.shape_cast %get3A_1680 : vector<1x16xf32> to vector<16xf32>
        %add3A_1682 = arith.constant 30 : i32
        %add3A_1683 = arith.addi %mul3A_117, %add3A_1682 : i32
        %get3A_1684 = arith.index_cast %add3A_1683 : i32 to index
        %get3A_1685 = arith.constant 96 : index
        %get3A_1686 = tpu.vector_load %arg8[%get3A_1684, %get3A_1685] {strides = array<i32>} : memref<256x128xf32, #tpu.memory_space<vmem>>, vector<1x16xf32>,
        %get3A_1687 = vector.shape_cast %get3A_1686 : vector<1x16xf32> to vector<16xf32>
        %add3A_1688 = arith.constant 31 : i32
        %add3A_1689 = arith.addi %mul3A_117, %add3A_1688 : i32
        %get3A_1690 = arith.index_cast %add3A_1689 : i32 to index
        %get3A_1691 = arith.constant 96 : index
        %get3A_1692 = tpu.vector_load %arg8[%get3A_1690, %get3A_1691] {strides = array<i32>} : memref<256x128xf32, #tpu.memory_space<vmem>>, vector<1x16xf32>,
        %get3A_1693 = vector.shape_cast %get3A_1692 : vector<1x16xf32> to vector<16xf32>
        %add3A_1694 = arith.addf %get3A_1507, %get3A_1513 : vector<16xf32>
        %add3A_1695 = arith.addf %get3A_1519, %get3A_1525 : vector<16xf32>
        %add3A_1696 = arith.addf %get3A_1531, %get3A_1537 : vector<16xf32>
        %add3A_1697 = arith.addf %get3A_1543, %get3A_1549 : vector<16xf32>
        %add3A_1698 = arith.addf %get3A_1555, %get3A_1561 : vector<16xf32>
        %add3A_1699 = arith.addf %get3A_1567, %get3A_1573 : vector<16xf32>
        %add3A_1700 = arith.addf %get3A_1579, %get3A_1585 : vector<16xf32>
        %add3A_1701 = arith.addf %get3A_1591, %get3A_1597 : vector<16xf32>
        %add3A_1702 = arith.addf %get3A_1603, %get3A_1609 : vector<16xf32>
        %add3A_1703 = arith.addf %get3A_1615, %get3A_1621 : vector<16xf32>
        %add3A_1704 = arith.addf %get3A_1627, %get3A_1633 : vector<16xf32>
        %add3A_1705 = arith.addf %get3A_1639, %get3A_1645 : vector<16xf32>
        %add3A_1706 = arith.addf %get3A_1651, %get3A_1657 : vector<16xf32>
        %add3A_1707 = arith.addf %get3A_1663, %get3A_1669 : vector<16xf32>
        %add3A_1708 = arith.addf %get3A_1675, %get3A_1681 : vector<16xf32>
        %add3A_1709 = arith.addf %get3A_1687, %get3A_1693 : vector<16xf32>
        %add3A_1710 = arith.addf %add3A_1694, %add3A_1695 : vector<16xf32>
        %add3A_1711 = arith.addf %add3A_1696, %add3A_1697 : vector<16xf32>
        %add3A_1712 = arith.addf %add3A_1698, %add3A_1699 : vector<16xf32>
        %add3A_1713 = arith.addf %add3A_1700, %add3A_1701 : vector<16xf32>
        %add3A_1714 = arith.addf %add3A_1702, %add3A_1703 : vector<16xf32>
        %add3A_1715 = arith.addf %add3A_1704, %add3A_1705 : vector<16xf32>
        %add3A_1716 = arith.addf %add3A_1706, %add3A_1707 : vector<16xf32>
        %add3A_1717 = arith.addf %add3A_1708, %add3A_1709 : vector<16xf32>
        %add3A_1718 = arith.addf %add3A_1710, %add3A_1711 : vector<16xf32>
        %add3A_1719 = arith.addf %add3A_1712, %add3A_1713 : vector<16xf32>
        %add3A_1720 = arith.addf %add3A_1714, %add3A_1715 : vector<16xf32>
        %add3A_1721 = arith.addf %add3A_1716, %add3A_1717 : vector<16xf32>
        %add3A_1722 = arith.addf %add3A_1718, %add3A_1719 : vector<16xf32>
        %add3A_1723 = arith.addf %add3A_1720, %add3A_1721 : vector<16xf32>
        %add3A_1724 = arith.addf %add3A_1722, %add3A_1723 : vector<16xf32>
        %mul3A_1725 = arith.constant 3.125000e-02 : f32
        %mul3A_1726 = vector.broadcast %mul3A_1725 : f32 to vector<16xf32>
        %mul3A_1727 = arith.mulf %add3A_1724, %mul3A_1726 : vector<16xf32>
        %swap3A_1728 = arith.index_cast %add3A_115 : i32 to index
        %swap3A_1729 = arith.constant 96 : index
        %swap3A_1730 = tpu.vector_load %arg10[%swap3A_1728, %swap3A_1729] {strides = array<i32>} : memref<8x128xf32, #tpu.memory_space<vmem>>, vector<1x16xf32>,
        %swap3A_1731 = vector.shape_cast %swap3A_1730 : vector<1x16xf32> to vector<16xf32>
        %swap3A_1732 = vector.shape_cast %mul3A_1727 : vector<16xf32> to vector<1x16xf32>
        tpu.vector_store %arg10[%swap3A_1728, %swap3A_1729], %swap3A_1732 {strides = array<i32>} : memref<8x128xf32, #tpu.memory_space<vmem>>, vector<1x16xf32>,
        %add3A_1733 = arith.constant 0 : i32
        %add3A_1734 = arith.addi %mul3A_117, %add3A_1733 : i32
        %get3A_1735 = arith.index_cast %add3A_1734 : i32 to index
        %get3A_1736 = arith.constant 112 : index
        %get3A_1737 = tpu.vector_load %arg8[%get3A_1735, %get3A_1736] {strides = array<i32>} : memref<256x128xf32, #tpu.memory_space<vmem>>, vector<1x16xf32>,
        %get3A_1738 = vector.shape_cast %get3A_1737 : vector<1x16xf32> to vector<16xf32>
        %add3A_1739 = arith.constant 1 : i32
        %add3A_1740 = arith.addi %mul3A_117, %add3A_1739 : i32
        %get3A_1741 = arith.index_cast %add3A_1740 : i32 to index
        %get3A_1742 = arith.constant 112 : index
        %get3A_1743 = tpu.vector_load %arg8[%get3A_1741, %get3A_1742] {strides = array<i32>} : memref<256x128xf32, #tpu.memory_space<vmem>>, vector<1x16xf32>,
        %get3A_1744 = vector.shape_cast %get3A_1743 : vector<1x16xf32> to vector<16xf32>
        %add3A_1745 = arith.constant 2 : i32
        %add3A_1746 = arith.addi %mul3A_117, %add3A_1745 : i32
        %get3A_1747 = arith.index_cast %add3A_1746 : i32 to index
        %get3A_1748 = arith.constant 112 : index
        %get3A_1749 = tpu.vector_load %arg8[%get3A_1747, %get3A_1748] {strides = array<i32>} : memref<256x128xf32, #tpu.memory_space<vmem>>, vector<1x16xf32>,
        %get3A_1750 = vector.shape_cast %get3A_1749 : vector<1x16xf32> to vector<16xf32>
        %add3A_1751 = arith.constant 3 : i32
        %add3A_1752 = arith.addi %mul3A_117, %add3A_1751 : i32
        %get3A_1753 = arith.index_cast %add3A_1752 : i32 to index
        %get3A_1754 = arith.constant 112 : index
        %get3A_1755 = tpu.vector_load %arg8[%get3A_1753, %get3A_1754] {strides = array<i32>} : memref<256x128xf32, #tpu.memory_space<vmem>>, vector<1x16xf32>,
        %get3A_1756 = vector.shape_cast %get3A_1755 : vector<1x16xf32> to vector<16xf32>
        %add3A_1757 = arith.constant 4 : i32
        %add3A_1758 = arith.addi %mul3A_117, %add3A_1757 : i32
        %get3A_1759 = arith.index_cast %add3A_1758 : i32 to index
        %get3A_1760 = arith.constant 112 : index
        %get3A_1761 = tpu.vector_load %arg8[%get3A_1759, %get3A_1760] {strides = array<i32>} : memref<256x128xf32, #tpu.memory_space<vmem>>, vector<1x16xf32>,
        %get3A_1762 = vector.shape_cast %get3A_1761 : vector<1x16xf32> to vector<16xf32>
        %add3A_1763 = arith.constant 5 : i32
        %add3A_1764 = arith.addi %mul3A_117, %add3A_1763 : i32
        %get3A_1765 = arith.index_cast %add3A_1764 : i32 to index
        %get3A_1766 = arith.constant 112 : index
        %get3A_1767 = tpu.vector_load %arg8[%get3A_1765, %get3A_1766] {strides = array<i32>} : memref<256x128xf32, #tpu.memory_space<vmem>>, vector<1x16xf32>,
        %get3A_1768 = vector.shape_cast %get3A_1767 : vector<1x16xf32> to vector<16xf32>
        %add3A_1769 = arith.constant 6 : i32
        %add3A_1770 = arith.addi %mul3A_117, %add3A_1769 : i32
        %get3A_1771 = arith.index_cast %add3A_1770 : i32 to index
        %get3A_1772 = arith.constant 112 : index
        %get3A_1773 = tpu.vector_load %arg8[%get3A_1771, %get3A_1772] {strides = array<i32>} : memref<256x128xf32, #tpu.memory_space<vmem>>, vector<1x16xf32>,
        %get3A_1774 = vector.shape_cast %get3A_1773 : vector<1x16xf32> to vector<16xf32>
        %add3A_1775 = arith.constant 7 : i32
        %add3A_1776 = arith.addi %mul3A_117, %add3A_1775 : i32
        %get3A_1777 = arith.index_cast %add3A_1776 : i32 to index
        %get3A_1778 = arith.constant 112 : index
        %get3A_1779 = tpu.vector_load %arg8[%get3A_1777, %get3A_1778] {strides = array<i32>} : memref<256x128xf32, #tpu.memory_space<vmem>>, vector<1x16xf32>,
        %get3A_1780 = vector.shape_cast %get3A_1779 : vector<1x16xf32> to vector<16xf32>
        %add3A_1781 = arith.constant 8 : i32
        %add3A_1782 = arith.addi %mul3A_117, %add3A_1781 : i32
        %get3A_1783 = arith.index_cast %add3A_1782 : i32 to index
        %get3A_1784 = arith.constant 112 : index
        %get3A_1785 = tpu.vector_load %arg8[%get3A_1783, %get3A_1784] {strides = array<i32>} : memref<256x128xf32, #tpu.memory_space<vmem>>, vector<1x16xf32>,
        %get3A_1786 = vector.shape_cast %get3A_1785 : vector<1x16xf32> to vector<16xf32>
        %add3A_1787 = arith.constant 9 : i32
        %add3A_1788 = arith.addi %mul3A_117, %add3A_1787 : i32
        %get3A_1789 = arith.index_cast %add3A_1788 : i32 to index
        %get3A_1790 = arith.constant 112 : index
        %get3A_1791 = tpu.vector_load %arg8[%get3A_1789, %get3A_1790] {strides = array<i32>} : memref<256x128xf32, #tpu.memory_space<vmem>>, vector<1x16xf32>,
        %get3A_1792 = vector.shape_cast %get3A_1791 : vector<1x16xf32> to vector<16xf32>
        %add3A_1793 = arith.constant 10 : i32
        %add3A_1794 = arith.addi %mul3A_117, %add3A_1793 : i32
        %get3A_1795 = arith.index_cast %add3A_1794 : i32 to index
        %get3A_1796 = arith.constant 112 : index
        %get3A_1797 = tpu.vector_load %arg8[%get3A_1795, %get3A_1796] {strides = array<i32>} : memref<256x128xf32, #tpu.memory_space<vmem>>, vector<1x16xf32>,
        %get3A_1798 = vector.shape_cast %get3A_1797 : vector<1x16xf32> to vector<16xf32>
        %add3A_1799 = arith.constant 11 : i32
        %add3A_1800 = arith.addi %mul3A_117, %add3A_1799 : i32
        %get3A_1801 = arith.index_cast %add3A_1800 : i32 to index
        %get3A_1802 = arith.constant 112 : index
        %get3A_1803 = tpu.vector_load %arg8[%get3A_1801, %get3A_1802] {strides = array<i32>} : memref<256x128xf32, #tpu.memory_space<vmem>>, vector<1x16xf32>,
        %get3A_1804 = vector.shape_cast %get3A_1803 : vector<1x16xf32> to vector<16xf32>
        %add3A_1805 = arith.constant 12 : i32
        %add3A_1806 = arith.addi %mul3A_117, %add3A_1805 : i32
        %get3A_1807 = arith.index_cast %add3A_1806 : i32 to index
        %get3A_1808 = arith.constant 112 : index
        %get3A_1809 = tpu.vector_load %arg8[%get3A_1807, %get3A_1808] {strides = array<i32>} : memref<256x128xf32, #tpu.memory_space<vmem>>, vector<1x16xf32>,
        %get3A_1810 = vector.shape_cast %get3A_1809 : vector<1x16xf32> to vector<16xf32>
        %add3A_1811 = arith.constant 13 : i32
        %add3A_1812 = arith.addi %mul3A_117, %add3A_1811 : i32
        %get3A_1813 = arith.index_cast %add3A_1812 : i32 to index
        %get3A_1814 = arith.constant 112 : index
        %get3A_1815 = tpu.vector_load %arg8[%get3A_1813, %get3A_1814] {strides = array<i32>} : memref<256x128xf32, #tpu.memory_space<vmem>>, vector<1x16xf32>,
        %get3A_1816 = vector.shape_cast %get3A_1815 : vector<1x16xf32> to vector<16xf32>
        %add3A_1817 = arith.constant 14 : i32
        %add3A_1818 = arith.addi %mul3A_117, %add3A_1817 : i32
        %get3A_1819 = arith.index_cast %add3A_1818 : i32 to index
        %get3A_1820 = arith.constant 112 : index
        %get3A_1821 = tpu.vector_load %arg8[%get3A_1819, %get3A_1820] {strides = array<i32>} : memref<256x128xf32, #tpu.memory_space<vmem>>, vector<1x16xf32>,
        %get3A_1822 = vector.shape_cast %get3A_1821 : vector<1x16xf32> to vector<16xf32>
        %add3A_1823 = arith.constant 15 : i32
        %add3A_1824 = arith.addi %mul3A_117, %add3A_1823 : i32
        %get3A_1825 = arith.index_cast %add3A_1824 : i32 to index
        %get3A_1826 = arith.constant 112 : index
        %get3A_1827 = tpu.vector_load %arg8[%get3A_1825, %get3A_1826] {strides = array<i32>} : memref<256x128xf32, #tpu.memory_space<vmem>>, vector<1x16xf32>,
        %get3A_1828 = vector.shape_cast %get3A_1827 : vector<1x16xf32> to vector<16xf32>
        %add3A_1829 = arith.constant 16 : i32
        %add3A_1830 = arith.addi %mul3A_117, %add3A_1829 : i32
        %get3A_1831 = arith.index_cast %add3A_1830 : i32 to index
        %get3A_1832 = arith.constant 112 : index
        %get3A_1833 = tpu.vector_load %arg8[%get3A_1831, %get3A_1832] {strides = array<i32>} : memref<256x128xf32, #tpu.memory_space<vmem>>, vector<1x16xf32>,
        %get3A_1834 = vector.shape_cast %get3A_1833 : vector<1x16xf32> to vector<16xf32>
        %add3A_1835 = arith.constant 17 : i32
        %add3A_1836 = arith.addi %mul3A_117, %add3A_1835 : i32
        %get3A_1837 = arith.index_cast %add3A_1836 : i32 to index
        %get3A_1838 = arith.constant 112 : index
        %get3A_1839 = tpu.vector_load %arg8[%get3A_1837, %get3A_1838] {strides = array<i32>} : memref<256x128xf32, #tpu.memory_space<vmem>>, vector<1x16xf32>,
        %get3A_1840 = vector.shape_cast %get3A_1839 : vector<1x16xf32> to vector<16xf32>
        %add3A_1841 = arith.constant 18 : i32
        %add3A_1842 = arith.addi %mul3A_117, %add3A_1841 : i32
        %get3A_1843 = arith.index_cast %add3A_1842 : i32 to index
        %get3A_1844 = arith.constant 112 : index
        %get3A_1845 = tpu.vector_load %arg8[%get3A_1843, %get3A_1844] {strides = array<i32>} : memref<256x128xf32, #tpu.memory_space<vmem>>, vector<1x16xf32>,
        %get3A_1846 = vector.shape_cast %get3A_1845 : vector<1x16xf32> to vector<16xf32>
        %add3A_1847 = arith.constant 19 : i32
        %add3A_1848 = arith.addi %mul3A_117, %add3A_1847 : i32
        %get3A_1849 = arith.index_cast %add3A_1848 : i32 to index
        %get3A_1850 = arith.constant 112 : index
        %get3A_1851 = tpu.vector_load %arg8[%get3A_1849, %get3A_1850] {strides = array<i32>} : memref<256x128xf32, #tpu.memory_space<vmem>>, vector<1x16xf32>,
        %get3A_1852 = vector.shape_cast %get3A_1851 : vector<1x16xf32> to vector<16xf32>
        %add3A_1853 = arith.constant 20 : i32
        %add3A_1854 = arith.addi %mul3A_117, %add3A_1853 : i32
        %get3A_1855 = arith.index_cast %add3A_1854 : i32 to index
        %get3A_1856 = arith.constant 112 : index
        %get3A_1857 = tpu.vector_load %arg8[%get3A_1855, %get3A_1856] {strides = array<i32>} : memref<256x128xf32, #tpu.memory_space<vmem>>, vector<1x16xf32>,
        %get3A_1858 = vector.shape_cast %get3A_1857 : vector<1x16xf32> to vector<16xf32>
        %add3A_1859 = arith.constant 21 : i32
        %add3A_1860 = arith.addi %mul3A_117, %add3A_1859 : i32
        %get3A_1861 = arith.index_cast %add3A_1860 : i32 to index
        %get3A_1862 = arith.constant 112 : index
        %get3A_1863 = tpu.vector_load %arg8[%get3A_1861, %get3A_1862] {strides = array<i32>} : memref<256x128xf32, #tpu.memory_space<vmem>>, vector<1x16xf32>,
        %get3A_1864 = vector.shape_cast %get3A_1863 : vector<1x16xf32> to vector<16xf32>
        %add3A_1865 = arith.constant 22 : i32
        %add3A_1866 = arith.addi %mul3A_117, %add3A_1865 : i32
        %get3A_1867 = arith.index_cast %add3A_1866 : i32 to index
        %get3A_1868 = arith.constant 112 : index
        %get3A_1869 = tpu.vector_load %arg8[%get3A_1867, %get3A_1868] {strides = array<i32>} : memref<256x128xf32, #tpu.memory_space<vmem>>, vector<1x16xf32>,
        %get3A_1870 = vector.shape_cast %get3A_1869 : vector<1x16xf32> to vector<16xf32>
        %add3A_1871 = arith.constant 23 : i32
        %add3A_1872 = arith.addi %mul3A_117, %add3A_1871 : i32
        %get3A_1873 = arith.index_cast %add3A_1872 : i32 to index
        %get3A_1874 = arith.constant 112 : index
        %get3A_1875 = tpu.vector_load %arg8[%get3A_1873, %get3A_1874] {strides = array<i32>} : memref<256x128xf32, #tpu.memory_space<vmem>>, vector<1x16xf32>,
        %get3A_1876 = vector.shape_cast %get3A_1875 : vector<1x16xf32> to vector<16xf32>
        %add3A_1877 = arith.constant 24 : i32
        %add3A_1878 = arith.addi %mul3A_117, %add3A_1877 : i32
        %get3A_1879 = arith.index_cast %add3A_1878 : i32 to index
        %get3A_1880 = arith.constant 112 : index
        %get3A_1881 = tpu.vector_load %arg8[%get3A_1879, %get3A_1880] {strides = array<i32>} : memref<256x128xf32, #tpu.memory_space<vmem>>, vector<1x16xf32>,
        %get3A_1882 = vector.shape_cast %get3A_1881 : vector<1x16xf32> to vector<16xf32>
        %add3A_1883 = arith.constant 25 : i32
        %add3A_1884 = arith.addi %mul3A_117, %add3A_1883 : i32
        %get3A_1885 = arith.index_cast %add3A_1884 : i32 to index
        %get3A_1886 = arith.constant 112 : index
        %get3A_1887 = tpu.vector_load %arg8[%get3A_1885, %get3A_1886] {strides = array<i32>} : memref<256x128xf32, #tpu.memory_space<vmem>>, vector<1x16xf32>,
        %get3A_1888 = vector.shape_cast %get3A_1887 : vector<1x16xf32> to vector<16xf32>
        %add3A_1889 = arith.constant 26 : i32
        %add3A_1890 = arith.addi %mul3A_117, %add3A_1889 : i32
        %get3A_1891 = arith.index_cast %add3A_1890 : i32 to index
        %get3A_1892 = arith.constant 112 : index
        %get3A_1893 = tpu.vector_load %arg8[%get3A_1891, %get3A_1892] {strides = array<i32>} : memref<256x128xf32, #tpu.memory_space<vmem>>, vector<1x16xf32>,
        %get3A_1894 = vector.shape_cast %get3A_1893 : vector<1x16xf32> to vector<16xf32>
        %add3A_1895 = arith.constant 27 : i32
        %add3A_1896 = arith.addi %mul3A_117, %add3A_1895 : i32
        %get3A_1897 = arith.index_cast %add3A_1896 : i32 to index
        %get3A_1898 = arith.constant 112 : index
        %get3A_1899 = tpu.vector_load %arg8[%get3A_1897, %get3A_1898] {strides = array<i32>} : memref<256x128xf32, #tpu.memory_space<vmem>>, vector<1x16xf32>,
        %get3A_1900 = vector.shape_cast %get3A_1899 : vector<1x16xf32> to vector<16xf32>
        %add3A_1901 = arith.constant 28 : i32
        %add3A_1902 = arith.addi %mul3A_117, %add3A_1901 : i32
        %get3A_1903 = arith.index_cast %add3A_1902 : i32 to index
        %get3A_1904 = arith.constant 112 : index
        %get3A_1905 = tpu.vector_load %arg8[%get3A_1903, %get3A_1904] {strides = array<i32>} : memref<256x128xf32, #tpu.memory_space<vmem>>, vector<1x16xf32>,
        %get3A_1906 = vector.shape_cast %get3A_1905 : vector<1x16xf32> to vector<16xf32>
        %add3A_1907 = arith.constant 29 : i32
        %add3A_1908 = arith.addi %mul3A_117, %add3A_1907 : i32
        %get3A_1909 = arith.index_cast %add3A_1908 : i32 to index
        %get3A_1910 = arith.constant 112 : index
        %get3A_1911 = tpu.vector_load %arg8[%get3A_1909, %get3A_1910] {strides = array<i32>} : memref<256x128xf32, #tpu.memory_space<vmem>>, vector<1x16xf32>,
        %get3A_1912 = vector.shape_cast %get3A_1911 : vector<1x16xf32> to vector<16xf32>
        %add3A_1913 = arith.constant 30 : i32
        %add3A_1914 = arith.addi %mul3A_117, %add3A_1913 : i32
        %get3A_1915 = arith.index_cast %add3A_1914 : i32 to index
        %get3A_1916 = arith.constant 112 : index
        %get3A_1917 = tpu.vector_load %arg8[%get3A_1915, %get3A_1916] {strides = array<i32>} : memref<256x128xf32, #tpu.memory_space<vmem>>, vector<1x16xf32>,
        %get3A_1918 = vector.shape_cast %get3A_1917 : vector<1x16xf32> to vector<16xf32>
        %add3A_1919 = arith.constant 31 : i32
        %add3A_1920 = arith.addi %mul3A_117, %add3A_1919 : i32
        %get3A_1921 = arith.index_cast %add3A_1920 : i32 to index
        %get3A_1922 = arith.constant 112 : index
        %get3A_1923 = tpu.vector_load %arg8[%get3A_1921, %get3A_1922] {strides = array<i32>} : memref<256x128xf32, #tpu.memory_space<vmem>>, vector<1x16xf32>,
        %get3A_1924 = vector.shape_cast %get3A_1923 : vector<1x16xf32> to vector<16xf32>
        %add3A_1925 = arith.addf %get3A_1738, %get3A_1744 : vector<16xf32>
        %add3A_1926 = arith.addf %get3A_1750, %get3A_1756 : vector<16xf32>
        %add3A_1927 = arith.addf %get3A_1762, %get3A_1768 : vector<16xf32>
        %add3A_1928 = arith.addf %get3A_1774, %get3A_1780 : vector<16xf32>
        %add3A_1929 = arith.addf %get3A_1786, %get3A_1792 : vector<16xf32>
        %add3A_1930 = arith.addf %get3A_1798, %get3A_1804 : vector<16xf32>
        %add3A_1931 = arith.addf %get3A_1810, %get3A_1816 : vector<16xf32>
        %add3A_1932 = arith.addf %get3A_1822, %get3A_1828 : vector<16xf32>
        %add3A_1933 = arith.addf %get3A_1834, %get3A_1840 : vector<16xf32>
        %add3A_1934 = arith.addf %get3A_1846, %get3A_1852 : vector<16xf32>
        %add3A_1935 = arith.addf %get3A_1858, %get3A_1864 : vector<16xf32>
        %add3A_1936 = arith.addf %get3A_1870, %get3A_1876 : vector<16xf32>
        %add3A_1937 = arith.addf %get3A_1882, %get3A_1888 : vector<16xf32>
        %add3A_1938 = arith.addf %get3A_1894, %get3A_1900 : vector<16xf32>
        %add3A_1939 = arith.addf %get3A_1906, %get3A_1912 : vector<16xf32>
        %add3A_1940 = arith.addf %get3A_1918, %get3A_1924 : vector<16xf32>
        %add3A_1941 = arith.addf %add3A_1925, %add3A_1926 : vector<16xf32>
        %add3A_1942 = arith.addf %add3A_1927, %add3A_1928 : vector<16xf32>
        %add3A_1943 = arith.addf %add3A_1929, %add3A_1930 : vector<16xf32>
        %add3A_1944 = arith.addf %add3A_1931, %add3A_1932 : vector<16xf32>
        %add3A_1945 = arith.addf %add3A_1933, %add3A_1934 : vector<16xf32>
        %add3A_1946 = arith.addf %add3A_1935, %add3A_1936 : vector<16xf32>
        %add3A_1947 = arith.addf %add3A_1937, %add3A_1938 : vector<16xf32>
        %add3A_1948 = arith.addf %add3A_1939, %add3A_1940 : vector<16xf32>
        %add3A_1949 = arith.addf %add3A_1941, %add3A_1942 : vector<16xf32>
        %add3A_1950 = arith.addf %add3A_1943, %add3A_1944 : vector<16xf32>
        %add3A_1951 = arith.addf %add3A_1945, %add3A_1946 : vector<16xf32>
        %add3A_1952 = arith.addf %add3A_1947, %add3A_1948 : vector<16xf32>
        %add3A_1953 = arith.addf %add3A_1949, %add3A_1950 : vector<16xf32>
        %add3A_1954 = arith.addf %add3A_1951, %add3A_1952 : vector<16xf32>
        %add3A_1955 = arith.addf %add3A_1953, %add3A_1954 : vector<16xf32>
        %mul3A_1956 = arith.constant 3.125000e-02 : f32
        %mul3A_1957 = vector.broadcast %mul3A_1956 : f32 to vector<16xf32>
        %mul3A_1958 = arith.mulf %add3A_1955, %mul3A_1957 : vector<16xf32>
        %swap3A_1959 = arith.index_cast %add3A_115 : i32 to index
        %swap3A_1960 = arith.constant 112 : index
        %swap3A_1961 = tpu.vector_load %arg10[%swap3A_1959, %swap3A_1960] {strides = array<i32>} : memref<8x128xf32, #tpu.memory_space<vmem>>, vector<1x16xf32>,
        %swap3A_1962 = vector.shape_cast %swap3A_1961 : vector<1x16xf32> to vector<16xf32>
        %swap3A_1963 = vector.shape_cast %mul3A_1958 : vector<16xf32> to vector<1x16xf32>
        tpu.vector_store %arg10[%swap3A_1959, %swap3A_1960], %swap3A_1963 {strides = array<i32>} : memref<8x128xf32, #tpu.memory_space<vmem>>, vector<1x16xf32>,
      }
      %scan3A_103 = arith.constant 8 : i32
      %mul3A_104 = arith.constant 8 : i32
      %mul3A_105 = arith.muli %add3A_76, %mul3A_104 : i32
      %add3A_106 = arith.addi %mul3A_2, %mul3A_105 : i32
      %dma_start3A_107 = arith.constant 0 : i32
      %dma_start3A_108 = tpu.memref_slice %arg4[%add3A_106, %dma_start3A_107] : memref<16384x128xf32, #tpu.memory_space<hbm>> -> memref<8x128xf32, #tpu.memory_space<hbm>>
      %dma_start3A_109 = arith.constant 0 : i32
      %dma_start3A_110 = tpu.memref_slice %arg4[%add3A_106, %dma_start3A_109] : memref<16384x128xf32, #tpu.memory_space<hbm>> -> memref<8x128xf32, #tpu.memory_space<hbm>>
      tpu.enqueue_dma source(%arg10 : memref<8x128xf32, #tpu.memory_space<vmem>>) target(%dma_start3A_110 : memref<8x128xf32, #tpu.memory_space<hbm>>) target_semaphore(%arg16 : memref<!tpu.dma_semaphore, #tpu.memory_space<semaphore_mem>>)
    }
    %scan3A_25 = arith.constant 32 : i32
    %add3A_26 = arith.constant 496 : i32
    %add3A_27 = arith.addi %mul3A_2, %add3A_26 : i32
    %dma_wait3A_28 = arith.constant 0 : i32
    %dma_wait3A_29 = tpu.memref_slice %arg4[%add3A_27, %dma_wait3A_28] : memref<16384x128xf32, #tpu.memory_space<hbm>> -> memref<8x128xf32, #tpu.memory_space<hbm>>
    %dma_wait3A_30 = arith.constant 0 : i32
    %dma_wait3A_31 = tpu.memref_slice %arg4[%add3A_27, %dma_wait3A_30] : memref<16384x128xf32, #tpu.memory_space<hbm>> -> memref<8x128xf32, #tpu.memory_space<hbm>>
    tpu.wait_dma2 semaphore(%arg15 : memref<!tpu.dma_semaphore, #tpu.memory_space<semaphore_mem>>) src(%arg9 : memref<8x128xf32, #tpu.memory_space<vmem>>) dst(%dma_wait3A_31 : memref<8x128xf32, #tpu.memory_space<hbm>>)
    %add3A_32 = arith.constant 504 : i32
    %add3A_33 = arith.addi %mul3A_2, %add3A_32 : i32
    %dma_wait3A_34 = arith.constant 0 : i32
    %dma_wait3A_35 = tpu.memref_slice %arg4[%add3A_33, %dma_wait3A_34] : memref<16384x128xf32, #tpu.memory_space<hbm>> -> memref<8x128xf32, #tpu.memory_space<hbm>>
    %dma_wait3A_36 = arith.constant 0 : i32
    %dma_wait3A_37 = tpu.memref_slice %arg4[%add3A_33, %dma_wait3A_36] : memref<16384x128xf32, #tpu.memory_space<hbm>> -> memref<8x128xf32, #tpu.memory_space<hbm>>
    tpu.wait_dma2 semaphore(%arg16 : memref<!tpu.dma_semaphore, #tpu.memory_space<semaphore_mem>>) src(%arg10 : memref<8x128xf32, #tpu.memory_space<vmem>>) dst(%dma_wait3A_37 : memref<8x128xf32, #tpu.memory_space<hbm>>)
    return
  }
}

</mosaic_0001>

<sc_bundles>
// kernel: kernel.3.cloned.1.call-start
scs
__scs_entry_jumppad:
0x0: {  	(pc) =	sbr.rel $0x88, $3  }
0x1: {  	(tag) =	ssettag $0x0;
	lr =	simm.s32 $0x1  }
0x2: {  	[smem:$0x3F9F] =	sst lr;
	_ =	strace $0xD0000000  }
0x3: {  	_ = 	snop  }
0x4: {  	_ = 	snop  }
0x5: {  	_ = 	snop  }
0x6: {  	_ = 	snop  }
0x7: {  	_ = 	snop  }
__scs_overlays_trampoline_lowered:
0x8: {  	[smem:$0x3FAE] =	sst s0  }
0x9: {  	[smem:$0x3FAF] =	sst s1  }
0xa: {  	[smem:$0x3FB0] =	sst s2  }
0xb: {  	[smem:$0x3FB1] =	sst s3  }
0xc: {  	[smem:$0x3FB2] =	sst s4  }
0xd: {  	[smem:$0x3FB3] =	sst s5  }
0xe: {  	[smem:$0x3FB4] =	sst s6  }
0xf: {  	[smem:$0x3FB5] =	sst s7  }
0x10: {  	[smem:$0x3FB6] =	sst s8  }
0x11: {  	[smem:$0x3FB7] =	sst s9;
	s0 =	simm.s32 @!p0 $0x0  }
0x12: {  	s1 =	sld [smem:$0x3F9D];
	s0 =	simm.s32 @p0 $0x1  }
0x13: {  	[smem:$0x3FB8] =	sst s0;
	s0 =	simm.s32 @!p1 $0x0  }
0x14: {  	s2 =	sld [smem:$0x3F9C];
	s0 =	simm.s32 @p1 $0x1  }
0x15: {  	[smem:$0x3FB9] =	sst s0;
	s0 =	simm.s32 @!p2 $0x0  }
0x16: {  	s3 =	sld [smem:$0x3FDB];
	s0 =	simm.s32 @p2 $0x1  }
0x17: {  	s4 =	simm.s32 $0x1BF5;
	[smem:$0x3FBB] =	sst s0  }
0x18: {  	s0 =	sld [smem:$0x3F9E];
	_ =	swait.ge [sflag:s4], $0x0  }
0x19: {  	s7 =	sld [smem:$0x3F9F]  }
0x1a: {  	s8 =	sadd.s32 $0xFFFFE003, lr  }
0x1b: {  	s9 =	sadd.s32 $0xFFFFFEF7, lr;
	s5 =	simm.s32 $0xFFFFFFFF;
	p2 =	slt.u32 s8, $0xFFFFF086  }
0x1c: {  	p1 =	slt.u32 s9, $0xF7A;
	s5 =	simm.s32 @!p2 $0x0  }
0x1d: {  	s5 =	simm.s32 @p1 $0x1;
	p0 =	seq.s32 s7, s2  }
0x1e: {  	s7 =	smul.u32 @!p0 $0xF7A, s2;
	p2 =	seq.s32 @!p0 s5, $0x0  }
0x1f: {  	s9 =	smul.u32 $0xF7A, s1;
	s8 =	simm.s32 @!p0 $0x1BF5;
	p2 =	por !p2, p0  }
0x20: {  	[sflag:s8] =	ssyncset.s32 @!p0 $0xFFFFF086;
	s6 =	sadd.s32 @!p0 s3, s7;
	s7 =	simm.s32 @!p0 $0x108  }
0x21: {  	s3 =	sadd.s32 s3, s9;
	s6 =	sadd.s32 @!p0 $0x88, s6;
	s7 =	simm.s32 @p2 $0x1082  }
0x22: {  	[simem:s7], [sflag:s8] =	dma.local @!p0 [hbm:s6], $0xF7A  }
0x23: {  	s9 =	sor.u32 $0xD0000000, s2;
	s6 =	simm.s32 $0x108;
	_ =	swait.ge @!p0 [sflag:s8], $0x0  }
0x24: {  	s3 =	sadd.s32 $0x88, s3;
	s6 =	simm.s32 @!p1 $0x1082;
	[sflag:s4] =	ssyncset.s32 $0xFFFFF086  }
0x25: {  	[simem:s6], [sflag:s4] =	dma.local [hbm:s3], $0xF7A  }
0x26: {  	[smem:$0x3F9F] =	sst s1;
	(tag) =	ssettag s2;
	_ =	strace s9  }
0x27: {  	s1 =	sld [smem:$0x3FAF]  }
0x28: {  	s2 =	sld [smem:$0x3FB0]  }
0x29: {  	s4 =	sld [smem:$0x3FB2]  }
0x2a: {  	p0 =	seq.s32 s5, $0x0;
	s5 =	sld [smem:$0x3FB3]  }
0x2b: {  	s6 =	sld [smem:$0x3FB4]  }
0x2c: {  	s7 =	sld [smem:$0x3FB5]  }
0x2d: {  	s3 =	simm.s32 $0x108;
	s8 =	sld [smem:$0x3FB6]  }
0x2e: {  	s3 =	simm.s32 @!p0 $0x1082;
	s9 =	sld [smem:$0x3FB7]  }
0x2f: {  	lr =	sadd.s32 s0, s3;
	s0 =	sld [smem:$0x3FAE]  }
0x30: {  	s3 =	sld [smem:$0x3FB1]  }
0x31: {  	[smem:$0x3FBA] =	sst s10  }
0x32: {  	s10 =	sld [smem:$0x3FB8];
	_ =	sdelay $0x3  }
0x33: {  	p0 =	seq.s32 s10, $0x1;
	s10 =	sld [smem:$0x3FBA];
	_ =	sdelay $0x3  }
0x34: {  	[smem:$0x3FBA] =	sst s10  }
0x35: {  	s10 =	sld [smem:$0x3FB9];
	_ =	sdelay $0x3  }
0x36: {  	p1 =	seq.s32 s10, $0x1;
	s10 =	sld [smem:$0x3FBA];
	_ =	sdelay $0x3  }
0x37: {  	[smem:$0x3FBA] =	sst s10  }
0x38: {  	s10 =	sld [smem:$0x3FBB]  }
0x39: {  	_ = 	snop;
	(pc) =	sbr.ind lr, $3  }
0x3a: {  	_ = 	snop  }
0x3b: {  	_ = 	snop  }
0x3c: {  	p2 =	seq.s32 s10, $0x1;
	s10 =	sld [smem:$0x3FBA]  }
0x3d: {  	_ =	shalt  }
0x3e: {  	_ =	shalt  }
0x3f: {  	_ =	shalt  }
0x40: {  	_ =	shalt  }
0x41: {  	_ =	shalt  }
0x42: {  	_ =	shalt  }
0x43: {  	_ =	shalt  }
0x44: {  	_ =	shalt  }
0x45: {  	_ =	shalt  }
0x46: {  	_ =	shalt  }
0x47: {  	_ =	shalt  }
0x48: {  	_ =	shalt  }
0x49: {  	_ =	shalt  }
0x4a: {  	_ =	shalt  }
0x4b: {  	_ =	shalt  }
0x4c: {  	_ =	shalt  }
0x4d: {  	_ =	shalt  }
0x4e: {  	_ =	shalt  }
0x4f: {  	_ =	shalt  }
0x50: {  	_ =	shalt  }
0x51: {  	_ =	shalt  }
0x52: {  	_ =	shalt  }
0x53: {  	_ =	shalt  }
0x54: {  	_ =	shalt  }
0x55: {  	_ =	shalt  }
0x56: {  	_ =	shalt  }
0x57: {  	_ =	shalt  }
0x58: {  	_ =	shalt  }
0x59: {  	_ =	shalt  }
0x5a: {  	_ =	shalt  }
0x5b: {  	_ =	shalt  }
0x5c: {  	_ =	shalt  }
0x5d: {  	_ =	shalt  }
0x5e: {  	_ =	shalt  }
0x5f: {  	_ =	shalt  }
0x60: {  	_ =	shalt  }
0x61: {  	_ =	shalt  }
0x62: {  	_ =	shalt  }
0x63: {  	_ =	shalt  }
0x64: {  	_ =	shalt  }
0x65: {  	_ =	shalt  }
0x66: {  	_ =	shalt  }
0x67: {  	_ =	shalt  }
0x68: {  	_ =	shalt  }
0x69: {  	_ =	shalt  }
0x6a: {  	_ =	shalt  }
0x6b: {  	_ =	shalt  }
0x6c: {  	_ =	shalt  }
0x6d: {  	_ =	shalt  }
0x6e: {  	_ =	shalt  }
0x6f: {  	_ =	shalt  }
0x70: {  	_ =	shalt  }
0x71: {  	_ =	shalt  }
0x72: {  	_ =	shalt  }
0x73: {  	_ =	shalt  }
0x74: {  	_ =	shalt  }
0x75: {  	_ =	shalt  }
0x76: {  	_ =	shalt  }
0x77: {  	_ =	shalt  }
0x78: {  	_ =	shalt  }
0x79: {  	_ =	shalt  }
0x7a: {  	_ =	shalt  }
0x7b: {  	_ =	shalt  }
0x7c: {  	_ =	shalt  }
0x7d: {  	_ =	shalt  }
0x7e: {  	_ =	shalt  }
0x7f: {  	_ =	shalt  }
0x80: {  	_ =	shalt  }
0x81: {  	_ =	shalt  }
0x82: {  	_ =	shalt  }
0x83: {  	_ =	shalt  }
0x84: {  	_ =	shalt  }
0x85: {  	_ =	shalt  }
0x86: {  	_ =	shalt  }
0x87: {  	_ =	shalt  }
.Lfunc_end0:
.L_simem_size_0:
called_computation_lowered:
.L_overlay_start_0:
0x88: {  	s2 =	sld [smem:$0x3FD9]  }
0x89: {  	s3 =	sld [smem:$0x3FFE];
	_ =	sdelay $0x1  }
0x8a: {  	s1 =	srdreg.scid  }
0x8b: {  	s0 =	sand.u32 $0x1, s1  }
0x8c: {  	s17 =	sshll.u32 s0, $0xA;
	s2 =	sadd.s32 s3, s2  }
0x8d: {  	s2 =	sadd.s32 s2, s17  }
0x8e: {  	[smem:$0x3FC6] =	sst s2  }
0x8f: {  	_ = 	snop  }
0x90: {  	s2 =	sld [smem:$0x3FC9]  }
0x91: {  	s18 =	sld [smem:$0x3FD0];
	(tm) =	ssettm $0x1  }
0x92: {  	s4 =	sld [smem:$0x3FFB];
	_ =	sdelay $0x3  }
0x93: {  	_ =	strace s4  }
0x94: {  	s4 =	sld [smem:$0x3FFC];
	_ =	sdelay $0x3  }
0x95: {  	_ =	strace s4  }
0x96: {  	s4 =	sld [smem:$0x3FFD];
	_ =	sdelay $0x3  }
0x97: {  	_ =	strace s4  }
0x98: {  	_ =	strace $0x8FFFFFFF  }
0x99: {  	s19 =	sld [smem:$0x3FDB];
	_ =	sdelay $0x1  }
0x9a: {  	s5 =	simm.s32 $_scs_section_size  }
0x9b: {  	s6 =	simm.s32 $_size__tile_overlayer_lowered;
	s7 =	simm.s32 $_tile_overlayer_lowered  }
0x9c: {  	s22 =	simm.s32 $0x1BFF;
	s21 =	sshll.u32 s7, $0x1;
	s4 =	sadd.s32 s5, s19  }
0x9d: {  	s8 =	simm.s32 $0x0;
	s20 =	sshll.u32 s6, $0x1;
	s6 =	sadd.s32 s21, s4  }
0x9e: {  	[timem:s8], [sflag:s22] =	dma.local [hbm:s6], s20  }
0x9f: {  	_ =	swait.ge [sflag:s22], s20  }
0xa0: {  	s5 =	ssub.s32 $0x0, s20;
	[sflag:s22] =	ssyncset.done $0x0  }
0xa1: {  	[sflag:s22] =	ssyncadd.s32 s5;
	_ =	sdelay $0x1  }
0xa2: {  	s23 =	simm.s32 $0x1B8B  }
0xa3: {  	_ =	swait.ge [sflag:s23], $0x1  }
0xa4: {  	[sflag:s23] =	ssyncset.done $0x0  }
0xa5: {  	s25 =	simm.s32 $0x1B8E;
	s24 =	sld [smem:$0x3FFE];
	[sflag:s23] =	ssyncadd.s32 $0xFFFFFFFF  }
0xa6: {  	s26 =	simm.s32 $execute0_lowered;
	[smem:$0x3FD2] =	sst s25  }
0xa7: {  	s6 =	sshll.u32 s26, $0x1;
	_ =	strace $0x80000046;
	[dreg:$0x1] =	wrdreg $0xFFFFFFFF  }
0xa8: {  	s28 =	simm.s32 $_size_execute0_lowered;
	s4 =	sadd.s32 s4, s6;
	[dreg:$0x0] =	wrdreg $0x0  }
0xa9: {  	s6 =	sshll.u32 s28, $0x1;
	[dreg:$0x2] =	wrdreg s4  }
0xaa: {  	[dreg:$0x3] =	wrdreg s6  }
0xab: {  	[dreg:$0x4] =	wrdreg $0xC0  }
0xac: {  	_ =	task [dreg:s8], $0x5FFFF  }
0xad: {  	[dreg:$0x1] =	wrdreg $0xFFFFFFFF  }
0xae: {  	[dreg:$0x0] =	wrdreg $0x60  }
0xaf: {  	[dreg:$0x2] =	wrdreg s2  }
0xb0: {  	[dreg:$0x3] =	wrdreg s24  }
0xb1: {  	[dreg:$0x4] =	wrdreg s18  }
0xb2: {  	[dreg:$0x5] =	wrdreg $0x9  }
0xb3: {  	_ =	task.clear_ibuf [dreg:s8], $0x6FFFF;
	_ =	strace $0x90000046  }
0xb4: {  	s29 =	simm.s32 $0x9;
	_ =	strace $0x80000048  }
0xb5: {  	_ =	swait.ge [sflag:s29], $0x1  }
0xb6: {  	[sflag:s29] =	ssyncadd.s32 $0xFFFFFFFF  }
0xb7: {  	_ =	strace $0x90000048  }
0xb8: {  	_ =	sfence  }
0xb9: {  	s30 =	sld [smem:$0x0];
	_ =	sdelay $0x2  }
0xba: {  	s31 =	sshll.u32 s1, $0xD;
	s1 =	sshrl.u32 s1, $0x2  }
0xbb: {  	s3 =	sand.u32 $0x4000, s31;
	s1 =	sadd.s32 s1, s30  }
0xbc: {  	s0 =	sor.u32 s3, s0;
	s1 =	sshll.u32 s1, $0x11  }
0xbd: {  	s0 =	sor.u32 s1, s0  }
0xbe: {  	s0 =	sadd.s32 $0x8F2B, s0  }
0xbf: {  	[sflag:s0] =	ssyncadd.remote.s32 $0x1  }
0xc0: {  	_ =	sfence.sel $0xFFFF  }
0xc1: {  	[dreg:$0x0] =	wrdreg $0xFFFFFFFF;
	(pc) =	sbr.abs _section_cstart, $3  }
0xc2: {  	[dreg:$0x1] =	wrdreg $0xFFFFFFFF  }
0xc3: {  	_ =	task.clear_ibuf [dreg:s8], $0x2FFFF;
	_ =	strace $0x9FFFFFFF  }
0xc4: {  	(tm) =	ssettm $0x7FFFFFFF  }
0xc5: {  	_ =	shalt  }
tec
execute0_lowered:
.L_overlay_start_1:
0x0: {  	(tag) =	ssettag $0x1  }
0x1: {  	s1 =	rddreg [dreg:$0x0]  }
0x2: {  	s4 =	rddreg [dreg:$0x1];
	s2 =	srdreg.scid  }
0x3: {  	s0 =	stileid.u32;
	s7 =	rddreg [dreg:$0x2];
	s11 =	simm.s32 $0x100  }
0x4: {  	s12 =	simm.s32 $0x200;
	s13 =	simm.s32 $0x2;
	s14 =	simm.s32 $0x8200  }
0x5: {  	s15 =	simm.s32 $0x3;
	s16 =	simm.s32 $0x10200;
	s17 =	simm.s32 $0x4  }
0x6: {  	s18 =	simm.s32 $0x6;
	s19 =	simm.s32 $0x10600;
	s20 =	simm.s32 $0x5  }
0x7: {  	s21 =	simm.s32 $0x0;
	s5 =	sand.u32 $0x1, s2;
	s3 =	sshll.u32 s0, $0x1  }
0x8: {  	s2 =	rddreg [dreg:$0x3];
	s8 =	sor.u32 s5, s3;
	s3 =	simm.s32 $0x0  }
0x9: {  	s5 =	ssub.s32 $0x2, s5;
	s6 =	sshll.u32 s8, $0xB;
	[smem:$0x7FF] =	sst s3  }
0xa: {  	s31 =	sshrl.u32 s5, $0x1;
	s8 =	sshll.u32 s8, $0xD;
	s9 =	sadd.s32 s6, s4  }
0xb: {  	_ =	strace $0x80000047;
	s10 =	ssub.s32 s5, s31;
	s7 =	sadd.s32 s7, s8  }
0xc: {  	s4 =	sadd.s32 $0x400, s9;
	s5 =	sadd.s32 $0x420, s9;
	s6 =	sadd.s32 $0x440, s9  }
0xd: {  	s8 =	sadd.s32 $0x460, s9;
	s9 =	smax.u32 s10, $0x1;
	s10 =	simm.s32 $0x1  }
.LBB2_1:
0xe: {  	[tilespmem:s3], [sflag:$0x1] =	stream.linear.gather [hbm4b:s4+s3], $0x100, $0x38;
	[tilespmem:$0x10A00] =	vst v63  }
0xf: {  	_ =	swait.ge [sflag:s10], $0x100  }
0x10: {  	[sflag:s10] =	ssyncset.done $0x0  }
0x11: {  	[sflag:s10] =	ssyncadd.s32 $0xFFFFFF00  }
0x12: {  	[tilespmem:s12], [sflag:$0x3] =	stream.indirect.gather [hbm4b:s1+s11], $0x80, s3, s11, $0xb8;
	[tilespmem:$0x10A00] =	vst v63  }
0x13: {  	s22 =	simm.s32 $0x0  }
0x14: {  	[tilespmem:s11], [sflag:$0x2] =	stream.linear.gather [hbm4b:s5+s3], $0x100, $0x38;
	[tilespmem:$0x10A00] =	vst v63  }
.LBB2_2:
0x15: {  	_ =	swait.ge [sflag:s13], $0x100;
	p0 =	seq.s32 s22, $0x1F  }
0x16: {  	[sflag:s13] =	ssyncset.done $0x0;
	p1 =	seq.s32 @!p0 s22, $0x0  }
0x17: {  	[sflag:s13] =	ssyncadd.s32 $0xFFFFFF00;
	p1 =	por p0, !p1  }
0x18: {  	[tilespmem:s14], [sflag:$0x4] =	stream.indirect.gather [hbm4b:s1+s11], $0x80, s11, s11, $0xb8;
	[tilespmem:$0x10A00] =	vst v63  }
.Ltmp0:
0x19: {  	_ = 	snop;
	(pc) =	sbr.rel @!p1 .LBB2_3-.Ltmp0, $4  }
0x1a: {  	_ =	swait.ge [sflag:s15], $0x8000  }
0x1b: {  	s23 =	sshll.u32 @!p0 s22, $0x6;
	[sflag:s15] =	ssyncset.done $0x0  }
0x1c: {  	s24 =	simm.s32 @!p0 $0x0;
	s23 =	sadd.s32 @!p0 s23, s6;
	[sflag:s15] =	ssyncadd.s32 $0xFFFF8000  }
0x1d: {  	[tilespmem:s24], [sflag:$0x1] =	stream.linear.gather @!p0 [hbm4b:s23+s24], $0x100, $0x38;
	[tilespmem:$0x10A00] =	vst v63  }
.Ltmp1:
0x1e: {  	(pc) =	sbr.rel .LBB2_5-.Ltmp1, $4  }
0x1f: {  	_ = 	snop  }
0x20: {  	_ =	swait.ge [sflag:s20], $0x400  }
0x21: {  	[sflag:s20] =	ssyncset.done $0x0  }
0x22: {  	p0 =	por $0x0, $0x0;
	[sflag:s20] =	ssyncadd.s32 $0xFFFFFC00  }
.LBB2_3:
0x23: {  	p0 =	por @!p0 $0x1, $0x1  }
.LBB2_5:
0x24: {  	s24 =	sshll.u32 s22, $0x8  }
0x25: {  	s25 =	simm.s32 $0x0;
	s23 =	sor.u32 $0x80, s24  }
.LBB2_6:
0x26: {  	s26 =	sshll.u32 s25, $0xC  }
0x27: {  	s26 =	sand.u32 $0x3FFFF000, s26  }
0x28: {  	v0 =	vld [tilespmem:s26+$0x200]  }
0x29: {  	v1 =	vld [tilespmem:s26+$0x280]  }
0x2a: {  	v2 =	vld [tilespmem:s26+$0x300]  }
0x2b: {  	v3 =	vld [tilespmem:s26+$0x380]  }
0x2c: {  	v4 =	vld [tilespmem:s26+$0x400]  }
0x2d: {  	v5 =	vld [tilespmem:s26+$0x480]  }
0x2e: {  	v6 =	vld [tilespmem:s26+$0x500]  }
0x2f: {  	v7 =	vld [tilespmem:s26+$0x580]  }
0x30: {  	v8 =	vld [tilespmem:s26+$0x600]  }
0x31: {  	v9 =	vld [tilespmem:s26+$0x680]  }
0x32: {  	v10 =	vld [tilespmem:s26+$0x700]  }
0x33: {  	v11 =	vld [tilespmem:s26+$0x780]  }
0x34: {  	v12 =	vld [tilespmem:s26+$0x800]  }
0x35: {  	v13 =	vld [tilespmem:s26+$0x880]  }
0x36: {  	v14 =	vld [tilespmem:s26+$0x900]  }
0x37: {  	v15 =	vld [tilespmem:s26+$0x980]  }
0x38: {  	v16 =	vld [tilespmem:s26+$0xA00]  }
0x39: {  	v17 =	vld [tilespmem:s26+$0xA80]  }
0x3a: {  	v18 =	vld [tilespmem:s26+$0xB00]  }
0x3b: {  	v19 =	vld [tilespmem:s26+$0xB80]  }
0x3c: {  	v20 =	vld [tilespmem:s26+$0xC00]  }
0x3d: {  	v21 =	vld [tilespmem:s26+$0xC80]  }
0x3e: {  	v22 =	vld [tilespmem:s26+$0xD00]  }
0x3f: {  	v23 =	vld [tilespmem:s26+$0xD80]  }
0x40: {  	v24 =	vld [tilespmem:s26+$0xE00]  }
0x41: {  	v25 =	vld [tilespmem:s26+$0xE80]  }
0x42: {  	v26 =	vld [tilespmem:s26+$0xF00]  }
0x43: {  	v27 =	vld [tilespmem:s26+$0xF80]  }
0x44: {  	v28 =	vld [tilespmem:s26+$0x1000]  }
0x45: {  	v29 =	vld [tilespmem:s26+$0x1080];
	v0 =	vadd.f32 v1, v0;
	v53 =	vadd.f32 v3, v2  }
0x46: {  	v54 =	vld [tilespmem:s26+$0x1100];
	v55 =	vadd.f32 v5, v4;
	v56 =	vadd.f32 v7, v6  }
0x47: {  	v57 =	vld [tilespmem:s26+$0x1180];
	v58 =	vadd.f32 v9, v8;
	v59 =	vadd.f32 v11, v10  }
0x48: {  	v60 =	vadd.f32 v13, v12;
	v61 =	vadd.f32 v15, v14  }
0x49: {  	v62 =	vadd.f32 v17, v16;
	v63 =	vadd.f32 v19, v18  }
0x4a: {  	v21 =	vadd.f32 v21, v20;
	v22 =	vadd.f32 v23, v22  }
0x4b: {  	v23 =	vadd.f32 v25, v24;
	v24 =	vadd.f32 v27, v26  }
0x4c: {  	v25 =	vadd.f32 v29, v28;
	v2 =	vadd.f32 v57, v54  }
0x4d: {  	v0 =	vadd.f32 v53, v0;
	v26 =	vadd.f32 v56, v55  }
0x4e: {  	v27 =	vadd.f32 v59, v58;
	v28 =	vadd.f32 v61, v60  }
0x4f: {  	v29 =	vadd.f32 v63, v62;
	v30 =	vadd.f32 v22, v21  }
0x50: {  	v31 =	vadd.f32 v24, v23;
	v2 =	vadd.f32 v2, v25  }
0x51: {  	v0 =	vadd.f32 v26, v0;
	v32 =	vadd.f32 v28, v27  }
0x52: {  	v33 =	vadd.f32 v30, v29;
	v2 =	vadd.f32 v2, v31;
	_ =	sdelay $0x1  }
0x53: {  	v0 =	vadd.f32 v32, v0;
	v34 =	vadd.f32 v2, v33;
	_ =	sdelay $0x1  }
0x54: {  	v0 =	vadd.f32 v34, v0;
	_ =	sdelay $0x1  }
0x55: {  	s28 =	sshll.u32 s25, $0x7;
	v0 =	vmul.f32 $3.125000000e-02, v0  }
0x56: {  	s28 =	sand.u32 $0x3FFFFF80, s28  }
0x57: {  	[tilespmem:s28+$0x10200] =	vst v0  }
0x58: {  	v0 =	vld [tilespmem:s26+$0x210]  }
0x59: {  	v35 =	vld [tilespmem:s26+$0x290]  }
0x5a: {  	v36 =	vld [tilespmem:s26+$0x310]  }
0x5b: {  	v37 =	vld [tilespmem:s26+$0x390]  }
0x5c: {  	v38 =	vld [tilespmem:s26+$0x410]  }
0x5d: {  	v39 =	vld [tilespmem:s26+$0x490]  }
0x5e: {  	v40 =	vld [tilespmem:s26+$0x510]  }
0x5f: {  	v41 =	vld [tilespmem:s26+$0x590]  }
0x60: {  	v42 =	vld [tilespmem:s26+$0x610]  }
0x61: {  	v43 =	vld [tilespmem:s26+$0x690]  }
0x62: {  	v44 =	vld [tilespmem:s26+$0x710]  }
0x63: {  	v45 =	vld [tilespmem:s26+$0x790]  }
0x64: {  	v46 =	vld [tilespmem:s26+$0x810]  }
0x65: {  	v47 =	vld [tilespmem:s26+$0x890]  }
0x66: {  	v48 =	vld [tilespmem:s26+$0x910]  }
0x67: {  	v49 =	vld [tilespmem:s26+$0x990]  }
0x68: {  	v50 =	vld [tilespmem:s26+$0xA10]  }
0x69: {  	v51 =	vld [tilespmem:s26+$0xA90]  }
0x6a: {  	v52 =	vld [tilespmem:s26+$0xB10]  }
0x6b: {  	v53 =	vld [tilespmem:s26+$0xB90]  }
0x6c: {  	v54 =	vld [tilespmem:s26+$0xC10]  }
0x6d: {  	v55 =	vld [tilespmem:s26+$0xC90]  }
0x6e: {  	v56 =	vld [tilespmem:s26+$0xD10]  }
0x6f: {  	v57 =	vld [tilespmem:s26+$0xD90]  }
0x70: {  	v58 =	vld [tilespmem:s26+$0xE10]  }
0x71: {  	v59 =	vld [tilespmem:s26+$0xE90]  }
0x72: {  	v60 =	vld [tilespmem:s26+$0xF10]  }
0x73: {  	v61 =	vld [tilespmem:s26+$0xF90];
	v0 =	vadd.f32 v35, v0;
	v31 =	vadd.f32 v37, v36  }
0x74: {  	v62 =	vld [tilespmem:s26+$0x1010];
	v33 =	vadd.f32 v39, v38;
	v34 =	vadd.f32 v41, v40  }
0x75: {  	v63 =	vld [tilespmem:s26+$0x1090];
	v36 =	vadd.f32 v43, v42;
	v37 =	vadd.f32 v45, v44  }
0x76: {  	v32 =	vld [tilespmem:s26+$0x1110];
	v38 =	vadd.f32 v47, v46;
	v39 =	vadd.f32 v49, v48  }
0x77: {  	v35 =	vld [tilespmem:s26+$0x1190];
	v40 =	vadd.f32 v51, v50;
	v41 =	vadd.f32 v53, v52  }
0x78: {  	v42 =	vadd.f32 v55, v54;
	v43 =	vadd.f32 v57, v56  }
0x79: {  	v44 =	vadd.f32 v59, v58;
	v45 =	vadd.f32 v61, v60  }
0x7a: {  	v46 =	vadd.f32 v63, v62;
	v0 =	vadd.f32 v31, v0  }
0x7b: {  	v47 =	vadd.f32 v34, v33;
	v48 =	vadd.f32 v37, v36  }
0x7c: {  	v49 =	vadd.f32 v39, v38;
	v2 =	vadd.f32 v35, v32  }
0x7d: {  	v50 =	vadd.f32 v41, v40;
	v51 =	vadd.f32 v43, v42  }
0x7e: {  	v52 =	vadd.f32 v45, v44;
	v2 =	vadd.f32 v2, v46  }
0x7f: {  	v0 =	vadd.f32 v47, v0;
	v53 =	vadd.f32 v49, v48  }
0x80: {  	v54 =	vadd.f32 v51, v50;
	v2 =	vadd.f32 v2, v52;
	_ =	sdelay $0x1  }
0x81: {  	v0 =	vadd.f32 v53, v0;
	v55 =	vadd.f32 v2, v54;
	_ =	sdelay $0x1  }
0x82: {  	v0 =	vadd.f32 v55, v0;
	_ =	sdelay $0x1  }
0x83: {  	v0 =	vmul.f32 $3.125000000e-02, v0;
	_ =	sdelay $0x1  }
0x84: {  	[tilespmem:s28+$0x10210] =	vst v0  }
0x85: {  	v0 =	vld [tilespmem:s26+$0x220]  }
0x86: {  	v56 =	vld [tilespmem:s26+$0x2A0]  }
0x87: {  	v57 =	vld [tilespmem:s26+$0x320]  }
0x88: {  	v58 =	vld [tilespmem:s26+$0x3A0]  }
0x89: {  	v59 =	vld [tilespmem:s26+$0x420]  }
0x8a: {  	v60 =	vld [tilespmem:s26+$0x4A0]  }
0x8b: {  	v61 =	vld [tilespmem:s26+$0x520]  }
0x8c: {  	v62 =	vld [tilespmem:s26+$0x5A0]  }
0x8d: {  	v63 =	vld [tilespmem:s26+$0x620]  }
0x8e: {  	v32 =	vld [tilespmem:s26+$0x6A0]  }
0x8f: {  	v33 =	vld [tilespmem:s26+$0x720]  }
0x90: {  	v34 =	vld [tilespmem:s26+$0x7A0]  }
0x91: {  	v35 =	vld [tilespmem:s26+$0x820]  }
0x92: {  	v36 =	vld [tilespmem:s26+$0x8A0]  }
0x93: {  	v37 =	vld [tilespmem:s26+$0x920]  }
0x94: {  	v38 =	vld [tilespmem:s26+$0x9A0]  }
0x95: {  	v39 =	vld [tilespmem:s26+$0xA20]  }
0x96: {  	v40 =	vld [tilespmem:s26+$0xAA0]  }
0x97: {  	v41 =	vld [tilespmem:s26+$0xB20]  }
0x98: {  	v42 =	vld [tilespmem:s26+$0xBA0]  }
0x99: {  	v43 =	vld [tilespmem:s26+$0xC20]  }
0x9a: {  	v44 =	vld [tilespmem:s26+$0xCA0]  }
0x9b: {  	v45 =	vld [tilespmem:s26+$0xD20]  }
0x9c: {  	v46 =	vld [tilespmem:s26+$0xDA0]  }
0x9d: {  	v47 =	vld [tilespmem:s26+$0xE20]  }
0x9e: {  	v48 =	vld [tilespmem:s26+$0xEA0]  }
0x9f: {  	v49 =	vld [tilespmem:s26+$0xF20]  }
0xa0: {  	v50 =	vld [tilespmem:s26+$0xFA0];
	v0 =	vadd.f32 v56, v0;
	v53 =	vadd.f32 v58, v57  }
0xa1: {  	v51 =	vld [tilespmem:s26+$0x1020];
	v55 =	vadd.f32 v60, v59;
	v56 =	vadd.f32 v62, v61  }
0xa2: {  	v52 =	vld [tilespmem:s26+$0x10A0];
	v58 =	vadd.f32 v32, v63;
	v59 =	vadd.f32 v34, v33  }
0xa3: {  	v54 =	vld [tilespmem:s26+$0x1120];
	v60 =	vadd.f32 v36, v35;
	v61 =	vadd.f32 v38, v37  }
0xa4: {  	v57 =	vld [tilespmem:s26+$0x11A0];
	v62 =	vadd.f32 v40, v39;
	v63 =	vadd.f32 v42, v41  }
0xa5: {  	v21 =	vadd.f32 v44, v43;
	v22 =	vadd.f32 v46, v45  }
0xa6: {  	v23 =	vadd.f32 v48, v47;
	v24 =	vadd.f32 v50, v49  }
0xa7: {  	v25 =	vadd.f32 v52, v51;
	v0 =	vadd.f32 v53, v0  }
0xa8: {  	v26 =	vadd.f32 v56, v55;
	v27 =	vadd.f32 v59, v58  }
0xa9: {  	v28 =	vadd.f32 v61, v60;
	v2 =	vadd.f32 v57, v54  }
0xaa: {  	v29 =	vadd.f32 v63, v62;
	v30 =	vadd.f32 v22, v21  }
0xab: {  	v31 =	vadd.f32 v24, v23;
	v2 =	vadd.f32 v2, v25  }
0xac: {  	v0 =	vadd.f32 v26, v0;
	v32 =	vadd.f32 v28, v27  }
0xad: {  	v33 =	vadd.f32 v30, v29;
	v2 =	vadd.f32 v2, v31;
	_ =	sdelay $0x1  }
0xae: {  	v0 =	vadd.f32 v32, v0;
	v34 =	vadd.f32 v2, v33;
	_ =	sdelay $0x1  }
0xaf: {  	v0 =	vadd.f32 v34, v0;
	_ =	sdelay $0x1  }
0xb0: {  	v0 =	vmul.f32 $3.125000000e-02, v0;
	_ =	sdelay $0x1  }
0xb1: {  	[tilespmem:s28+$0x10220] =	vst v0  }
0xb2: {  	v0 =	vld [tilespmem:s26+$0x230]  }
0xb3: {  	v35 =	vld [tilespmem:s26+$0x2B0]  }
0xb4: {  	v36 =	vld [tilespmem:s26+$0x330]  }
0xb5: {  	v37 =	vld [tilespmem:s26+$0x3B0]  }
0xb6: {  	v38 =	vld [tilespmem:s26+$0x430]  }
0xb7: {  	v39 =	vld [tilespmem:s26+$0x4B0]  }
0xb8: {  	v40 =	vld [tilespmem:s26+$0x530]  }
0xb9: {  	v41 =	vld [tilespmem:s26+$0x5B0]  }
0xba: {  	v42 =	vld [tilespmem:s26+$0x630]  }
0xbb: {  	v43 =	vld [tilespmem:s26+$0x6B0]  }
0xbc: {  	v44 =	vld [tilespmem:s26+$0x730]  }
0xbd: {  	v45 =	vld [tilespmem:s26+$0x7B0]  }
0xbe: {  	v46 =	vld [tilespmem:s26+$0x830]  }
0xbf: {  	v47 =	vld [tilespmem:s26+$0x8B0]  }
0xc0: {  	v48 =	vld [tilespmem:s26+$0x930]  }
0xc1: {  	v49 =	vld [tilespmem:s26+$0x9B0]  }
0xc2: {  	v50 =	vld [tilespmem:s26+$0xA30]  }
0xc3: {  	v51 =	vld [tilespmem:s26+$0xAB0]  }
0xc4: {  	v52 =	vld [tilespmem:s26+$0xB30]  }
0xc5: {  	v53 =	vld [tilespmem:s26+$0xBB0]  }
0xc6: {  	v54 =	vld [tilespmem:s26+$0xC30]  }
0xc7: {  	v55 =	vld [tilespmem:s26+$0xCB0]  }
0xc8: {  	v56 =	vld [tilespmem:s26+$0xD30]  }
0xc9: {  	v57 =	vld [tilespmem:s26+$0xDB0]  }
0xca: {  	v58 =	vld [tilespmem:s26+$0xE30]  }
0xcb: {  	v59 =	vld [tilespmem:s26+$0xEB0]  }
0xcc: {  	v60 =	vld [tilespmem:s26+$0xF30]  }
0xcd: {  	v61 =	vld [tilespmem:s26+$0xFB0];
	v0 =	vadd.f32 v35, v0;
	v31 =	vadd.f32 v37, v36  }
0xce: {  	v62 =	vld [tilespmem:s26+$0x1030];
	v33 =	vadd.f32 v39, v38;
	v34 =	vadd.f32 v41, v40  }
0xcf: {  	v63 =	vld [tilespmem:s26+$0x10B0];
	v36 =	vadd.f32 v43, v42;
	v37 =	vadd.f32 v45, v44  }
0xd0: {  	v32 =	vld [tilespmem:s26+$0x1130];
	v38 =	vadd.f32 v47, v46;
	v39 =	vadd.f32 v49, v48  }
0xd1: {  	v35 =	vld [tilespmem:s26+$0x11B0];
	v40 =	vadd.f32 v51, v50;
	v41 =	vadd.f32 v53, v52  }
0xd2: {  	v42 =	vadd.f32 v55, v54;
	v43 =	vadd.f32 v57, v56  }
0xd3: {  	v44 =	vadd.f32 v59, v58;
	v45 =	vadd.f32 v61, v60  }
0xd4: {  	v46 =	vadd.f32 v63, v62;
	v0 =	vadd.f32 v31, v0  }
0xd5: {  	v47 =	vadd.f32 v34, v33;
	v48 =	vadd.f32 v37, v36  }
0xd6: {  	v49 =	vadd.f32 v39, v38;
	v2 =	vadd.f32 v35, v32  }
0xd7: {  	v50 =	vadd.f32 v41, v40;
	v51 =	vadd.f32 v43, v42  }
0xd8: {  	v52 =	vadd.f32 v45, v44;
	v2 =	vadd.f32 v2, v46  }
0xd9: {  	v0 =	vadd.f32 v47, v0;
	v53 =	vadd.f32 v49, v48  }
0xda: {  	v54 =	vadd.f32 v51, v50;
	v2 =	vadd.f32 v2, v52;
	_ =	sdelay $0x1  }
0xdb: {  	v0 =	vadd.f32 v53, v0;
	v55 =	vadd.f32 v2, v54;
	_ =	sdelay $0x1  }
0xdc: {  	v0 =	vadd.f32 v55, v0;
	_ =	sdelay $0x1  }
0xdd: {  	v0 =	vmul.f32 $3.125000000e-02, v0;
	_ =	sdelay $0x1  }
0xde: {  	[tilespmem:s28+$0x10230] =	vst v0  }
0xdf: {  	v0 =	vld [tilespmem:s26+$0x240]  }
0xe0: {  	v56 =	vld [tilespmem:s26+$0x2C0]  }
0xe1: {  	v57 =	vld [tilespmem:s26+$0x340]  }
0xe2: {  	v58 =	vld [tilespmem:s26+$0x3C0]  }
0xe3: {  	v59 =	vld [tilespmem:s26+$0x440]  }
0xe4: {  	v60 =	vld [tilespmem:s26+$0x4C0]  }
0xe5: {  	v61 =	vld [tilespmem:s26+$0x540]  }
0xe6: {  	v62 =	vld [tilespmem:s26+$0x5C0]  }
0xe7: {  	v63 =	vld [tilespmem:s26+$0x640]  }
0xe8: {  	v32 =	vld [tilespmem:s26+$0x6C0]  }
0xe9: {  	v33 =	vld [tilespmem:s26+$0x740]  }
0xea: {  	v34 =	vld [tilespmem:s26+$0x7C0]  }
0xeb: {  	v35 =	vld [tilespmem:s26+$0x840]  }
0xec: {  	v36 =	vld [tilespmem:s26+$0x8C0]  }
0xed: {  	v37 =	vld [tilespmem:s26+$0x940]  }
0xee: {  	v38 =	vld [tilespmem:s26+$0x9C0]  }
0xef: {  	v39 =	vld [tilespmem:s26+$0xA40]  }
0xf0: {  	v40 =	vld [tilespmem:s26+$0xAC0]  }
0xf1: {  	v41 =	vld [tilespmem:s26+$0xB40]  }
0xf2: {  	v42 =	vld [tilespmem:s26+$0xBC0]  }
0xf3: {  	v43 =	vld [tilespmem:s26+$0xC40]  }
0xf4: {  	v44 =	vld [tilespmem:s26+$0xCC0]  }
0xf5: {  	v45 =	vld [tilespmem:s26+$0xD40]  }
0xf6: {  	v46 =	vld [tilespmem:s26+$0xDC0]  }
0xf7: {  	v47 =	vld [tilespmem:s26+$0xE40]  }
0xf8: {  	v48 =	vld [tilespmem:s26+$0xEC0]  }
0xf9: {  	v49 =	vld [tilespmem:s26+$0xF40]  }
0xfa: {  	v50 =	vld [tilespmem:s26+$0xFC0];
	v0 =	vadd.f32 v56, v0;
	v53 =	vadd.f32 v58, v57  }
0xfb: {  	v51 =	vld [tilespmem:s26+$0x1040];
	v55 =	vadd.f32 v60, v59;
	v56 =	vadd.f32 v62, v61  }
0xfc: {  	v52 =	vld [tilespmem:s26+$0x10C0];
	v58 =	vadd.f32 v32, v63;
	v59 =	vadd.f32 v34, v33  }
0xfd: {  	v54 =	vld [tilespmem:s26+$0x1140];
	v60 =	vadd.f32 v36, v35;
	v61 =	vadd.f32 v38, v37  }
0xfe: {  	v57 =	vld [tilespmem:s26+$0x11C0];
	v62 =	vadd.f32 v40, v39;
	v63 =	vadd.f32 v42, v41  }
0xff: {  	v21 =	vadd.f32 v44, v43;
	v22 =	vadd.f32 v46, v45  }
0x100: {  	v23 =	vadd.f32 v48, v47;
	v24 =	vadd.f32 v50, v49  }
0x101: {  	v25 =	vadd.f32 v52, v51;
	v0 =	vadd.f32 v53, v0  }
0x102: {  	v26 =	vadd.f32 v56, v55;
	v27 =	vadd.f32 v59, v58  }
0x103: {  	v28 =	vadd.f32 v61, v60;
	v2 =	vadd.f32 v57, v54  }
0x104: {  	v29 =	vadd.f32 v63, v62;
	v30 =	vadd.f32 v22, v21  }
0x105: {  	v31 =	vadd.f32 v24, v23;
	v2 =	vadd.f32 v2, v25  }
0x106: {  	v0 =	vadd.f32 v26, v0;
	v32 =	vadd.f32 v28, v27  }
0x107: {  	v33 =	vadd.f32 v30, v29;
	v2 =	vadd.f32 v2, v31;
	_ =	sdelay $0x1  }
0x108: {  	v0 =	vadd.f32 v32, v0;
	v34 =	vadd.f32 v2, v33;
	_ =	sdelay $0x1  }
0x109: {  	v0 =	vadd.f32 v34, v0;
	_ =	sdelay $0x1  }
0x10a: {  	v0 =	vmul.f32 $3.125000000e-02, v0;
	_ =	sdelay $0x1  }
0x10b: {  	[tilespmem:s28+$0x10240] =	vst v0  }
0x10c: {  	v0 =	vld [tilespmem:s26+$0x250]  }
0x10d: {  	v35 =	vld [tilespmem:s26+$0x2D0]  }
0x10e: {  	v36 =	vld [tilespmem:s26+$0x350]  }
0x10f: {  	v37 =	vld [tilespmem:s26+$0x3D0]  }
0x110: {  	v38 =	vld [tilespmem:s26+$0x450]  }
0x111: {  	v39 =	vld [tilespmem:s26+$0x4D0]  }
0x112: {  	v40 =	vld [tilespmem:s26+$0x550]  }
0x113: {  	v41 =	vld [tilespmem:s26+$0x5D0]  }
0x114: {  	v42 =	vld [tilespmem:s26+$0x650]  }
0x115: {  	v43 =	vld [tilespmem:s26+$0x6D0]  }
0x116: {  	v44 =	vld [tilespmem:s26+$0x750]  }
0x117: {  	v45 =	vld [tilespmem:s26+$0x7D0]  }
0x118: {  	v46 =	vld [tilespmem:s26+$0x850]  }
0x119: {  	v47 =	vld [tilespmem:s26+$0x8D0]  }
0x11a: {  	v48 =	vld [tilespmem:s26+$0x950]  }
0x11b: {  	v49 =	vld [tilespmem:s26+$0x9D0]  }
0x11c: {  	v50 =	vld [tilespmem:s26+$0xA50]  }
0x11d: {  	v51 =	vld [tilespmem:s26+$0xAD0]  }
0x11e: {  	v52 =	vld [tilespmem:s26+$0xB50]  }
0x11f: {  	v53 =	vld [tilespmem:s26+$0xBD0]  }
0x120: {  	v54 =	vld [tilespmem:s26+$0xC50]  }
0x121: {  	v55 =	vld [tilespmem:s26+$0xCD0]  }
0x122: {  	v56 =	vld [tilespmem:s26+$0xD50]  }
0x123: {  	v57 =	vld [tilespmem:s26+$0xDD0]  }
0x124: {  	v58 =	vld [tilespmem:s26+$0xE50]  }
0x125: {  	v59 =	vld [tilespmem:s26+$0xED0]  }
0x126: {  	v60 =	vld [tilespmem:s26+$0xF50]  }
0x127: {  	v61 =	vld [tilespmem:s26+$0xFD0];
	v0 =	vadd.f32 v35, v0;
	v31 =	vadd.f32 v37, v36  }
0x128: {  	v62 =	vld [tilespmem:s26+$0x1050];
	v33 =	vadd.f32 v39, v38;
	v34 =	vadd.f32 v41, v40  }
0x129: {  	v63 =	vld [tilespmem:s26+$0x10D0];
	v36 =	vadd.f32 v43, v42;
	v37 =	vadd.f32 v45, v44  }
0x12a: {  	v32 =	vld [tilespmem:s26+$0x1150];
	v38 =	vadd.f32 v47, v46;
	v39 =	vadd.f32 v49, v48  }
0x12b: {  	v35 =	vld [tilespmem:s26+$0x11D0];
	v40 =	vadd.f32 v51, v50;
	v41 =	vadd.f32 v53, v52  }
0x12c: {  	v42 =	vadd.f32 v55, v54;
	v43 =	vadd.f32 v57, v56  }
0x12d: {  	v44 =	vadd.f32 v59, v58;
	v45 =	vadd.f32 v61, v60  }
0x12e: {  	v46 =	vadd.f32 v63, v62;
	v0 =	vadd.f32 v31, v0  }
0x12f: {  	v47 =	vadd.f32 v34, v33;
	v48 =	vadd.f32 v37, v36  }
0x130: {  	v49 =	vadd.f32 v39, v38;
	v2 =	vadd.f32 v35, v32  }
0x131: {  	v50 =	vadd.f32 v41, v40;
	v51 =	vadd.f32 v43, v42  }
0x132: {  	v52 =	vadd.f32 v45, v44;
	v2 =	vadd.f32 v2, v46  }
0x133: {  	v0 =	vadd.f32 v47, v0;
	v53 =	vadd.f32 v49, v48  }
0x134: {  	v54 =	vadd.f32 v51, v50;
	v2 =	vadd.f32 v2, v52;
	_ =	sdelay $0x1  }
0x135: {  	v0 =	vadd.f32 v53, v0;
	v55 =	vadd.f32 v2, v54;
	_ =	sdelay $0x1  }
0x136: {  	v0 =	vadd.f32 v55, v0;
	_ =	sdelay $0x1  }
0x137: {  	v0 =	vmul.f32 $3.125000000e-02, v0;
	_ =	sdelay $0x1  }
0x138: {  	[tilespmem:s28+$0x10250] =	vst v0  }
0x139: {  	v0 =	vld [tilespmem:s26+$0x260]  }
0x13a: {  	v56 =	vld [tilespmem:s26+$0x2E0]  }
0x13b: {  	v57 =	vld [tilespmem:s26+$0x360]  }
0x13c: {  	v58 =	vld [tilespmem:s26+$0x3E0]  }
0x13d: {  	v59 =	vld [tilespmem:s26+$0x460]  }
0x13e: {  	v60 =	vld [tilespmem:s26+$0x4E0]  }
0x13f: {  	v61 =	vld [tilespmem:s26+$0x560]  }
0x140: {  	v62 =	vld [tilespmem:s26+$0x5E0]  }
0x141: {  	v63 =	vld [tilespmem:s26+$0x660]  }
0x142: {  	v32 =	vld [tilespmem:s26+$0x6E0]  }
0x143: {  	v33 =	vld [tilespmem:s26+$0x760]  }
0x144: {  	v34 =	vld [tilespmem:s26+$0x7E0]  }
0x145: {  	v35 =	vld [tilespmem:s26+$0x860]  }
0x146: {  	v36 =	vld [tilespmem:s26+$0x8E0]  }
0x147: {  	v37 =	vld [tilespmem:s26+$0x960]  }
0x148: {  	v38 =	vld [tilespmem:s26+$0x9E0]  }
0x149: {  	v39 =	vld [tilespmem:s26+$0xA60]  }
0x14a: {  	v40 =	vld [tilespmem:s26+$0xAE0]  }
0x14b: {  	v41 =	vld [tilespmem:s26+$0xB60]  }
0x14c: {  	v42 =	vld [tilespmem:s26+$0xBE0]  }
0x14d: {  	v43 =	vld [tilespmem:s26+$0xC60]  }
0x14e: {  	v44 =	vld [tilespmem:s26+$0xCE0]  }
0x14f: {  	v45 =	vld [tilespmem:s26+$0xD60]  }
0x150: {  	v46 =	vld [tilespmem:s26+$0xDE0]  }
0x151: {  	v47 =	vld [tilespmem:s26+$0xE60]  }
0x152: {  	v48 =	vld [tilespmem:s26+$0xEE0]  }
0x153: {  	v49 =	vld [tilespmem:s26+$0xF60]  }
0x154: {  	v50 =	vld [tilespmem:s26+$0xFE0];
	v0 =	vadd.f32 v56, v0;
	v53 =	vadd.f32 v58, v57  }
0x155: {  	v51 =	vld [tilespmem:s26+$0x1060];
	v55 =	vadd.f32 v60, v59;
	v56 =	vadd.f32 v62, v61  }
0x156: {  	v52 =	vld [tilespmem:s26+$0x10E0];
	v58 =	vadd.f32 v32, v63;
	v59 =	vadd.f32 v34, v33  }
0x157: {  	v54 =	vld [tilespmem:s26+$0x1160];
	v60 =	vadd.f32 v36, v35;
	v61 =	vadd.f32 v38, v37  }
0x158: {  	v57 =	vld [tilespmem:s26+$0x11E0];
	v62 =	vadd.f32 v40, v39;
	v63 =	vadd.f32 v42, v41  }
0x159: {  	v21 =	vadd.f32 v44, v43;
	v23 =	vadd.f32 v46, v45  }
0x15a: {  	v30 =	vadd.f32 v48, v47;
	v31 =	vadd.f32 v50, v49  }
0x15b: {  	v32 =	vadd.f32 v52, v51;
	v0 =	vadd.f32 v53, v0  }
0x15c: {  	v33 =	vadd.f32 v56, v55;
	v34 =	vadd.f32 v59, v58  }
0x15d: {  	v35 =	vadd.f32 v61, v60;
	v2 =	vadd.f32 v57, v54  }
0x15e: {  	v36 =	vadd.f32 v63, v62;
	v37 =	vadd.f32 v23, v21  }
0x15f: {  	v38 =	vadd.f32 v31, v30;
	v2 =	vadd.f32 v2, v32  }
0x160: {  	v0 =	vadd.f32 v33, v0;
	v39 =	vadd.f32 v35, v34  }
0x161: {  	v40 =	vadd.f32 v37, v36;
	v2 =	vadd.f32 v2, v38;
	_ =	sdelay $0x1  }
0x162: {  	v0 =	vadd.f32 v39, v0;
	v41 =	vadd.f32 v2, v40;
	_ =	sdelay $0x1  }
0x163: {  	v0 =	vadd.f32 v41, v0;
	_ =	sdelay $0x1  }
0x164: {  	v0 =	vmul.f32 $3.125000000e-02, v0;
	_ =	sdelay $0x1  }
0x165: {  	[tilespmem:s28+$0x10260] =	vst v0  }
0x166: {  	v0 =	vld [tilespmem:s26+$0x270]  }
0x167: {  	v42 =	vld [tilespmem:s26+$0x2F0]  }
0x168: {  	v43 =	vld [tilespmem:s26+$0x370]  }
0x169: {  	v44 =	vld [tilespmem:s26+$0x3F0]  }
0x16a: {  	v45 =	vld [tilespmem:s26+$0x470]  }
0x16b: {  	v46 =	vld [tilespmem:s26+$0x4F0]  }
0x16c: {  	v47 =	vld [tilespmem:s26+$0x570]  }
0x16d: {  	v48 =	vld [tilespmem:s26+$0x5F0]  }
0x16e: {  	v49 =	vld [tilespmem:s26+$0x670]  }
0x16f: {  	v50 =	vld [tilespmem:s26+$0x6F0]  }
0x170: {  	v51 =	vld [tilespmem:s26+$0x770]  }
0x171: {  	v52 =	vld [tilespmem:s26+$0x7F0]  }
0x172: {  	v53 =	vld [tilespmem:s26+$0x870]  }
0x173: {  	v54 =	vld [tilespmem:s26+$0x8F0]  }
0x174: {  	v55 =	vld [tilespmem:s26+$0x970]  }
0x175: {  	v56 =	vld [tilespmem:s26+$0x9F0]  }
0x176: {  	v57 =	vld [tilespmem:s26+$0xA70]  }
0x177: {  	v58 =	vld [tilespmem:s26+$0xAF0]  }
0x178: {  	v59 =	vld [tilespmem:s26+$0xB70]  }
0x179: {  	v60 =	vld [tilespmem:s26+$0xBF0]  }
0x17a: {  	v61 =	vld [tilespmem:s26+$0xC70]  }
0x17b: {  	v62 =	vld [tilespmem:s26+$0xCF0]  }
0x17c: {  	v63 =	vld [tilespmem:s26+$0xD70]  }
0x17d: {  	v32 =	vld [tilespmem:s26+$0xDF0]  }
0x17e: {  	v33 =	vld [tilespmem:s26+$0xE70]  }
0x17f: {  	v34 =	vld [tilespmem:s26+$0xEF0]  }
0x180: {  	v35 =	vld [tilespmem:s26+$0xF70]  }
0x181: {  	v36 =	vld [tilespmem:s26+$0xFF0];
	v0 =	vadd.f32 v42, v0;
	v39 =	vadd.f32 v44, v43  }
0x182: {  	v37 =	vld [tilespmem:s26+$0x1070];
	v41 =	vadd.f32 v46, v45;
	v42 =	vadd.f32 v48, v47  }
0x183: {  	v38 =	vld [tilespmem:s26+$0x10F0];
	v44 =	vadd.f32 v50, v49;
	v45 =	vadd.f32 v52, v51  }
0x184: {  	v40 =	vld [tilespmem:s26+$0x1170];
	v46 =	vadd.f32 v54, v53;
	v47 =	vadd.f32 v56, v55  }
0x185: {  	v43 =	vld [tilespmem:s26+$0x11F0];
	v48 =	vadd.f32 v58, v57;
	v49 =	vadd.f32 v60, v59  }
0x186: {  	v50 =	vadd.f32 v62, v61;
	v51 =	vadd.f32 v32, v63  }
0x187: {  	v52 =	vadd.f32 v34, v33;
	v53 =	vadd.f32 v36, v35  }
0x188: {  	v54 =	vadd.f32 v38, v37;
	v0 =	vadd.f32 v39, v0  }
0x189: {  	v55 =	vadd.f32 v42, v41;
	v56 =	vadd.f32 v45, v44  }
0x18a: {  	v57 =	vadd.f32 v47, v46;
	v2 =	vadd.f32 v43, v40  }
0x18b: {  	v58 =	vadd.f32 v49, v48;
	v59 =	vadd.f32 v51, v50  }
0x18c: {  	v60 =	vadd.f32 v53, v52;
	v2 =	vadd.f32 v2, v54  }
0x18d: {  	v0 =	vadd.f32 v55, v0;
	v61 =	vadd.f32 v57, v56  }
0x18e: {  	v62 =	vadd.f32 v59, v58;
	v2 =	vadd.f32 v2, v60;
	_ =	sdelay $0x1  }
0x18f: {  	v0 =	vadd.f32 v61, v0;
	v63 =	vadd.f32 v2, v62  }
0x190: {  	p1 =	sne.s32 s25, $0x7  }
.Ltmp2:
0x191: {  	v0 =	vadd.f32 v63, v0;
	(pc) =	sbr.rel @p1 .LBB2_6-.Ltmp2, $3  }
0x192: {  	_ = 	snop  }
0x193: {  	v0 =	vmul.f32 $3.125000000e-02, v0;
	_ =	sdelay $0x1  }
0x194: {  	s25 =	sadd.s32 $0x1, s25;
	[tilespmem:s28+$0x10270] =	vst v0  }
0x195: {  	p1 =	sne.s32 s22, $0x1F  }
.Ltmp3:
0x196: {  	_ = 	snop;
	(pc) =	sbr.rel @p1 .LBB2_9-.Ltmp3, $3  }
0x197: {  	_ =	sdelay $0x1  }
0x198: {  	s24 =	sadd.s32 s24, s7  }
0x199: {  	[hbm4b:s24+s3] =	stream.linear.scatter [tilespmem:s16], [sflag:$0x5], $0x400, $0x38;
	[tilespmem:$0x10A00] =	vst v63  }
.Ltmp4:
0x19a: {  	(pc) =	sbr.rel .LBB2_10-.Ltmp4, $4  }
0x19b: {  	_ = 	snop  }
0x19c: {  	_ =	swait.ge [sflag:s17], $0x8000  }
0x19d: {  	[sflag:s17] =	ssyncset.done $0x0  }
0x19e: {  	[sflag:s17] =	ssyncadd.s32 $0xFFFF8000  }
.LBB2_9:
0x19f: {  	_ =	swait.ge [sflag:s10], $0x100  }
0x1a0: {  	[sflag:s10] =	ssyncset.done $0x0  }
0x1a1: {  	[sflag:s10] =	ssyncadd.s32 $0xFFFFFF00  }
0x1a2: {  	[tilespmem:s12], [sflag:$0x3] =	stream.indirect.gather [hbm4b:s1+s11], $0x80, s3, s11, $0xb8;
	[tilespmem:$0x10A00] =	vst v63  }
.Ltmp5:
0x1a3: {  	_ = 	snop;
	(pc) =	sbr.rel @p0 .LBB2_11-.Ltmp5, $4  }
0x1a4: {  	_ =	swait.ge [sflag:s17], $0x8000  }
0x1a5: {  	s24 =	sshll.u32 s22, $0x6;
	[sflag:s17] =	ssyncset.done $0x0  }
0x1a6: {  	s24 =	sadd.s32 s24, s8;
	[sflag:s17] =	ssyncadd.s32 $0xFFFF8000  }
0x1a7: {  	[tilespmem:s11], [sflag:$0x2] =	stream.linear.gather [hbm4b:s24+s3], $0x100, $0x38;
	[tilespmem:$0x10A00] =	vst v63  }
.LBB2_10:
0x1a8: {  	_ =	swait.ge [sflag:s18], $0x400  }
0x1a9: {  	[sflag:s18] =	ssyncset.done $0x0  }
0x1aa: {  	[sflag:s18] =	ssyncadd.s32 $0xFFFFFC00  }
.LBB2_11:
0x1ab: {  	s24 =	simm.s32 $0x0  }
.LBB2_12:
0x1ac: {  	s25 =	sshll.u32 s24, $0xC  }
0x1ad: {  	s25 =	sand.u32 $0x3FFFF000, s25  }
0x1ae: {  	v0 =	vld [tilespmem:s25+$0x8200]  }
0x1af: {  	v1 =	vld [tilespmem:s25+$0x8280]  }
0x1b0: {  	v2 =	vld [tilespmem:s25+$0x8300]  }
0x1b1: {  	v3 =	vld [tilespmem:s25+$0x8380]  }
0x1b2: {  	v4 =	vld [tilespmem:s25+$0x8400]  }
0x1b3: {  	v5 =	vld [tilespmem:s25+$0x8480]  }
0x1b4: {  	v6 =	vld [tilespmem:s25+$0x8500]  }
0x1b5: {  	v7 =	vld [tilespmem:s25+$0x8580]  }
0x1b6: {  	v8 =	vld [tilespmem:s25+$0x8600]  }
0x1b7: {  	v9 =	vld [tilespmem:s25+$0x8680]  }
0x1b8: {  	v10 =	vld [tilespmem:s25+$0x8700]  }
0x1b9: {  	v11 =	vld [tilespmem:s25+$0x8780]  }
0x1ba: {  	v12 =	vld [tilespmem:s25+$0x8800]  }
0x1bb: {  	v13 =	vld [tilespmem:s25+$0x8880]  }
0x1bc: {  	v14 =	vld [tilespmem:s25+$0x8900]  }
0x1bd: {  	v15 =	vld [tilespmem:s25+$0x8980]  }
0x1be: {  	v16 =	vld [tilespmem:s25+$0x8A00]  }
0x1bf: {  	v17 =	vld [tilespmem:s25+$0x8A80]  }
0x1c0: {  	v18 =	vld [tilespmem:s25+$0x8B00]  }
0x1c1: {  	v19 =	vld [tilespmem:s25+$0x8B80]  }
0x1c2: {  	v20 =	vld [tilespmem:s25+$0x8C00]  }
0x1c3: {  	v21 =	vld [tilespmem:s25+$0x8C80]  }
0x1c4: {  	v22 =	vld [tilespmem:s25+$0x8D00]  }
0x1c5: {  	v23 =	vld [tilespmem:s25+$0x8D80]  }
0x1c6: {  	v24 =	vld [tilespmem:s25+$0x8E00]  }
0x1c7: {  	v25 =	vld [tilespmem:s25+$0x8E80]  }
0x1c8: {  	v26 =	vld [tilespmem:s25+$0x8F00]  }
0x1c9: {  	v27 =	vld [tilespmem:s25+$0x8F80]  }
0x1ca: {  	v28 =	vld [tilespmem:s25+$0x9000]  }
0x1cb: {  	v29 =	vld [tilespmem:s25+$0x9080];
	v0 =	vadd.f32 v1, v0;
	v53 =	vadd.f32 v3, v2  }
0x1cc: {  	v54 =	vld [tilespmem:s25+$0x9100];
	v55 =	vadd.f32 v5, v4;
	v56 =	vadd.f32 v7, v6  }
0x1cd: {  	v57 =	vld [tilespmem:s25+$0x9180];
	v58 =	vadd.f32 v9, v8;
	v59 =	vadd.f32 v11, v10  }
0x1ce: {  	v60 =	vadd.f32 v13, v12;
	v61 =	vadd.f32 v15, v14  }
0x1cf: {  	v62 =	vadd.f32 v17, v16;
	v63 =	vadd.f32 v19, v18  }
0x1d0: {  	v21 =	vadd.f32 v21, v20;
	v22 =	vadd.f32 v23, v22  }
0x1d1: {  	v23 =	vadd.f32 v25, v24;
	v24 =	vadd.f32 v27, v26  }
0x1d2: {  	v25 =	vadd.f32 v29, v28;
	v2 =	vadd.f32 v57, v54  }
0x1d3: {  	v0 =	vadd.f32 v53, v0;
	v26 =	vadd.f32 v56, v55  }
0x1d4: {  	v27 =	vadd.f32 v59, v58;
	v28 =	vadd.f32 v61, v60  }
0x1d5: {  	v29 =	vadd.f32 v63, v62;
	v30 =	vadd.f32 v22, v21  }
0x1d6: {  	v31 =	vadd.f32 v24, v23;
	v2 =	vadd.f32 v2, v25  }
0x1d7: {  	v0 =	vadd.f32 v26, v0;
	v32 =	vadd.f32 v28, v27  }
0x1d8: {  	v33 =	vadd.f32 v30, v29;
	v2 =	vadd.f32 v2, v31;
	_ =	sdelay $0x1  }
0x1d9: {  	v0 =	vadd.f32 v32, v0;
	v34 =	vadd.f32 v2, v33;
	_ =	sdelay $0x1  }
0x1da: {  	v0 =	vadd.f32 v34, v0;
	_ =	sdelay $0x1  }
0x1db: {  	s26 =	sshll.u32 s24, $0x7;
	v0 =	vmul.f32 $3.125000000e-02, v0  }
0x1dc: {  	s26 =	sand.u32 $0x3FFFFF80, s26  }
0x1dd: {  	[tilespmem:s26+$0x10600] =	vst v0  }
0x1de: {  	v0 =	vld [tilespmem:s25+$0x8210]  }
0x1df: {  	v35 =	vld [tilespmem:s25+$0x8290]  }
0x1e0: {  	v36 =	vld [tilespmem:s25+$0x8310]  }
0x1e1: {  	v37 =	vld [tilespmem:s25+$0x8390]  }
0x1e2: {  	v38 =	vld [tilespmem:s25+$0x8410]  }
0x1e3: {  	v39 =	vld [tilespmem:s25+$0x8490]  }
0x1e4: {  	v40 =	vld [tilespmem:s25+$0x8510]  }
0x1e5: {  	v41 =	vld [tilespmem:s25+$0x8590]  }
0x1e6: {  	v42 =	vld [tilespmem:s25+$0x8610]  }
0x1e7: {  	v43 =	vld [tilespmem:s25+$0x8690]  }
0x1e8: {  	v44 =	vld [tilespmem:s25+$0x8710]  }
0x1e9: {  	v45 =	vld [tilespmem:s25+$0x8790]  }
0x1ea: {  	v46 =	vld [tilespmem:s25+$0x8810]  }
0x1eb: {  	v47 =	vld [tilespmem:s25+$0x8890]  }
0x1ec: {  	v48 =	vld [tilespmem:s25+$0x8910]  }
0x1ed: {  	v49 =	vld [tilespmem:s25+$0x8990]  }
0x1ee: {  	v50 =	vld [tilespmem:s25+$0x8A10]  }
0x1ef: {  	v51 =	vld [tilespmem:s25+$0x8A90]  }
0x1f0: {  	v52 =	vld [tilespmem:s25+$0x8B10]  }
0x1f1: {  	v53 =	vld [tilespmem:s25+$0x8B90]  }
0x1f2: {  	v54 =	vld [tilespmem:s25+$0x8C10]  }
0x1f3: {  	v55 =	vld [tilespmem:s25+$0x8C90]  }
0x1f4: {  	v56 =	vld [tilespmem:s25+$0x8D10]  }
0x1f5: {  	v57 =	vld [tilespmem:s25+$0x8D90]  }
0x1f6: {  	v58 =	vld [tilespmem:s25+$0x8E10]  }
0x1f7: {  	v59 =	vld [tilespmem:s25+$0x8E90]  }
0x1f8: {  	v60 =	vld [tilespmem:s25+$0x8F10]  }
0x1f9: {  	v61 =	vld [tilespmem:s25+$0x8F90];
	v0 =	vadd.f32 v35, v0;
	v31 =	vadd.f32 v37, v36  }
0x1fa: {  	v62 =	vld [tilespmem:s25+$0x9010];
	v33 =	vadd.f32 v39, v38;
	v34 =	vadd.f32 v41, v40  }
0x1fb: {  	v63 =	vld [tilespmem:s25+$0x9090];
	v36 =	vadd.f32 v43, v42;
	v37 =	vadd.f32 v45, v44  }
0x1fc: {  	v32 =	vld [tilespmem:s25+$0x9110];
	v38 =	vadd.f32 v47, v46;
	v39 =	vadd.f32 v49, v48  }
0x1fd: {  	v35 =	vld [tilespmem:s25+$0x9190];
	v40 =	vadd.f32 v51, v50;
	v41 =	vadd.f32 v53, v52  }
0x1fe: {  	v42 =	vadd.f32 v55, v54;
	v43 =	vadd.f32 v57, v56  }
0x1ff: {  	v44 =	vadd.f32 v59, v58;
	v45 =	vadd.f32 v61, v60  }
0x200: {  	v46 =	vadd.f32 v63, v62;
	v0 =	vadd.f32 v31, v0  }
0x201: {  	v47 =	vadd.f32 v34, v33;
	v48 =	vadd.f32 v37, v36  }
0x202: {  	v49 =	vadd.f32 v39, v38;
	v2 =	vadd.f32 v35, v32  }
0x203: {  	v50 =	vadd.f32 v41, v40;
	v51 =	vadd.f32 v43, v42  }
0x204: {  	v52 =	vadd.f32 v45, v44;
	v2 =	vadd.f32 v2, v46  }
0x205: {  	v0 =	vadd.f32 v47, v0;
	v53 =	vadd.f32 v49, v48  }
0x206: {  	v54 =	vadd.f32 v51, v50;
	v2 =	vadd.f32 v2, v52;
	_ =	sdelay $0x1  }
0x207: {  	v0 =	vadd.f32 v53, v0;
	v55 =	vadd.f32 v2, v54;
	_ =	sdelay $0x1  }
0x208: {  	v0 =	vadd.f32 v55, v0;
	_ =	sdelay $0x1  }
0x209: {  	v0 =	vmul.f32 $3.125000000e-02, v0;
	_ =	sdelay $0x1  }
0x20a: {  	[tilespmem:s26+$0x10610] =	vst v0  }
0x20b: {  	v0 =	vld [tilespmem:s25+$0x8220]  }
0x20c: {  	v56 =	vld [tilespmem:s25+$0x82A0]  }
0x20d: {  	v57 =	vld [tilespmem:s25+$0x8320]  }
0x20e: {  	v58 =	vld [tilespmem:s25+$0x83A0]  }
0x20f: {  	v59 =	vld [tilespmem:s25+$0x8420]  }
0x210: {  	v60 =	vld [tilespmem:s25+$0x84A0]  }
0x211: {  	v61 =	vld [tilespmem:s25+$0x8520]  }
0x212: {  	v62 =	vld [tilespmem:s25+$0x85A0]  }
0x213: {  	v63 =	vld [tilespmem:s25+$0x8620]  }
0x214: {  	v32 =	vld [tilespmem:s25+$0x86A0]  }
0x215: {  	v33 =	vld [tilespmem:s25+$0x8720]  }
0x216: {  	v34 =	vld [tilespmem:s25+$0x87A0]  }
0x217: {  	v35 =	vld [tilespmem:s25+$0x8820]  }
0x218: {  	v36 =	vld [tilespmem:s25+$0x88A0]  }
0x219: {  	v37 =	vld [tilespmem:s25+$0x8920]  }
0x21a: {  	v38 =	vld [tilespmem:s25+$0x89A0]  }
0x21b: {  	v39 =	vld [tilespmem:s25+$0x8A20]  }
0x21c: {  	v40 =	vld [tilespmem:s25+$0x8AA0]  }
0x21d: {  	v41 =	vld [tilespmem:s25+$0x8B20]  }
0x21e: {  	v42 =	vld [tilespmem:s25+$0x8BA0]  }
0x21f: {  	v43 =	vld [tilespmem:s25+$0x8C20]  }
0x220: {  	v44 =	vld [tilespmem:s25+$0x8CA0]  }
0x221: {  	v45 =	vld [tilespmem:s25+$0x8D20]  }
0x222: {  	v46 =	vld [tilespmem:s25+$0x8DA0]  }
0x223: {  	v47 =	vld [tilespmem:s25+$0x8E20]  }
0x224: {  	v48 =	vld [tilespmem:s25+$0x8EA0]  }
0x225: {  	v49 =	vld [tilespmem:s25+$0x8F20]  }
0x226: {  	v50 =	vld [tilespmem:s25+$0x8FA0];
	v0 =	vadd.f32 v56, v0;
	v53 =	vadd.f32 v58, v57  }
0x227: {  	v51 =	vld [tilespmem:s25+$0x9020];
	v55 =	vadd.f32 v60, v59;
	v56 =	vadd.f32 v62, v61  }
0x228: {  	v52 =	vld [tilespmem:s25+$0x90A0];
	v58 =	vadd.f32 v32, v63;
	v59 =	vadd.f32 v34, v33  }
0x229: {  	v54 =	vld [tilespmem:s25+$0x9120];
	v60 =	vadd.f32 v36, v35;
	v61 =	vadd.f32 v38, v37  }
0x22a: {  	v57 =	vld [tilespmem:s25+$0x91A0];
	v62 =	vadd.f32 v40, v39;
	v63 =	vadd.f32 v42, v41  }
0x22b: {  	v21 =	vadd.f32 v44, v43;
	v22 =	vadd.f32 v46, v45  }
0x22c: {  	v23 =	vadd.f32 v48, v47;
	v24 =	vadd.f32 v50, v49  }
0x22d: {  	v25 =	vadd.f32 v52, v51;
	v0 =	vadd.f32 v53, v0  }
0x22e: {  	v26 =	vadd.f32 v56, v55;
	v27 =	vadd.f32 v59, v58  }
0x22f: {  	v28 =	vadd.f32 v61, v60;
	v2 =	vadd.f32 v57, v54  }
0x230: {  	v29 =	vadd.f32 v63, v62;
	v30 =	vadd.f32 v22, v21  }
0x231: {  	v31 =	vadd.f32 v24, v23;
	v2 =	vadd.f32 v2, v25  }
0x232: {  	v0 =	vadd.f32 v26, v0;
	v32 =	vadd.f32 v28, v27  }
0x233: {  	v33 =	vadd.f32 v30, v29;
	v2 =	vadd.f32 v2, v31;
	_ =	sdelay $0x1  }
0x234: {  	v0 =	vadd.f32 v32, v0;
	v34 =	vadd.f32 v2, v33;
	_ =	sdelay $0x1  }
0x235: {  	v0 =	vadd.f32 v34, v0;
	_ =	sdelay $0x1  }
0x236: {  	v0 =	vmul.f32 $3.125000000e-02, v0;
	_ =	sdelay $0x1  }
0x237: {  	[tilespmem:s26+$0x10620] =	vst v0  }
0x238: {  	v0 =	vld [tilespmem:s25+$0x8230]  }
0x239: {  	v35 =	vld [tilespmem:s25+$0x82B0]  }
0x23a: {  	v36 =	vld [tilespmem:s25+$0x8330]  }
0x23b: {  	v37 =	vld [tilespmem:s25+$0x83B0]  }
0x23c: {  	v38 =	vld [tilespmem:s25+$0x8430]  }
0x23d: {  	v39 =	vld [tilespmem:s25+$0x84B0]  }
0x23e: {  	v40 =	vld [tilespmem:s25+$0x8530]  }
0x23f: {  	v41 =	vld [tilespmem:s25+$0x85B0]  }
0x240: {  	v42 =	vld [tilespmem:s25+$0x8630]  }
0x241: {  	v43 =	vld [tilespmem:s25+$0x86B0]  }
0x242: {  	v44 =	vld [tilespmem:s25+$0x8730]  }
0x243: {  	v45 =	vld [tilespmem:s25+$0x87B0]  }
0x244: {  	v46 =	vld [tilespmem:s25+$0x8830]  }
0x245: {  	v47 =	vld [tilespmem:s25+$0x88B0]  }
0x246: {  	v48 =	vld [tilespmem:s25+$0x8930]  }
0x247: {  	v49 =	vld [tilespmem:s25+$0x89B0]  }
0x248: {  	v50 =	vld [tilespmem:s25+$0x8A30]  }
0x249: {  	v51 =	vld [tilespmem:s25+$0x8AB0]  }
0x24a: {  	v52 =	vld [tilespmem:s25+$0x8B30]  }
0x24b: {  	v53 =	vld [tilespmem:s25+$0x8BB0]  }
0x24c: {  	v54 =	vld [tilespmem:s25+$0x8C30]  }
0x24d: {  	v55 =	vld [tilespmem:s25+$0x8CB0]  }
0x24e: {  	v56 =	vld [tilespmem:s25+$0x8D30]  }
0x24f: {  	v57 =	vld [tilespmem:s25+$0x8DB0]  }
0x250: {  	v58 =	vld [tilespmem:s25+$0x8E30]  }
0x251: {  	v59 =	vld [tilespmem:s25+$0x8EB0]  }
0x252: {  	v60 =	vld [tilespmem:s25+$0x8F30]  }
0x253: {  	v61 =	vld [tilespmem:s25+$0x8FB0];
	v0 =	vadd.f32 v35, v0;
	v31 =	vadd.f32 v37, v36  }
0x254: {  	v62 =	vld [tilespmem:s25+$0x9030];
	v33 =	vadd.f32 v39, v38;
	v34 =	vadd.f32 v41, v40  }
0x255: {  	v63 =	vld [tilespmem:s25+$0x90B0];
	v36 =	vadd.f32 v43, v42;
	v37 =	vadd.f32 v45, v44  }
0x256: {  	v32 =	vld [tilespmem:s25+$0x9130];
	v38 =	vadd.f32 v47, v46;
	v39 =	vadd.f32 v49, v48  }
0x257: {  	v35 =	vld [tilespmem:s25+$0x91B0];
	v40 =	vadd.f32 v51, v50;
	v41 =	vadd.f32 v53, v52  }
0x258: {  	v42 =	vadd.f32 v55, v54;
	v43 =	vadd.f32 v57, v56  }
0x259: {  	v44 =	vadd.f32 v59, v58;
	v45 =	vadd.f32 v61, v60  }
0x25a: {  	v46 =	vadd.f32 v63, v62;
	v0 =	vadd.f32 v31, v0  }
0x25b: {  	v47 =	vadd.f32 v34, v33;
	v48 =	vadd.f32 v37, v36  }
0x25c: {  	v49 =	vadd.f32 v39, v38;
	v2 =	vadd.f32 v35, v32  }
0x25d: {  	v50 =	vadd.f32 v41, v40;
	v51 =	vadd.f32 v43, v42  }
0x25e: {  	v52 =	vadd.f32 v45, v44;
	v2 =	vadd.f32 v2, v46  }
0x25f: {  	v0 =	vadd.f32 v47, v0;
	v53 =	vadd.f32 v49, v48  }
0x260: {  	v54 =	vadd.f32 v51, v50;
	v2 =	vadd.f32 v2, v52;
	_ =	sdelay $0x1  }
0x261: {  	v0 =	vadd.f32 v53, v0;
	v55 =	vadd.f32 v2, v54;
	_ =	sdelay $0x1  }
0x262: {  	v0 =	vadd.f32 v55, v0;
	_ =	sdelay $0x1  }
0x263: {  	v0 =	vmul.f32 $3.125000000e-02, v0;
	_ =	sdelay $0x1  }
0x264: {  	[tilespmem:s26+$0x10630] =	vst v0  }
0x265: {  	v0 =	vld [tilespmem:s25+$0x8240]  }
0x266: {  	v56 =	vld [tilespmem:s25+$0x82C0]  }
0x267: {  	v57 =	vld [tilespmem:s25+$0x8340]  }
0x268: {  	v58 =	vld [tilespmem:s25+$0x83C0]  }
0x269: {  	v59 =	vld [tilespmem:s25+$0x8440]  }
0x26a: {  	v60 =	vld [tilespmem:s25+$0x84C0]  }
0x26b: {  	v61 =	vld [tilespmem:s25+$0x8540]  }
0x26c: {  	v62 =	vld [tilespmem:s25+$0x85C0]  }
0x26d: {  	v63 =	vld [tilespmem:s25+$0x8640]  }
0x26e: {  	v32 =	vld [tilespmem:s25+$0x86C0]  }
0x26f: {  	v33 =	vld [tilespmem:s25+$0x8740]  }
0x270: {  	v34 =	vld [tilespmem:s25+$0x87C0]  }
0x271: {  	v35 =	vld [tilespmem:s25+$0x8840]  }
0x272: {  	v36 =	vld [tilespmem:s25+$0x88C0]  }
0x273: {  	v37 =	vld [tilespmem:s25+$0x8940]  }
0x274: {  	v38 =	vld [tilespmem:s25+$0x89C0]  }
0x275: {  	v39 =	vld [tilespmem:s25+$0x8A40]  }
0x276: {  	v40 =	vld [tilespmem:s25+$0x8AC0]  }
0x277: {  	v41 =	vld [tilespmem:s25+$0x8B40]  }
0x278: {  	v42 =	vld [tilespmem:s25+$0x8BC0]  }
0x279: {  	v43 =	vld [tilespmem:s25+$0x8C40]  }
0x27a: {  	v44 =	vld [tilespmem:s25+$0x8CC0]  }
0x27b: {  	v45 =	vld [tilespmem:s25+$0x8D40]  }
0x27c: {  	v46 =	vld [tilespmem:s25+$0x8DC0]  }
0x27d: {  	v47 =	vld [tilespmem:s25+$0x8E40]  }
0x27e: {  	v48 =	vld [tilespmem:s25+$0x8EC0]  }
0x27f: {  	v49 =	vld [tilespmem:s25+$0x8F40]  }
0x280: {  	v50 =	vld [tilespmem:s25+$0x8FC0];
	v0 =	vadd.f32 v56, v0;
	v53 =	vadd.f32 v58, v57  }
0x281: {  	v51 =	vld [tilespmem:s25+$0x9040];
	v55 =	vadd.f32 v60, v59;
	v56 =	vadd.f32 v62, v61  }
0x282: {  	v52 =	vld [tilespmem:s25+$0x90C0];
	v58 =	vadd.f32 v32, v63;
	v59 =	vadd.f32 v34, v33  }
0x283: {  	v54 =	vld [tilespmem:s25+$0x9140];
	v60 =	vadd.f32 v36, v35;
	v61 =	vadd.f32 v38, v37  }
0x284: {  	v57 =	vld [tilespmem:s25+$0x91C0];
	v62 =	vadd.f32 v40, v39;
	v63 =	vadd.f32 v42, v41  }
0x285: {  	v21 =	vadd.f32 v44, v43;
	v22 =	vadd.f32 v46, v45  }
0x286: {  	v23 =	vadd.f32 v48, v47;
	v24 =	vadd.f32 v50, v49  }
0x287: {  	v25 =	vadd.f32 v52, v51;
	v0 =	vadd.f32 v53, v0  }
0x288: {  	v26 =	vadd.f32 v56, v55;
	v27 =	vadd.f32 v59, v58  }
0x289: {  	v28 =	vadd.f32 v61, v60;
	v2 =	vadd.f32 v57, v54  }
0x28a: {  	v29 =	vadd.f32 v63, v62;
	v30 =	vadd.f32 v22, v21  }
0x28b: {  	v31 =	vadd.f32 v24, v23;
	v2 =	vadd.f32 v2, v25  }
0x28c: {  	v0 =	vadd.f32 v26, v0;
	v32 =	vadd.f32 v28, v27  }
0x28d: {  	v33 =	vadd.f32 v30, v29;
	v2 =	vadd.f32 v2, v31;
	_ =	sdelay $0x1  }
0x28e: {  	v0 =	vadd.f32 v32, v0;
	v34 =	vadd.f32 v2, v33;
	_ =	sdelay $0x1  }
0x28f: {  	v0 =	vadd.f32 v34, v0;
	_ =	sdelay $0x1  }
0x290: {  	v0 =	vmul.f32 $3.125000000e-02, v0;
	_ =	sdelay $0x1  }
0x291: {  	[tilespmem:s26+$0x10640] =	vst v0  }
0x292: {  	v0 =	vld [tilespmem:s25+$0x8250]  }
0x293: {  	v35 =	vld [tilespmem:s25+$0x82D0]  }
0x294: {  	v36 =	vld [tilespmem:s25+$0x8350]  }
0x295: {  	v37 =	vld [tilespmem:s25+$0x83D0]  }
0x296: {  	v38 =	vld [tilespmem:s25+$0x8450]  }
0x297: {  	v39 =	vld [tilespmem:s25+$0x84D0]  }
0x298: {  	v40 =	vld [tilespmem:s25+$0x8550]  }
0x299: {  	v41 =	vld [tilespmem:s25+$0x85D0]  }
0x29a: {  	v42 =	vld [tilespmem:s25+$0x8650]  }
0x29b: {  	v43 =	vld [tilespmem:s25+$0x86D0]  }
0x29c: {  	v44 =	vld [tilespmem:s25+$0x8750]  }
0x29d: {  	v45 =	vld [tilespmem:s25+$0x87D0]  }
0x29e: {  	v46 =	vld [tilespmem:s25+$0x8850]  }
0x29f: {  	v47 =	vld [tilespmem:s25+$0x88D0]  }
0x2a0: {  	v48 =	vld [tilespmem:s25+$0x8950]  }
0x2a1: {  	v49 =	vld [tilespmem:s25+$0x89D0]  }
0x2a2: {  	v50 =	vld [tilespmem:s25+$0x8A50]  }
0x2a3: {  	v51 =	vld [tilespmem:s25+$0x8AD0]  }
0x2a4: {  	v52 =	vld [tilespmem:s25+$0x8B50]  }
0x2a5: {  	v53 =	vld [tilespmem:s25+$0x8BD0]  }
0x2a6: {  	v54 =	vld [tilespmem:s25+$0x8C50]  }
0x2a7: {  	v55 =	vld [tilespmem:s25+$0x8CD0]  }
0x2a8: {  	v56 =	vld [tilespmem:s25+$0x8D50]  }
0x2a9: {  	v57 =	vld [tilespmem:s25+$0x8DD0]  }
0x2aa: {  	v58 =	vld [tilespmem:s25+$0x8E50]  }
0x2ab: {  	v59 =	vld [tilespmem:s25+$0x8ED0]  }
0x2ac: {  	v60 =	vld [tilespmem:s25+$0x8F50]  }
0x2ad: {  	v61 =	vld [tilespmem:s25+$0x8FD0];
	v0 =	vadd.f32 v35, v0;
	v31 =	vadd.f32 v37, v36  }
0x2ae: {  	v62 =	vld [tilespmem:s25+$0x9050];
	v33 =	vadd.f32 v39, v38;
	v34 =	vadd.f32 v41, v40  }
0x2af: {  	v63 =	vld [tilespmem:s25+$0x90D0];
	v36 =	vadd.f32 v43, v42;
	v37 =	vadd.f32 v45, v44  }
0x2b0: {  	v32 =	vld [tilespmem:s25+$0x9150];
	v38 =	vadd.f32 v47, v46;
	v39 =	vadd.f32 v49, v48  }
0x2b1: {  	v35 =	vld [tilespmem:s25+$0x91D0];
	v40 =	vadd.f32 v51, v50;
	v41 =	vadd.f32 v53, v52  }
0x2b2: {  	v42 =	vadd.f32 v55, v54;
	v43 =	vadd.f32 v57, v56  }
0x2b3: {  	v44 =	vadd.f32 v59, v58;
	v45 =	vadd.f32 v61, v60  }
0x2b4: {  	v46 =	vadd.f32 v63, v62;
	v0 =	vadd.f32 v31, v0  }
0x2b5: {  	v47 =	vadd.f32 v34, v33;
	v48 =	vadd.f32 v37, v36  }
0x2b6: {  	v49 =	vadd.f32 v39, v38;
	v2 =	vadd.f32 v35, v32  }
0x2b7: {  	v50 =	vadd.f32 v41, v40;
	v51 =	vadd.f32 v43, v42  }
0x2b8: {  	v52 =	vadd.f32 v45, v44;
	v2 =	vadd.f32 v2, v46  }
0x2b9: {  	v0 =	vadd.f32 v47, v0;
	v53 =	vadd.f32 v49, v48  }
0x2ba: {  	v54 =	vadd.f32 v51, v50;
	v2 =	vadd.f32 v2, v52;
	_ =	sdelay $0x1  }
0x2bb: {  	v0 =	vadd.f32 v53, v0;
	v55 =	vadd.f32 v2, v54;
	_ =	sdelay $0x1  }
0x2bc: {  	v0 =	vadd.f32 v55, v0;
	_ =	sdelay $0x1  }
0x2bd: {  	v0 =	vmul.f32 $3.125000000e-02, v0;
	_ =	sdelay $0x1  }
0x2be: {  	[tilespmem:s26+$0x10650] =	vst v0  }
0x2bf: {  	v0 =	vld [tilespmem:s25+$0x8260]  }
0x2c0: {  	v56 =	vld [tilespmem:s25+$0x82E0]  }
0x2c1: {  	v57 =	vld [tilespmem:s25+$0x8360]  }
0x2c2: {  	v58 =	vld [tilespmem:s25+$0x83E0]  }
0x2c3: {  	v59 =	vld [tilespmem:s25+$0x8460]  }
0x2c4: {  	v60 =	vld [tilespmem:s25+$0x84E0]  }
0x2c5: {  	v61 =	vld [tilespmem:s25+$0x8560]  }
0x2c6: {  	v62 =	vld [tilespmem:s25+$0x85E0]  }
0x2c7: {  	v63 =	vld [tilespmem:s25+$0x8660]  }
0x2c8: {  	v32 =	vld [tilespmem:s25+$0x86E0]  }
0x2c9: {  	v33 =	vld [tilespmem:s25+$0x8760]  }
0x2ca: {  	v34 =	vld [tilespmem:s25+$0x87E0]  }
0x2cb: {  	v35 =	vld [tilespmem:s25+$0x8860]  }
0x2cc: {  	v36 =	vld [tilespmem:s25+$0x88E0]  }
0x2cd: {  	v37 =	vld [tilespmem:s25+$0x8960]  }
0x2ce: {  	v38 =	vld [tilespmem:s25+$0x89E0]  }
0x2cf: {  	v39 =	vld [tilespmem:s25+$0x8A60]  }
0x2d0: {  	v40 =	vld [tilespmem:s25+$0x8AE0]  }
0x2d1: {  	v41 =	vld [tilespmem:s25+$0x8B60]  }
0x2d2: {  	v42 =	vld [tilespmem:s25+$0x8BE0]  }
0x2d3: {  	v43 =	vld [tilespmem:s25+$0x8C60]  }
0x2d4: {  	v44 =	vld [tilespmem:s25+$0x8CE0]  }
0x2d5: {  	v45 =	vld [tilespmem:s25+$0x8D60]  }
0x2d6: {  	v46 =	vld [tilespmem:s25+$0x8DE0]  }
0x2d7: {  	v47 =	vld [tilespmem:s25+$0x8E60]  }
0x2d8: {  	v48 =	vld [tilespmem:s25+$0x8EE0]  }
0x2d9: {  	v49 =	vld [tilespmem:s25+$0x8F60]  }
0x2da: {  	v50 =	vld [tilespmem:s25+$0x8FE0];
	v0 =	vadd.f32 v56, v0;
	v53 =	vadd.f32 v58, v57  }
0x2db: {  	v51 =	vld [tilespmem:s25+$0x9060];
	v55 =	vadd.f32 v60, v59;
	v56 =	vadd.f32 v62, v61  }
0x2dc: {  	v52 =	vld [tilespmem:s25+$0x90E0];
	v58 =	vadd.f32 v32, v63;
	v59 =	vadd.f32 v34, v33  }
0x2dd: {  	v54 =	vld [tilespmem:s25+$0x9160];
	v60 =	vadd.f32 v36, v35;
	v61 =	vadd.f32 v38, v37  }
0x2de: {  	v57 =	vld [tilespmem:s25+$0x91E0];
	v62 =	vadd.f32 v40, v39;
	v63 =	vadd.f32 v42, v41  }
0x2df: {  	v21 =	vadd.f32 v44, v43;
	v23 =	vadd.f32 v46, v45  }
0x2e0: {  	v30 =	vadd.f32 v48, v47;
	v31 =	vadd.f32 v50, v49  }
0x2e1: {  	v32 =	vadd.f32 v52, v51;
	v0 =	vadd.f32 v53, v0  }
0x2e2: {  	v33 =	vadd.f32 v56, v55;
	v34 =	vadd.f32 v59, v58  }
0x2e3: {  	v35 =	vadd.f32 v61, v60;
	v2 =	vadd.f32 v57, v54  }
0x2e4: {  	v36 =	vadd.f32 v63, v62;
	v37 =	vadd.f32 v23, v21  }
0x2e5: {  	v38 =	vadd.f32 v31, v30;
	v2 =	vadd.f32 v2, v32  }
0x2e6: {  	v0 =	vadd.f32 v33, v0;
	v39 =	vadd.f32 v35, v34  }
0x2e7: {  	v40 =	vadd.f32 v37, v36;
	v2 =	vadd.f32 v2, v38;
	_ =	sdelay $0x1  }
0x2e8: {  	v0 =	vadd.f32 v39, v0;
	v41 =	vadd.f32 v2, v40;
	_ =	sdelay $0x1  }
0x2e9: {  	v0 =	vadd.f32 v41, v0;
	_ =	sdelay $0x1  }
0x2ea: {  	v0 =	vmul.f32 $3.125000000e-02, v0;
	_ =	sdelay $0x1  }
0x2eb: {  	[tilespmem:s26+$0x10660] =	vst v0  }
0x2ec: {  	v0 =	vld [tilespmem:s25+$0x8270]  }
0x2ed: {  	v42 =	vld [tilespmem:s25+$0x82F0]  }
0x2ee: {  	v43 =	vld [tilespmem:s25+$0x8370]  }
0x2ef: {  	v44 =	vld [tilespmem:s25+$0x83F0]  }
0x2f0: {  	v45 =	vld [tilespmem:s25+$0x8470]  }
0x2f1: {  	v46 =	vld [tilespmem:s25+$0x84F0]  }
0x2f2: {  	v47 =	vld [tilespmem:s25+$0x8570]  }
0x2f3: {  	v48 =	vld [tilespmem:s25+$0x85F0]  }
0x2f4: {  	v49 =	vld [tilespmem:s25+$0x8670]  }
0x2f5: {  	v50 =	vld [tilespmem:s25+$0x86F0]  }
0x2f6: {  	v51 =	vld [tilespmem:s25+$0x8770]  }
0x2f7: {  	v52 =	vld [tilespmem:s25+$0x87F0]  }
0x2f8: {  	v53 =	vld [tilespmem:s25+$0x8870]  }
0x2f9: {  	v54 =	vld [tilespmem:s25+$0x88F0]  }
0x2fa: {  	v55 =	vld [tilespmem:s25+$0x8970]  }
0x2fb: {  	v56 =	vld [tilespmem:s25+$0x89F0]  }
0x2fc: {  	v57 =	vld [tilespmem:s25+$0x8A70]  }
0x2fd: {  	v58 =	vld [tilespmem:s25+$0x8AF0]  }
0x2fe: {  	v59 =	vld [tilespmem:s25+$0x8B70]  }
0x2ff: {  	v60 =	vld [tilespmem:s25+$0x8BF0]  }
0x300: {  	v61 =	vld [tilespmem:s25+$0x8C70]  }
0x301: {  	v62 =	vld [tilespmem:s25+$0x8CF0]  }
0x302: {  	v63 =	vld [tilespmem:s25+$0x8D70]  }
0x303: {  	v32 =	vld [tilespmem:s25+$0x8DF0]  }
0x304: {  	v33 =	vld [tilespmem:s25+$0x8E70]  }
0x305: {  	v34 =	vld [tilespmem:s25+$0x8EF0]  }
0x306: {  	v35 =	vld [tilespmem:s25+$0x8F70]  }
0x307: {  	v36 =	vld [tilespmem:s25+$0x8FF0];
	v0 =	vadd.f32 v42, v0;
	v39 =	vadd.f32 v44, v43  }
0x308: {  	v37 =	vld [tilespmem:s25+$0x9070];
	v41 =	vadd.f32 v46, v45;
	v42 =	vadd.f32 v48, v47  }
0x309: {  	v38 =	vld [tilespmem:s25+$0x90F0];
	v44 =	vadd.f32 v50, v49;
	v45 =	vadd.f32 v52, v51  }
0x30a: {  	v40 =	vld [tilespmem:s25+$0x9170];
	v46 =	vadd.f32 v54, v53;
	v47 =	vadd.f32 v56, v55  }
0x30b: {  	v43 =	vld [tilespmem:s25+$0x91F0];
	v48 =	vadd.f32 v58, v57;
	v49 =	vadd.f32 v60, v59  }
0x30c: {  	v50 =	vadd.f32 v62, v61;
	v51 =	vadd.f32 v32, v63  }
0x30d: {  	v52 =	vadd.f32 v34, v33;
	v53 =	vadd.f32 v36, v35  }
0x30e: {  	v54 =	vadd.f32 v38, v37;
	v0 =	vadd.f32 v39, v0  }
0x30f: {  	v55 =	vadd.f32 v42, v41;
	v56 =	vadd.f32 v45, v44  }
0x310: {  	v57 =	vadd.f32 v47, v46;
	v2 =	vadd.f32 v43, v40  }
0x311: {  	v58 =	vadd.f32 v49, v48;
	v59 =	vadd.f32 v51, v50  }
0x312: {  	v60 =	vadd.f32 v53, v52;
	v2 =	vadd.f32 v2, v54  }
0x313: {  	v0 =	vadd.f32 v55, v0;
	v61 =	vadd.f32 v57, v56  }
0x314: {  	v62 =	vadd.f32 v59, v58;
	v2 =	vadd.f32 v2, v60;
	_ =	sdelay $0x1  }
0x315: {  	v0 =	vadd.f32 v61, v0;
	v63 =	vadd.f32 v2, v62  }
0x316: {  	p0 =	sne.s32 s24, $0x7  }
.Ltmp6:
0x317: {  	v0 =	vadd.f32 v63, v0;
	(pc) =	sbr.rel @p0 .LBB2_12-.Ltmp6, $3  }
0x318: {  	_ = 	snop  }
0x319: {  	v0 =	vmul.f32 $3.125000000e-02, v0;
	_ =	sdelay $0x1  }
0x31a: {  	s24 =	sadd.s32 $0x1, s24;
	[tilespmem:s26+$0x10670] =	vst v0  }
0x31b: {  	s22 =	sadd.s32 $0x1, s22  }
0x31c: {  	p0 =	sne.s32 s22, $0x20  }
.Ltmp7:
0x31d: {  	_ = 	snop;
	(pc) =	sbr.rel @p0 .LBB2_2-.Ltmp7, $3  }
0x31e: {  	_ =	sdelay $0x1  }
0x31f: {  	s23 =	sadd.s32 s23, s7  }
0x320: {  	[hbm4b:s23+s3] =	stream.linear.scatter [tilespmem:s19], [sflag:$0x6], $0x400, $0x38;
	[tilespmem:$0x10A00] =	vst v63  }
0x321: {  	s21 =	sadd.s32 $0x1, s21  }
0x322: {  	_ =	swait.ge [sflag:s20], $0x400;
	p0 =	sne.s32 s21, s9  }
.Ltmp8:
0x323: {  	[sflag:s20] =	ssyncset.done $0x0;
	(pc) =	sbr.rel @p0 .LBB2_1-.Ltmp8, $4  }
0x324: {  	[sflag:s20] =	ssyncadd.s32 $0xFFFFFC00  }
0x325: {  	_ =	swait.ge [sflag:s18], $0x400  }
0x326: {  	[sflag:s18] =	ssyncset.done $0x0  }
0x327: {  	[sflag:s18] =	ssyncadd.s32 $0xFFFFFC00  }
0x328: {  	_ =	sfence.sel $0x180000  }
0x329: {  	[bflag:$0x0] =	sbarrier.arrive $0xFFFF  }
0x32a: {  	p0 =	sne.s32 s0, $0x0;
	_ =	strace $0x90000047  }
0x32b: {  	s0 =	sadd.s32 @!p0 $0x100000, s2;
	[bflag:$0x2] =	sbarrier.arrive $0xFFFF  }
0x32c: {  	[sflag:s0] =	ssyncadd.tile.s32 @!p0 $0x1;
	_ =	shalt  }
.Lfunc_end2:
_tile_overlayer_lowered:
.L_overlay_start_2:
0x32d: {  	(tag) =	ssettag $0x2  }
0x32e: {  	s0 =	rddreg [dreg:$0x0];
	s2 =	stileid.u32  }
0x32f: {  	s1 =	rddreg [dreg:$0x1];
	p0 =	sne.s32 s2, $0x0  }
0x330: {  	s3 =	rddreg [dreg:$0x2];
	[bflag:$0x3] =	sbarrier.arrive $0xFFFF;
	s2 =	simm.s32 @!p0 $0x1C07  }
0x331: {  	[timem:s3], [sflag:s2] =	dma.local @!p0 [hbm:s0], s1  }
0x332: {  	s0 =	simm.s32 @!p0 $0x7  }
0x333: {  	_ =	swait.ge @!p0 [sflag:s0], s1  }
0x334: {  	s1 =	ssub.s32 @!p0 $0x0, s1;
	[sflag:s0] =	ssyncset.done @!p0 $0x0  }
0x335: {  	[sflag:s0] =	ssyncadd.s32 @!p0 s1  }
0x336: {  	[bflag:$0x3] =	sbarrier.arrive $0xFFFF  }
0x337: {  	_ =	shalt  }

</sc_bundles>
